<compile_context>
chip_gen: v7x
topology: tpu7x:2x2x1
jax: 0.10.2.dev20260603
libtpu: 0.0.44.dev20260713+nightly
codegen_flags: <defaults>
</compile_context>

<pallas_src>
import functools

import jax
import jax.numpy as jnp
from jax import lax
from jax.experimental import pallas as pl
from jax.experimental.pallas import tpu as pltpu
from jax.experimental.pallas import tpu_sc as plsc

D = 128
V = 4
NC = 2
NS = 16
NW = NC * NS
L = 16
BLK_R = 8
SUB = 400
NBUF = 2


def kernel(action_ids, emb_weight):
    B0, S = action_ids.shape
    B = B0 * S
    idx32 = action_ids.astype(jnp.int32)

    rows_w = B0 // NW
    n_blocks = rows_w // BLK_R
    n_sub = (BLK_R * S) // SUB
    n_chunks = n_blocks * n_sub
    assert rows_w * NW == B0 and n_blocks * BLK_R == rows_w
    assert n_sub * SUB == BLK_R * S and SUB % L == 0 and n_chunks % NBUF == 0
    assert SUB % S == 0

    mesh = plsc.VectorSubcoreMesh(core_axis_name="c", subcore_axis_name="s")

    @functools.partial(
        pl.kernel,
        mesh=mesh,
        out_type=jax.ShapeDtypeStruct((B, D), jnp.float32),
        compiler_params=pltpu.CompilerParams(needs_layout_passes=False),
        scratch_types=[
            pltpu.VMEM((V, D), jnp.float32),
            pltpu.VMEM((2, BLK_R, S), jnp.int32),
            pltpu.VMEM((NBUF * SUB, D), jnp.float32),
            pltpu.SemaphoreType.DMA,
            pltpu.SemaphoreType.DMA((2,)),
            pltpu.SemaphoreType.DMA((NBUF,)),
        ],
    )
    def sc_embed(idx_hbm, tab_hbm, out_hbm, tab_v, idx_v, rows_v,
                 sem_t, sem_i, sem_o):
        wid = lax.axis_index("s") * NC + lax.axis_index("c")
        rbase = wid * rows_w
        obase = wid * rows_w * S

        iota = lax.iota(jnp.int32, L)

        def start_idx(blk, s):
            pltpu.async_copy(
                idx_hbm.at[pl.ds(rbase + blk * BLK_R, BLK_R)],
                idx_v.at[s],
                sem_i.at[s],
            )

        def wait_idx(blk, s):
            pltpu.make_async_copy(
                idx_hbm.at[pl.ds(rbase + blk * BLK_R, BLK_R)],
                idx_v.at[s],
                sem_i.at[s],
            ).wait()

        def start_out(g, b):
            pltpu.async_copy(
                rows_v.at[pl.ds(b * SUB, SUB)],
                out_hbm.at[pl.ds(obase + g * SUB, SUB)],
                sem_o.at[b],
            )

        def wait_out(g, b):
            pltpu.make_async_copy(
                rows_v.at[pl.ds(b * SUB, SUB)],
                out_hbm.at[pl.ds(obase + g * SUB, SUB)],
                sem_o.at[b],
            ).wait()

        def expand(s, c, b):
            r0 = c * (SUB // S)
            sel_s = jnp.full((L,), s, jnp.int32)

            def grp(k, carry):
                p = k * L + iota
                rowv = r0 + p // S
                colv = p % S
                v16 = plsc.load_gather(idx_v, [sel_s, rowv, colv])
                row0 = b * SUB + k * L

                @plsc.parallel_loop(0, L, 1, unroll=4)
                def _(i):
                    sel = jnp.broadcast_to(i, (L,)).astype(jnp.int32)
                    splat_vi = jnp.take_along_axis(v16, sel, axis=0)
                    for jj in range(D // L):
                        col = iota + (jj * L)
                        vals = plsc.load_gather(tab_v, [splat_vi, col])
                        rows_v[row0 + i, pl.ds(jj * L, L)] = vals

                return carry
            lax.fori_loop(0, SUB // L, grp, None)

        pltpu.async_copy(tab_hbm, tab_v, sem_t).wait()
        for s in range(2):
            start_idx(s, s)

        def block(i2, carry):
            for s in range(2):
                blk = i2 * 2 + s
                wait_idx(blk, s)
                for c in range(n_sub):
                    g = blk * n_sub + c
                    b = c % NBUF

                    @pl.when(g >= NBUF)
                    def _():
                        wait_out(g - NBUF, b)

                    expand(s, c, b)
                    start_out(g, b)

                @pl.when(blk + 2 < n_blocks)
                def _():
                    start_idx(blk + 2, s)
            return carry

        lax.fori_loop(0, n_blocks // 2, block, None)

        for b0 in range(NBUF):
            g = n_chunks - NBUF + b0
            wait_out(g, g % NBUF)

    out = sc_embed(idx32, emb_weight)
    return out.reshape(B0, S, D)

# --- scband reference (transcript-rebuilt; emitter-appended) ---
"""Pipeline reference for scband-action-embedding-layer-45079976739109 (READ-ONLY COPY).

The authoritative reference and input builder live on the scoring server;
editing this copy changes nothing except your own understanding.
"""

import jax, jax.numpy as jnp
import numpy as np

VOCAB = 4
HIDDEN_DIM = 128


def setup_inputs(seed: int = 0) -> dict:
    key = jax.random.key(seed)
    k_idx, k_emb = jax.random.split(key)
    action_ids = jax.random.randint(k_idx, (16384, 200), 0, VOCAB, dtype=jnp.int64 if jax.config.jax_enable_x64 else jnp.int32)
    emb_weight = jax.random.normal(k_emb, (VOCAB, HIDDEN_DIM), dtype=jnp.float32) * 0.02
    return {"action_ids": action_ids, "emb_weight": emb_weight}


def reference(action_ids, emb_weight):
    # nn.Embedding forward: gather rows of the table by index
    return jnp.take(emb_weight, action_ids, axis=0)

if __name__ == "__main__":
    import jax
    _d = setup_inputs()
    print(jax.jit(kernel)(*tuple(_d.values())))

</pallas_src>

<mosaic_0001>
#map = affine_map<(d0, d1) -> (0, 0)>
module attributes {stable_mosaic.version = 14 : i64} {
  func.func @sc_embed(%arg0: i32, %arg1: i32, %arg2: memref<16384x200xi32, #tpu.memory_space<hbm>>, %arg3: memref<4x128xf32, #tpu.memory_space<hbm>>, %arg4: memref<3276800x128xf32, #tpu.memory_space<hbm>>, %arg5: memref<4x128xf32, #tpu.memory_space<vmem>>, %arg6: memref<2x8x200xi32, #tpu.memory_space<vmem>>, %arg7: memref<800x128xf32, #tpu.memory_space<vmem>>, %arg8: memref<!tpu.dma_semaphore, #tpu.memory_space<semaphore_mem>>, %arg9: memref<2x!tpu.dma_semaphore, #tpu.memory_space<semaphore_mem>>, %arg10: memref<2x!tpu.dma_semaphore, #tpu.memory_space<semaphore_mem>>) attributes {dimension_semantics = [#tpu.dimension_semantics<core_parallel>, #tpu.dimension_semantics<subcore_parallel>], iteration_bounds = array<i64: 2, 16>, scalar_prefetch = 0 : i64, scratch_operands = 6 : i64, tpu.core_type = #tpu.core_type<sc_vector_subcore>, window_params = [{transform_indices = #map}, {transform_indices = #map}, {transform_indices = #map}]} {
    %mul3A = arith.constant 2 : i32
    %mul3A_0 = arith.muli %arg1, %mul3A : i32
    %add3A = arith.addi %mul3A_0, %arg0 : i32
    %mul3A_1 = arith.constant 512 : i32
    %mul3A_2 = arith.muli %add3A, %mul3A_1 : i32
    %mul3A_3 = arith.constant 512 : i32
    %mul3A_4 = arith.muli %add3A, %mul3A_3 : i32
    %mul3A_5 = arith.constant 200 : i32
    %mul3A_6 = arith.muli %mul3A_4, %mul3A_5 : i32
    %iota3A = tpu.iota {dimensions = array<i32: 0>} : vector<16xi32>
    tpu.enqueue_dma source(%arg3 : memref<4x128xf32, #tpu.memory_space<hbm>>) target(%arg5 : memref<4x128xf32, #tpu.memory_space<vmem>>) target_semaphore(%arg8 : memref<!tpu.dma_semaphore, #tpu.memory_space<semaphore_mem>>)
    tpu.wait_dma2 semaphore(%arg8 : memref<!tpu.dma_semaphore, #tpu.memory_space<semaphore_mem>>) src(%arg3 : memref<4x128xf32, #tpu.memory_space<hbm>>) dst(%arg5 : memref<4x128xf32, #tpu.memory_space<vmem>>)
    %add3A_7 = arith.constant 0 : i32
    %add3A_8 = arith.addi %mul3A_2, %add3A_7 : i32
    %dma_start3A = arith.constant 0 : i32
    %dma_start3A_9 = arith.constant 0 : i32
    %dma_start3A_10 = arith.constant 0 : i32
    %dma_start3A_11 = arith.constant 0 : i32
    %dma_start3A_12 = tpu.memref_slice %arg6[%dma_start3A, %dma_start3A_10, %dma_start3A_11] : memref<2x8x200xi32, #tpu.memory_space<vmem>> -> memref<1x8x200xi32, #tpu.memory_space<vmem>>
    %dma_start3A_13 = tpu.memref_squeeze %dma_start3A_12 : memref<1x8x200xi32, #tpu.memory_space<vmem>> -> memref<8x200xi32, #tpu.memory_space<vmem>>
    %dma_start3A_14 = arith.constant 0 : i32
    %dma_start3A_15 = tpu.memref_slice %arg2[%add3A_8, %dma_start3A_14] : memref<16384x200xi32, #tpu.memory_space<hbm>> -> memref<8x200xi32, #tpu.memory_space<hbm>>
    %dma_start3A_16 = tpu.memref_slice %arg9[%dma_start3A_9] : memref<2x!tpu.dma_semaphore, #tpu.memory_space<semaphore_mem>> -> memref<1x!tpu.dma_semaphore, #tpu.memory_space<semaphore_mem>>
    %dma_start3A_17 = tpu.memref_squeeze %dma_start3A_16 : memref<1x!tpu.dma_semaphore, #tpu.memory_space<semaphore_mem>> -> memref<!tpu.dma_semaphore, #tpu.memory_space<semaphore_mem>>
    %dma_start3A_18 = arith.constant 0 : i32
    %dma_start3A_19 = arith.constant 0 : i32
    %dma_start3A_20 = tpu.memref_slice %arg6[%dma_start3A, %dma_start3A_18, %dma_start3A_19] : memref<2x8x200xi32, #tpu.memory_space<vmem>> -> memref<1x8x200xi32, #tpu.memory_space<vmem>>
    %dma_start3A_21 = tpu.memref_squeeze %dma_start3A_20 : memref<1x8x200xi32, #tpu.memory_space<vmem>> -> memref<8x200xi32, #tpu.memory_space<vmem>>
    %dma_start3A_22 = arith.constant 0 : i32
    %dma_start3A_23 = tpu.memref_slice %arg2[%add3A_8, %dma_start3A_22] : memref<16384x200xi32, #tpu.memory_space<hbm>> -> memref<8x200xi32, #tpu.memory_space<hbm>>
    tpu.enqueue_dma source(%dma_start3A_23 : memref<8x200xi32, #tpu.memory_space<hbm>>) target(%dma_start3A_21 : memref<8x200xi32, #tpu.memory_space<vmem>>) target_semaphore(%dma_start3A_17 : memref<!tpu.dma_semaphore, #tpu.memory_space<semaphore_mem>>)
    %add3A_24 = arith.constant 8 : i32
    %add3A_25 = arith.addi %mul3A_2, %add3A_24 : i32
    %dma_start3A_26 = arith.constant 1 : i32
    %dma_start3A_27 = arith.constant 1 : i32
    %dma_start3A_28 = arith.constant 0 : i32
    %dma_start3A_29 = arith.constant 0 : i32
    %dma_start3A_30 = tpu.memref_slice %arg6[%dma_start3A_26, %dma_start3A_28, %dma_start3A_29] : memref<2x8x200xi32, #tpu.memory_space<vmem>> -> memref<1x8x200xi32, #tpu.memory_space<vmem>>
    %dma_start3A_31 = tpu.memref_squeeze %dma_start3A_30 : memref<1x8x200xi32, #tpu.memory_space<vmem>> -> memref<8x200xi32, #tpu.memory_space<vmem>>
    %dma_start3A_32 = arith.constant 0 : i32
    %dma_start3A_33 = tpu.memref_slice %arg2[%add3A_25, %dma_start3A_32] : memref<16384x200xi32, #tpu.memory_space<hbm>> -> memref<8x200xi32, #tpu.memory_space<hbm>>
    %dma_start3A_34 = tpu.memref_slice %arg9[%dma_start3A_27] : memref<2x!tpu.dma_semaphore, #tpu.memory_space<semaphore_mem>> -> memref<1x!tpu.dma_semaphore, #tpu.memory_space<semaphore_mem>>
    %dma_start3A_35 = tpu.memref_squeeze %dma_start3A_34 : memref<1x!tpu.dma_semaphore, #tpu.memory_space<semaphore_mem>> -> memref<!tpu.dma_semaphore, #tpu.memory_space<semaphore_mem>>
    %dma_start3A_36 = arith.constant 0 : i32
    %dma_start3A_37 = arith.constant 0 : i32
    %dma_start3A_38 = tpu.memref_slice %arg6[%dma_start3A_26, %dma_start3A_36, %dma_start3A_37] : memref<2x8x200xi32, #tpu.memory_space<vmem>> -> memref<1x8x200xi32, #tpu.memory_space<vmem>>
    %dma_start3A_39 = tpu.memref_squeeze %dma_start3A_38 : memref<1x8x200xi32, #tpu.memory_space<vmem>> -> memref<8x200xi32, #tpu.memory_space<vmem>>
    %dma_start3A_40 = arith.constant 0 : i32
    %dma_start3A_41 = tpu.memref_slice %arg2[%add3A_25, %dma_start3A_40] : memref<16384x200xi32, #tpu.memory_space<hbm>> -> memref<8x200xi32, #tpu.memory_space<hbm>>
    tpu.enqueue_dma source(%dma_start3A_41 : memref<8x200xi32, #tpu.memory_space<hbm>>) target(%dma_start3A_39 : memref<8x200xi32, #tpu.memory_space<vmem>>) target_semaphore(%dma_start3A_35 : memref<!tpu.dma_semaphore, #tpu.memory_space<semaphore_mem>>)
    %scan3A = arith.constant 0 : i32
    %scan3A_42 = arith.constant 32 : i32
    %scan3A_43 = arith.addi %scan3A, %scan3A_42 : i32
    %scan3A_44 = arith.constant 1 : i32
    scf.for %scan3A_75 = %scan3A to %scan3A_43 step %scan3A_44  : i32 {
      %mul3A_76 = arith.constant 2 : i32
      %mul3A_77 = arith.muli %scan3A_75, %mul3A_76 : i32
      %add3A_78 = arith.constant 0 : i32
      %add3A_79 = arith.addi %mul3A_77, %add3A_78 : i32
      %mul3A_80 = arith.constant 8 : i32
      %mul3A_81 = arith.muli %add3A_79, %mul3A_80 : i32
      %add3A_82 = arith.addi %mul3A_2, %mul3A_81 : i32
      %dma_wait3A_83 = arith.constant 0 : i32
      %dma_wait3A_84 = arith.constant 0 : i32
      %dma_wait3A_85 = arith.constant 0 : i32
      %dma_wait3A_86 = arith.constant 0 : i32
      %dma_wait3A_87 = tpu.memref_slice %arg6[%dma_wait3A_83, %dma_wait3A_85, %dma_wait3A_86] : memref<2x8x200xi32, #tpu.memory_space<vmem>> -> memref<1x8x200xi32, #tpu.memory_space<vmem>>
      %dma_wait3A_88 = tpu.memref_squeeze %dma_wait3A_87 : memref<1x8x200xi32, #tpu.memory_space<vmem>> -> memref<8x200xi32, #tpu.memory_space<vmem>>
      %dma_wait3A_89 = arith.constant 0 : i32
      %dma_wait3A_90 = tpu.memref_slice %arg2[%add3A_82, %dma_wait3A_89] : memref<16384x200xi32, #tpu.memory_space<hbm>> -> memref<8x200xi32, #tpu.memory_space<hbm>>
      %dma_wait3A_91 = tpu.memref_slice %arg9[%dma_wait3A_84] : memref<2x!tpu.dma_semaphore, #tpu.memory_space<semaphore_mem>> -> memref<1x!tpu.dma_semaphore, #tpu.memory_space<semaphore_mem>>
      %dma_wait3A_92 = tpu.memref_squeeze %dma_wait3A_91 : memref<1x!tpu.dma_semaphore, #tpu.memory_space<semaphore_mem>> -> memref<!tpu.dma_semaphore, #tpu.memory_space<semaphore_mem>>
      %dma_wait3A_93 = arith.constant 0 : i32
      %dma_wait3A_94 = arith.constant 0 : i32
      %dma_wait3A_95 = tpu.memref_slice %arg6[%dma_wait3A_83, %dma_wait3A_93, %dma_wait3A_94] : memref<2x8x200xi32, #tpu.memory_space<vmem>> -> memref<1x8x200xi32, #tpu.memory_space<vmem>>
      %dma_wait3A_96 = tpu.memref_squeeze %dma_wait3A_95 : memref<1x8x200xi32, #tpu.memory_space<vmem>> -> memref<8x200xi32, #tpu.memory_space<vmem>>
      %dma_wait3A_97 = arith.constant 0 : i32
      %dma_wait3A_98 = tpu.memref_slice %arg2[%add3A_82, %dma_wait3A_97] : memref<16384x200xi32, #tpu.memory_space<hbm>> -> memref<8x200xi32, #tpu.memory_space<hbm>>
      tpu.wait_dma2 semaphore(%dma_wait3A_92 : memref<!tpu.dma_semaphore, #tpu.memory_space<semaphore_mem>>) src(%dma_wait3A_98 : memref<8x200xi32, #tpu.memory_space<hbm>>) dst(%dma_wait3A_96 : memref<8x200xi32, #tpu.memory_space<vmem>>)
      %mul3A_99 = arith.constant 4 : i32
      %mul3A_100 = arith.muli %add3A_79, %mul3A_99 : i32
      %add3A_101 = arith.constant 0 : i32
      %add3A_102 = arith.addi %mul3A_100, %add3A_101 : i32
      %ge3A = arith.constant 2 : i32
      %ge3A_103 = arith.cmpi sge, %add3A_102, %ge3A : i32
      %convert_element_type3A = arith.extui %ge3A_103 : i1 to i32
      %cond3A = arith.constant 0 : i32
      %cond3A_104 = arith.cmpi ne, %convert_element_type3A, %cond3A : i32
      scf.if %cond3A_104 {
        %sub3A = arith.constant 2 : i32
        %sub3A_387 = arith.subi %add3A_102, %sub3A : i32
        %mul3A_388 = arith.constant 400 : i32
        %mul3A_389 = arith.muli %sub3A_387, %mul3A_388 : i32
        %add3A_390 = arith.addi %mul3A_6, %mul3A_389 : i32
        %dma_wait3A_391 = arith.constant 0 : i32
        %dma_wait3A_392 = arith.constant 0 : i32
        %dma_wait3A_393 = arith.constant 0 : i32
        %dma_wait3A_394 = tpu.memref_slice %arg7[%dma_wait3A_392, %dma_wait3A_393] : memref<800x128xf32, #tpu.memory_space<vmem>> -> memref<400x128xf32, #tpu.memory_space<vmem>>
        %dma_wait3A_395 = arith.constant 0 : i32
        %dma_wait3A_396 = tpu.memref_slice %arg4[%add3A_390, %dma_wait3A_395] : memref<3276800x128xf32, #tpu.memory_space<hbm>> -> memref<400x128xf32, #tpu.memory_space<hbm>>
        %dma_wait3A_397 = tpu.memref_slice %arg10[%dma_wait3A_391] : memref<2x!tpu.dma_semaphore, #tpu.memory_space<semaphore_mem>> -> memref<1x!tpu.dma_semaphore, #tpu.memory_space<semaphore_mem>>
        %dma_wait3A_398 = tpu.memref_squeeze %dma_wait3A_397 : memref<1x!tpu.dma_semaphore, #tpu.memory_space<semaphore_mem>> -> memref<!tpu.dma_semaphore, #tpu.memory_space<semaphore_mem>>
        %dma_wait3A_399 = arith.constant 0 : i32
        %dma_wait3A_400 = tpu.memref_slice %arg4[%add3A_390, %dma_wait3A_399] : memref<3276800x128xf32, #tpu.memory_space<hbm>> -> memref<400x128xf32, #tpu.memory_space<hbm>>
        %dma_wait3A_401 = arith.constant 0 : i32
        %dma_wait3A_402 = arith.constant 0 : i32
        %dma_wait3A_403 = tpu.memref_slice %arg7[%dma_wait3A_401, %dma_wait3A_402] : memref<800x128xf32, #tpu.memory_space<vmem>> -> memref<400x128xf32, #tpu.memory_space<vmem>>
        tpu.wait_dma2 semaphore(%dma_wait3A_398 : memref<!tpu.dma_semaphore, #tpu.memory_space<semaphore_mem>>) src(%dma_wait3A_403 : memref<400x128xf32, #tpu.memory_space<vmem>>) dst(%dma_wait3A_400 : memref<400x128xf32, #tpu.memory_space<hbm>>)
      } else {
      }
      %broadcast_in_dim3A = arith.constant 0 : i32
      %broadcast_in_dim3A_105 = vector.broadcast %broadcast_in_dim3A : i32 to vector<16xi32>
      %scan3A_106 = arith.constant 0 : i32
      %scan3A_107 = arith.constant 25 : i32
      %scan3A_108 = arith.addi %scan3A_106, %scan3A_107 : i32
      %scan3A_109 = arith.constant 1 : i32
      scf.for %scan3A_387 = %scan3A_106 to %scan3A_108 step %scan3A_109  : i32 {
        %mul3A_388 = arith.constant 16 : i32
        %mul3A_389 = arith.muli %scan3A_387, %mul3A_388 : i32
        %add3A_390 = vector.broadcast %mul3A_389 : i32 to vector<16xi32>
        %add3A_391 = arith.addi %add3A_390, %iota3A : vector<16xi32>
        %jit3A = arith.constant 200 : i32
        %div3A = vector.broadcast %jit3A : i32 to vector<16xi32>
        %div3A_392 = arith.divsi %add3A_391, %div3A : vector<16xi32>
        %sign3A = arith.constant 0 : i32
        %sign3A_393 = vector.broadcast %sign3A : i32 to vector<16xi32>
        %sign3A_394 = arith.cmpi sgt, %add3A_391, %sign3A_393 : vector<16xi32>
        %sign3A_395 = arith.extui %sign3A_394 : vector<16xi1> to vector<16xi32>
        %sign3A_396 = arith.constant 0 : i32
        %sign3A_397 = vector.broadcast %sign3A_396 : i32 to vector<16xi32>
        %sign3A_398 = arith.cmpi slt, %add3A_391, %sign3A_397 : vector<16xi32>
        %sign3A_399 = arith.extui %sign3A_398 : vector<16xi1> to vector<16xi32>
        %sign3A_400 = arith.subi %sign3A_395, %sign3A_399 : vector<16xi32>
        %sign3A_401 = arith.constant 0 : i32
        %sign3A_402 = arith.cmpi sgt, %jit3A, %sign3A_401 : i32
        %sign3A_403 = arith.extui %sign3A_402 : i1 to i32
        %sign3A_404 = arith.constant 0 : i32
        %sign3A_405 = arith.cmpi slt, %jit3A, %sign3A_404 : i32
        %sign3A_406 = arith.extui %sign3A_405 : i1 to i32
        %sign3A_407 = arith.subi %sign3A_403, %sign3A_406 : i32
        %ne3A = vector.broadcast %sign3A_407 : i32 to vector<16xi32>
        %ne3A_408 = arith.cmpi ne, %sign3A_400, %ne3A : vector<16xi32>
        %rem3A = vector.broadcast %jit3A : i32 to vector<16xi32>
        %rem3A_409 = arith.remsi %add3A_391, %rem3A : vector<16xi32>
        %ne3A_410 = arith.constant 0 : i32
        %ne3A_411 = vector.broadcast %ne3A_410 : i32 to vector<16xi32>
        %ne3A_412 = arith.cmpi ne, %rem3A_409, %ne3A_411 : vector<16xi32>
        %and3A = arith.andi %ne3A_408, %ne3A_412 : vector<16xi1>
        %sub3A = arith.constant 1 : i32
        %sub3A_413 = vector.broadcast %sub3A : i32 to vector<16xi32>
        %sub3A_414 = arith.subi %div3A_392, %sub3A_413 : vector<16xi32>
        %select_n3A = arith.select %and3A, %sub3A_414, %div3A_392 : vector<16xi1>, vector<16xi32>
        %add3A_415 = arith.constant 0 : i32
        %add3A_416 = vector.broadcast %add3A_415 : i32 to vector<16xi32>
        %add3A_417 = arith.addi %add3A_416, %select_n3A : vector<16xi32>
        %jit3A_418 = arith.constant 200 : i32
        %eq3A = arith.constant 0 : i32
        %eq3A_419 = arith.cmpi eq, %jit3A_418, %eq3A : i32
        %jit3A_420 = arith.constant 1 : i32
        %select_n3A_421 = arith.select %eq3A_419, %jit3A_420, %jit3A_418 : i32
        %rem3A_422 = vector.broadcast %select_n3A_421 : i32 to vector<16xi32>
        %rem3A_423 = arith.remsi %add3A_391, %rem3A_422 : vector<16xi32>
        %ne3A_424 = arith.constant 0 : i32
        %ne3A_425 = vector.broadcast %ne3A_424 : i32 to vector<16xi32>
        %ne3A_426 = arith.cmpi ne, %rem3A_423, %ne3A_425 : vector<16xi32>
        %lt3A_427 = arith.constant 0 : i32
        %lt3A_428 = vector.broadcast %lt3A_427 : i32 to vector<16xi32>
        %lt3A_429 = arith.cmpi slt, %rem3A_423, %lt3A_428 : vector<16xi32>
        %lt3A_430 = arith.constant 0 : i32
        %lt3A_431 = arith.cmpi slt, %select_n3A_421, %lt3A_430 : i32
        %ne3A_432 = vector.broadcast %lt3A_431 : i1 to vector<16xi1>
        %ne3A_433 = vector.broadcast %ne3A_432 : vector<16xi1> to vector<16xi1>
        %ne3A_434 = arith.xori %lt3A_429, %ne3A_433 : vector<16xi1>
        %and3A_435 = arith.andi %ne3A_434, %ne3A_426 : vector<16xi1>
        %add3A_436 = vector.broadcast %select_n3A_421 : i32 to vector<16xi32>
        %add3A_437 = arith.addi %rem3A_423, %add3A_436 : vector<16xi32>
        %select_n3A_438 = arith.select %and3A_435, %add3A_437, %rem3A_423 : vector<16xi1>, vector<16xi32>
        %gather3A = tpu.vector_load_idx %arg6[%broadcast_in_dim3A_105, %add3A_417, %select_n3A_438] : memref<2x8x200xi32, #tpu.memory_space<vmem>>[vector<16xi32>, vector<16xi32>, vector<16xi32>], vector<16xi32>,
        %mul3A_439 = arith.constant 16 : i32
        %mul3A_440 = arith.muli %scan3A_387, %mul3A_439 : i32
        %add3A_441 = arith.constant 0 : i32
        %add3A_442 = arith.addi %add3A_441, %mul3A_440 : i32
        %parallel_loop3A = arith.constant 0 : i32
        %parallel_loop3A_443 = arith.constant 16 : i32
        %parallel_loop3A_444 = arith.constant 1 : i32
        scf.for %parallel_loop3A_445 = %parallel_loop3A to %parallel_loop3A_443 step %parallel_loop3A_444  : i32 {
          %parallel_loop3A_446 = vector.broadcast %parallel_loop3A_445 : i32 to vector<16xi32>
          %parallel_loop3A_447 = arith.constant 0 : i32
          %parallel_loop3A_448 = vector.broadcast %parallel_loop3A_447 : i32 to vector<16xi32>
          %parallel_loop3A_449 = arith.cmpi slt, %parallel_loop3A_446, %parallel_loop3A_448 : vector<16xi32>
          %parallel_loop3A_450 = arith.constant 16 : i32
          %parallel_loop3A_451 = vector.broadcast %parallel_loop3A_450 : i32 to vector<16xi32>
          %parallel_loop3A_452 = arith.addi %parallel_loop3A_446, %parallel_loop3A_451 : vector<16xi32>
          %parallel_loop3A_453 = arith.select %parallel_loop3A_449, %parallel_loop3A_452, %parallel_loop3A_446 : vector<16xi1>, vector<16xi32>
          %parallel_loop3A_454 = vector.shape_cast %parallel_loop3A_453 : vector<16xi32> to vector<16x1xi32>
          %parallel_loop3A_455 = vector.shape_cast %parallel_loop3A_454 : vector<16x1xi32> to vector<16xi32>
          %parallel_loop3A_456 = tpu.dynamic_gather %gather3A[%parallel_loop3A_455] in [0] : vector<16xi32>, vector<16xi32> -> vector<16xi32>
          %parallel_loop3A_457 = arith.constant 0 : i32
          %parallel_loop3A_458 = vector.broadcast %parallel_loop3A_457 : i32 to vector<16xi32>
          %parallel_loop3A_459 = arith.addi %iota3A, %parallel_loop3A_458 : vector<16xi32>
          %parallel_loop3A_460 = tpu.vector_load_idx %arg5[%parallel_loop3A_456, %parallel_loop3A_459] : memref<4x128xf32, #tpu.memory_space<vmem>>[vector<16xi32>, vector<16xi32>], vector<16xf32>,
          %parallel_loop3A_461 = arith.addi %add3A_442, %parallel_loop3A_445 : i32
          %parallel_loop3A_462 = arith.index_cast %parallel_loop3A_461 : i32 to index
          %parallel_loop3A_463 = arith.constant 0 : index
          %parallel_loop3A_464 = tpu.vector_load %arg7[%parallel_loop3A_462, %parallel_loop3A_463] {strides = array<i32>} : memref<800x128xf32, #tpu.memory_space<vmem>>, vector<16xf32>,
          tpu.vector_store %arg7[%parallel_loop3A_462, %parallel_loop3A_463], %parallel_loop3A_460 {strides = array<i32>} : memref<800x128xf32, #tpu.memory_space<vmem>>, vector<16xf32>,
          %parallel_loop3A_465 = arith.constant 16 : i32
          %parallel_loop3A_466 = vector.broadcast %parallel_loop3A_465 : i32 to vector<16xi32>
          %parallel_loop3A_467 = arith.addi %iota3A, %parallel_loop3A_466 : vector<16xi32>
          %parallel_loop3A_468 = tpu.vector_load_idx %arg5[%parallel_loop3A_456, %parallel_loop3A_467] : memref<4x128xf32, #tpu.memory_space<vmem>>[vector<16xi32>, vector<16xi32>], vector<16xf32>,
          %parallel_loop3A_469 = arith.addi %add3A_442, %parallel_loop3A_445 : i32
          %parallel_loop3A_470 = arith.index_cast %parallel_loop3A_469 : i32 to index
          %parallel_loop3A_471 = arith.constant 16 : index
          %parallel_loop3A_472 = tpu.vector_load %arg7[%parallel_loop3A_470, %parallel_loop3A_471] {strides = array<i32>} : memref<800x128xf32, #tpu.memory_space<vmem>>, vector<16xf32>,
          tpu.vector_store %arg7[%parallel_loop3A_470, %parallel_loop3A_471], %parallel_loop3A_468 {strides = array<i32>} : memref<800x128xf32, #tpu.memory_space<vmem>>, vector<16xf32>,
          %parallel_loop3A_473 = arith.constant 32 : i32
          %parallel_loop3A_474 = vector.broadcast %parallel_loop3A_473 : i32 to vector<16xi32>
          %parallel_loop3A_475 = arith.addi %iota3A, %parallel_loop3A_474 : vector<16xi32>
          %parallel_loop3A_476 = tpu.vector_load_idx %arg5[%parallel_loop3A_456, %parallel_loop3A_475] : memref<4x128xf32, #tpu.memory_space<vmem>>[vector<16xi32>, vector<16xi32>], vector<16xf32>,
          %parallel_loop3A_477 = arith.addi %add3A_442, %parallel_loop3A_445 : i32
          %parallel_loop3A_478 = arith.index_cast %parallel_loop3A_477 : i32 to index
          %parallel_loop3A_479 = arith.constant 32 : index
          %parallel_loop3A_480 = tpu.vector_load %arg7[%parallel_loop3A_478, %parallel_loop3A_479] {strides = array<i32>} : memref<800x128xf32, #tpu.memory_space<vmem>>, vector<16xf32>,
          tpu.vector_store %arg7[%parallel_loop3A_478, %parallel_loop3A_479], %parallel_loop3A_476 {strides = array<i32>} : memref<800x128xf32, #tpu.memory_space<vmem>>, vector<16xf32>,
          %parallel_loop3A_481 = arith.constant 48 : i32
          %parallel_loop3A_482 = vector.broadcast %parallel_loop3A_481 : i32 to vector<16xi32>
          %parallel_loop3A_483 = arith.addi %iota3A, %parallel_loop3A_482 : vector<16xi32>
          %parallel_loop3A_484 = tpu.vector_load_idx %arg5[%parallel_loop3A_456, %parallel_loop3A_483] : memref<4x128xf32, #tpu.memory_space<vmem>>[vector<16xi32>, vector<16xi32>], vector<16xf32>,
          %parallel_loop3A_485 = arith.addi %add3A_442, %parallel_loop3A_445 : i32
          %parallel_loop3A_486 = arith.index_cast %parallel_loop3A_485 : i32 to index
          %parallel_loop3A_487 = arith.constant 48 : index
          %parallel_loop3A_488 = tpu.vector_load %arg7[%parallel_loop3A_486, %parallel_loop3A_487] {strides = array<i32>} : memref<800x128xf32, #tpu.memory_space<vmem>>, vector<16xf32>,
          tpu.vector_store %arg7[%parallel_loop3A_486, %parallel_loop3A_487], %parallel_loop3A_484 {strides = array<i32>} : memref<800x128xf32, #tpu.memory_space<vmem>>, vector<16xf32>,
          %parallel_loop3A_489 = arith.constant 64 : i32
          %parallel_loop3A_490 = vector.broadcast %parallel_loop3A_489 : i32 to vector<16xi32>
          %parallel_loop3A_491 = arith.addi %iota3A, %parallel_loop3A_490 : vector<16xi32>
          %parallel_loop3A_492 = tpu.vector_load_idx %arg5[%parallel_loop3A_456, %parallel_loop3A_491] : memref<4x128xf32, #tpu.memory_space<vmem>>[vector<16xi32>, vector<16xi32>], vector<16xf32>,
          %parallel_loop3A_493 = arith.addi %add3A_442, %parallel_loop3A_445 : i32
          %parallel_loop3A_494 = arith.index_cast %parallel_loop3A_493 : i32 to index
          %parallel_loop3A_495 = arith.constant 64 : index
          %parallel_loop3A_496 = tpu.vector_load %arg7[%parallel_loop3A_494, %parallel_loop3A_495] {strides = array<i32>} : memref<800x128xf32, #tpu.memory_space<vmem>>, vector<16xf32>,
          tpu.vector_store %arg7[%parallel_loop3A_494, %parallel_loop3A_495], %parallel_loop3A_492 {strides = array<i32>} : memref<800x128xf32, #tpu.memory_space<vmem>>, vector<16xf32>,
          %parallel_loop3A_497 = arith.constant 80 : i32
          %parallel_loop3A_498 = vector.broadcast %parallel_loop3A_497 : i32 to vector<16xi32>
          %parallel_loop3A_499 = arith.addi %iota3A, %parallel_loop3A_498 : vector<16xi32>
          %parallel_loop3A_500 = tpu.vector_load_idx %arg5[%parallel_loop3A_456, %parallel_loop3A_499] : memref<4x128xf32, #tpu.memory_space<vmem>>[vector<16xi32>, vector<16xi32>], vector<16xf32>,
          %parallel_loop3A_501 = arith.addi %add3A_442, %parallel_loop3A_445 : i32
          %parallel_loop3A_502 = arith.index_cast %parallel_loop3A_501 : i32 to index
          %parallel_loop3A_503 = arith.constant 80 : index
          %parallel_loop3A_504 = tpu.vector_load %arg7[%parallel_loop3A_502, %parallel_loop3A_503] {strides = array<i32>} : memref<800x128xf32, #tpu.memory_space<vmem>>, vector<16xf32>,
          tpu.vector_store %arg7[%parallel_loop3A_502, %parallel_loop3A_503], %parallel_loop3A_500 {strides = array<i32>} : memref<800x128xf32, #tpu.memory_space<vmem>>, vector<16xf32>,
          %parallel_loop3A_505 = arith.constant 96 : i32
          %parallel_loop3A_506 = vector.broadcast %parallel_loop3A_505 : i32 to vector<16xi32>
          %parallel_loop3A_507 = arith.addi %iota3A, %parallel_loop3A_506 : vector<16xi32>
          %parallel_loop3A_508 = tpu.vector_load_idx %arg5[%parallel_loop3A_456, %parallel_loop3A_507] : memref<4x128xf32, #tpu.memory_space<vmem>>[vector<16xi32>, vector<16xi32>], vector<16xf32>,
          %parallel_loop3A_509 = arith.addi %add3A_442, %parallel_loop3A_445 : i32
          %parallel_loop3A_510 = arith.index_cast %parallel_loop3A_509 : i32 to index
          %parallel_loop3A_511 = arith.constant 96 : index
          %parallel_loop3A_512 = tpu.vector_load %arg7[%parallel_loop3A_510, %parallel_loop3A_511] {strides = array<i32>} : memref<800x128xf32, #tpu.memory_space<vmem>>, vector<16xf32>,
          tpu.vector_store %arg7[%parallel_loop3A_510, %parallel_loop3A_511], %parallel_loop3A_508 {strides = array<i32>} : memref<800x128xf32, #tpu.memory_space<vmem>>, vector<16xf32>,
          %parallel_loop3A_513 = arith.constant 112 : i32
          %parallel_loop3A_514 = vector.broadcast %parallel_loop3A_513 : i32 to vector<16xi32>
          %parallel_loop3A_515 = arith.addi %iota3A, %parallel_loop3A_514 : vector<16xi32>
          %parallel_loop3A_516 = tpu.vector_load_idx %arg5[%parallel_loop3A_456, %parallel_loop3A_515] : memref<4x128xf32, #tpu.memory_space<vmem>>[vector<16xi32>, vector<16xi32>], vector<16xf32>,
          %parallel_loop3A_517 = arith.addi %add3A_442, %parallel_loop3A_445 : i32
          %parallel_loop3A_518 = arith.index_cast %parallel_loop3A_517 : i32 to index
          %parallel_loop3A_519 = arith.constant 112 : index
          %parallel_loop3A_520 = tpu.vector_load %arg7[%parallel_loop3A_518, %parallel_loop3A_519] {strides = array<i32>} : memref<800x128xf32, #tpu.memory_space<vmem>>, vector<16xf32>,
          tpu.vector_store %arg7[%parallel_loop3A_518, %parallel_loop3A_519], %parallel_loop3A_516 {strides = array<i32>} : memref<800x128xf32, #tpu.memory_space<vmem>>, vector<16xf32>,
        } {sc.loop_unroll_factor = 4 : i64, sc.parallel_access}
      }
      %scan3A_110 = arith.constant 25 : i32
      %mul3A_111 = arith.constant 400 : i32
      %mul3A_112 = arith.muli %add3A_102, %mul3A_111 : i32
      %add3A_113 = arith.addi %mul3A_6, %mul3A_112 : i32
      %dma_start3A_114 = arith.constant 0 : i32
      %dma_start3A_115 = arith.constant 0 : i32
      %dma_start3A_116 = arith.constant 0 : i32
      %dma_start3A_117 = tpu.memref_slice %arg7[%dma_start3A_115, %dma_start3A_116] : memref<800x128xf32, #tpu.memory_space<vmem>> -> memref<400x128xf32, #tpu.memory_space<vmem>>
      %dma_start3A_118 = arith.constant 0 : i32
      %dma_start3A_119 = tpu.memref_slice %arg4[%add3A_113, %dma_start3A_118] : memref<3276800x128xf32, #tpu.memory_space<hbm>> -> memref<400x128xf32, #tpu.memory_space<hbm>>
      %dma_start3A_120 = tpu.memref_slice %arg10[%dma_start3A_114] : memref<2x!tpu.dma_semaphore, #tpu.memory_space<semaphore_mem>> -> memref<1x!tpu.dma_semaphore, #tpu.memory_space<semaphore_mem>>
      %dma_start3A_121 = tpu.memref_squeeze %dma_start3A_120 : memref<1x!tpu.dma_semaphore, #tpu.memory_space<semaphore_mem>> -> memref<!tpu.dma_semaphore, #tpu.memory_space<semaphore_mem>>
      %dma_start3A_122 = arith.constant 0 : i32
      %dma_start3A_123 = tpu.memref_slice %arg4[%add3A_113, %dma_start3A_122] : memref<3276800x128xf32, #tpu.memory_space<hbm>> -> memref<400x128xf32, #tpu.memory_space<hbm>>
      %dma_start3A_124 = arith.constant 0 : i32
      %dma_start3A_125 = arith.constant 0 : i32
      %dma_start3A_126 = tpu.memref_slice %arg7[%dma_start3A_124, %dma_start3A_125] : memref<800x128xf32, #tpu.memory_space<vmem>> -> memref<400x128xf32, #tpu.memory_space<vmem>>
      tpu.enqueue_dma source(%dma_start3A_126 : memref<400x128xf32, #tpu.memory_space<vmem>>) target(%dma_start3A_123 : memref<400x128xf32, #tpu.memory_space<hbm>>) target_semaphore(%dma_start3A_121 : memref<!tpu.dma_semaphore, #tpu.memory_space<semaphore_mem>>)
      %mul3A_127 = arith.constant 4 : i32
      %mul3A_128 = arith.muli %add3A_79, %mul3A_127 : i32
      %add3A_129 = arith.constant 1 : i32
      %add3A_130 = arith.addi %mul3A_128, %add3A_129 : i32
      %ge3A_131 = arith.constant 2 : i32
      %ge3A_132 = arith.cmpi sge, %add3A_130, %ge3A_131 : i32
      %convert_element_type3A_133 = arith.extui %ge3A_132 : i1 to i32
      %cond3A_134 = arith.constant 0 : i32
      %cond3A_135 = arith.cmpi ne, %convert_element_type3A_133, %cond3A_134 : i32
      scf.if %cond3A_135 {
        %sub3A = arith.constant 2 : i32
        %sub3A_387 = arith.subi %add3A_130, %sub3A : i32
        %mul3A_388 = arith.constant 400 : i32
        %mul3A_389 = arith.muli %sub3A_387, %mul3A_388 : i32
        %add3A_390 = arith.addi %mul3A_6, %mul3A_389 : i32
        %dma_wait3A_391 = arith.constant 1 : i32
        %dma_wait3A_392 = arith.constant 400 : i32
        %dma_wait3A_393 = arith.constant 0 : i32
        %dma_wait3A_394 = tpu.memref_slice %arg7[%dma_wait3A_392, %dma_wait3A_393] : memref<800x128xf32, #tpu.memory_space<vmem>> -> memref<400x128xf32, #tpu.memory_space<vmem>>
        %dma_wait3A_395 = arith.constant 0 : i32
        %dma_wait3A_396 = tpu.memref_slice %arg4[%add3A_390, %dma_wait3A_395] : memref<3276800x128xf32, #tpu.memory_space<hbm>> -> memref<400x128xf32, #tpu.memory_space<hbm>>
        %dma_wait3A_397 = tpu.memref_slice %arg10[%dma_wait3A_391] : memref<2x!tpu.dma_semaphore, #tpu.memory_space<semaphore_mem>> -> memref<1x!tpu.dma_semaphore, #tpu.memory_space<semaphore_mem>>
        %dma_wait3A_398 = tpu.memref_squeeze %dma_wait3A_397 : memref<1x!tpu.dma_semaphore, #tpu.memory_space<semaphore_mem>> -> memref<!tpu.dma_semaphore, #tpu.memory_space<semaphore_mem>>
        %dma_wait3A_399 = arith.constant 0 : i32
        %dma_wait3A_400 = tpu.memref_slice %arg4[%add3A_390, %dma_wait3A_399] : memref<3276800x128xf32, #tpu.memory_space<hbm>> -> memref<400x128xf32, #tpu.memory_space<hbm>>
        %dma_wait3A_401 = arith.constant 400 : i32
        %dma_wait3A_402 = arith.constant 0 : i32
        %dma_wait3A_403 = tpu.memref_slice %arg7[%dma_wait3A_401, %dma_wait3A_402] : memref<800x128xf32, #tpu.memory_space<vmem>> -> memref<400x128xf32, #tpu.memory_space<vmem>>
        tpu.wait_dma2 semaphore(%dma_wait3A_398 : memref<!tpu.dma_semaphore, #tpu.memory_space<semaphore_mem>>) src(%dma_wait3A_403 : memref<400x128xf32, #tpu.memory_space<vmem>>) dst(%dma_wait3A_400 : memref<400x128xf32, #tpu.memory_space<hbm>>)
      } else {
      }
      %broadcast_in_dim3A_136 = arith.constant 0 : i32
      %broadcast_in_dim3A_137 = vector.broadcast %broadcast_in_dim3A_136 : i32 to vector<16xi32>
      %scan3A_138 = arith.constant 0 : i32
      %scan3A_139 = arith.constant 25 : i32
      %scan3A_140 = arith.addi %scan3A_138, %scan3A_139 : i32
      %scan3A_141 = arith.constant 1 : i32
      scf.for %scan3A_387 = %scan3A_138 to %scan3A_140 step %scan3A_141  : i32 {
        %mul3A_388 = arith.constant 16 : i32
        %mul3A_389 = arith.muli %scan3A_387, %mul3A_388 : i32
        %add3A_390 = vector.broadcast %mul3A_389 : i32 to vector<16xi32>
        %add3A_391 = arith.addi %add3A_390, %iota3A : vector<16xi32>
        %jit3A = arith.constant 200 : i32
        %div3A = vector.broadcast %jit3A : i32 to vector<16xi32>
        %div3A_392 = arith.divsi %add3A_391, %div3A : vector<16xi32>
        %sign3A = arith.constant 0 : i32
        %sign3A_393 = vector.broadcast %sign3A : i32 to vector<16xi32>
        %sign3A_394 = arith.cmpi sgt, %add3A_391, %sign3A_393 : vector<16xi32>
        %sign3A_395 = arith.extui %sign3A_394 : vector<16xi1> to vector<16xi32>
        %sign3A_396 = arith.constant 0 : i32
        %sign3A_397 = vector.broadcast %sign3A_396 : i32 to vector<16xi32>
        %sign3A_398 = arith.cmpi slt, %add3A_391, %sign3A_397 : vector<16xi32>
        %sign3A_399 = arith.extui %sign3A_398 : vector<16xi1> to vector<16xi32>
        %sign3A_400 = arith.subi %sign3A_395, %sign3A_399 : vector<16xi32>
        %sign3A_401 = arith.constant 0 : i32
        %sign3A_402 = arith.cmpi sgt, %jit3A, %sign3A_401 : i32
        %sign3A_403 = arith.extui %sign3A_402 : i1 to i32
        %sign3A_404 = arith.constant 0 : i32
        %sign3A_405 = arith.cmpi slt, %jit3A, %sign3A_404 : i32
        %sign3A_406 = arith.extui %sign3A_405 : i1 to i32
        %sign3A_407 = arith.subi %sign3A_403, %sign3A_406 : i32
        %ne3A = vector.broadcast %sign3A_407 : i32 to vector<16xi32>
        %ne3A_408 = arith.cmpi ne, %sign3A_400, %ne3A : vector<16xi32>
        %rem3A = vector.broadcast %jit3A : i32 to vector<16xi32>
        %rem3A_409 = arith.remsi %add3A_391, %rem3A : vector<16xi32>
        %ne3A_410 = arith.constant 0 : i32
        %ne3A_411 = vector.broadcast %ne3A_410 : i32 to vector<16xi32>
        %ne3A_412 = arith.cmpi ne, %rem3A_409, %ne3A_411 : vector<16xi32>
        %and3A = arith.andi %ne3A_408, %ne3A_412 : vector<16xi1>
        %sub3A = arith.constant 1 : i32
        %sub3A_413 = vector.broadcast %sub3A : i32 to vector<16xi32>
        %sub3A_414 = arith.subi %div3A_392, %sub3A_413 : vector<16xi32>
        %select_n3A = arith.select %and3A, %sub3A_414, %div3A_392 : vector<16xi1>, vector<16xi32>
        %add3A_415 = arith.constant 2 : i32
        %add3A_416 = vector.broadcast %add3A_415 : i32 to vector<16xi32>
        %add3A_417 = arith.addi %add3A_416, %select_n3A : vector<16xi32>
        %jit3A_418 = arith.constant 200 : i32
        %eq3A = arith.constant 0 : i32
        %eq3A_419 = arith.cmpi eq, %jit3A_418, %eq3A : i32
        %jit3A_420 = arith.constant 1 : i32
        %select_n3A_421 = arith.select %eq3A_419, %jit3A_420, %jit3A_418 : i32
        %rem3A_422 = vector.broadcast %select_n3A_421 : i32 to vector<16xi32>
        %rem3A_423 = arith.remsi %add3A_391, %rem3A_422 : vector<16xi32>
        %ne3A_424 = arith.constant 0 : i32
        %ne3A_425 = vector.broadcast %ne3A_424 : i32 to vector<16xi32>
        %ne3A_426 = arith.cmpi ne, %rem3A_423, %ne3A_425 : vector<16xi32>
        %lt3A_427 = arith.constant 0 : i32
        %lt3A_428 = vector.broadcast %lt3A_427 : i32 to vector<16xi32>
        %lt3A_429 = arith.cmpi slt, %rem3A_423, %lt3A_428 : vector<16xi32>
        %lt3A_430 = arith.constant 0 : i32
        %lt3A_431 = arith.cmpi slt, %select_n3A_421, %lt3A_430 : i32
        %ne3A_432 = vector.broadcast %lt3A_431 : i1 to vector<16xi1>
        %ne3A_433 = vector.broadcast %ne3A_432 : vector<16xi1> to vector<16xi1>
        %ne3A_434 = arith.xori %lt3A_429, %ne3A_433 : vector<16xi1>
        %and3A_435 = arith.andi %ne3A_434, %ne3A_426 : vector<16xi1>
        %add3A_436 = vector.broadcast %select_n3A_421 : i32 to vector<16xi32>
        %add3A_437 = arith.addi %rem3A_423, %add3A_436 : vector<16xi32>
        %select_n3A_438 = arith.select %and3A_435, %add3A_437, %rem3A_423 : vector<16xi1>, vector<16xi32>
        %gather3A = tpu.vector_load_idx %arg6[%broadcast_in_dim3A_137, %add3A_417, %select_n3A_438] : memref<2x8x200xi32, #tpu.memory_space<vmem>>[vector<16xi32>, vector<16xi32>, vector<16xi32>], vector<16xi32>,
        %mul3A_439 = arith.constant 16 : i32
        %mul3A_440 = arith.muli %scan3A_387, %mul3A_439 : i32
        %add3A_441 = arith.constant 400 : i32
        %add3A_442 = arith.addi %add3A_441, %mul3A_440 : i32
        %parallel_loop3A = arith.constant 0 : i32
        %parallel_loop3A_443 = arith.constant 16 : i32
        %parallel_loop3A_444 = arith.constant 1 : i32
        scf.for %parallel_loop3A_445 = %parallel_loop3A to %parallel_loop3A_443 step %parallel_loop3A_444  : i32 {
          %parallel_loop3A_446 = vector.broadcast %parallel_loop3A_445 : i32 to vector<16xi32>
          %parallel_loop3A_447 = arith.constant 0 : i32
          %parallel_loop3A_448 = vector.broadcast %parallel_loop3A_447 : i32 to vector<16xi32>
          %parallel_loop3A_449 = arith.cmpi slt, %parallel_loop3A_446, %parallel_loop3A_448 : vector<16xi32>
          %parallel_loop3A_450 = arith.constant 16 : i32
          %parallel_loop3A_451 = vector.broadcast %parallel_loop3A_450 : i32 to vector<16xi32>
          %parallel_loop3A_452 = arith.addi %parallel_loop3A_446, %parallel_loop3A_451 : vector<16xi32>
          %parallel_loop3A_453 = arith.select %parallel_loop3A_449, %parallel_loop3A_452, %parallel_loop3A_446 : vector<16xi1>, vector<16xi32>
          %parallel_loop3A_454 = vector.shape_cast %parallel_loop3A_453 : vector<16xi32> to vector<16x1xi32>
          %parallel_loop3A_455 = vector.shape_cast %parallel_loop3A_454 : vector<16x1xi32> to vector<16xi32>
          %parallel_loop3A_456 = tpu.dynamic_gather %gather3A[%parallel_loop3A_455] in [0] : vector<16xi32>, vector<16xi32> -> vector<16xi32>
          %parallel_loop3A_457 = arith.constant 0 : i32
          %parallel_loop3A_458 = vector.broadcast %parallel_loop3A_457 : i32 to vector<16xi32>
          %parallel_loop3A_459 = arith.addi %iota3A, %parallel_loop3A_458 : vector<16xi32>
          %parallel_loop3A_460 = tpu.vector_load_idx %arg5[%parallel_loop3A_456, %parallel_loop3A_459] : memref<4x128xf32, #tpu.memory_space<vmem>>[vector<16xi32>, vector<16xi32>], vector<16xf32>,
          %parallel_loop3A_461 = arith.addi %add3A_442, %parallel_loop3A_445 : i32
          %parallel_loop3A_462 = arith.index_cast %parallel_loop3A_461 : i32 to index
          %parallel_loop3A_463 = arith.constant 0 : index
          %parallel_loop3A_464 = tpu.vector_load %arg7[%parallel_loop3A_462, %parallel_loop3A_463] {strides = array<i32>} : memref<800x128xf32, #tpu.memory_space<vmem>>, vector<16xf32>,
          tpu.vector_store %arg7[%parallel_loop3A_462, %parallel_loop3A_463], %parallel_loop3A_460 {strides = array<i32>} : memref<800x128xf32, #tpu.memory_space<vmem>>, vector<16xf32>,
          %parallel_loop3A_465 = arith.constant 16 : i32
          %parallel_loop3A_466 = vector.broadcast %parallel_loop3A_465 : i32 to vector<16xi32>
          %parallel_loop3A_467 = arith.addi %iota3A, %parallel_loop3A_466 : vector<16xi32>
          %parallel_loop3A_468 = tpu.vector_load_idx %arg5[%parallel_loop3A_456, %parallel_loop3A_467] : memref<4x128xf32, #tpu.memory_space<vmem>>[vector<16xi32>, vector<16xi32>], vector<16xf32>,
          %parallel_loop3A_469 = arith.addi %add3A_442, %parallel_loop3A_445 : i32
          %parallel_loop3A_470 = arith.index_cast %parallel_loop3A_469 : i32 to index
          %parallel_loop3A_471 = arith.constant 16 : index
          %parallel_loop3A_472 = tpu.vector_load %arg7[%parallel_loop3A_470, %parallel_loop3A_471] {strides = array<i32>} : memref<800x128xf32, #tpu.memory_space<vmem>>, vector<16xf32>,
          tpu.vector_store %arg7[%parallel_loop3A_470, %parallel_loop3A_471], %parallel_loop3A_468 {strides = array<i32>} : memref<800x128xf32, #tpu.memory_space<vmem>>, vector<16xf32>,
          %parallel_loop3A_473 = arith.constant 32 : i32
          %parallel_loop3A_474 = vector.broadcast %parallel_loop3A_473 : i32 to vector<16xi32>
          %parallel_loop3A_475 = arith.addi %iota3A, %parallel_loop3A_474 : vector<16xi32>
          %parallel_loop3A_476 = tpu.vector_load_idx %arg5[%parallel_loop3A_456, %parallel_loop3A_475] : memref<4x128xf32, #tpu.memory_space<vmem>>[vector<16xi32>, vector<16xi32>], vector<16xf32>,
          %parallel_loop3A_477 = arith.addi %add3A_442, %parallel_loop3A_445 : i32
          %parallel_loop3A_478 = arith.index_cast %parallel_loop3A_477 : i32 to index
          %parallel_loop3A_479 = arith.constant 32 : index
          %parallel_loop3A_480 = tpu.vector_load %arg7[%parallel_loop3A_478, %parallel_loop3A_479] {strides = array<i32>} : memref<800x128xf32, #tpu.memory_space<vmem>>, vector<16xf32>,
          tpu.vector_store %arg7[%parallel_loop3A_478, %parallel_loop3A_479], %parallel_loop3A_476 {strides = array<i32>} : memref<800x128xf32, #tpu.memory_space<vmem>>, vector<16xf32>,
          %parallel_loop3A_481 = arith.constant 48 : i32
          %parallel_loop3A_482 = vector.broadcast %parallel_loop3A_481 : i32 to vector<16xi32>
          %parallel_loop3A_483 = arith.addi %iota3A, %parallel_loop3A_482 : vector<16xi32>
          %parallel_loop3A_484 = tpu.vector_load_idx %arg5[%parallel_loop3A_456, %parallel_loop3A_483] : memref<4x128xf32, #tpu.memory_space<vmem>>[vector<16xi32>, vector<16xi32>], vector<16xf32>,
          %parallel_loop3A_485 = arith.addi %add3A_442, %parallel_loop3A_445 : i32
          %parallel_loop3A_486 = arith.index_cast %parallel_loop3A_485 : i32 to index
          %parallel_loop3A_487 = arith.constant 48 : index
          %parallel_loop3A_488 = tpu.vector_load %arg7[%parallel_loop3A_486, %parallel_loop3A_487] {strides = array<i32>} : memref<800x128xf32, #tpu.memory_space<vmem>>, vector<16xf32>,
          tpu.vector_store %arg7[%parallel_loop3A_486, %parallel_loop3A_487], %parallel_loop3A_484 {strides = array<i32>} : memref<800x128xf32, #tpu.memory_space<vmem>>, vector<16xf32>,
          %parallel_loop3A_489 = arith.constant 64 : i32
          %parallel_loop3A_490 = vector.broadcast %parallel_loop3A_489 : i32 to vector<16xi32>
          %parallel_loop3A_491 = arith.addi %iota3A, %parallel_loop3A_490 : vector<16xi32>
          %parallel_loop3A_492 = tpu.vector_load_idx %arg5[%parallel_loop3A_456, %parallel_loop3A_491] : memref<4x128xf32, #tpu.memory_space<vmem>>[vector<16xi32>, vector<16xi32>], vector<16xf32>,
          %parallel_loop3A_493 = arith.addi %add3A_442, %parallel_loop3A_445 : i32
          %parallel_loop3A_494 = arith.index_cast %parallel_loop3A_493 : i32 to index
          %parallel_loop3A_495 = arith.constant 64 : index
          %parallel_loop3A_496 = tpu.vector_load %arg7[%parallel_loop3A_494, %parallel_loop3A_495] {strides = array<i32>} : memref<800x128xf32, #tpu.memory_space<vmem>>, vector<16xf32>,
          tpu.vector_store %arg7[%parallel_loop3A_494, %parallel_loop3A_495], %parallel_loop3A_492 {strides = array<i32>} : memref<800x128xf32, #tpu.memory_space<vmem>>, vector<16xf32>,
          %parallel_loop3A_497 = arith.constant 80 : i32
          %parallel_loop3A_498 = vector.broadcast %parallel_loop3A_497 : i32 to vector<16xi32>
          %parallel_loop3A_499 = arith.addi %iota3A, %parallel_loop3A_498 : vector<16xi32>
          %parallel_loop3A_500 = tpu.vector_load_idx %arg5[%parallel_loop3A_456, %parallel_loop3A_499] : memref<4x128xf32, #tpu.memory_space<vmem>>[vector<16xi32>, vector<16xi32>], vector<16xf32>,
          %parallel_loop3A_501 = arith.addi %add3A_442, %parallel_loop3A_445 : i32
          %parallel_loop3A_502 = arith.index_cast %parallel_loop3A_501 : i32 to index
          %parallel_loop3A_503 = arith.constant 80 : index
          %parallel_loop3A_504 = tpu.vector_load %arg7[%parallel_loop3A_502, %parallel_loop3A_503] {strides = array<i32>} : memref<800x128xf32, #tpu.memory_space<vmem>>, vector<16xf32>,
          tpu.vector_store %arg7[%parallel_loop3A_502, %parallel_loop3A_503], %parallel_loop3A_500 {strides = array<i32>} : memref<800x128xf32, #tpu.memory_space<vmem>>, vector<16xf32>,
          %parallel_loop3A_505 = arith.constant 96 : i32
          %parallel_loop3A_506 = vector.broadcast %parallel_loop3A_505 : i32 to vector<16xi32>
          %parallel_loop3A_507 = arith.addi %iota3A, %parallel_loop3A_506 : vector<16xi32>
          %parallel_loop3A_508 = tpu.vector_load_idx %arg5[%parallel_loop3A_456, %parallel_loop3A_507] : memref<4x128xf32, #tpu.memory_space<vmem>>[vector<16xi32>, vector<16xi32>], vector<16xf32>,
          %parallel_loop3A_509 = arith.addi %add3A_442, %parallel_loop3A_445 : i32
          %parallel_loop3A_510 = arith.index_cast %parallel_loop3A_509 : i32 to index
          %parallel_loop3A_511 = arith.constant 96 : index
          %parallel_loop3A_512 = tpu.vector_load %arg7[%parallel_loop3A_510, %parallel_loop3A_511] {strides = array<i32>} : memref<800x128xf32, #tpu.memory_space<vmem>>, vector<16xf32>,
          tpu.vector_store %arg7[%parallel_loop3A_510, %parallel_loop3A_511], %parallel_loop3A_508 {strides = array<i32>} : memref<800x128xf32, #tpu.memory_space<vmem>>, vector<16xf32>,
          %parallel_loop3A_513 = arith.constant 112 : i32
          %parallel_loop3A_514 = vector.broadcast %parallel_loop3A_513 : i32 to vector<16xi32>
          %parallel_loop3A_515 = arith.addi %iota3A, %parallel_loop3A_514 : vector<16xi32>
          %parallel_loop3A_516 = tpu.vector_load_idx %arg5[%parallel_loop3A_456, %parallel_loop3A_515] : memref<4x128xf32, #tpu.memory_space<vmem>>[vector<16xi32>, vector<16xi32>], vector<16xf32>,
          %parallel_loop3A_517 = arith.addi %add3A_442, %parallel_loop3A_445 : i32
          %parallel_loop3A_518 = arith.index_cast %parallel_loop3A_517 : i32 to index
          %parallel_loop3A_519 = arith.constant 112 : index
          %parallel_loop3A_520 = tpu.vector_load %arg7[%parallel_loop3A_518, %parallel_loop3A_519] {strides = array<i32>} : memref<800x128xf32, #tpu.memory_space<vmem>>, vector<16xf32>,
          tpu.vector_store %arg7[%parallel_loop3A_518, %parallel_loop3A_519], %parallel_loop3A_516 {strides = array<i32>} : memref<800x128xf32, #tpu.memory_space<vmem>>, vector<16xf32>,
        } {sc.loop_unroll_factor = 4 : i64, sc.parallel_access}
      }
      %scan3A_142 = arith.constant 25 : i32
      %mul3A_143 = arith.constant 400 : i32
      %mul3A_144 = arith.muli %add3A_130, %mul3A_143 : i32
      %add3A_145 = arith.addi %mul3A_6, %mul3A_144 : i32
      %dma_start3A_146 = arith.constant 1 : i32
      %dma_start3A_147 = arith.constant 400 : i32
      %dma_start3A_148 = arith.constant 0 : i32
      %dma_start3A_149 = tpu.memref_slice %arg7[%dma_start3A_147, %dma_start3A_148] : memref<800x128xf32, #tpu.memory_space<vmem>> -> memref<400x128xf32, #tpu.memory_space<vmem>>
      %dma_start3A_150 = arith.constant 0 : i32
      %dma_start3A_151 = tpu.memref_slice %arg4[%add3A_145, %dma_start3A_150] : memref<3276800x128xf32, #tpu.memory_space<hbm>> -> memref<400x128xf32, #tpu.memory_space<hbm>>
      %dma_start3A_152 = tpu.memref_slice %arg10[%dma_start3A_146] : memref<2x!tpu.dma_semaphore, #tpu.memory_space<semaphore_mem>> -> memref<1x!tpu.dma_semaphore, #tpu.memory_space<semaphore_mem>>
      %dma_start3A_153 = tpu.memref_squeeze %dma_start3A_152 : memref<1x!tpu.dma_semaphore, #tpu.memory_space<semaphore_mem>> -> memref<!tpu.dma_semaphore, #tpu.memory_space<semaphore_mem>>
      %dma_start3A_154 = arith.constant 0 : i32
      %dma_start3A_155 = tpu.memref_slice %arg4[%add3A_145, %dma_start3A_154] : memref<3276800x128xf32, #tpu.memory_space<hbm>> -> memref<400x128xf32, #tpu.memory_space<hbm>>
      %dma_start3A_156 = arith.constant 400 : i32
      %dma_start3A_157 = arith.constant 0 : i32
      %dma_start3A_158 = tpu.memref_slice %arg7[%dma_start3A_156, %dma_start3A_157] : memref<800x128xf32, #tpu.memory_space<vmem>> -> memref<400x128xf32, #tpu.memory_space<vmem>>
      tpu.enqueue_dma source(%dma_start3A_158 : memref<400x128xf32, #tpu.memory_space<vmem>>) target(%dma_start3A_155 : memref<400x128xf32, #tpu.memory_space<hbm>>) target_semaphore(%dma_start3A_153 : memref<!tpu.dma_semaphore, #tpu.memory_space<semaphore_mem>>)
      %mul3A_159 = arith.constant 4 : i32
      %mul3A_160 = arith.muli %add3A_79, %mul3A_159 : i32
      %add3A_161 = arith.constant 2 : i32
      %add3A_162 = arith.addi %mul3A_160, %add3A_161 : i32
      %ge3A_163 = arith.constant 2 : i32
      %ge3A_164 = arith.cmpi sge, %add3A_162, %ge3A_163 : i32
      %convert_element_type3A_165 = arith.extui %ge3A_164 : i1 to i32
      %cond3A_166 = arith.constant 0 : i32
      %cond3A_167 = arith.cmpi ne, %convert_element_type3A_165, %cond3A_166 : i32
      scf.if %cond3A_167 {
        %sub3A = arith.constant 2 : i32
        %sub3A_387 = arith.subi %add3A_162, %sub3A : i32
        %mul3A_388 = arith.constant 400 : i32
        %mul3A_389 = arith.muli %sub3A_387, %mul3A_388 : i32
        %add3A_390 = arith.addi %mul3A_6, %mul3A_389 : i32
        %dma_wait3A_391 = arith.constant 0 : i32
        %dma_wait3A_392 = arith.constant 0 : i32
        %dma_wait3A_393 = arith.constant 0 : i32
        %dma_wait3A_394 = tpu.memref_slice %arg7[%dma_wait3A_392, %dma_wait3A_393] : memref<800x128xf32, #tpu.memory_space<vmem>> -> memref<400x128xf32, #tpu.memory_space<vmem>>
        %dma_wait3A_395 = arith.constant 0 : i32
        %dma_wait3A_396 = tpu.memref_slice %arg4[%add3A_390, %dma_wait3A_395] : memref<3276800x128xf32, #tpu.memory_space<hbm>> -> memref<400x128xf32, #tpu.memory_space<hbm>>
        %dma_wait3A_397 = tpu.memref_slice %arg10[%dma_wait3A_391] : memref<2x!tpu.dma_semaphore, #tpu.memory_space<semaphore_mem>> -> memref<1x!tpu.dma_semaphore, #tpu.memory_space<semaphore_mem>>
        %dma_wait3A_398 = tpu.memref_squeeze %dma_wait3A_397 : memref<1x!tpu.dma_semaphore, #tpu.memory_space<semaphore_mem>> -> memref<!tpu.dma_semaphore, #tpu.memory_space<semaphore_mem>>
        %dma_wait3A_399 = arith.constant 0 : i32
        %dma_wait3A_400 = tpu.memref_slice %arg4[%add3A_390, %dma_wait3A_399] : memref<3276800x128xf32, #tpu.memory_space<hbm>> -> memref<400x128xf32, #tpu.memory_space<hbm>>
        %dma_wait3A_401 = arith.constant 0 : i32
        %dma_wait3A_402 = arith.constant 0 : i32
        %dma_wait3A_403 = tpu.memref_slice %arg7[%dma_wait3A_401, %dma_wait3A_402] : memref<800x128xf32, #tpu.memory_space<vmem>> -> memref<400x128xf32, #tpu.memory_space<vmem>>
        tpu.wait_dma2 semaphore(%dma_wait3A_398 : memref<!tpu.dma_semaphore, #tpu.memory_space<semaphore_mem>>) src(%dma_wait3A_403 : memref<400x128xf32, #tpu.memory_space<vmem>>) dst(%dma_wait3A_400 : memref<400x128xf32, #tpu.memory_space<hbm>>)
      } else {
      }
      %broadcast_in_dim3A_168 = arith.constant 0 : i32
      %broadcast_in_dim3A_169 = vector.broadcast %broadcast_in_dim3A_168 : i32 to vector<16xi32>
      %scan3A_170 = arith.constant 0 : i32
      %scan3A_171 = arith.constant 25 : i32
      %scan3A_172 = arith.addi %scan3A_170, %scan3A_171 : i32
      %scan3A_173 = arith.constant 1 : i32
      scf.for %scan3A_387 = %scan3A_170 to %scan3A_172 step %scan3A_173  : i32 {
        %mul3A_388 = arith.constant 16 : i32
        %mul3A_389 = arith.muli %scan3A_387, %mul3A_388 : i32
        %add3A_390 = vector.broadcast %mul3A_389 : i32 to vector<16xi32>
        %add3A_391 = arith.addi %add3A_390, %iota3A : vector<16xi32>
        %jit3A = arith.constant 200 : i32
        %div3A = vector.broadcast %jit3A : i32 to vector<16xi32>
        %div3A_392 = arith.divsi %add3A_391, %div3A : vector<16xi32>
        %sign3A = arith.constant 0 : i32
        %sign3A_393 = vector.broadcast %sign3A : i32 to vector<16xi32>
        %sign3A_394 = arith.cmpi sgt, %add3A_391, %sign3A_393 : vector<16xi32>
        %sign3A_395 = arith.extui %sign3A_394 : vector<16xi1> to vector<16xi32>
        %sign3A_396 = arith.constant 0 : i32
        %sign3A_397 = vector.broadcast %sign3A_396 : i32 to vector<16xi32>
        %sign3A_398 = arith.cmpi slt, %add3A_391, %sign3A_397 : vector<16xi32>
        %sign3A_399 = arith.extui %sign3A_398 : vector<16xi1> to vector<16xi32>
        %sign3A_400 = arith.subi %sign3A_395, %sign3A_399 : vector<16xi32>
        %sign3A_401 = arith.constant 0 : i32
        %sign3A_402 = arith.cmpi sgt, %jit3A, %sign3A_401 : i32
        %sign3A_403 = arith.extui %sign3A_402 : i1 to i32
        %sign3A_404 = arith.constant 0 : i32
        %sign3A_405 = arith.cmpi slt, %jit3A, %sign3A_404 : i32
        %sign3A_406 = arith.extui %sign3A_405 : i1 to i32
        %sign3A_407 = arith.subi %sign3A_403, %sign3A_406 : i32
        %ne3A = vector.broadcast %sign3A_407 : i32 to vector<16xi32>
        %ne3A_408 = arith.cmpi ne, %sign3A_400, %ne3A : vector<16xi32>
        %rem3A = vector.broadcast %jit3A : i32 to vector<16xi32>
        %rem3A_409 = arith.remsi %add3A_391, %rem3A : vector<16xi32>
        %ne3A_410 = arith.constant 0 : i32
        %ne3A_411 = vector.broadcast %ne3A_410 : i32 to vector<16xi32>
        %ne3A_412 = arith.cmpi ne, %rem3A_409, %ne3A_411 : vector<16xi32>
        %and3A = arith.andi %ne3A_408, %ne3A_412 : vector<16xi1>
        %sub3A = arith.constant 1 : i32
        %sub3A_413 = vector.broadcast %sub3A : i32 to vector<16xi32>
        %sub3A_414 = arith.subi %div3A_392, %sub3A_413 : vector<16xi32>
        %select_n3A = arith.select %and3A, %sub3A_414, %div3A_392 : vector<16xi1>, vector<16xi32>
        %add3A_415 = arith.constant 4 : i32
        %add3A_416 = vector.broadcast %add3A_415 : i32 to vector<16xi32>
        %add3A_417 = arith.addi %add3A_416, %select_n3A : vector<16xi32>
        %jit3A_418 = arith.constant 200 : i32
        %eq3A = arith.constant 0 : i32
        %eq3A_419 = arith.cmpi eq, %jit3A_418, %eq3A : i32
        %jit3A_420 = arith.constant 1 : i32
        %select_n3A_421 = arith.select %eq3A_419, %jit3A_420, %jit3A_418 : i32
        %rem3A_422 = vector.broadcast %select_n3A_421 : i32 to vector<16xi32>
        %rem3A_423 = arith.remsi %add3A_391, %rem3A_422 : vector<16xi32>
        %ne3A_424 = arith.constant 0 : i32
        %ne3A_425 = vector.broadcast %ne3A_424 : i32 to vector<16xi32>
        %ne3A_426 = arith.cmpi ne, %rem3A_423, %ne3A_425 : vector<16xi32>
        %lt3A_427 = arith.constant 0 : i32
        %lt3A_428 = vector.broadcast %lt3A_427 : i32 to vector<16xi32>
        %lt3A_429 = arith.cmpi slt, %rem3A_423, %lt3A_428 : vector<16xi32>
        %lt3A_430 = arith.constant 0 : i32
        %lt3A_431 = arith.cmpi slt, %select_n3A_421, %lt3A_430 : i32
        %ne3A_432 = vector.broadcast %lt3A_431 : i1 to vector<16xi1>
        %ne3A_433 = vector.broadcast %ne3A_432 : vector<16xi1> to vector<16xi1>
        %ne3A_434 = arith.xori %lt3A_429, %ne3A_433 : vector<16xi1>
        %and3A_435 = arith.andi %ne3A_434, %ne3A_426 : vector<16xi1>
        %add3A_436 = vector.broadcast %select_n3A_421 : i32 to vector<16xi32>
        %add3A_437 = arith.addi %rem3A_423, %add3A_436 : vector<16xi32>
        %select_n3A_438 = arith.select %and3A_435, %add3A_437, %rem3A_423 : vector<16xi1>, vector<16xi32>
        %gather3A = tpu.vector_load_idx %arg6[%broadcast_in_dim3A_169, %add3A_417, %select_n3A_438] : memref<2x8x200xi32, #tpu.memory_space<vmem>>[vector<16xi32>, vector<16xi32>, vector<16xi32>], vector<16xi32>,
        %mul3A_439 = arith.constant 16 : i32
        %mul3A_440 = arith.muli %scan3A_387, %mul3A_439 : i32
        %add3A_441 = arith.constant 0 : i32
        %add3A_442 = arith.addi %add3A_441, %mul3A_440 : i32
        %parallel_loop3A = arith.constant 0 : i32
        %parallel_loop3A_443 = arith.constant 16 : i32
        %parallel_loop3A_444 = arith.constant 1 : i32
        scf.for %parallel_loop3A_445 = %parallel_loop3A to %parallel_loop3A_443 step %parallel_loop3A_444  : i32 {
          %parallel_loop3A_446 = vector.broadcast %parallel_loop3A_445 : i32 to vector<16xi32>
          %parallel_loop3A_447 = arith.constant 0 : i32
          %parallel_loop3A_448 = vector.broadcast %parallel_loop3A_447 : i32 to vector<16xi32>
          %parallel_loop3A_449 = arith.cmpi slt, %parallel_loop3A_446, %parallel_loop3A_448 : vector<16xi32>
          %parallel_loop3A_450 = arith.constant 16 : i32
          %parallel_loop3A_451 = vector.broadcast %parallel_loop3A_450 : i32 to vector<16xi32>
          %parallel_loop3A_452 = arith.addi %parallel_loop3A_446, %parallel_loop3A_451 : vector<16xi32>
          %parallel_loop3A_453 = arith.select %parallel_loop3A_449, %parallel_loop3A_452, %parallel_loop3A_446 : vector<16xi1>, vector<16xi32>
          %parallel_loop3A_454 = vector.shape_cast %parallel_loop3A_453 : vector<16xi32> to vector<16x1xi32>
          %parallel_loop3A_455 = vector.shape_cast %parallel_loop3A_454 : vector<16x1xi32> to vector<16xi32>
          %parallel_loop3A_456 = tpu.dynamic_gather %gather3A[%parallel_loop3A_455] in [0] : vector<16xi32>, vector<16xi32> -> vector<16xi32>
          %parallel_loop3A_457 = arith.constant 0 : i32
          %parallel_loop3A_458 = vector.broadcast %parallel_loop3A_457 : i32 to vector<16xi32>
          %parallel_loop3A_459 = arith.addi %iota3A, %parallel_loop3A_458 : vector<16xi32>
          %parallel_loop3A_460 = tpu.vector_load_idx %arg5[%parallel_loop3A_456, %parallel_loop3A_459] : memref<4x128xf32, #tpu.memory_space<vmem>>[vector<16xi32>, vector<16xi32>], vector<16xf32>,
          %parallel_loop3A_461 = arith.addi %add3A_442, %parallel_loop3A_445 : i32
          %parallel_loop3A_462 = arith.index_cast %parallel_loop3A_461 : i32 to index
          %parallel_loop3A_463 = arith.constant 0 : index
          %parallel_loop3A_464 = tpu.vector_load %arg7[%parallel_loop3A_462, %parallel_loop3A_463] {strides = array<i32>} : memref<800x128xf32, #tpu.memory_space<vmem>>, vector<16xf32>,
          tpu.vector_store %arg7[%parallel_loop3A_462, %parallel_loop3A_463], %parallel_loop3A_460 {strides = array<i32>} : memref<800x128xf32, #tpu.memory_space<vmem>>, vector<16xf32>,
          %parallel_loop3A_465 = arith.constant 16 : i32
          %parallel_loop3A_466 = vector.broadcast %parallel_loop3A_465 : i32 to vector<16xi32>
          %parallel_loop3A_467 = arith.addi %iota3A, %parallel_loop3A_466 : vector<16xi32>
          %parallel_loop3A_468 = tpu.vector_load_idx %arg5[%parallel_loop3A_456, %parallel_loop3A_467] : memref<4x128xf32, #tpu.memory_space<vmem>>[vector<16xi32>, vector<16xi32>], vector<16xf32>,
          %parallel_loop3A_469 = arith.addi %add3A_442, %parallel_loop3A_445 : i32
          %parallel_loop3A_470 = arith.index_cast %parallel_loop3A_469 : i32 to index
          %parallel_loop3A_471 = arith.constant 16 : index
          %parallel_loop3A_472 = tpu.vector_load %arg7[%parallel_loop3A_470, %parallel_loop3A_471] {strides = array<i32>} : memref<800x128xf32, #tpu.memory_space<vmem>>, vector<16xf32>,
          tpu.vector_store %arg7[%parallel_loop3A_470, %parallel_loop3A_471], %parallel_loop3A_468 {strides = array<i32>} : memref<800x128xf32, #tpu.memory_space<vmem>>, vector<16xf32>,
          %parallel_loop3A_473 = arith.constant 32 : i32
          %parallel_loop3A_474 = vector.broadcast %parallel_loop3A_473 : i32 to vector<16xi32>
          %parallel_loop3A_475 = arith.addi %iota3A, %parallel_loop3A_474 : vector<16xi32>
          %parallel_loop3A_476 = tpu.vector_load_idx %arg5[%parallel_loop3A_456, %parallel_loop3A_475] : memref<4x128xf32, #tpu.memory_space<vmem>>[vector<16xi32>, vector<16xi32>], vector<16xf32>,
          %parallel_loop3A_477 = arith.addi %add3A_442, %parallel_loop3A_445 : i32
          %parallel_loop3A_478 = arith.index_cast %parallel_loop3A_477 : i32 to index
          %parallel_loop3A_479 = arith.constant 32 : index
          %parallel_loop3A_480 = tpu.vector_load %arg7[%parallel_loop3A_478, %parallel_loop3A_479] {strides = array<i32>} : memref<800x128xf32, #tpu.memory_space<vmem>>, vector<16xf32>,
          tpu.vector_store %arg7[%parallel_loop3A_478, %parallel_loop3A_479], %parallel_loop3A_476 {strides = array<i32>} : memref<800x128xf32, #tpu.memory_space<vmem>>, vector<16xf32>,
          %parallel_loop3A_481 = arith.constant 48 : i32
          %parallel_loop3A_482 = vector.broadcast %parallel_loop3A_481 : i32 to vector<16xi32>
          %parallel_loop3A_483 = arith.addi %iota3A, %parallel_loop3A_482 : vector<16xi32>
          %parallel_loop3A_484 = tpu.vector_load_idx %arg5[%parallel_loop3A_456, %parallel_loop3A_483] : memref<4x128xf32, #tpu.memory_space<vmem>>[vector<16xi32>, vector<16xi32>], vector<16xf32>,
          %parallel_loop3A_485 = arith.addi %add3A_442, %parallel_loop3A_445 : i32
          %parallel_loop3A_486 = arith.index_cast %parallel_loop3A_485 : i32 to index
          %parallel_loop3A_487 = arith.constant 48 : index
          %parallel_loop3A_488 = tpu.vector_load %arg7[%parallel_loop3A_486, %parallel_loop3A_487] {strides = array<i32>} : memref<800x128xf32, #tpu.memory_space<vmem>>, vector<16xf32>,
          tpu.vector_store %arg7[%parallel_loop3A_486, %parallel_loop3A_487], %parallel_loop3A_484 {strides = array<i32>} : memref<800x128xf32, #tpu.memory_space<vmem>>, vector<16xf32>,
          %parallel_loop3A_489 = arith.constant 64 : i32
          %parallel_loop3A_490 = vector.broadcast %parallel_loop3A_489 : i32 to vector<16xi32>
          %parallel_loop3A_491 = arith.addi %iota3A, %parallel_loop3A_490 : vector<16xi32>
          %parallel_loop3A_492 = tpu.vector_load_idx %arg5[%parallel_loop3A_456, %parallel_loop3A_491] : memref<4x128xf32, #tpu.memory_space<vmem>>[vector<16xi32>, vector<16xi32>], vector<16xf32>,
          %parallel_loop3A_493 = arith.addi %add3A_442, %parallel_loop3A_445 : i32
          %parallel_loop3A_494 = arith.index_cast %parallel_loop3A_493 : i32 to index
          %parallel_loop3A_495 = arith.constant 64 : index
          %parallel_loop3A_496 = tpu.vector_load %arg7[%parallel_loop3A_494, %parallel_loop3A_495] {strides = array<i32>} : memref<800x128xf32, #tpu.memory_space<vmem>>, vector<16xf32>,
          tpu.vector_store %arg7[%parallel_loop3A_494, %parallel_loop3A_495], %parallel_loop3A_492 {strides = array<i32>} : memref<800x128xf32, #tpu.memory_space<vmem>>, vector<16xf32>,
          %parallel_loop3A_497 = arith.constant 80 : i32
          %parallel_loop3A_498 = vector.broadcast %parallel_loop3A_497 : i32 to vector<16xi32>
          %parallel_loop3A_499 = arith.addi %iota3A, %parallel_loop3A_498 : vector<16xi32>
          %parallel_loop3A_500 = tpu.vector_load_idx %arg5[%parallel_loop3A_456, %parallel_loop3A_499] : memref<4x128xf32, #tpu.memory_space<vmem>>[vector<16xi32>, vector<16xi32>], vector<16xf32>,
          %parallel_loop3A_501 = arith.addi %add3A_442, %parallel_loop3A_445 : i32
          %parallel_loop3A_502 = arith.index_cast %parallel_loop3A_501 : i32 to index
          %parallel_loop3A_503 = arith.constant 80 : index
          %parallel_loop3A_504 = tpu.vector_load %arg7[%parallel_loop3A_502, %parallel_loop3A_503] {strides = array<i32>} : memref<800x128xf32, #tpu.memory_space<vmem>>, vector<16xf32>,
          tpu.vector_store %arg7[%parallel_loop3A_502, %parallel_loop3A_503], %parallel_loop3A_500 {strides = array<i32>} : memref<800x128xf32, #tpu.memory_space<vmem>>, vector<16xf32>,
          %parallel_loop3A_505 = arith.constant 96 : i32
          %parallel_loop3A_506 = vector.broadcast %parallel_loop3A_505 : i32 to vector<16xi32>
          %parallel_loop3A_507 = arith.addi %iota3A, %parallel_loop3A_506 : vector<16xi32>
          %parallel_loop3A_508 = tpu.vector_load_idx %arg5[%parallel_loop3A_456, %parallel_loop3A_507] : memref<4x128xf32, #tpu.memory_space<vmem>>[vector<16xi32>, vector<16xi32>], vector<16xf32>,
          %parallel_loop3A_509 = arith.addi %add3A_442, %parallel_loop3A_445 : i32
          %parallel_loop3A_510 = arith.index_cast %parallel_loop3A_509 : i32 to index
          %parallel_loop3A_511 = arith.constant 96 : index
          %parallel_loop3A_512 = tpu.vector_load %arg7[%parallel_loop3A_510, %parallel_loop3A_511] {strides = array<i32>} : memref<800x128xf32, #tpu.memory_space<vmem>>, vector<16xf32>,
          tpu.vector_store %arg7[%parallel_loop3A_510, %parallel_loop3A_511], %parallel_loop3A_508 {strides = array<i32>} : memref<800x128xf32, #tpu.memory_space<vmem>>, vector<16xf32>,
          %parallel_loop3A_513 = arith.constant 112 : i32
          %parallel_loop3A_514 = vector.broadcast %parallel_loop3A_513 : i32 to vector<16xi32>
          %parallel_loop3A_515 = arith.addi %iota3A, %parallel_loop3A_514 : vector<16xi32>
          %parallel_loop3A_516 = tpu.vector_load_idx %arg5[%parallel_loop3A_456, %parallel_loop3A_515] : memref<4x128xf32, #tpu.memory_space<vmem>>[vector<16xi32>, vector<16xi32>], vector<16xf32>,
          %parallel_loop3A_517 = arith.addi %add3A_442, %parallel_loop3A_445 : i32
          %parallel_loop3A_518 = arith.index_cast %parallel_loop3A_517 : i32 to index
          %parallel_loop3A_519 = arith.constant 112 : index
          %parallel_loop3A_520 = tpu.vector_load %arg7[%parallel_loop3A_518, %parallel_loop3A_519] {strides = array<i32>} : memref<800x128xf32, #tpu.memory_space<vmem>>, vector<16xf32>,
          tpu.vector_store %arg7[%parallel_loop3A_518, %parallel_loop3A_519], %parallel_loop3A_516 {strides = array<i32>} : memref<800x128xf32, #tpu.memory_space<vmem>>, vector<16xf32>,
        } {sc.loop_unroll_factor = 4 : i64, sc.parallel_access}
      }
      %scan3A_174 = arith.constant 25 : i32
      %mul3A_175 = arith.constant 400 : i32
      %mul3A_176 = arith.muli %add3A_162, %mul3A_175 : i32
      %add3A_177 = arith.addi %mul3A_6, %mul3A_176 : i32
      %dma_start3A_178 = arith.constant 0 : i32
      %dma_start3A_179 = arith.constant 0 : i32
      %dma_start3A_180 = arith.constant 0 : i32
      %dma_start3A_181 = tpu.memref_slice %arg7[%dma_start3A_179, %dma_start3A_180] : memref<800x128xf32, #tpu.memory_space<vmem>> -> memref<400x128xf32, #tpu.memory_space<vmem>>
      %dma_start3A_182 = arith.constant 0 : i32
      %dma_start3A_183 = tpu.memref_slice %arg4[%add3A_177, %dma_start3A_182] : memref<3276800x128xf32, #tpu.memory_space<hbm>> -> memref<400x128xf32, #tpu.memory_space<hbm>>
      %dma_start3A_184 = tpu.memref_slice %arg10[%dma_start3A_178] : memref<2x!tpu.dma_semaphore, #tpu.memory_space<semaphore_mem>> -> memref<1x!tpu.dma_semaphore, #tpu.memory_space<semaphore_mem>>
      %dma_start3A_185 = tpu.memref_squeeze %dma_start3A_184 : memref<1x!tpu.dma_semaphore, #tpu.memory_space<semaphore_mem>> -> memref<!tpu.dma_semaphore, #tpu.memory_space<semaphore_mem>>
      %dma_start3A_186 = arith.constant 0 : i32
      %dma_start3A_187 = tpu.memref_slice %arg4[%add3A_177, %dma_start3A_186] : memref<3276800x128xf32, #tpu.memory_space<hbm>> -> memref<400x128xf32, #tpu.memory_space<hbm>>
      %dma_start3A_188 = arith.constant 0 : i32
      %dma_start3A_189 = arith.constant 0 : i32
      %dma_start3A_190 = tpu.memref_slice %arg7[%dma_start3A_188, %dma_start3A_189] : memref<800x128xf32, #tpu.memory_space<vmem>> -> memref<400x128xf32, #tpu.memory_space<vmem>>
      tpu.enqueue_dma source(%dma_start3A_190 : memref<400x128xf32, #tpu.memory_space<vmem>>) target(%dma_start3A_187 : memref<400x128xf32, #tpu.memory_space<hbm>>) target_semaphore(%dma_start3A_185 : memref<!tpu.dma_semaphore, #tpu.memory_space<semaphore_mem>>)
      %mul3A_191 = arith.constant 4 : i32
      %mul3A_192 = arith.muli %add3A_79, %mul3A_191 : i32
      %add3A_193 = arith.constant 3 : i32
      %add3A_194 = arith.addi %mul3A_192, %add3A_193 : i32
      %ge3A_195 = arith.constant 2 : i32
      %ge3A_196 = arith.cmpi sge, %add3A_194, %ge3A_195 : i32
      %convert_element_type3A_197 = arith.extui %ge3A_196 : i1 to i32
      %cond3A_198 = arith.constant 0 : i32
      %cond3A_199 = arith.cmpi ne, %convert_element_type3A_197, %cond3A_198 : i32
      scf.if %cond3A_199 {
        %sub3A = arith.constant 2 : i32
        %sub3A_387 = arith.subi %add3A_194, %sub3A : i32
        %mul3A_388 = arith.constant 400 : i32
        %mul3A_389 = arith.muli %sub3A_387, %mul3A_388 : i32
        %add3A_390 = arith.addi %mul3A_6, %mul3A_389 : i32
        %dma_wait3A_391 = arith.constant 1 : i32
        %dma_wait3A_392 = arith.constant 400 : i32
        %dma_wait3A_393 = arith.constant 0 : i32
        %dma_wait3A_394 = tpu.memref_slice %arg7[%dma_wait3A_392, %dma_wait3A_393] : memref<800x128xf32, #tpu.memory_space<vmem>> -> memref<400x128xf32, #tpu.memory_space<vmem>>
        %dma_wait3A_395 = arith.constant 0 : i32
        %dma_wait3A_396 = tpu.memref_slice %arg4[%add3A_390, %dma_wait3A_395] : memref<3276800x128xf32, #tpu.memory_space<hbm>> -> memref<400x128xf32, #tpu.memory_space<hbm>>
        %dma_wait3A_397 = tpu.memref_slice %arg10[%dma_wait3A_391] : memref<2x!tpu.dma_semaphore, #tpu.memory_space<semaphore_mem>> -> memref<1x!tpu.dma_semaphore, #tpu.memory_space<semaphore_mem>>
        %dma_wait3A_398 = tpu.memref_squeeze %dma_wait3A_397 : memref<1x!tpu.dma_semaphore, #tpu.memory_space<semaphore_mem>> -> memref<!tpu.dma_semaphore, #tpu.memory_space<semaphore_mem>>
        %dma_wait3A_399 = arith.constant 0 : i32
        %dma_wait3A_400 = tpu.memref_slice %arg4[%add3A_390, %dma_wait3A_399] : memref<3276800x128xf32, #tpu.memory_space<hbm>> -> memref<400x128xf32, #tpu.memory_space<hbm>>
        %dma_wait3A_401 = arith.constant 400 : i32
        %dma_wait3A_402 = arith.constant 0 : i32
        %dma_wait3A_403 = tpu.memref_slice %arg7[%dma_wait3A_401, %dma_wait3A_402] : memref<800x128xf32, #tpu.memory_space<vmem>> -> memref<400x128xf32, #tpu.memory_space<vmem>>
        tpu.wait_dma2 semaphore(%dma_wait3A_398 : memref<!tpu.dma_semaphore, #tpu.memory_space<semaphore_mem>>) src(%dma_wait3A_403 : memref<400x128xf32, #tpu.memory_space<vmem>>) dst(%dma_wait3A_400 : memref<400x128xf32, #tpu.memory_space<hbm>>)
      } else {
      }
      %broadcast_in_dim3A_200 = arith.constant 0 : i32
      %broadcast_in_dim3A_201 = vector.broadcast %broadcast_in_dim3A_200 : i32 to vector<16xi32>
      %scan3A_202 = arith.constant 0 : i32
      %scan3A_203 = arith.constant 25 : i32
      %scan3A_204 = arith.addi %scan3A_202, %scan3A_203 : i32
      %scan3A_205 = arith.constant 1 : i32
      scf.for %scan3A_387 = %scan3A_202 to %scan3A_204 step %scan3A_205  : i32 {
        %mul3A_388 = arith.constant 16 : i32
        %mul3A_389 = arith.muli %scan3A_387, %mul3A_388 : i32
        %add3A_390 = vector.broadcast %mul3A_389 : i32 to vector<16xi32>
        %add3A_391 = arith.addi %add3A_390, %iota3A : vector<16xi32>
        %jit3A = arith.constant 200 : i32
        %div3A = vector.broadcast %jit3A : i32 to vector<16xi32>
        %div3A_392 = arith.divsi %add3A_391, %div3A : vector<16xi32>
        %sign3A = arith.constant 0 : i32
        %sign3A_393 = vector.broadcast %sign3A : i32 to vector<16xi32>
        %sign3A_394 = arith.cmpi sgt, %add3A_391, %sign3A_393 : vector<16xi32>
        %sign3A_395 = arith.extui %sign3A_394 : vector<16xi1> to vector<16xi32>
        %sign3A_396 = arith.constant 0 : i32
        %sign3A_397 = vector.broadcast %sign3A_396 : i32 to vector<16xi32>
        %sign3A_398 = arith.cmpi slt, %add3A_391, %sign3A_397 : vector<16xi32>
        %sign3A_399 = arith.extui %sign3A_398 : vector<16xi1> to vector<16xi32>
        %sign3A_400 = arith.subi %sign3A_395, %sign3A_399 : vector<16xi32>
        %sign3A_401 = arith.constant 0 : i32
        %sign3A_402 = arith.cmpi sgt, %jit3A, %sign3A_401 : i32
        %sign3A_403 = arith.extui %sign3A_402 : i1 to i32
        %sign3A_404 = arith.constant 0 : i32
        %sign3A_405 = arith.cmpi slt, %jit3A, %sign3A_404 : i32
        %sign3A_406 = arith.extui %sign3A_405 : i1 to i32
        %sign3A_407 = arith.subi %sign3A_403, %sign3A_406 : i32
        %ne3A = vector.broadcast %sign3A_407 : i32 to vector<16xi32>
        %ne3A_408 = arith.cmpi ne, %sign3A_400, %ne3A : vector<16xi32>
        %rem3A = vector.broadcast %jit3A : i32 to vector<16xi32>
        %rem3A_409 = arith.remsi %add3A_391, %rem3A : vector<16xi32>
        %ne3A_410 = arith.constant 0 : i32
        %ne3A_411 = vector.broadcast %ne3A_410 : i32 to vector<16xi32>
        %ne3A_412 = arith.cmpi ne, %rem3A_409, %ne3A_411 : vector<16xi32>
        %and3A = arith.andi %ne3A_408, %ne3A_412 : vector<16xi1>
        %sub3A = arith.constant 1 : i32
        %sub3A_413 = vector.broadcast %sub3A : i32 to vector<16xi32>
        %sub3A_414 = arith.subi %div3A_392, %sub3A_413 : vector<16xi32>
        %select_n3A = arith.select %and3A, %sub3A_414, %div3A_392 : vector<16xi1>, vector<16xi32>
        %add3A_415 = arith.constant 6 : i32
        %add3A_416 = vector.broadcast %add3A_415 : i32 to vector<16xi32>
        %add3A_417 = arith.addi %add3A_416, %select_n3A : vector<16xi32>
        %jit3A_418 = arith.constant 200 : i32
        %eq3A = arith.constant 0 : i32
        %eq3A_419 = arith.cmpi eq, %jit3A_418, %eq3A : i32
        %jit3A_420 = arith.constant 1 : i32
        %select_n3A_421 = arith.select %eq3A_419, %jit3A_420, %jit3A_418 : i32
        %rem3A_422 = vector.broadcast %select_n3A_421 : i32 to vector<16xi32>
        %rem3A_423 = arith.remsi %add3A_391, %rem3A_422 : vector<16xi32>
        %ne3A_424 = arith.constant 0 : i32
        %ne3A_425 = vector.broadcast %ne3A_424 : i32 to vector<16xi32>
        %ne3A_426 = arith.cmpi ne, %rem3A_423, %ne3A_425 : vector<16xi32>
        %lt3A_427 = arith.constant 0 : i32
        %lt3A_428 = vector.broadcast %lt3A_427 : i32 to vector<16xi32>
        %lt3A_429 = arith.cmpi slt, %rem3A_423, %lt3A_428 : vector<16xi32>
        %lt3A_430 = arith.constant 0 : i32
        %lt3A_431 = arith.cmpi slt, %select_n3A_421, %lt3A_430 : i32
        %ne3A_432 = vector.broadcast %lt3A_431 : i1 to vector<16xi1>
        %ne3A_433 = vector.broadcast %ne3A_432 : vector<16xi1> to vector<16xi1>
        %ne3A_434 = arith.xori %lt3A_429, %ne3A_433 : vector<16xi1>
        %and3A_435 = arith.andi %ne3A_434, %ne3A_426 : vector<16xi1>
        %add3A_436 = vector.broadcast %select_n3A_421 : i32 to vector<16xi32>
        %add3A_437 = arith.addi %rem3A_423, %add3A_436 : vector<16xi32>
        %select_n3A_438 = arith.select %and3A_435, %add3A_437, %rem3A_423 : vector<16xi1>, vector<16xi32>
        %gather3A = tpu.vector_load_idx %arg6[%broadcast_in_dim3A_201, %add3A_417, %select_n3A_438] : memref<2x8x200xi32, #tpu.memory_space<vmem>>[vector<16xi32>, vector<16xi32>, vector<16xi32>], vector<16xi32>,
        %mul3A_439 = arith.constant 16 : i32
        %mul3A_440 = arith.muli %scan3A_387, %mul3A_439 : i32
        %add3A_441 = arith.constant 400 : i32
        %add3A_442 = arith.addi %add3A_441, %mul3A_440 : i32
        %parallel_loop3A = arith.constant 0 : i32
        %parallel_loop3A_443 = arith.constant 16 : i32
        %parallel_loop3A_444 = arith.constant 1 : i32
        scf.for %parallel_loop3A_445 = %parallel_loop3A to %parallel_loop3A_443 step %parallel_loop3A_444  : i32 {
          %parallel_loop3A_446 = vector.broadcast %parallel_loop3A_445 : i32 to vector<16xi32>
          %parallel_loop3A_447 = arith.constant 0 : i32
          %parallel_loop3A_448 = vector.broadcast %parallel_loop3A_447 : i32 to vector<16xi32>
          %parallel_loop3A_449 = arith.cmpi slt, %parallel_loop3A_446, %parallel_loop3A_448 : vector<16xi32>
          %parallel_loop3A_450 = arith.constant 16 : i32
          %parallel_loop3A_451 = vector.broadcast %parallel_loop3A_450 : i32 to vector<16xi32>
          %parallel_loop3A_452 = arith.addi %parallel_loop3A_446, %parallel_loop3A_451 : vector<16xi32>
          %parallel_loop3A_453 = arith.select %parallel_loop3A_449, %parallel_loop3A_452, %parallel_loop3A_446 : vector<16xi1>, vector<16xi32>
          %parallel_loop3A_454 = vector.shape_cast %parallel_loop3A_453 : vector<16xi32> to vector<16x1xi32>
          %parallel_loop3A_455 = vector.shape_cast %parallel_loop3A_454 : vector<16x1xi32> to vector<16xi32>
          %parallel_loop3A_456 = tpu.dynamic_gather %gather3A[%parallel_loop3A_455] in [0] : vector<16xi32>, vector<16xi32> -> vector<16xi32>
          %parallel_loop3A_457 = arith.constant 0 : i32
          %parallel_loop3A_458 = vector.broadcast %parallel_loop3A_457 : i32 to vector<16xi32>
          %parallel_loop3A_459 = arith.addi %iota3A, %parallel_loop3A_458 : vector<16xi32>
          %parallel_loop3A_460 = tpu.vector_load_idx %arg5[%parallel_loop3A_456, %parallel_loop3A_459] : memref<4x128xf32, #tpu.memory_space<vmem>>[vector<16xi32>, vector<16xi32>], vector<16xf32>,
          %parallel_loop3A_461 = arith.addi %add3A_442, %parallel_loop3A_445 : i32
          %parallel_loop3A_462 = arith.index_cast %parallel_loop3A_461 : i32 to index
          %parallel_loop3A_463 = arith.constant 0 : index
          %parallel_loop3A_464 = tpu.vector_load %arg7[%parallel_loop3A_462, %parallel_loop3A_463] {strides = array<i32>} : memref<800x128xf32, #tpu.memory_space<vmem>>, vector<16xf32>,
          tpu.vector_store %arg7[%parallel_loop3A_462, %parallel_loop3A_463], %parallel_loop3A_460 {strides = array<i32>} : memref<800x128xf32, #tpu.memory_space<vmem>>, vector<16xf32>,
          %parallel_loop3A_465 = arith.constant 16 : i32
          %parallel_loop3A_466 = vector.broadcast %parallel_loop3A_465 : i32 to vector<16xi32>
          %parallel_loop3A_467 = arith.addi %iota3A, %parallel_loop3A_466 : vector<16xi32>
          %parallel_loop3A_468 = tpu.vector_load_idx %arg5[%parallel_loop3A_456, %parallel_loop3A_467] : memref<4x128xf32, #tpu.memory_space<vmem>>[vector<16xi32>, vector<16xi32>], vector<16xf32>,
          %parallel_loop3A_469 = arith.addi %add3A_442, %parallel_loop3A_445 : i32
          %parallel_loop3A_470 = arith.index_cast %parallel_loop3A_469 : i32 to index
          %parallel_loop3A_471 = arith.constant 16 : index
          %parallel_loop3A_472 = tpu.vector_load %arg7[%parallel_loop3A_470, %parallel_loop3A_471] {strides = array<i32>} : memref<800x128xf32, #tpu.memory_space<vmem>>, vector<16xf32>,
          tpu.vector_store %arg7[%parallel_loop3A_470, %parallel_loop3A_471], %parallel_loop3A_468 {strides = array<i32>} : memref<800x128xf32, #tpu.memory_space<vmem>>, vector<16xf32>,
          %parallel_loop3A_473 = arith.constant 32 : i32
          %parallel_loop3A_474 = vector.broadcast %parallel_loop3A_473 : i32 to vector<16xi32>
          %parallel_loop3A_475 = arith.addi %iota3A, %parallel_loop3A_474 : vector<16xi32>
          %parallel_loop3A_476 = tpu.vector_load_idx %arg5[%parallel_loop3A_456, %parallel_loop3A_475] : memref<4x128xf32, #tpu.memory_space<vmem>>[vector<16xi32>, vector<16xi32>], vector<16xf32>,
          %parallel_loop3A_477 = arith.addi %add3A_442, %parallel_loop3A_445 : i32
          %parallel_loop3A_478 = arith.index_cast %parallel_loop3A_477 : i32 to index
          %parallel_loop3A_479 = arith.constant 32 : index
          %parallel_loop3A_480 = tpu.vector_load %arg7[%parallel_loop3A_478, %parallel_loop3A_479] {strides = array<i32>} : memref<800x128xf32, #tpu.memory_space<vmem>>, vector<16xf32>,
          tpu.vector_store %arg7[%parallel_loop3A_478, %parallel_loop3A_479], %parallel_loop3A_476 {strides = array<i32>} : memref<800x128xf32, #tpu.memory_space<vmem>>, vector<16xf32>,
          %parallel_loop3A_481 = arith.constant 48 : i32
          %parallel_loop3A_482 = vector.broadcast %parallel_loop3A_481 : i32 to vector<16xi32>
          %parallel_loop3A_483 = arith.addi %iota3A, %parallel_loop3A_482 : vector<16xi32>
          %parallel_loop3A_484 = tpu.vector_load_idx %arg5[%parallel_loop3A_456, %parallel_loop3A_483] : memref<4x128xf32, #tpu.memory_space<vmem>>[vector<16xi32>, vector<16xi32>], vector<16xf32>,
          %parallel_loop3A_485 = arith.addi %add3A_442, %parallel_loop3A_445 : i32
          %parallel_loop3A_486 = arith.index_cast %parallel_loop3A_485 : i32 to index
          %parallel_loop3A_487 = arith.constant 48 : index
          %parallel_loop3A_488 = tpu.vector_load %arg7[%parallel_loop3A_486, %parallel_loop3A_487] {strides = array<i32>} : memref<800x128xf32, #tpu.memory_space<vmem>>, vector<16xf32>,
          tpu.vector_store %arg7[%parallel_loop3A_486, %parallel_loop3A_487], %parallel_loop3A_484 {strides = array<i32>} : memref<800x128xf32, #tpu.memory_space<vmem>>, vector<16xf32>,
          %parallel_loop3A_489 = arith.constant 64 : i32
          %parallel_loop3A_490 = vector.broadcast %parallel_loop3A_489 : i32 to vector<16xi32>
          %parallel_loop3A_491 = arith.addi %iota3A, %parallel_loop3A_490 : vector<16xi32>
          %parallel_loop3A_492 = tpu.vector_load_idx %arg5[%parallel_loop3A_456, %parallel_loop3A_491] : memref<4x128xf32, #tpu.memory_space<vmem>>[vector<16xi32>, vector<16xi32>], vector<16xf32>,
          %parallel_loop3A_493 = arith.addi %add3A_442, %parallel_loop3A_445 : i32
          %parallel_loop3A_494 = arith.index_cast %parallel_loop3A_493 : i32 to index
          %parallel_loop3A_495 = arith.constant 64 : index
          %parallel_loop3A_496 = tpu.vector_load %arg7[%parallel_loop3A_494, %parallel_loop3A_495] {strides = array<i32>} : memref<800x128xf32, #tpu.memory_space<vmem>>, vector<16xf32>,
          tpu.vector_store %arg7[%parallel_loop3A_494, %parallel_loop3A_495], %parallel_loop3A_492 {strides = array<i32>} : memref<800x128xf32, #tpu.memory_space<vmem>>, vector<16xf32>,
          %parallel_loop3A_497 = arith.constant 80 : i32
          %parallel_loop3A_498 = vector.broadcast %parallel_loop3A_497 : i32 to vector<16xi32>
          %parallel_loop3A_499 = arith.addi %iota3A, %parallel_loop3A_498 : vector<16xi32>
          %parallel_loop3A_500 = tpu.vector_load_idx %arg5[%parallel_loop3A_456, %parallel_loop3A_499] : memref<4x128xf32, #tpu.memory_space<vmem>>[vector<16xi32>, vector<16xi32>], vector<16xf32>,
          %parallel_loop3A_501 = arith.addi %add3A_442, %parallel_loop3A_445 : i32
          %parallel_loop3A_502 = arith.index_cast %parallel_loop3A_501 : i32 to index
          %parallel_loop3A_503 = arith.constant 80 : index
          %parallel_loop3A_504 = tpu.vector_load %arg7[%parallel_loop3A_502, %parallel_loop3A_503] {strides = array<i32>} : memref<800x128xf32, #tpu.memory_space<vmem>>, vector<16xf32>,
          tpu.vector_store %arg7[%parallel_loop3A_502, %parallel_loop3A_503], %parallel_loop3A_500 {strides = array<i32>} : memref<800x128xf32, #tpu.memory_space<vmem>>, vector<16xf32>,
          %parallel_loop3A_505 = arith.constant 96 : i32
          %parallel_loop3A_506 = vector.broadcast %parallel_loop3A_505 : i32 to vector<16xi32>
          %parallel_loop3A_507 = arith.addi %iota3A, %parallel_loop3A_506 : vector<16xi32>
          %parallel_loop3A_508 = tpu.vector_load_idx %arg5[%parallel_loop3A_456, %parallel_loop3A_507] : memref<4x128xf32, #tpu.memory_space<vmem>>[vector<16xi32>, vector<16xi32>], vector<16xf32>,
          %parallel_loop3A_509 = arith.addi %add3A_442, %parallel_loop3A_445 : i32
          %parallel_loop3A_510 = arith.index_cast %parallel_loop3A_509 : i32 to index
          %parallel_loop3A_511 = arith.constant 96 : index
          %parallel_loop3A_512 = tpu.vector_load %arg7[%parallel_loop3A_510, %parallel_loop3A_511] {strides = array<i32>} : memref<800x128xf32, #tpu.memory_space<vmem>>, vector<16xf32>,
          tpu.vector_store %arg7[%parallel_loop3A_510, %parallel_loop3A_511], %parallel_loop3A_508 {strides = array<i32>} : memref<800x128xf32, #tpu.memory_space<vmem>>, vector<16xf32>,
          %parallel_loop3A_513 = arith.constant 112 : i32
          %parallel_loop3A_514 = vector.broadcast %parallel_loop3A_513 : i32 to vector<16xi32>
          %parallel_loop3A_515 = arith.addi %iota3A, %parallel_loop3A_514 : vector<16xi32>
          %parallel_loop3A_516 = tpu.vector_load_idx %arg5[%parallel_loop3A_456, %parallel_loop3A_515] : memref<4x128xf32, #tpu.memory_space<vmem>>[vector<16xi32>, vector<16xi32>], vector<16xf32>,
          %parallel_loop3A_517 = arith.addi %add3A_442, %parallel_loop3A_445 : i32
          %parallel_loop3A_518 = arith.index_cast %parallel_loop3A_517 : i32 to index
          %parallel_loop3A_519 = arith.constant 112 : index
          %parallel_loop3A_520 = tpu.vector_load %arg7[%parallel_loop3A_518, %parallel_loop3A_519] {strides = array<i32>} : memref<800x128xf32, #tpu.memory_space<vmem>>, vector<16xf32>,
          tpu.vector_store %arg7[%parallel_loop3A_518, %parallel_loop3A_519], %parallel_loop3A_516 {strides = array<i32>} : memref<800x128xf32, #tpu.memory_space<vmem>>, vector<16xf32>,
        } {sc.loop_unroll_factor = 4 : i64, sc.parallel_access}
      }
      %scan3A_206 = arith.constant 25 : i32
      %mul3A_207 = arith.constant 400 : i32
      %mul3A_208 = arith.muli %add3A_194, %mul3A_207 : i32
      %add3A_209 = arith.addi %mul3A_6, %mul3A_208 : i32
      %dma_start3A_210 = arith.constant 1 : i32
      %dma_start3A_211 = arith.constant 400 : i32
      %dma_start3A_212 = arith.constant 0 : i32
      %dma_start3A_213 = tpu.memref_slice %arg7[%dma_start3A_211, %dma_start3A_212] : memref<800x128xf32, #tpu.memory_space<vmem>> -> memref<400x128xf32, #tpu.memory_space<vmem>>
      %dma_start3A_214 = arith.constant 0 : i32
      %dma_start3A_215 = tpu.memref_slice %arg4[%add3A_209, %dma_start3A_214] : memref<3276800x128xf32, #tpu.memory_space<hbm>> -> memref<400x128xf32, #tpu.memory_space<hbm>>
      %dma_start3A_216 = tpu.memref_slice %arg10[%dma_start3A_210] : memref<2x!tpu.dma_semaphore, #tpu.memory_space<semaphore_mem>> -> memref<1x!tpu.dma_semaphore, #tpu.memory_space<semaphore_mem>>
      %dma_start3A_217 = tpu.memref_squeeze %dma_start3A_216 : memref<1x!tpu.dma_semaphore, #tpu.memory_space<semaphore_mem>> -> memref<!tpu.dma_semaphore, #tpu.memory_space<semaphore_mem>>
      %dma_start3A_218 = arith.constant 0 : i32
      %dma_start3A_219 = tpu.memref_slice %arg4[%add3A_209, %dma_start3A_218] : memref<3276800x128xf32, #tpu.memory_space<hbm>> -> memref<400x128xf32, #tpu.memory_space<hbm>>
      %dma_start3A_220 = arith.constant 400 : i32
      %dma_start3A_221 = arith.constant 0 : i32
      %dma_start3A_222 = tpu.memref_slice %arg7[%dma_start3A_220, %dma_start3A_221] : memref<800x128xf32, #tpu.memory_space<vmem>> -> memref<400x128xf32, #tpu.memory_space<vmem>>
      tpu.enqueue_dma source(%dma_start3A_222 : memref<400x128xf32, #tpu.memory_space<vmem>>) target(%dma_start3A_219 : memref<400x128xf32, #tpu.memory_space<hbm>>) target_semaphore(%dma_start3A_217 : memref<!tpu.dma_semaphore, #tpu.memory_space<semaphore_mem>>)
      %add3A_223 = arith.constant 2 : i32
      %add3A_224 = arith.addi %add3A_79, %add3A_223 : i32
      %lt3A = arith.constant 64 : i32
      %lt3A_225 = arith.cmpi slt, %add3A_224, %lt3A : i32
      %convert_element_type3A_226 = arith.extui %lt3A_225 : i1 to i32
      %cond3A_227 = arith.constant 0 : i32
      %cond3A_228 = arith.cmpi ne, %convert_element_type3A_226, %cond3A_227 : i32
      scf.if %cond3A_228 {
        %add3A_387 = arith.constant 2 : i32
        %add3A_388 = arith.addi %add3A_79, %add3A_387 : i32
        %mul3A_389 = arith.constant 8 : i32
        %mul3A_390 = arith.muli %add3A_388, %mul3A_389 : i32
        %add3A_391 = arith.addi %mul3A_2, %mul3A_390 : i32
        %dma_start3A_392 = arith.constant 0 : i32
        %dma_start3A_393 = arith.constant 0 : i32
        %dma_start3A_394 = arith.constant 0 : i32
        %dma_start3A_395 = arith.constant 0 : i32
        %dma_start3A_396 = tpu.memref_slice %arg6[%dma_start3A_392, %dma_start3A_394, %dma_start3A_395] : memref<2x8x200xi32, #tpu.memory_space<vmem>> -> memref<1x8x200xi32, #tpu.memory_space<vmem>>
        %dma_start3A_397 = tpu.memref_squeeze %dma_start3A_396 : memref<1x8x200xi32, #tpu.memory_space<vmem>> -> memref<8x200xi32, #tpu.memory_space<vmem>>
        %dma_start3A_398 = arith.constant 0 : i32
        %dma_start3A_399 = tpu.memref_slice %arg2[%add3A_391, %dma_start3A_398] : memref<16384x200xi32, #tpu.memory_space<hbm>> -> memref<8x200xi32, #tpu.memory_space<hbm>>
        %dma_start3A_400 = tpu.memref_slice %arg9[%dma_start3A_393] : memref<2x!tpu.dma_semaphore, #tpu.memory_space<semaphore_mem>> -> memref<1x!tpu.dma_semaphore, #tpu.memory_space<semaphore_mem>>
        %dma_start3A_401 = tpu.memref_squeeze %dma_start3A_400 : memref<1x!tpu.dma_semaphore, #tpu.memory_space<semaphore_mem>> -> memref<!tpu.dma_semaphore, #tpu.memory_space<semaphore_mem>>
        %dma_start3A_402 = arith.constant 0 : i32
        %dma_start3A_403 = arith.constant 0 : i32
        %dma_start3A_404 = tpu.memref_slice %arg6[%dma_start3A_392, %dma_start3A_402, %dma_start3A_403] : memref<2x8x200xi32, #tpu.memory_space<vmem>> -> memref<1x8x200xi32, #tpu.memory_space<vmem>>
        %dma_start3A_405 = tpu.memref_squeeze %dma_start3A_404 : memref<1x8x200xi32, #tpu.memory_space<vmem>> -> memref<8x200xi32, #tpu.memory_space<vmem>>
        %dma_start3A_406 = arith.constant 0 : i32
        %dma_start3A_407 = tpu.memref_slice %arg2[%add3A_391, %dma_start3A_406] : memref<16384x200xi32, #tpu.memory_space<hbm>> -> memref<8x200xi32, #tpu.memory_space<hbm>>
        tpu.enqueue_dma source(%dma_start3A_407 : memref<8x200xi32, #tpu.memory_space<hbm>>) target(%dma_start3A_405 : memref<8x200xi32, #tpu.memory_space<vmem>>) target_semaphore(%dma_start3A_401 : memref<!tpu.dma_semaphore, #tpu.memory_space<semaphore_mem>>)
      } else {
      }
      %mul3A_229 = arith.constant 2 : i32
      %mul3A_230 = arith.muli %scan3A_75, %mul3A_229 : i32
      %add3A_231 = arith.constant 1 : i32
      %add3A_232 = arith.addi %mul3A_230, %add3A_231 : i32
      %mul3A_233 = arith.constant 8 : i32
      %mul3A_234 = arith.muli %add3A_232, %mul3A_233 : i32
      %add3A_235 = arith.addi %mul3A_2, %mul3A_234 : i32
      %dma_wait3A_236 = arith.constant 1 : i32
      %dma_wait3A_237 = arith.constant 1 : i32
      %dma_wait3A_238 = arith.constant 0 : i32
      %dma_wait3A_239 = arith.constant 0 : i32
      %dma_wait3A_240 = tpu.memref_slice %arg6[%dma_wait3A_236, %dma_wait3A_238, %dma_wait3A_239] : memref<2x8x200xi32, #tpu.memory_space<vmem>> -> memref<1x8x200xi32, #tpu.memory_space<vmem>>
      %dma_wait3A_241 = tpu.memref_squeeze %dma_wait3A_240 : memref<1x8x200xi32, #tpu.memory_space<vmem>> -> memref<8x200xi32, #tpu.memory_space<vmem>>
      %dma_wait3A_242 = arith.constant 0 : i32
      %dma_wait3A_243 = tpu.memref_slice %arg2[%add3A_235, %dma_wait3A_242] : memref<16384x200xi32, #tpu.memory_space<hbm>> -> memref<8x200xi32, #tpu.memory_space<hbm>>
      %dma_wait3A_244 = tpu.memref_slice %arg9[%dma_wait3A_237] : memref<2x!tpu.dma_semaphore, #tpu.memory_space<semaphore_mem>> -> memref<1x!tpu.dma_semaphore, #tpu.memory_space<semaphore_mem>>
      %dma_wait3A_245 = tpu.memref_squeeze %dma_wait3A_244 : memref<1x!tpu.dma_semaphore, #tpu.memory_space<semaphore_mem>> -> memref<!tpu.dma_semaphore, #tpu.memory_space<semaphore_mem>>
      %dma_wait3A_246 = arith.constant 0 : i32
      %dma_wait3A_247 = arith.constant 0 : i32
      %dma_wait3A_248 = tpu.memref_slice %arg6[%dma_wait3A_236, %dma_wait3A_246, %dma_wait3A_247] : memref<2x8x200xi32, #tpu.memory_space<vmem>> -> memref<1x8x200xi32, #tpu.memory_space<vmem>>
      %dma_wait3A_249 = tpu.memref_squeeze %dma_wait3A_248 : memref<1x8x200xi32, #tpu.memory_space<vmem>> -> memref<8x200xi32, #tpu.memory_space<vmem>>
      %dma_wait3A_250 = arith.constant 0 : i32
      %dma_wait3A_251 = tpu.memref_slice %arg2[%add3A_235, %dma_wait3A_250] : memref<16384x200xi32, #tpu.memory_space<hbm>> -> memref<8x200xi32, #tpu.memory_space<hbm>>
      tpu.wait_dma2 semaphore(%dma_wait3A_245 : memref<!tpu.dma_semaphore, #tpu.memory_space<semaphore_mem>>) src(%dma_wait3A_251 : memref<8x200xi32, #tpu.memory_space<hbm>>) dst(%dma_wait3A_249 : memref<8x200xi32, #tpu.memory_space<vmem>>)
      %mul3A_252 = arith.constant 4 : i32
      %mul3A_253 = arith.muli %add3A_232, %mul3A_252 : i32
      %add3A_254 = arith.constant 0 : i32
      %add3A_255 = arith.addi %mul3A_253, %add3A_254 : i32
      %ge3A_256 = arith.constant 2 : i32
      %ge3A_257 = arith.cmpi sge, %add3A_255, %ge3A_256 : i32
      %convert_element_type3A_258 = arith.extui %ge3A_257 : i1 to i32
      %cond3A_259 = arith.constant 0 : i32
      %cond3A_260 = arith.cmpi ne, %convert_element_type3A_258, %cond3A_259 : i32
      scf.if %cond3A_260 {
        %sub3A = arith.constant 2 : i32
        %sub3A_387 = arith.subi %add3A_255, %sub3A : i32
        %mul3A_388 = arith.constant 400 : i32
        %mul3A_389 = arith.muli %sub3A_387, %mul3A_388 : i32
        %add3A_390 = arith.addi %mul3A_6, %mul3A_389 : i32
        %dma_wait3A_391 = arith.constant 0 : i32
        %dma_wait3A_392 = arith.constant 0 : i32
        %dma_wait3A_393 = arith.constant 0 : i32
        %dma_wait3A_394 = tpu.memref_slice %arg7[%dma_wait3A_392, %dma_wait3A_393] : memref<800x128xf32, #tpu.memory_space<vmem>> -> memref<400x128xf32, #tpu.memory_space<vmem>>
        %dma_wait3A_395 = arith.constant 0 : i32
        %dma_wait3A_396 = tpu.memref_slice %arg4[%add3A_390, %dma_wait3A_395] : memref<3276800x128xf32, #tpu.memory_space<hbm>> -> memref<400x128xf32, #tpu.memory_space<hbm>>
        %dma_wait3A_397 = tpu.memref_slice %arg10[%dma_wait3A_391] : memref<2x!tpu.dma_semaphore, #tpu.memory_space<semaphore_mem>> -> memref<1x!tpu.dma_semaphore, #tpu.memory_space<semaphore_mem>>
        %dma_wait3A_398 = tpu.memref_squeeze %dma_wait3A_397 : memref<1x!tpu.dma_semaphore, #tpu.memory_space<semaphore_mem>> -> memref<!tpu.dma_semaphore, #tpu.memory_space<semaphore_mem>>
        %dma_wait3A_399 = arith.constant 0 : i32
        %dma_wait3A_400 = tpu.memref_slice %arg4[%add3A_390, %dma_wait3A_399] : memref<3276800x128xf32, #tpu.memory_space<hbm>> -> memref<400x128xf32, #tpu.memory_space<hbm>>
        %dma_wait3A_401 = arith.constant 0 : i32
        %dma_wait3A_402 = arith.constant 0 : i32
        %dma_wait3A_403 = tpu.memref_slice %arg7[%dma_wait3A_401, %dma_wait3A_402] : memref<800x128xf32, #tpu.memory_space<vmem>> -> memref<400x128xf32, #tpu.memory_space<vmem>>
        tpu.wait_dma2 semaphore(%dma_wait3A_398 : memref<!tpu.dma_semaphore, #tpu.memory_space<semaphore_mem>>) src(%dma_wait3A_403 : memref<400x128xf32, #tpu.memory_space<vmem>>) dst(%dma_wait3A_400 : memref<400x128xf32, #tpu.memory_space<hbm>>)
      } else {
      }
      %broadcast_in_dim3A_261 = arith.constant 1 : i32
      %broadcast_in_dim3A_262 = vector.broadcast %broadcast_in_dim3A_261 : i32 to vector<16xi32>
      %scan3A_263 = arith.constant 0 : i32
      %scan3A_264 = arith.constant 25 : i32
      %scan3A_265 = arith.addi %scan3A_263, %scan3A_264 : i32
      %scan3A_266 = arith.constant 1 : i32
      scf.for %scan3A_387 = %scan3A_263 to %scan3A_265 step %scan3A_266  : i32 {
        %mul3A_388 = arith.constant 16 : i32
        %mul3A_389 = arith.muli %scan3A_387, %mul3A_388 : i32
        %add3A_390 = vector.broadcast %mul3A_389 : i32 to vector<16xi32>
        %add3A_391 = arith.addi %add3A_390, %iota3A : vector<16xi32>
        %jit3A = arith.constant 200 : i32
        %div3A = vector.broadcast %jit3A : i32 to vector<16xi32>
        %div3A_392 = arith.divsi %add3A_391, %div3A : vector<16xi32>
        %sign3A = arith.constant 0 : i32
        %sign3A_393 = vector.broadcast %sign3A : i32 to vector<16xi32>
        %sign3A_394 = arith.cmpi sgt, %add3A_391, %sign3A_393 : vector<16xi32>
        %sign3A_395 = arith.extui %sign3A_394 : vector<16xi1> to vector<16xi32>
        %sign3A_396 = arith.constant 0 : i32
        %sign3A_397 = vector.broadcast %sign3A_396 : i32 to vector<16xi32>
        %sign3A_398 = arith.cmpi slt, %add3A_391, %sign3A_397 : vector<16xi32>
        %sign3A_399 = arith.extui %sign3A_398 : vector<16xi1> to vector<16xi32>
        %sign3A_400 = arith.subi %sign3A_395, %sign3A_399 : vector<16xi32>
        %sign3A_401 = arith.constant 0 : i32
        %sign3A_402 = arith.cmpi sgt, %jit3A, %sign3A_401 : i32
        %sign3A_403 = arith.extui %sign3A_402 : i1 to i32
        %sign3A_404 = arith.constant 0 : i32
        %sign3A_405 = arith.cmpi slt, %jit3A, %sign3A_404 : i32
        %sign3A_406 = arith.extui %sign3A_405 : i1 to i32
        %sign3A_407 = arith.subi %sign3A_403, %sign3A_406 : i32
        %ne3A = vector.broadcast %sign3A_407 : i32 to vector<16xi32>
        %ne3A_408 = arith.cmpi ne, %sign3A_400, %ne3A : vector<16xi32>
        %rem3A = vector.broadcast %jit3A : i32 to vector<16xi32>
        %rem3A_409 = arith.remsi %add3A_391, %rem3A : vector<16xi32>
        %ne3A_410 = arith.constant 0 : i32
        %ne3A_411 = vector.broadcast %ne3A_410 : i32 to vector<16xi32>
        %ne3A_412 = arith.cmpi ne, %rem3A_409, %ne3A_411 : vector<16xi32>
        %and3A = arith.andi %ne3A_408, %ne3A_412 : vector<16xi1>
        %sub3A = arith.constant 1 : i32
        %sub3A_413 = vector.broadcast %sub3A : i32 to vector<16xi32>
        %sub3A_414 = arith.subi %div3A_392, %sub3A_413 : vector<16xi32>
        %select_n3A = arith.select %and3A, %sub3A_414, %div3A_392 : vector<16xi1>, vector<16xi32>
        %add3A_415 = arith.constant 0 : i32
        %add3A_416 = vector.broadcast %add3A_415 : i32 to vector<16xi32>
        %add3A_417 = arith.addi %add3A_416, %select_n3A : vector<16xi32>
        %jit3A_418 = arith.constant 200 : i32
        %eq3A = arith.constant 0 : i32
        %eq3A_419 = arith.cmpi eq, %jit3A_418, %eq3A : i32
        %jit3A_420 = arith.constant 1 : i32
        %select_n3A_421 = arith.select %eq3A_419, %jit3A_420, %jit3A_418 : i32
        %rem3A_422 = vector.broadcast %select_n3A_421 : i32 to vector<16xi32>
        %rem3A_423 = arith.remsi %add3A_391, %rem3A_422 : vector<16xi32>
        %ne3A_424 = arith.constant 0 : i32
        %ne3A_425 = vector.broadcast %ne3A_424 : i32 to vector<16xi32>
        %ne3A_426 = arith.cmpi ne, %rem3A_423, %ne3A_425 : vector<16xi32>
        %lt3A_427 = arith.constant 0 : i32
        %lt3A_428 = vector.broadcast %lt3A_427 : i32 to vector<16xi32>
        %lt3A_429 = arith.cmpi slt, %rem3A_423, %lt3A_428 : vector<16xi32>
        %lt3A_430 = arith.constant 0 : i32
        %lt3A_431 = arith.cmpi slt, %select_n3A_421, %lt3A_430 : i32
        %ne3A_432 = vector.broadcast %lt3A_431 : i1 to vector<16xi1>
        %ne3A_433 = vector.broadcast %ne3A_432 : vector<16xi1> to vector<16xi1>
        %ne3A_434 = arith.xori %lt3A_429, %ne3A_433 : vector<16xi1>
        %and3A_435 = arith.andi %ne3A_434, %ne3A_426 : vector<16xi1>
        %add3A_436 = vector.broadcast %select_n3A_421 : i32 to vector<16xi32>
        %add3A_437 = arith.addi %rem3A_423, %add3A_436 : vector<16xi32>
        %select_n3A_438 = arith.select %and3A_435, %add3A_437, %rem3A_423 : vector<16xi1>, vector<16xi32>
        %gather3A = tpu.vector_load_idx %arg6[%broadcast_in_dim3A_262, %add3A_417, %select_n3A_438] : memref<2x8x200xi32, #tpu.memory_space<vmem>>[vector<16xi32>, vector<16xi32>, vector<16xi32>], vector<16xi32>,
        %mul3A_439 = arith.constant 16 : i32
        %mul3A_440 = arith.muli %scan3A_387, %mul3A_439 : i32
        %add3A_441 = arith.constant 0 : i32
        %add3A_442 = arith.addi %add3A_441, %mul3A_440 : i32
        %parallel_loop3A = arith.constant 0 : i32
        %parallel_loop3A_443 = arith.constant 16 : i32
        %parallel_loop3A_444 = arith.constant 1 : i32
        scf.for %parallel_loop3A_445 = %parallel_loop3A to %parallel_loop3A_443 step %parallel_loop3A_444  : i32 {
          %parallel_loop3A_446 = vector.broadcast %parallel_loop3A_445 : i32 to vector<16xi32>
          %parallel_loop3A_447 = arith.constant 0 : i32
          %parallel_loop3A_448 = vector.broadcast %parallel_loop3A_447 : i32 to vector<16xi32>
          %parallel_loop3A_449 = arith.cmpi slt, %parallel_loop3A_446, %parallel_loop3A_448 : vector<16xi32>
          %parallel_loop3A_450 = arith.constant 16 : i32
          %parallel_loop3A_451 = vector.broadcast %parallel_loop3A_450 : i32 to vector<16xi32>
          %parallel_loop3A_452 = arith.addi %parallel_loop3A_446, %parallel_loop3A_451 : vector<16xi32>
          %parallel_loop3A_453 = arith.select %parallel_loop3A_449, %parallel_loop3A_452, %parallel_loop3A_446 : vector<16xi1>, vector<16xi32>
          %parallel_loop3A_454 = vector.shape_cast %parallel_loop3A_453 : vector<16xi32> to vector<16x1xi32>
          %parallel_loop3A_455 = vector.shape_cast %parallel_loop3A_454 : vector<16x1xi32> to vector<16xi32>
          %parallel_loop3A_456 = tpu.dynamic_gather %gather3A[%parallel_loop3A_455] in [0] : vector<16xi32>, vector<16xi32> -> vector<16xi32>
          %parallel_loop3A_457 = arith.constant 0 : i32
          %parallel_loop3A_458 = vector.broadcast %parallel_loop3A_457 : i32 to vector<16xi32>
          %parallel_loop3A_459 = arith.addi %iota3A, %parallel_loop3A_458 : vector<16xi32>
          %parallel_loop3A_460 = tpu.vector_load_idx %arg5[%parallel_loop3A_456, %parallel_loop3A_459] : memref<4x128xf32, #tpu.memory_space<vmem>>[vector<16xi32>, vector<16xi32>], vector<16xf32>,
          %parallel_loop3A_461 = arith.addi %add3A_442, %parallel_loop3A_445 : i32
          %parallel_loop3A_462 = arith.index_cast %parallel_loop3A_461 : i32 to index
          %parallel_loop3A_463 = arith.constant 0 : index
          %parallel_loop3A_464 = tpu.vector_load %arg7[%parallel_loop3A_462, %parallel_loop3A_463] {strides = array<i32>} : memref<800x128xf32, #tpu.memory_space<vmem>>, vector<16xf32>,
          tpu.vector_store %arg7[%parallel_loop3A_462, %parallel_loop3A_463], %parallel_loop3A_460 {strides = array<i32>} : memref<800x128xf32, #tpu.memory_space<vmem>>, vector<16xf32>,
          %parallel_loop3A_465 = arith.constant 16 : i32
          %parallel_loop3A_466 = vector.broadcast %parallel_loop3A_465 : i32 to vector<16xi32>
          %parallel_loop3A_467 = arith.addi %iota3A, %parallel_loop3A_466 : vector<16xi32>
          %parallel_loop3A_468 = tpu.vector_load_idx %arg5[%parallel_loop3A_456, %parallel_loop3A_467] : memref<4x128xf32, #tpu.memory_space<vmem>>[vector<16xi32>, vector<16xi32>], vector<16xf32>,
          %parallel_loop3A_469 = arith.addi %add3A_442, %parallel_loop3A_445 : i32
          %parallel_loop3A_470 = arith.index_cast %parallel_loop3A_469 : i32 to index
          %parallel_loop3A_471 = arith.constant 16 : index
          %parallel_loop3A_472 = tpu.vector_load %arg7[%parallel_loop3A_470, %parallel_loop3A_471] {strides = array<i32>} : memref<800x128xf32, #tpu.memory_space<vmem>>, vector<16xf32>,
          tpu.vector_store %arg7[%parallel_loop3A_470, %parallel_loop3A_471], %parallel_loop3A_468 {strides = array<i32>} : memref<800x128xf32, #tpu.memory_space<vmem>>, vector<16xf32>,
          %parallel_loop3A_473 = arith.constant 32 : i32
          %parallel_loop3A_474 = vector.broadcast %parallel_loop3A_473 : i32 to vector<16xi32>
          %parallel_loop3A_475 = arith.addi %iota3A, %parallel_loop3A_474 : vector<16xi32>
          %parallel_loop3A_476 = tpu.vector_load_idx %arg5[%parallel_loop3A_456, %parallel_loop3A_475] : memref<4x128xf32, #tpu.memory_space<vmem>>[vector<16xi32>, vector<16xi32>], vector<16xf32>,
          %parallel_loop3A_477 = arith.addi %add3A_442, %parallel_loop3A_445 : i32
          %parallel_loop3A_478 = arith.index_cast %parallel_loop3A_477 : i32 to index
          %parallel_loop3A_479 = arith.constant 32 : index
          %parallel_loop3A_480 = tpu.vector_load %arg7[%parallel_loop3A_478, %parallel_loop3A_479] {strides = array<i32>} : memref<800x128xf32, #tpu.memory_space<vmem>>, vector<16xf32>,
          tpu.vector_store %arg7[%parallel_loop3A_478, %parallel_loop3A_479], %parallel_loop3A_476 {strides = array<i32>} : memref<800x128xf32, #tpu.memory_space<vmem>>, vector<16xf32>,
          %parallel_loop3A_481 = arith.constant 48 : i32
          %parallel_loop3A_482 = vector.broadcast %parallel_loop3A_481 : i32 to vector<16xi32>
          %parallel_loop3A_483 = arith.addi %iota3A, %parallel_loop3A_482 : vector<16xi32>
          %parallel_loop3A_484 = tpu.vector_load_idx %arg5[%parallel_loop3A_456, %parallel_loop3A_483] : memref<4x128xf32, #tpu.memory_space<vmem>>[vector<16xi32>, vector<16xi32>], vector<16xf32>,
          %parallel_loop3A_485 = arith.addi %add3A_442, %parallel_loop3A_445 : i32
          %parallel_loop3A_486 = arith.index_cast %parallel_loop3A_485 : i32 to index
          %parallel_loop3A_487 = arith.constant 48 : index
          %parallel_loop3A_488 = tpu.vector_load %arg7[%parallel_loop3A_486, %parallel_loop3A_487] {strides = array<i32>} : memref<800x128xf32, #tpu.memory_space<vmem>>, vector<16xf32>,
          tpu.vector_store %arg7[%parallel_loop3A_486, %parallel_loop3A_487], %parallel_loop3A_484 {strides = array<i32>} : memref<800x128xf32, #tpu.memory_space<vmem>>, vector<16xf32>,
          %parallel_loop3A_489 = arith.constant 64 : i32
          %parallel_loop3A_490 = vector.broadcast %parallel_loop3A_489 : i32 to vector<16xi32>
          %parallel_loop3A_491 = arith.addi %iota3A, %parallel_loop3A_490 : vector<16xi32>
          %parallel_loop3A_492 = tpu.vector_load_idx %arg5[%parallel_loop3A_456, %parallel_loop3A_491] : memref<4x128xf32, #tpu.memory_space<vmem>>[vector<16xi32>, vector<16xi32>], vector<16xf32>,
          %parallel_loop3A_493 = arith.addi %add3A_442, %parallel_loop3A_445 : i32
          %parallel_loop3A_494 = arith.index_cast %parallel_loop3A_493 : i32 to index
          %parallel_loop3A_495 = arith.constant 64 : index
          %parallel_loop3A_496 = tpu.vector_load %arg7[%parallel_loop3A_494, %parallel_loop3A_495] {strides = array<i32>} : memref<800x128xf32, #tpu.memory_space<vmem>>, vector<16xf32>,
          tpu.vector_store %arg7[%parallel_loop3A_494, %parallel_loop3A_495], %parallel_loop3A_492 {strides = array<i32>} : memref<800x128xf32, #tpu.memory_space<vmem>>, vector<16xf32>,
          %parallel_loop3A_497 = arith.constant 80 : i32
          %parallel_loop3A_498 = vector.broadcast %parallel_loop3A_497 : i32 to vector<16xi32>
          %parallel_loop3A_499 = arith.addi %iota3A, %parallel_loop3A_498 : vector<16xi32>
          %parallel_loop3A_500 = tpu.vector_load_idx %arg5[%parallel_loop3A_456, %parallel_loop3A_499] : memref<4x128xf32, #tpu.memory_space<vmem>>[vector<16xi32>, vector<16xi32>], vector<16xf32>,
          %parallel_loop3A_501 = arith.addi %add3A_442, %parallel_loop3A_445 : i32
          %parallel_loop3A_502 = arith.index_cast %parallel_loop3A_501 : i32 to index
          %parallel_loop3A_503 = arith.constant 80 : index
          %parallel_loop3A_504 = tpu.vector_load %arg7[%parallel_loop3A_502, %parallel_loop3A_503] {strides = array<i32>} : memref<800x128xf32, #tpu.memory_space<vmem>>, vector<16xf32>,
          tpu.vector_store %arg7[%parallel_loop3A_502, %parallel_loop3A_503], %parallel_loop3A_500 {strides = array<i32>} : memref<800x128xf32, #tpu.memory_space<vmem>>, vector<16xf32>,
          %parallel_loop3A_505 = arith.constant 96 : i32
          %parallel_loop3A_506 = vector.broadcast %parallel_loop3A_505 : i32 to vector<16xi32>
          %parallel_loop3A_507 = arith.addi %iota3A, %parallel_loop3A_506 : vector<16xi32>
          %parallel_loop3A_508 = tpu.vector_load_idx %arg5[%parallel_loop3A_456, %parallel_loop3A_507] : memref<4x128xf32, #tpu.memory_space<vmem>>[vector<16xi32>, vector<16xi32>], vector<16xf32>,
          %parallel_loop3A_509 = arith.addi %add3A_442, %parallel_loop3A_445 : i32
          %parallel_loop3A_510 = arith.index_cast %parallel_loop3A_509 : i32 to index
          %parallel_loop3A_511 = arith.constant 96 : index
          %parallel_loop3A_512 = tpu.vector_load %arg7[%parallel_loop3A_510, %parallel_loop3A_511] {strides = array<i32>} : memref<800x128xf32, #tpu.memory_space<vmem>>, vector<16xf32>,
          tpu.vector_store %arg7[%parallel_loop3A_510, %parallel_loop3A_511], %parallel_loop3A_508 {strides = array<i32>} : memref<800x128xf32, #tpu.memory_space<vmem>>, vector<16xf32>,
          %parallel_loop3A_513 = arith.constant 112 : i32
          %parallel_loop3A_514 = vector.broadcast %parallel_loop3A_513 : i32 to vector<16xi32>
          %parallel_loop3A_515 = arith.addi %iota3A, %parallel_loop3A_514 : vector<16xi32>
          %parallel_loop3A_516 = tpu.vector_load_idx %arg5[%parallel_loop3A_456, %parallel_loop3A_515] : memref<4x128xf32, #tpu.memory_space<vmem>>[vector<16xi32>, vector<16xi32>], vector<16xf32>,
          %parallel_loop3A_517 = arith.addi %add3A_442, %parallel_loop3A_445 : i32
          %parallel_loop3A_518 = arith.index_cast %parallel_loop3A_517 : i32 to index
          %parallel_loop3A_519 = arith.constant 112 : index
          %parallel_loop3A_520 = tpu.vector_load %arg7[%parallel_loop3A_518, %parallel_loop3A_519] {strides = array<i32>} : memref<800x128xf32, #tpu.memory_space<vmem>>, vector<16xf32>,
          tpu.vector_store %arg7[%parallel_loop3A_518, %parallel_loop3A_519], %parallel_loop3A_516 {strides = array<i32>} : memref<800x128xf32, #tpu.memory_space<vmem>>, vector<16xf32>,
        } {sc.loop_unroll_factor = 4 : i64, sc.parallel_access}
      }
      %scan3A_267 = arith.constant 25 : i32
      %mul3A_268 = arith.constant 400 : i32
      %mul3A_269 = arith.muli %add3A_255, %mul3A_268 : i32
      %add3A_270 = arith.addi %mul3A_6, %mul3A_269 : i32
      %dma_start3A_271 = arith.constant 0 : i32
      %dma_start3A_272 = arith.constant 0 : i32
      %dma_start3A_273 = arith.constant 0 : i32
      %dma_start3A_274 = tpu.memref_slice %arg7[%dma_start3A_272, %dma_start3A_273] : memref<800x128xf32, #tpu.memory_space<vmem>> -> memref<400x128xf32, #tpu.memory_space<vmem>>
      %dma_start3A_275 = arith.constant 0 : i32
      %dma_start3A_276 = tpu.memref_slice %arg4[%add3A_270, %dma_start3A_275] : memref<3276800x128xf32, #tpu.memory_space<hbm>> -> memref<400x128xf32, #tpu.memory_space<hbm>>
      %dma_start3A_277 = tpu.memref_slice %arg10[%dma_start3A_271] : memref<2x!tpu.dma_semaphore, #tpu.memory_space<semaphore_mem>> -> memref<1x!tpu.dma_semaphore, #tpu.memory_space<semaphore_mem>>
      %dma_start3A_278 = tpu.memref_squeeze %dma_start3A_277 : memref<1x!tpu.dma_semaphore, #tpu.memory_space<semaphore_mem>> -> memref<!tpu.dma_semaphore, #tpu.memory_space<semaphore_mem>>
      %dma_start3A_279 = arith.constant 0 : i32
      %dma_start3A_280 = tpu.memref_slice %arg4[%add3A_270, %dma_start3A_279] : memref<3276800x128xf32, #tpu.memory_space<hbm>> -> memref<400x128xf32, #tpu.memory_space<hbm>>
      %dma_start3A_281 = arith.constant 0 : i32
      %dma_start3A_282 = arith.constant 0 : i32
      %dma_start3A_283 = tpu.memref_slice %arg7[%dma_start3A_281, %dma_start3A_282] : memref<800x128xf32, #tpu.memory_space<vmem>> -> memref<400x128xf32, #tpu.memory_space<vmem>>
      tpu.enqueue_dma source(%dma_start3A_283 : memref<400x128xf32, #tpu.memory_space<vmem>>) target(%dma_start3A_280 : memref<400x128xf32, #tpu.memory_space<hbm>>) target_semaphore(%dma_start3A_278 : memref<!tpu.dma_semaphore, #tpu.memory_space<semaphore_mem>>)
      %mul3A_284 = arith.constant 4 : i32
      %mul3A_285 = arith.muli %add3A_232, %mul3A_284 : i32
      %add3A_286 = arith.constant 1 : i32
      %add3A_287 = arith.addi %mul3A_285, %add3A_286 : i32
      %ge3A_288 = arith.constant 2 : i32
      %ge3A_289 = arith.cmpi sge, %add3A_287, %ge3A_288 : i32
      %convert_element_type3A_290 = arith.extui %ge3A_289 : i1 to i32
      %cond3A_291 = arith.constant 0 : i32
      %cond3A_292 = arith.cmpi ne, %convert_element_type3A_290, %cond3A_291 : i32
      scf.if %cond3A_292 {
        %sub3A = arith.constant 2 : i32
        %sub3A_387 = arith.subi %add3A_287, %sub3A : i32
        %mul3A_388 = arith.constant 400 : i32
        %mul3A_389 = arith.muli %sub3A_387, %mul3A_388 : i32
        %add3A_390 = arith.addi %mul3A_6, %mul3A_389 : i32
        %dma_wait3A_391 = arith.constant 1 : i32
        %dma_wait3A_392 = arith.constant 400 : i32
        %dma_wait3A_393 = arith.constant 0 : i32
        %dma_wait3A_394 = tpu.memref_slice %arg7[%dma_wait3A_392, %dma_wait3A_393] : memref<800x128xf32, #tpu.memory_space<vmem>> -> memref<400x128xf32, #tpu.memory_space<vmem>>
        %dma_wait3A_395 = arith.constant 0 : i32
        %dma_wait3A_396 = tpu.memref_slice %arg4[%add3A_390, %dma_wait3A_395] : memref<3276800x128xf32, #tpu.memory_space<hbm>> -> memref<400x128xf32, #tpu.memory_space<hbm>>
        %dma_wait3A_397 = tpu.memref_slice %arg10[%dma_wait3A_391] : memref<2x!tpu.dma_semaphore, #tpu.memory_space<semaphore_mem>> -> memref<1x!tpu.dma_semaphore, #tpu.memory_space<semaphore_mem>>
        %dma_wait3A_398 = tpu.memref_squeeze %dma_wait3A_397 : memref<1x!tpu.dma_semaphore, #tpu.memory_space<semaphore_mem>> -> memref<!tpu.dma_semaphore, #tpu.memory_space<semaphore_mem>>
        %dma_wait3A_399 = arith.constant 0 : i32
        %dma_wait3A_400 = tpu.memref_slice %arg4[%add3A_390, %dma_wait3A_399] : memref<3276800x128xf32, #tpu.memory_space<hbm>> -> memref<400x128xf32, #tpu.memory_space<hbm>>
        %dma_wait3A_401 = arith.constant 400 : i32
        %dma_wait3A_402 = arith.constant 0 : i32
        %dma_wait3A_403 = tpu.memref_slice %arg7[%dma_wait3A_401, %dma_wait3A_402] : memref<800x128xf32, #tpu.memory_space<vmem>> -> memref<400x128xf32, #tpu.memory_space<vmem>>
        tpu.wait_dma2 semaphore(%dma_wait3A_398 : memref<!tpu.dma_semaphore, #tpu.memory_space<semaphore_mem>>) src(%dma_wait3A_403 : memref<400x128xf32, #tpu.memory_space<vmem>>) dst(%dma_wait3A_400 : memref<400x128xf32, #tpu.memory_space<hbm>>)
      } else {
      }
      %broadcast_in_dim3A_293 = arith.constant 1 : i32
      %broadcast_in_dim3A_294 = vector.broadcast %broadcast_in_dim3A_293 : i32 to vector<16xi32>
      %scan3A_295 = arith.constant 0 : i32
      %scan3A_296 = arith.constant 25 : i32
      %scan3A_297 = arith.addi %scan3A_295, %scan3A_296 : i32
      %scan3A_298 = arith.constant 1 : i32
      scf.for %scan3A_387 = %scan3A_295 to %scan3A_297 step %scan3A_298  : i32 {
        %mul3A_388 = arith.constant 16 : i32
        %mul3A_389 = arith.muli %scan3A_387, %mul3A_388 : i32
        %add3A_390 = vector.broadcast %mul3A_389 : i32 to vector<16xi32>
        %add3A_391 = arith.addi %add3A_390, %iota3A : vector<16xi32>
        %jit3A = arith.constant 200 : i32
        %div3A = vector.broadcast %jit3A : i32 to vector<16xi32>
        %div3A_392 = arith.divsi %add3A_391, %div3A : vector<16xi32>
        %sign3A = arith.constant 0 : i32
        %sign3A_393 = vector.broadcast %sign3A : i32 to vector<16xi32>
        %sign3A_394 = arith.cmpi sgt, %add3A_391, %sign3A_393 : vector<16xi32>
        %sign3A_395 = arith.extui %sign3A_394 : vector<16xi1> to vector<16xi32>
        %sign3A_396 = arith.constant 0 : i32
        %sign3A_397 = vector.broadcast %sign3A_396 : i32 to vector<16xi32>
        %sign3A_398 = arith.cmpi slt, %add3A_391, %sign3A_397 : vector<16xi32>
        %sign3A_399 = arith.extui %sign3A_398 : vector<16xi1> to vector<16xi32>
        %sign3A_400 = arith.subi %sign3A_395, %sign3A_399 : vector<16xi32>
        %sign3A_401 = arith.constant 0 : i32
        %sign3A_402 = arith.cmpi sgt, %jit3A, %sign3A_401 : i32
        %sign3A_403 = arith.extui %sign3A_402 : i1 to i32
        %sign3A_404 = arith.constant 0 : i32
        %sign3A_405 = arith.cmpi slt, %jit3A, %sign3A_404 : i32
        %sign3A_406 = arith.extui %sign3A_405 : i1 to i32
        %sign3A_407 = arith.subi %sign3A_403, %sign3A_406 : i32
        %ne3A = vector.broadcast %sign3A_407 : i32 to vector<16xi32>
        %ne3A_408 = arith.cmpi ne, %sign3A_400, %ne3A : vector<16xi32>
        %rem3A = vector.broadcast %jit3A : i32 to vector<16xi32>
        %rem3A_409 = arith.remsi %add3A_391, %rem3A : vector<16xi32>
        %ne3A_410 = arith.constant 0 : i32
        %ne3A_411 = vector.broadcast %ne3A_410 : i32 to vector<16xi32>
        %ne3A_412 = arith.cmpi ne, %rem3A_409, %ne3A_411 : vector<16xi32>
        %and3A = arith.andi %ne3A_408, %ne3A_412 : vector<16xi1>
        %sub3A = arith.constant 1 : i32
        %sub3A_413 = vector.broadcast %sub3A : i32 to vector<16xi32>
        %sub3A_414 = arith.subi %div3A_392, %sub3A_413 : vector<16xi32>
        %select_n3A = arith.select %and3A, %sub3A_414, %div3A_392 : vector<16xi1>, vector<16xi32>
        %add3A_415 = arith.constant 2 : i32
        %add3A_416 = vector.broadcast %add3A_415 : i32 to vector<16xi32>
        %add3A_417 = arith.addi %add3A_416, %select_n3A : vector<16xi32>
        %jit3A_418 = arith.constant 200 : i32
        %eq3A = arith.constant 0 : i32
        %eq3A_419 = arith.cmpi eq, %jit3A_418, %eq3A : i32
        %jit3A_420 = arith.constant 1 : i32
        %select_n3A_421 = arith.select %eq3A_419, %jit3A_420, %jit3A_418 : i32
        %rem3A_422 = vector.broadcast %select_n3A_421 : i32 to vector<16xi32>
        %rem3A_423 = arith.remsi %add3A_391, %rem3A_422 : vector<16xi32>
        %ne3A_424 = arith.constant 0 : i32
        %ne3A_425 = vector.broadcast %ne3A_424 : i32 to vector<16xi32>
        %ne3A_426 = arith.cmpi ne, %rem3A_423, %ne3A_425 : vector<16xi32>
        %lt3A_427 = arith.constant 0 : i32
        %lt3A_428 = vector.broadcast %lt3A_427 : i32 to vector<16xi32>
        %lt3A_429 = arith.cmpi slt, %rem3A_423, %lt3A_428 : vector<16xi32>
        %lt3A_430 = arith.constant 0 : i32
        %lt3A_431 = arith.cmpi slt, %select_n3A_421, %lt3A_430 : i32
        %ne3A_432 = vector.broadcast %lt3A_431 : i1 to vector<16xi1>
        %ne3A_433 = vector.broadcast %ne3A_432 : vector<16xi1> to vector<16xi1>
        %ne3A_434 = arith.xori %lt3A_429, %ne3A_433 : vector<16xi1>
        %and3A_435 = arith.andi %ne3A_434, %ne3A_426 : vector<16xi1>
        %add3A_436 = vector.broadcast %select_n3A_421 : i32 to vector<16xi32>
        %add3A_437 = arith.addi %rem3A_423, %add3A_436 : vector<16xi32>
        %select_n3A_438 = arith.select %and3A_435, %add3A_437, %rem3A_423 : vector<16xi1>, vector<16xi32>
        %gather3A = tpu.vector_load_idx %arg6[%broadcast_in_dim3A_294, %add3A_417, %select_n3A_438] : memref<2x8x200xi32, #tpu.memory_space<vmem>>[vector<16xi32>, vector<16xi32>, vector<16xi32>], vector<16xi32>,
        %mul3A_439 = arith.constant 16 : i32
        %mul3A_440 = arith.muli %scan3A_387, %mul3A_439 : i32
        %add3A_441 = arith.constant 400 : i32
        %add3A_442 = arith.addi %add3A_441, %mul3A_440 : i32
        %parallel_loop3A = arith.constant 0 : i32
        %parallel_loop3A_443 = arith.constant 16 : i32
        %parallel_loop3A_444 = arith.constant 1 : i32
        scf.for %parallel_loop3A_445 = %parallel_loop3A to %parallel_loop3A_443 step %parallel_loop3A_444  : i32 {
          %parallel_loop3A_446 = vector.broadcast %parallel_loop3A_445 : i32 to vector<16xi32>
          %parallel_loop3A_447 = arith.constant 0 : i32
          %parallel_loop3A_448 = vector.broadcast %parallel_loop3A_447 : i32 to vector<16xi32>
          %parallel_loop3A_449 = arith.cmpi slt, %parallel_loop3A_446, %parallel_loop3A_448 : vector<16xi32>
          %parallel_loop3A_450 = arith.constant 16 : i32
          %parallel_loop3A_451 = vector.broadcast %parallel_loop3A_450 : i32 to vector<16xi32>
          %parallel_loop3A_452 = arith.addi %parallel_loop3A_446, %parallel_loop3A_451 : vector<16xi32>
          %parallel_loop3A_453 = arith.select %parallel_loop3A_449, %parallel_loop3A_452, %parallel_loop3A_446 : vector<16xi1>, vector<16xi32>
          %parallel_loop3A_454 = vector.shape_cast %parallel_loop3A_453 : vector<16xi32> to vector<16x1xi32>
          %parallel_loop3A_455 = vector.shape_cast %parallel_loop3A_454 : vector<16x1xi32> to vector<16xi32>
          %parallel_loop3A_456 = tpu.dynamic_gather %gather3A[%parallel_loop3A_455] in [0] : vector<16xi32>, vector<16xi32> -> vector<16xi32>
          %parallel_loop3A_457 = arith.constant 0 : i32
          %parallel_loop3A_458 = vector.broadcast %parallel_loop3A_457 : i32 to vector<16xi32>
          %parallel_loop3A_459 = arith.addi %iota3A, %parallel_loop3A_458 : vector<16xi32>
          %parallel_loop3A_460 = tpu.vector_load_idx %arg5[%parallel_loop3A_456, %parallel_loop3A_459] : memref<4x128xf32, #tpu.memory_space<vmem>>[vector<16xi32>, vector<16xi32>], vector<16xf32>,
          %parallel_loop3A_461 = arith.addi %add3A_442, %parallel_loop3A_445 : i32
          %parallel_loop3A_462 = arith.index_cast %parallel_loop3A_461 : i32 to index
          %parallel_loop3A_463 = arith.constant 0 : index
          %parallel_loop3A_464 = tpu.vector_load %arg7[%parallel_loop3A_462, %parallel_loop3A_463] {strides = array<i32>} : memref<800x128xf32, #tpu.memory_space<vmem>>, vector<16xf32>,
          tpu.vector_store %arg7[%parallel_loop3A_462, %parallel_loop3A_463], %parallel_loop3A_460 {strides = array<i32>} : memref<800x128xf32, #tpu.memory_space<vmem>>, vector<16xf32>,
          %parallel_loop3A_465 = arith.constant 16 : i32
          %parallel_loop3A_466 = vector.broadcast %parallel_loop3A_465 : i32 to vector<16xi32>
          %parallel_loop3A_467 = arith.addi %iota3A, %parallel_loop3A_466 : vector<16xi32>
          %parallel_loop3A_468 = tpu.vector_load_idx %arg5[%parallel_loop3A_456, %parallel_loop3A_467] : memref<4x128xf32, #tpu.memory_space<vmem>>[vector<16xi32>, vector<16xi32>], vector<16xf32>,
          %parallel_loop3A_469 = arith.addi %add3A_442, %parallel_loop3A_445 : i32
          %parallel_loop3A_470 = arith.index_cast %parallel_loop3A_469 : i32 to index
          %parallel_loop3A_471 = arith.constant 16 : index
          %parallel_loop3A_472 = tpu.vector_load %arg7[%parallel_loop3A_470, %parallel_loop3A_471] {strides = array<i32>} : memref<800x128xf32, #tpu.memory_space<vmem>>, vector<16xf32>,
          tpu.vector_store %arg7[%parallel_loop3A_470, %parallel_loop3A_471], %parallel_loop3A_468 {strides = array<i32>} : memref<800x128xf32, #tpu.memory_space<vmem>>, vector<16xf32>,
          %parallel_loop3A_473 = arith.constant 32 : i32
          %parallel_loop3A_474 = vector.broadcast %parallel_loop3A_473 : i32 to vector<16xi32>
          %parallel_loop3A_475 = arith.addi %iota3A, %parallel_loop3A_474 : vector<16xi32>
          %parallel_loop3A_476 = tpu.vector_load_idx %arg5[%parallel_loop3A_456, %parallel_loop3A_475] : memref<4x128xf32, #tpu.memory_space<vmem>>[vector<16xi32>, vector<16xi32>], vector<16xf32>,
          %parallel_loop3A_477 = arith.addi %add3A_442, %parallel_loop3A_445 : i32
          %parallel_loop3A_478 = arith.index_cast %parallel_loop3A_477 : i32 to index
          %parallel_loop3A_479 = arith.constant 32 : index
          %parallel_loop3A_480 = tpu.vector_load %arg7[%parallel_loop3A_478, %parallel_loop3A_479] {strides = array<i32>} : memref<800x128xf32, #tpu.memory_space<vmem>>, vector<16xf32>,
          tpu.vector_store %arg7[%parallel_loop3A_478, %parallel_loop3A_479], %parallel_loop3A_476 {strides = array<i32>} : memref<800x128xf32, #tpu.memory_space<vmem>>, vector<16xf32>,
          %parallel_loop3A_481 = arith.constant 48 : i32
          %parallel_loop3A_482 = vector.broadcast %parallel_loop3A_481 : i32 to vector<16xi32>
          %parallel_loop3A_483 = arith.addi %iota3A, %parallel_loop3A_482 : vector<16xi32>
          %parallel_loop3A_484 = tpu.vector_load_idx %arg5[%parallel_loop3A_456, %parallel_loop3A_483] : memref<4x128xf32, #tpu.memory_space<vmem>>[vector<16xi32>, vector<16xi32>], vector<16xf32>,
          %parallel_loop3A_485 = arith.addi %add3A_442, %parallel_loop3A_445 : i32
          %parallel_loop3A_486 = arith.index_cast %parallel_loop3A_485 : i32 to index
          %parallel_loop3A_487 = arith.constant 48 : index
          %parallel_loop3A_488 = tpu.vector_load %arg7[%parallel_loop3A_486, %parallel_loop3A_487] {strides = array<i32>} : memref<800x128xf32, #tpu.memory_space<vmem>>, vector<16xf32>,
          tpu.vector_store %arg7[%parallel_loop3A_486, %parallel_loop3A_487], %parallel_loop3A_484 {strides = array<i32>} : memref<800x128xf32, #tpu.memory_space<vmem>>, vector<16xf32>,
          %parallel_loop3A_489 = arith.constant 64 : i32
          %parallel_loop3A_490 = vector.broadcast %parallel_loop3A_489 : i32 to vector<16xi32>
          %parallel_loop3A_491 = arith.addi %iota3A, %parallel_loop3A_490 : vector<16xi32>
          %parallel_loop3A_492 = tpu.vector_load_idx %arg5[%parallel_loop3A_456, %parallel_loop3A_491] : memref<4x128xf32, #tpu.memory_space<vmem>>[vector<16xi32>, vector<16xi32>], vector<16xf32>,
          %parallel_loop3A_493 = arith.addi %add3A_442, %parallel_loop3A_445 : i32
          %parallel_loop3A_494 = arith.index_cast %parallel_loop3A_493 : i32 to index
          %parallel_loop3A_495 = arith.constant 64 : index
          %parallel_loop3A_496 = tpu.vector_load %arg7[%parallel_loop3A_494, %parallel_loop3A_495] {strides = array<i32>} : memref<800x128xf32, #tpu.memory_space<vmem>>, vector<16xf32>,
          tpu.vector_store %arg7[%parallel_loop3A_494, %parallel_loop3A_495], %parallel_loop3A_492 {strides = array<i32>} : memref<800x128xf32, #tpu.memory_space<vmem>>, vector<16xf32>,
          %parallel_loop3A_497 = arith.constant 80 : i32
          %parallel_loop3A_498 = vector.broadcast %parallel_loop3A_497 : i32 to vector<16xi32>
          %parallel_loop3A_499 = arith.addi %iota3A, %parallel_loop3A_498 : vector<16xi32>
          %parallel_loop3A_500 = tpu.vector_load_idx %arg5[%parallel_loop3A_456, %parallel_loop3A_499] : memref<4x128xf32, #tpu.memory_space<vmem>>[vector<16xi32>, vector<16xi32>], vector<16xf32>,
          %parallel_loop3A_501 = arith.addi %add3A_442, %parallel_loop3A_445 : i32
          %parallel_loop3A_502 = arith.index_cast %parallel_loop3A_501 : i32 to index
          %parallel_loop3A_503 = arith.constant 80 : index
          %parallel_loop3A_504 = tpu.vector_load %arg7[%parallel_loop3A_502, %parallel_loop3A_503] {strides = array<i32>} : memref<800x128xf32, #tpu.memory_space<vmem>>, vector<16xf32>,
          tpu.vector_store %arg7[%parallel_loop3A_502, %parallel_loop3A_503], %parallel_loop3A_500 {strides = array<i32>} : memref<800x128xf32, #tpu.memory_space<vmem>>, vector<16xf32>,
          %parallel_loop3A_505 = arith.constant 96 : i32
          %parallel_loop3A_506 = vector.broadcast %parallel_loop3A_505 : i32 to vector<16xi32>
          %parallel_loop3A_507 = arith.addi %iota3A, %parallel_loop3A_506 : vector<16xi32>
          %parallel_loop3A_508 = tpu.vector_load_idx %arg5[%parallel_loop3A_456, %parallel_loop3A_507] : memref<4x128xf32, #tpu.memory_space<vmem>>[vector<16xi32>, vector<16xi32>], vector<16xf32>,
          %parallel_loop3A_509 = arith.addi %add3A_442, %parallel_loop3A_445 : i32
          %parallel_loop3A_510 = arith.index_cast %parallel_loop3A_509 : i32 to index
          %parallel_loop3A_511 = arith.constant 96 : index
          %parallel_loop3A_512 = tpu.vector_load %arg7[%parallel_loop3A_510, %parallel_loop3A_511] {strides = array<i32>} : memref<800x128xf32, #tpu.memory_space<vmem>>, vector<16xf32>,
          tpu.vector_store %arg7[%parallel_loop3A_510, %parallel_loop3A_511], %parallel_loop3A_508 {strides = array<i32>} : memref<800x128xf32, #tpu.memory_space<vmem>>, vector<16xf32>,
          %parallel_loop3A_513 = arith.constant 112 : i32
          %parallel_loop3A_514 = vector.broadcast %parallel_loop3A_513 : i32 to vector<16xi32>
          %parallel_loop3A_515 = arith.addi %iota3A, %parallel_loop3A_514 : vector<16xi32>
          %parallel_loop3A_516 = tpu.vector_load_idx %arg5[%parallel_loop3A_456, %parallel_loop3A_515] : memref<4x128xf32, #tpu.memory_space<vmem>>[vector<16xi32>, vector<16xi32>], vector<16xf32>,
          %parallel_loop3A_517 = arith.addi %add3A_442, %parallel_loop3A_445 : i32
          %parallel_loop3A_518 = arith.index_cast %parallel_loop3A_517 : i32 to index
          %parallel_loop3A_519 = arith.constant 112 : index
          %parallel_loop3A_520 = tpu.vector_load %arg7[%parallel_loop3A_518, %parallel_loop3A_519] {strides = array<i32>} : memref<800x128xf32, #tpu.memory_space<vmem>>, vector<16xf32>,
          tpu.vector_store %arg7[%parallel_loop3A_518, %parallel_loop3A_519], %parallel_loop3A_516 {strides = array<i32>} : memref<800x128xf32, #tpu.memory_space<vmem>>, vector<16xf32>,
        } {sc.loop_unroll_factor = 4 : i64, sc.parallel_access}
      }
      %scan3A_299 = arith.constant 25 : i32
      %mul3A_300 = arith.constant 400 : i32
      %mul3A_301 = arith.muli %add3A_287, %mul3A_300 : i32
      %add3A_302 = arith.addi %mul3A_6, %mul3A_301 : i32
      %dma_start3A_303 = arith.constant 1 : i32
      %dma_start3A_304 = arith.constant 400 : i32
      %dma_start3A_305 = arith.constant 0 : i32
      %dma_start3A_306 = tpu.memref_slice %arg7[%dma_start3A_304, %dma_start3A_305] : memref<800x128xf32, #tpu.memory_space<vmem>> -> memref<400x128xf32, #tpu.memory_space<vmem>>
      %dma_start3A_307 = arith.constant 0 : i32
      %dma_start3A_308 = tpu.memref_slice %arg4[%add3A_302, %dma_start3A_307] : memref<3276800x128xf32, #tpu.memory_space<hbm>> -> memref<400x128xf32, #tpu.memory_space<hbm>>
      %dma_start3A_309 = tpu.memref_slice %arg10[%dma_start3A_303] : memref<2x!tpu.dma_semaphore, #tpu.memory_space<semaphore_mem>> -> memref<1x!tpu.dma_semaphore, #tpu.memory_space<semaphore_mem>>
      %dma_start3A_310 = tpu.memref_squeeze %dma_start3A_309 : memref<1x!tpu.dma_semaphore, #tpu.memory_space<semaphore_mem>> -> memref<!tpu.dma_semaphore, #tpu.memory_space<semaphore_mem>>
      %dma_start3A_311 = arith.constant 0 : i32
      %dma_start3A_312 = tpu.memref_slice %arg4[%add3A_302, %dma_start3A_311] : memref<3276800x128xf32, #tpu.memory_space<hbm>> -> memref<400x128xf32, #tpu.memory_space<hbm>>
      %dma_start3A_313 = arith.constant 400 : i32
      %dma_start3A_314 = arith.constant 0 : i32
      %dma_start3A_315 = tpu.memref_slice %arg7[%dma_start3A_313, %dma_start3A_314] : memref<800x128xf32, #tpu.memory_space<vmem>> -> memref<400x128xf32, #tpu.memory_space<vmem>>
      tpu.enqueue_dma source(%dma_start3A_315 : memref<400x128xf32, #tpu.memory_space<vmem>>) target(%dma_start3A_312 : memref<400x128xf32, #tpu.memory_space<hbm>>) target_semaphore(%dma_start3A_310 : memref<!tpu.dma_semaphore, #tpu.memory_space<semaphore_mem>>)
      %mul3A_316 = arith.constant 4 : i32
      %mul3A_317 = arith.muli %add3A_232, %mul3A_316 : i32
      %add3A_318 = arith.constant 2 : i32
      %add3A_319 = arith.addi %mul3A_317, %add3A_318 : i32
      %ge3A_320 = arith.constant 2 : i32
      %ge3A_321 = arith.cmpi sge, %add3A_319, %ge3A_320 : i32
      %convert_element_type3A_322 = arith.extui %ge3A_321 : i1 to i32
      %cond3A_323 = arith.constant 0 : i32
      %cond3A_324 = arith.cmpi ne, %convert_element_type3A_322, %cond3A_323 : i32
      scf.if %cond3A_324 {
        %sub3A = arith.constant 2 : i32
        %sub3A_387 = arith.subi %add3A_319, %sub3A : i32
        %mul3A_388 = arith.constant 400 : i32
        %mul3A_389 = arith.muli %sub3A_387, %mul3A_388 : i32
        %add3A_390 = arith.addi %mul3A_6, %mul3A_389 : i32
        %dma_wait3A_391 = arith.constant 0 : i32
        %dma_wait3A_392 = arith.constant 0 : i32
        %dma_wait3A_393 = arith.constant 0 : i32
        %dma_wait3A_394 = tpu.memref_slice %arg7[%dma_wait3A_392, %dma_wait3A_393] : memref<800x128xf32, #tpu.memory_space<vmem>> -> memref<400x128xf32, #tpu.memory_space<vmem>>
        %dma_wait3A_395 = arith.constant 0 : i32
        %dma_wait3A_396 = tpu.memref_slice %arg4[%add3A_390, %dma_wait3A_395] : memref<3276800x128xf32, #tpu.memory_space<hbm>> -> memref<400x128xf32, #tpu.memory_space<hbm>>
        %dma_wait3A_397 = tpu.memref_slice %arg10[%dma_wait3A_391] : memref<2x!tpu.dma_semaphore, #tpu.memory_space<semaphore_mem>> -> memref<1x!tpu.dma_semaphore, #tpu.memory_space<semaphore_mem>>
        %dma_wait3A_398 = tpu.memref_squeeze %dma_wait3A_397 : memref<1x!tpu.dma_semaphore, #tpu.memory_space<semaphore_mem>> -> memref<!tpu.dma_semaphore, #tpu.memory_space<semaphore_mem>>
        %dma_wait3A_399 = arith.constant 0 : i32
        %dma_wait3A_400 = tpu.memref_slice %arg4[%add3A_390, %dma_wait3A_399] : memref<3276800x128xf32, #tpu.memory_space<hbm>> -> memref<400x128xf32, #tpu.memory_space<hbm>>
        %dma_wait3A_401 = arith.constant 0 : i32
        %dma_wait3A_402 = arith.constant 0 : i32
        %dma_wait3A_403 = tpu.memref_slice %arg7[%dma_wait3A_401, %dma_wait3A_402] : memref<800x128xf32, #tpu.memory_space<vmem>> -> memref<400x128xf32, #tpu.memory_space<vmem>>
        tpu.wait_dma2 semaphore(%dma_wait3A_398 : memref<!tpu.dma_semaphore, #tpu.memory_space<semaphore_mem>>) src(%dma_wait3A_403 : memref<400x128xf32, #tpu.memory_space<vmem>>) dst(%dma_wait3A_400 : memref<400x128xf32, #tpu.memory_space<hbm>>)
      } else {
      }
      %broadcast_in_dim3A_325 = arith.constant 1 : i32
      %broadcast_in_dim3A_326 = vector.broadcast %broadcast_in_dim3A_325 : i32 to vector<16xi32>
      %scan3A_327 = arith.constant 0 : i32
      %scan3A_328 = arith.constant 25 : i32
      %scan3A_329 = arith.addi %scan3A_327, %scan3A_328 : i32
      %scan3A_330 = arith.constant 1 : i32
      scf.for %scan3A_387 = %scan3A_327 to %scan3A_329 step %scan3A_330  : i32 {
        %mul3A_388 = arith.constant 16 : i32
        %mul3A_389 = arith.muli %scan3A_387, %mul3A_388 : i32
        %add3A_390 = vector.broadcast %mul3A_389 : i32 to vector<16xi32>
        %add3A_391 = arith.addi %add3A_390, %iota3A : vector<16xi32>
        %jit3A = arith.constant 200 : i32
        %div3A = vector.broadcast %jit3A : i32 to vector<16xi32>
        %div3A_392 = arith.divsi %add3A_391, %div3A : vector<16xi32>
        %sign3A = arith.constant 0 : i32
        %sign3A_393 = vector.broadcast %sign3A : i32 to vector<16xi32>
        %sign3A_394 = arith.cmpi sgt, %add3A_391, %sign3A_393 : vector<16xi32>
        %sign3A_395 = arith.extui %sign3A_394 : vector<16xi1> to vector<16xi32>
        %sign3A_396 = arith.constant 0 : i32
        %sign3A_397 = vector.broadcast %sign3A_396 : i32 to vector<16xi32>
        %sign3A_398 = arith.cmpi slt, %add3A_391, %sign3A_397 : vector<16xi32>
        %sign3A_399 = arith.extui %sign3A_398 : vector<16xi1> to vector<16xi32>
        %sign3A_400 = arith.subi %sign3A_395, %sign3A_399 : vector<16xi32>
        %sign3A_401 = arith.constant 0 : i32
        %sign3A_402 = arith.cmpi sgt, %jit3A, %sign3A_401 : i32
        %sign3A_403 = arith.extui %sign3A_402 : i1 to i32
        %sign3A_404 = arith.constant 0 : i32
        %sign3A_405 = arith.cmpi slt, %jit3A, %sign3A_404 : i32
        %sign3A_406 = arith.extui %sign3A_405 : i1 to i32
        %sign3A_407 = arith.subi %sign3A_403, %sign3A_406 : i32
        %ne3A = vector.broadcast %sign3A_407 : i32 to vector<16xi32>
        %ne3A_408 = arith.cmpi ne, %sign3A_400, %ne3A : vector<16xi32>
        %rem3A = vector.broadcast %jit3A : i32 to vector<16xi32>
        %rem3A_409 = arith.remsi %add3A_391, %rem3A : vector<16xi32>
        %ne3A_410 = arith.constant 0 : i32
        %ne3A_411 = vector.broadcast %ne3A_410 : i32 to vector<16xi32>
        %ne3A_412 = arith.cmpi ne, %rem3A_409, %ne3A_411 : vector<16xi32>
        %and3A = arith.andi %ne3A_408, %ne3A_412 : vector<16xi1>
        %sub3A = arith.constant 1 : i32
        %sub3A_413 = vector.broadcast %sub3A : i32 to vector<16xi32>
        %sub3A_414 = arith.subi %div3A_392, %sub3A_413 : vector<16xi32>
        %select_n3A = arith.select %and3A, %sub3A_414, %div3A_392 : vector<16xi1>, vector<16xi32>
        %add3A_415 = arith.constant 4 : i32
        %add3A_416 = vector.broadcast %add3A_415 : i32 to vector<16xi32>
        %add3A_417 = arith.addi %add3A_416, %select_n3A : vector<16xi32>
        %jit3A_418 = arith.constant 200 : i32
        %eq3A = arith.constant 0 : i32
        %eq3A_419 = arith.cmpi eq, %jit3A_418, %eq3A : i32
        %jit3A_420 = arith.constant 1 : i32
        %select_n3A_421 = arith.select %eq3A_419, %jit3A_420, %jit3A_418 : i32
        %rem3A_422 = vector.broadcast %select_n3A_421 : i32 to vector<16xi32>
        %rem3A_423 = arith.remsi %add3A_391, %rem3A_422 : vector<16xi32>
        %ne3A_424 = arith.constant 0 : i32
        %ne3A_425 = vector.broadcast %ne3A_424 : i32 to vector<16xi32>
        %ne3A_426 = arith.cmpi ne, %rem3A_423, %ne3A_425 : vector<16xi32>
        %lt3A_427 = arith.constant 0 : i32
        %lt3A_428 = vector.broadcast %lt3A_427 : i32 to vector<16xi32>
        %lt3A_429 = arith.cmpi slt, %rem3A_423, %lt3A_428 : vector<16xi32>
        %lt3A_430 = arith.constant 0 : i32
        %lt3A_431 = arith.cmpi slt, %select_n3A_421, %lt3A_430 : i32
        %ne3A_432 = vector.broadcast %lt3A_431 : i1 to vector<16xi1>
        %ne3A_433 = vector.broadcast %ne3A_432 : vector<16xi1> to vector<16xi1>
        %ne3A_434 = arith.xori %lt3A_429, %ne3A_433 : vector<16xi1>
        %and3A_435 = arith.andi %ne3A_434, %ne3A_426 : vector<16xi1>
        %add3A_436 = vector.broadcast %select_n3A_421 : i32 to vector<16xi32>
        %add3A_437 = arith.addi %rem3A_423, %add3A_436 : vector<16xi32>
        %select_n3A_438 = arith.select %and3A_435, %add3A_437, %rem3A_423 : vector<16xi1>, vector<16xi32>
        %gather3A = tpu.vector_load_idx %arg6[%broadcast_in_dim3A_326, %add3A_417, %select_n3A_438] : memref<2x8x200xi32, #tpu.memory_space<vmem>>[vector<16xi32>, vector<16xi32>, vector<16xi32>], vector<16xi32>,
        %mul3A_439 = arith.constant 16 : i32
        %mul3A_440 = arith.muli %scan3A_387, %mul3A_439 : i32
        %add3A_441 = arith.constant 0 : i32
        %add3A_442 = arith.addi %add3A_441, %mul3A_440 : i32
        %parallel_loop3A = arith.constant 0 : i32
        %parallel_loop3A_443 = arith.constant 16 : i32
        %parallel_loop3A_444 = arith.constant 1 : i32
        scf.for %parallel_loop3A_445 = %parallel_loop3A to %parallel_loop3A_443 step %parallel_loop3A_444  : i32 {
          %parallel_loop3A_446 = vector.broadcast %parallel_loop3A_445 : i32 to vector<16xi32>
          %parallel_loop3A_447 = arith.constant 0 : i32
          %parallel_loop3A_448 = vector.broadcast %parallel_loop3A_447 : i32 to vector<16xi32>
          %parallel_loop3A_449 = arith.cmpi slt, %parallel_loop3A_446, %parallel_loop3A_448 : vector<16xi32>
          %parallel_loop3A_450 = arith.constant 16 : i32
          %parallel_loop3A_451 = vector.broadcast %parallel_loop3A_450 : i32 to vector<16xi32>
          %parallel_loop3A_452 = arith.addi %parallel_loop3A_446, %parallel_loop3A_451 : vector<16xi32>
          %parallel_loop3A_453 = arith.select %parallel_loop3A_449, %parallel_loop3A_452, %parallel_loop3A_446 : vector<16xi1>, vector<16xi32>
          %parallel_loop3A_454 = vector.shape_cast %parallel_loop3A_453 : vector<16xi32> to vector<16x1xi32>
          %parallel_loop3A_455 = vector.shape_cast %parallel_loop3A_454 : vector<16x1xi32> to vector<16xi32>
          %parallel_loop3A_456 = tpu.dynamic_gather %gather3A[%parallel_loop3A_455] in [0] : vector<16xi32>, vector<16xi32> -> vector<16xi32>
          %parallel_loop3A_457 = arith.constant 0 : i32
          %parallel_loop3A_458 = vector.broadcast %parallel_loop3A_457 : i32 to vector<16xi32>
          %parallel_loop3A_459 = arith.addi %iota3A, %parallel_loop3A_458 : vector<16xi32>
          %parallel_loop3A_460 = tpu.vector_load_idx %arg5[%parallel_loop3A_456, %parallel_loop3A_459] : memref<4x128xf32, #tpu.memory_space<vmem>>[vector<16xi32>, vector<16xi32>], vector<16xf32>,
          %parallel_loop3A_461 = arith.addi %add3A_442, %parallel_loop3A_445 : i32
          %parallel_loop3A_462 = arith.index_cast %parallel_loop3A_461 : i32 to index
          %parallel_loop3A_463 = arith.constant 0 : index
          %parallel_loop3A_464 = tpu.vector_load %arg7[%parallel_loop3A_462, %parallel_loop3A_463] {strides = array<i32>} : memref<800x128xf32, #tpu.memory_space<vmem>>, vector<16xf32>,
          tpu.vector_store %arg7[%parallel_loop3A_462, %parallel_loop3A_463], %parallel_loop3A_460 {strides = array<i32>} : memref<800x128xf32, #tpu.memory_space<vmem>>, vector<16xf32>,
          %parallel_loop3A_465 = arith.constant 16 : i32
          %parallel_loop3A_466 = vector.broadcast %parallel_loop3A_465 : i32 to vector<16xi32>
          %parallel_loop3A_467 = arith.addi %iota3A, %parallel_loop3A_466 : vector<16xi32>
          %parallel_loop3A_468 = tpu.vector_load_idx %arg5[%parallel_loop3A_456, %parallel_loop3A_467] : memref<4x128xf32, #tpu.memory_space<vmem>>[vector<16xi32>, vector<16xi32>], vector<16xf32>,
          %parallel_loop3A_469 = arith.addi %add3A_442, %parallel_loop3A_445 : i32
          %parallel_loop3A_470 = arith.index_cast %parallel_loop3A_469 : i32 to index
          %parallel_loop3A_471 = arith.constant 16 : index
          %parallel_loop3A_472 = tpu.vector_load %arg7[%parallel_loop3A_470, %parallel_loop3A_471] {strides = array<i32>} : memref<800x128xf32, #tpu.memory_space<vmem>>, vector<16xf32>,
          tpu.vector_store %arg7[%parallel_loop3A_470, %parallel_loop3A_471], %parallel_loop3A_468 {strides = array<i32>} : memref<800x128xf32, #tpu.memory_space<vmem>>, vector<16xf32>,
          %parallel_loop3A_473 = arith.constant 32 : i32
          %parallel_loop3A_474 = vector.broadcast %parallel_loop3A_473 : i32 to vector<16xi32>
          %parallel_loop3A_475 = arith.addi %iota3A, %parallel_loop3A_474 : vector<16xi32>
          %parallel_loop3A_476 = tpu.vector_load_idx %arg5[%parallel_loop3A_456, %parallel_loop3A_475] : memref<4x128xf32, #tpu.memory_space<vmem>>[vector<16xi32>, vector<16xi32>], vector<16xf32>,
          %parallel_loop3A_477 = arith.addi %add3A_442, %parallel_loop3A_445 : i32
          %parallel_loop3A_478 = arith.index_cast %parallel_loop3A_477 : i32 to index
          %parallel_loop3A_479 = arith.constant 32 : index
          %parallel_loop3A_480 = tpu.vector_load %arg7[%parallel_loop3A_478, %parallel_loop3A_479] {strides = array<i32>} : memref<800x128xf32, #tpu.memory_space<vmem>>, vector<16xf32>,
          tpu.vector_store %arg7[%parallel_loop3A_478, %parallel_loop3A_479], %parallel_loop3A_476 {strides = array<i32>} : memref<800x128xf32, #tpu.memory_space<vmem>>, vector<16xf32>,
          %parallel_loop3A_481 = arith.constant 48 : i32
          %parallel_loop3A_482 = vector.broadcast %parallel_loop3A_481 : i32 to vector<16xi32>
          %parallel_loop3A_483 = arith.addi %iota3A, %parallel_loop3A_482 : vector<16xi32>
          %parallel_loop3A_484 = tpu.vector_load_idx %arg5[%parallel_loop3A_456, %parallel_loop3A_483] : memref<4x128xf32, #tpu.memory_space<vmem>>[vector<16xi32>, vector<16xi32>], vector<16xf32>,
          %parallel_loop3A_485 = arith.addi %add3A_442, %parallel_loop3A_445 : i32
          %parallel_loop3A_486 = arith.index_cast %parallel_loop3A_485 : i32 to index
          %parallel_loop3A_487 = arith.constant 48 : index
          %parallel_loop3A_488 = tpu.vector_load %arg7[%parallel_loop3A_486, %parallel_loop3A_487] {strides = array<i32>} : memref<800x128xf32, #tpu.memory_space<vmem>>, vector<16xf32>,
          tpu.vector_store %arg7[%parallel_loop3A_486, %parallel_loop3A_487], %parallel_loop3A_484 {strides = array<i32>} : memref<800x128xf32, #tpu.memory_space<vmem>>, vector<16xf32>,
          %parallel_loop3A_489 = arith.constant 64 : i32
          %parallel_loop3A_490 = vector.broadcast %parallel_loop3A_489 : i32 to vector<16xi32>
          %parallel_loop3A_491 = arith.addi %iota3A, %parallel_loop3A_490 : vector<16xi32>
          %parallel_loop3A_492 = tpu.vector_load_idx %arg5[%parallel_loop3A_456, %parallel_loop3A_491] : memref<4x128xf32, #tpu.memory_space<vmem>>[vector<16xi32>, vector<16xi32>], vector<16xf32>,
          %parallel_loop3A_493 = arith.addi %add3A_442, %parallel_loop3A_445 : i32
          %parallel_loop3A_494 = arith.index_cast %parallel_loop3A_493 : i32 to index
          %parallel_loop3A_495 = arith.constant 64 : index
          %parallel_loop3A_496 = tpu.vector_load %arg7[%parallel_loop3A_494, %parallel_loop3A_495] {strides = array<i32>} : memref<800x128xf32, #tpu.memory_space<vmem>>, vector<16xf32>,
          tpu.vector_store %arg7[%parallel_loop3A_494, %parallel_loop3A_495], %parallel_loop3A_492 {strides = array<i32>} : memref<800x128xf32, #tpu.memory_space<vmem>>, vector<16xf32>,
          %parallel_loop3A_497 = arith.constant 80 : i32
          %parallel_loop3A_498 = vector.broadcast %parallel_loop3A_497 : i32 to vector<16xi32>
          %parallel_loop3A_499 = arith.addi %iota3A, %parallel_loop3A_498 : vector<16xi32>
          %parallel_loop3A_500 = tpu.vector_load_idx %arg5[%parallel_loop3A_456, %parallel_loop3A_499] : memref<4x128xf32, #tpu.memory_space<vmem>>[vector<16xi32>, vector<16xi32>], vector<16xf32>,
          %parallel_loop3A_501 = arith.addi %add3A_442, %parallel_loop3A_445 : i32
          %parallel_loop3A_502 = arith.index_cast %parallel_loop3A_501 : i32 to index
          %parallel_loop3A_503 = arith.constant 80 : index
          %parallel_loop3A_504 = tpu.vector_load %arg7[%parallel_loop3A_502, %parallel_loop3A_503] {strides = array<i32>} : memref<800x128xf32, #tpu.memory_space<vmem>>, vector<16xf32>,
          tpu.vector_store %arg7[%parallel_loop3A_502, %parallel_loop3A_503], %parallel_loop3A_500 {strides = array<i32>} : memref<800x128xf32, #tpu.memory_space<vmem>>, vector<16xf32>,
          %parallel_loop3A_505 = arith.constant 96 : i32
          %parallel_loop3A_506 = vector.broadcast %parallel_loop3A_505 : i32 to vector<16xi32>
          %parallel_loop3A_507 = arith.addi %iota3A, %parallel_loop3A_506 : vector<16xi32>
          %parallel_loop3A_508 = tpu.vector_load_idx %arg5[%parallel_loop3A_456, %parallel_loop3A_507] : memref<4x128xf32, #tpu.memory_space<vmem>>[vector<16xi32>, vector<16xi32>], vector<16xf32>,
          %parallel_loop3A_509 = arith.addi %add3A_442, %parallel_loop3A_445 : i32
          %parallel_loop3A_510 = arith.index_cast %parallel_loop3A_509 : i32 to index
          %parallel_loop3A_511 = arith.constant 96 : index
          %parallel_loop3A_512 = tpu.vector_load %arg7[%parallel_loop3A_510, %parallel_loop3A_511] {strides = array<i32>} : memref<800x128xf32, #tpu.memory_space<vmem>>, vector<16xf32>,
          tpu.vector_store %arg7[%parallel_loop3A_510, %parallel_loop3A_511], %parallel_loop3A_508 {strides = array<i32>} : memref<800x128xf32, #tpu.memory_space<vmem>>, vector<16xf32>,
          %parallel_loop3A_513 = arith.constant 112 : i32
          %parallel_loop3A_514 = vector.broadcast %parallel_loop3A_513 : i32 to vector<16xi32>
          %parallel_loop3A_515 = arith.addi %iota3A, %parallel_loop3A_514 : vector<16xi32>
          %parallel_loop3A_516 = tpu.vector_load_idx %arg5[%parallel_loop3A_456, %parallel_loop3A_515] : memref<4x128xf32, #tpu.memory_space<vmem>>[vector<16xi32>, vector<16xi32>], vector<16xf32>,
          %parallel_loop3A_517 = arith.addi %add3A_442, %parallel_loop3A_445 : i32
          %parallel_loop3A_518 = arith.index_cast %parallel_loop3A_517 : i32 to index
          %parallel_loop3A_519 = arith.constant 112 : index
          %parallel_loop3A_520 = tpu.vector_load %arg7[%parallel_loop3A_518, %parallel_loop3A_519] {strides = array<i32>} : memref<800x128xf32, #tpu.memory_space<vmem>>, vector<16xf32>,
          tpu.vector_store %arg7[%parallel_loop3A_518, %parallel_loop3A_519], %parallel_loop3A_516 {strides = array<i32>} : memref<800x128xf32, #tpu.memory_space<vmem>>, vector<16xf32>,
        } {sc.loop_unroll_factor = 4 : i64, sc.parallel_access}
      }
      %scan3A_331 = arith.constant 25 : i32
      %mul3A_332 = arith.constant 400 : i32
      %mul3A_333 = arith.muli %add3A_319, %mul3A_332 : i32
      %add3A_334 = arith.addi %mul3A_6, %mul3A_333 : i32
      %dma_start3A_335 = arith.constant 0 : i32
      %dma_start3A_336 = arith.constant 0 : i32
      %dma_start3A_337 = arith.constant 0 : i32
      %dma_start3A_338 = tpu.memref_slice %arg7[%dma_start3A_336, %dma_start3A_337] : memref<800x128xf32, #tpu.memory_space<vmem>> -> memref<400x128xf32, #tpu.memory_space<vmem>>
      %dma_start3A_339 = arith.constant 0 : i32
      %dma_start3A_340 = tpu.memref_slice %arg4[%add3A_334, %dma_start3A_339] : memref<3276800x128xf32, #tpu.memory_space<hbm>> -> memref<400x128xf32, #tpu.memory_space<hbm>>
      %dma_start3A_341 = tpu.memref_slice %arg10[%dma_start3A_335] : memref<2x!tpu.dma_semaphore, #tpu.memory_space<semaphore_mem>> -> memref<1x!tpu.dma_semaphore, #tpu.memory_space<semaphore_mem>>
      %dma_start3A_342 = tpu.memref_squeeze %dma_start3A_341 : memref<1x!tpu.dma_semaphore, #tpu.memory_space<semaphore_mem>> -> memref<!tpu.dma_semaphore, #tpu.memory_space<semaphore_mem>>
      %dma_start3A_343 = arith.constant 0 : i32
      %dma_start3A_344 = tpu.memref_slice %arg4[%add3A_334, %dma_start3A_343] : memref<3276800x128xf32, #tpu.memory_space<hbm>> -> memref<400x128xf32, #tpu.memory_space<hbm>>
      %dma_start3A_345 = arith.constant 0 : i32
      %dma_start3A_346 = arith.constant 0 : i32
      %dma_start3A_347 = tpu.memref_slice %arg7[%dma_start3A_345, %dma_start3A_346] : memref<800x128xf32, #tpu.memory_space<vmem>> -> memref<400x128xf32, #tpu.memory_space<vmem>>
      tpu.enqueue_dma source(%dma_start3A_347 : memref<400x128xf32, #tpu.memory_space<vmem>>) target(%dma_start3A_344 : memref<400x128xf32, #tpu.memory_space<hbm>>) target_semaphore(%dma_start3A_342 : memref<!tpu.dma_semaphore, #tpu.memory_space<semaphore_mem>>)
      %mul3A_348 = arith.constant 4 : i32
      %mul3A_349 = arith.muli %add3A_232, %mul3A_348 : i32
      %add3A_350 = arith.constant 3 : i32
      %add3A_351 = arith.addi %mul3A_349, %add3A_350 : i32
      %ge3A_352 = arith.constant 2 : i32
      %ge3A_353 = arith.cmpi sge, %add3A_351, %ge3A_352 : i32
      %convert_element_type3A_354 = arith.extui %ge3A_353 : i1 to i32
      %cond3A_355 = arith.constant 0 : i32
      %cond3A_356 = arith.cmpi ne, %convert_element_type3A_354, %cond3A_355 : i32
      scf.if %cond3A_356 {
        %sub3A = arith.constant 2 : i32
        %sub3A_387 = arith.subi %add3A_351, %sub3A : i32
        %mul3A_388 = arith.constant 400 : i32
        %mul3A_389 = arith.muli %sub3A_387, %mul3A_388 : i32
        %add3A_390 = arith.addi %mul3A_6, %mul3A_389 : i32
        %dma_wait3A_391 = arith.constant 1 : i32
        %dma_wait3A_392 = arith.constant 400 : i32
        %dma_wait3A_393 = arith.constant 0 : i32
        %dma_wait3A_394 = tpu.memref_slice %arg7[%dma_wait3A_392, %dma_wait3A_393] : memref<800x128xf32, #tpu.memory_space<vmem>> -> memref<400x128xf32, #tpu.memory_space<vmem>>
        %dma_wait3A_395 = arith.constant 0 : i32
        %dma_wait3A_396 = tpu.memref_slice %arg4[%add3A_390, %dma_wait3A_395] : memref<3276800x128xf32, #tpu.memory_space<hbm>> -> memref<400x128xf32, #tpu.memory_space<hbm>>
        %dma_wait3A_397 = tpu.memref_slice %arg10[%dma_wait3A_391] : memref<2x!tpu.dma_semaphore, #tpu.memory_space<semaphore_mem>> -> memref<1x!tpu.dma_semaphore, #tpu.memory_space<semaphore_mem>>
        %dma_wait3A_398 = tpu.memref_squeeze %dma_wait3A_397 : memref<1x!tpu.dma_semaphore, #tpu.memory_space<semaphore_mem>> -> memref<!tpu.dma_semaphore, #tpu.memory_space<semaphore_mem>>
        %dma_wait3A_399 = arith.constant 0 : i32
        %dma_wait3A_400 = tpu.memref_slice %arg4[%add3A_390, %dma_wait3A_399] : memref<3276800x128xf32, #tpu.memory_space<hbm>> -> memref<400x128xf32, #tpu.memory_space<hbm>>
        %dma_wait3A_401 = arith.constant 400 : i32
        %dma_wait3A_402 = arith.constant 0 : i32
        %dma_wait3A_403 = tpu.memref_slice %arg7[%dma_wait3A_401, %dma_wait3A_402] : memref<800x128xf32, #tpu.memory_space<vmem>> -> memref<400x128xf32, #tpu.memory_space<vmem>>
        tpu.wait_dma2 semaphore(%dma_wait3A_398 : memref<!tpu.dma_semaphore, #tpu.memory_space<semaphore_mem>>) src(%dma_wait3A_403 : memref<400x128xf32, #tpu.memory_space<vmem>>) dst(%dma_wait3A_400 : memref<400x128xf32, #tpu.memory_space<hbm>>)
      } else {
      }
      %broadcast_in_dim3A_357 = arith.constant 1 : i32
      %broadcast_in_dim3A_358 = vector.broadcast %broadcast_in_dim3A_357 : i32 to vector<16xi32>
      %scan3A_359 = arith.constant 0 : i32
      %scan3A_360 = arith.constant 25 : i32
      %scan3A_361 = arith.addi %scan3A_359, %scan3A_360 : i32
      %scan3A_362 = arith.constant 1 : i32
      scf.for %scan3A_387 = %scan3A_359 to %scan3A_361 step %scan3A_362  : i32 {
        %mul3A_388 = arith.constant 16 : i32
        %mul3A_389 = arith.muli %scan3A_387, %mul3A_388 : i32
        %add3A_390 = vector.broadcast %mul3A_389 : i32 to vector<16xi32>
        %add3A_391 = arith.addi %add3A_390, %iota3A : vector<16xi32>
        %jit3A = arith.constant 200 : i32
        %div3A = vector.broadcast %jit3A : i32 to vector<16xi32>
        %div3A_392 = arith.divsi %add3A_391, %div3A : vector<16xi32>
        %sign3A = arith.constant 0 : i32
        %sign3A_393 = vector.broadcast %sign3A : i32 to vector<16xi32>
        %sign3A_394 = arith.cmpi sgt, %add3A_391, %sign3A_393 : vector<16xi32>
        %sign3A_395 = arith.extui %sign3A_394 : vector<16xi1> to vector<16xi32>
        %sign3A_396 = arith.constant 0 : i32
        %sign3A_397 = vector.broadcast %sign3A_396 : i32 to vector<16xi32>
        %sign3A_398 = arith.cmpi slt, %add3A_391, %sign3A_397 : vector<16xi32>
        %sign3A_399 = arith.extui %sign3A_398 : vector<16xi1> to vector<16xi32>
        %sign3A_400 = arith.subi %sign3A_395, %sign3A_399 : vector<16xi32>
        %sign3A_401 = arith.constant 0 : i32
        %sign3A_402 = arith.cmpi sgt, %jit3A, %sign3A_401 : i32
        %sign3A_403 = arith.extui %sign3A_402 : i1 to i32
        %sign3A_404 = arith.constant 0 : i32
        %sign3A_405 = arith.cmpi slt, %jit3A, %sign3A_404 : i32
        %sign3A_406 = arith.extui %sign3A_405 : i1 to i32
        %sign3A_407 = arith.subi %sign3A_403, %sign3A_406 : i32
        %ne3A = vector.broadcast %sign3A_407 : i32 to vector<16xi32>
        %ne3A_408 = arith.cmpi ne, %sign3A_400, %ne3A : vector<16xi32>
        %rem3A = vector.broadcast %jit3A : i32 to vector<16xi32>
        %rem3A_409 = arith.remsi %add3A_391, %rem3A : vector<16xi32>
        %ne3A_410 = arith.constant 0 : i32
        %ne3A_411 = vector.broadcast %ne3A_410 : i32 to vector<16xi32>
        %ne3A_412 = arith.cmpi ne, %rem3A_409, %ne3A_411 : vector<16xi32>
        %and3A = arith.andi %ne3A_408, %ne3A_412 : vector<16xi1>
        %sub3A = arith.constant 1 : i32
        %sub3A_413 = vector.broadcast %sub3A : i32 to vector<16xi32>
        %sub3A_414 = arith.subi %div3A_392, %sub3A_413 : vector<16xi32>
        %select_n3A = arith.select %and3A, %sub3A_414, %div3A_392 : vector<16xi1>, vector<16xi32>
        %add3A_415 = arith.constant 6 : i32
        %add3A_416 = vector.broadcast %add3A_415 : i32 to vector<16xi32>
        %add3A_417 = arith.addi %add3A_416, %select_n3A : vector<16xi32>
        %jit3A_418 = arith.constant 200 : i32
        %eq3A = arith.constant 0 : i32
        %eq3A_419 = arith.cmpi eq, %jit3A_418, %eq3A : i32
        %jit3A_420 = arith.constant 1 : i32
        %select_n3A_421 = arith.select %eq3A_419, %jit3A_420, %jit3A_418 : i32
        %rem3A_422 = vector.broadcast %select_n3A_421 : i32 to vector<16xi32>
        %rem3A_423 = arith.remsi %add3A_391, %rem3A_422 : vector<16xi32>
        %ne3A_424 = arith.constant 0 : i32
        %ne3A_425 = vector.broadcast %ne3A_424 : i32 to vector<16xi32>
        %ne3A_426 = arith.cmpi ne, %rem3A_423, %ne3A_425 : vector<16xi32>
        %lt3A_427 = arith.constant 0 : i32
        %lt3A_428 = vector.broadcast %lt3A_427 : i32 to vector<16xi32>
        %lt3A_429 = arith.cmpi slt, %rem3A_423, %lt3A_428 : vector<16xi32>
        %lt3A_430 = arith.constant 0 : i32
        %lt3A_431 = arith.cmpi slt, %select_n3A_421, %lt3A_430 : i32
        %ne3A_432 = vector.broadcast %lt3A_431 : i1 to vector<16xi1>
        %ne3A_433 = vector.broadcast %ne3A_432 : vector<16xi1> to vector<16xi1>
        %ne3A_434 = arith.xori %lt3A_429, %ne3A_433 : vector<16xi1>
        %and3A_435 = arith.andi %ne3A_434, %ne3A_426 : vector<16xi1>
        %add3A_436 = vector.broadcast %select_n3A_421 : i32 to vector<16xi32>
        %add3A_437 = arith.addi %rem3A_423, %add3A_436 : vector<16xi32>
        %select_n3A_438 = arith.select %and3A_435, %add3A_437, %rem3A_423 : vector<16xi1>, vector<16xi32>
        %gather3A = tpu.vector_load_idx %arg6[%broadcast_in_dim3A_358, %add3A_417, %select_n3A_438] : memref<2x8x200xi32, #tpu.memory_space<vmem>>[vector<16xi32>, vector<16xi32>, vector<16xi32>], vector<16xi32>,
        %mul3A_439 = arith.constant 16 : i32
        %mul3A_440 = arith.muli %scan3A_387, %mul3A_439 : i32
        %add3A_441 = arith.constant 400 : i32
        %add3A_442 = arith.addi %add3A_441, %mul3A_440 : i32
        %parallel_loop3A = arith.constant 0 : i32
        %parallel_loop3A_443 = arith.constant 16 : i32
        %parallel_loop3A_444 = arith.constant 1 : i32
        scf.for %parallel_loop3A_445 = %parallel_loop3A to %parallel_loop3A_443 step %parallel_loop3A_444  : i32 {
          %parallel_loop3A_446 = vector.broadcast %parallel_loop3A_445 : i32 to vector<16xi32>
          %parallel_loop3A_447 = arith.constant 0 : i32
          %parallel_loop3A_448 = vector.broadcast %parallel_loop3A_447 : i32 to vector<16xi32>
          %parallel_loop3A_449 = arith.cmpi slt, %parallel_loop3A_446, %parallel_loop3A_448 : vector<16xi32>
          %parallel_loop3A_450 = arith.constant 16 : i32
          %parallel_loop3A_451 = vector.broadcast %parallel_loop3A_450 : i32 to vector<16xi32>
          %parallel_loop3A_452 = arith.addi %parallel_loop3A_446, %parallel_loop3A_451 : vector<16xi32>
          %parallel_loop3A_453 = arith.select %parallel_loop3A_449, %parallel_loop3A_452, %parallel_loop3A_446 : vector<16xi1>, vector<16xi32>
          %parallel_loop3A_454 = vector.shape_cast %parallel_loop3A_453 : vector<16xi32> to vector<16x1xi32>
          %parallel_loop3A_455 = vector.shape_cast %parallel_loop3A_454 : vector<16x1xi32> to vector<16xi32>
          %parallel_loop3A_456 = tpu.dynamic_gather %gather3A[%parallel_loop3A_455] in [0] : vector<16xi32>, vector<16xi32> -> vector<16xi32>
          %parallel_loop3A_457 = arith.constant 0 : i32
          %parallel_loop3A_458 = vector.broadcast %parallel_loop3A_457 : i32 to vector<16xi32>
          %parallel_loop3A_459 = arith.addi %iota3A, %parallel_loop3A_458 : vector<16xi32>
          %parallel_loop3A_460 = tpu.vector_load_idx %arg5[%parallel_loop3A_456, %parallel_loop3A_459] : memref<4x128xf32, #tpu.memory_space<vmem>>[vector<16xi32>, vector<16xi32>], vector<16xf32>,
          %parallel_loop3A_461 = arith.addi %add3A_442, %parallel_loop3A_445 : i32
          %parallel_loop3A_462 = arith.index_cast %parallel_loop3A_461 : i32 to index
          %parallel_loop3A_463 = arith.constant 0 : index
          %parallel_loop3A_464 = tpu.vector_load %arg7[%parallel_loop3A_462, %parallel_loop3A_463] {strides = array<i32>} : memref<800x128xf32, #tpu.memory_space<vmem>>, vector<16xf32>,
          tpu.vector_store %arg7[%parallel_loop3A_462, %parallel_loop3A_463], %parallel_loop3A_460 {strides = array<i32>} : memref<800x128xf32, #tpu.memory_space<vmem>>, vector<16xf32>,
          %parallel_loop3A_465 = arith.constant 16 : i32
          %parallel_loop3A_466 = vector.broadcast %parallel_loop3A_465 : i32 to vector<16xi32>
          %parallel_loop3A_467 = arith.addi %iota3A, %parallel_loop3A_466 : vector<16xi32>
          %parallel_loop3A_468 = tpu.vector_load_idx %arg5[%parallel_loop3A_456, %parallel_loop3A_467] : memref<4x128xf32, #tpu.memory_space<vmem>>[vector<16xi32>, vector<16xi32>], vector<16xf32>,
          %parallel_loop3A_469 = arith.addi %add3A_442, %parallel_loop3A_445 : i32
          %parallel_loop3A_470 = arith.index_cast %parallel_loop3A_469 : i32 to index
          %parallel_loop3A_471 = arith.constant 16 : index
          %parallel_loop3A_472 = tpu.vector_load %arg7[%parallel_loop3A_470, %parallel_loop3A_471] {strides = array<i32>} : memref<800x128xf32, #tpu.memory_space<vmem>>, vector<16xf32>,
          tpu.vector_store %arg7[%parallel_loop3A_470, %parallel_loop3A_471], %parallel_loop3A_468 {strides = array<i32>} : memref<800x128xf32, #tpu.memory_space<vmem>>, vector<16xf32>,
          %parallel_loop3A_473 = arith.constant 32 : i32
          %parallel_loop3A_474 = vector.broadcast %parallel_loop3A_473 : i32 to vector<16xi32>
          %parallel_loop3A_475 = arith.addi %iota3A, %parallel_loop3A_474 : vector<16xi32>
          %parallel_loop3A_476 = tpu.vector_load_idx %arg5[%parallel_loop3A_456, %parallel_loop3A_475] : memref<4x128xf32, #tpu.memory_space<vmem>>[vector<16xi32>, vector<16xi32>], vector<16xf32>,
          %parallel_loop3A_477 = arith.addi %add3A_442, %parallel_loop3A_445 : i32
          %parallel_loop3A_478 = arith.index_cast %parallel_loop3A_477 : i32 to index
          %parallel_loop3A_479 = arith.constant 32 : index
          %parallel_loop3A_480 = tpu.vector_load %arg7[%parallel_loop3A_478, %parallel_loop3A_479] {strides = array<i32>} : memref<800x128xf32, #tpu.memory_space<vmem>>, vector<16xf32>,
          tpu.vector_store %arg7[%parallel_loop3A_478, %parallel_loop3A_479], %parallel_loop3A_476 {strides = array<i32>} : memref<800x128xf32, #tpu.memory_space<vmem>>, vector<16xf32>,
          %parallel_loop3A_481 = arith.constant 48 : i32
          %parallel_loop3A_482 = vector.broadcast %parallel_loop3A_481 : i32 to vector<16xi32>
          %parallel_loop3A_483 = arith.addi %iota3A, %parallel_loop3A_482 : vector<16xi32>
          %parallel_loop3A_484 = tpu.vector_load_idx %arg5[%parallel_loop3A_456, %parallel_loop3A_483] : memref<4x128xf32, #tpu.memory_space<vmem>>[vector<16xi32>, vector<16xi32>], vector<16xf32>,
          %parallel_loop3A_485 = arith.addi %add3A_442, %parallel_loop3A_445 : i32
          %parallel_loop3A_486 = arith.index_cast %parallel_loop3A_485 : i32 to index
          %parallel_loop3A_487 = arith.constant 48 : index
          %parallel_loop3A_488 = tpu.vector_load %arg7[%parallel_loop3A_486, %parallel_loop3A_487] {strides = array<i32>} : memref<800x128xf32, #tpu.memory_space<vmem>>, vector<16xf32>,
          tpu.vector_store %arg7[%parallel_loop3A_486, %parallel_loop3A_487], %parallel_loop3A_484 {strides = array<i32>} : memref<800x128xf32, #tpu.memory_space<vmem>>, vector<16xf32>,
          %parallel_loop3A_489 = arith.constant 64 : i32
          %parallel_loop3A_490 = vector.broadcast %parallel_loop3A_489 : i32 to vector<16xi32>
          %parallel_loop3A_491 = arith.addi %iota3A, %parallel_loop3A_490 : vector<16xi32>
          %parallel_loop3A_492 = tpu.vector_load_idx %arg5[%parallel_loop3A_456, %parallel_loop3A_491] : memref<4x128xf32, #tpu.memory_space<vmem>>[vector<16xi32>, vector<16xi32>], vector<16xf32>,
          %parallel_loop3A_493 = arith.addi %add3A_442, %parallel_loop3A_445 : i32
          %parallel_loop3A_494 = arith.index_cast %parallel_loop3A_493 : i32 to index
          %parallel_loop3A_495 = arith.constant 64 : index
          %parallel_loop3A_496 = tpu.vector_load %arg7[%parallel_loop3A_494, %parallel_loop3A_495] {strides = array<i32>} : memref<800x128xf32, #tpu.memory_space<vmem>>, vector<16xf32>,
          tpu.vector_store %arg7[%parallel_loop3A_494, %parallel_loop3A_495], %parallel_loop3A_492 {strides = array<i32>} : memref<800x128xf32, #tpu.memory_space<vmem>>, vector<16xf32>,
          %parallel_loop3A_497 = arith.constant 80 : i32
          %parallel_loop3A_498 = vector.broadcast %parallel_loop3A_497 : i32 to vector<16xi32>
          %parallel_loop3A_499 = arith.addi %iota3A, %parallel_loop3A_498 : vector<16xi32>
          %parallel_loop3A_500 = tpu.vector_load_idx %arg5[%parallel_loop3A_456, %parallel_loop3A_499] : memref<4x128xf32, #tpu.memory_space<vmem>>[vector<16xi32>, vector<16xi32>], vector<16xf32>,
          %parallel_loop3A_501 = arith.addi %add3A_442, %parallel_loop3A_445 : i32
          %parallel_loop3A_502 = arith.index_cast %parallel_loop3A_501 : i32 to index
          %parallel_loop3A_503 = arith.constant 80 : index
          %parallel_loop3A_504 = tpu.vector_load %arg7[%parallel_loop3A_502, %parallel_loop3A_503] {strides = array<i32>} : memref<800x128xf32, #tpu.memory_space<vmem>>, vector<16xf32>,
          tpu.vector_store %arg7[%parallel_loop3A_502, %parallel_loop3A_503], %parallel_loop3A_500 {strides = array<i32>} : memref<800x128xf32, #tpu.memory_space<vmem>>, vector<16xf32>,
          %parallel_loop3A_505 = arith.constant 96 : i32
          %parallel_loop3A_506 = vector.broadcast %parallel_loop3A_505 : i32 to vector<16xi32>
          %parallel_loop3A_507 = arith.addi %iota3A, %parallel_loop3A_506 : vector<16xi32>
          %parallel_loop3A_508 = tpu.vector_load_idx %arg5[%parallel_loop3A_456, %parallel_loop3A_507] : memref<4x128xf32, #tpu.memory_space<vmem>>[vector<16xi32>, vector<16xi32>], vector<16xf32>,
          %parallel_loop3A_509 = arith.addi %add3A_442, %parallel_loop3A_445 : i32
          %parallel_loop3A_510 = arith.index_cast %parallel_loop3A_509 : i32 to index
          %parallel_loop3A_511 = arith.constant 96 : index
          %parallel_loop3A_512 = tpu.vector_load %arg7[%parallel_loop3A_510, %parallel_loop3A_511] {strides = array<i32>} : memref<800x128xf32, #tpu.memory_space<vmem>>, vector<16xf32>,
          tpu.vector_store %arg7[%parallel_loop3A_510, %parallel_loop3A_511], %parallel_loop3A_508 {strides = array<i32>} : memref<800x128xf32, #tpu.memory_space<vmem>>, vector<16xf32>,
          %parallel_loop3A_513 = arith.constant 112 : i32
          %parallel_loop3A_514 = vector.broadcast %parallel_loop3A_513 : i32 to vector<16xi32>
          %parallel_loop3A_515 = arith.addi %iota3A, %parallel_loop3A_514 : vector<16xi32>
          %parallel_loop3A_516 = tpu.vector_load_idx %arg5[%parallel_loop3A_456, %parallel_loop3A_515] : memref<4x128xf32, #tpu.memory_space<vmem>>[vector<16xi32>, vector<16xi32>], vector<16xf32>,
          %parallel_loop3A_517 = arith.addi %add3A_442, %parallel_loop3A_445 : i32
          %parallel_loop3A_518 = arith.index_cast %parallel_loop3A_517 : i32 to index
          %parallel_loop3A_519 = arith.constant 112 : index
          %parallel_loop3A_520 = tpu.vector_load %arg7[%parallel_loop3A_518, %parallel_loop3A_519] {strides = array<i32>} : memref<800x128xf32, #tpu.memory_space<vmem>>, vector<16xf32>,
          tpu.vector_store %arg7[%parallel_loop3A_518, %parallel_loop3A_519], %parallel_loop3A_516 {strides = array<i32>} : memref<800x128xf32, #tpu.memory_space<vmem>>, vector<16xf32>,
        } {sc.loop_unroll_factor = 4 : i64, sc.parallel_access}
      }
      %scan3A_363 = arith.constant 25 : i32
      %mul3A_364 = arith.constant 400 : i32
      %mul3A_365 = arith.muli %add3A_351, %mul3A_364 : i32
      %add3A_366 = arith.addi %mul3A_6, %mul3A_365 : i32
      %dma_start3A_367 = arith.constant 1 : i32
      %dma_start3A_368 = arith.constant 400 : i32
      %dma_start3A_369 = arith.constant 0 : i32
      %dma_start3A_370 = tpu.memref_slice %arg7[%dma_start3A_368, %dma_start3A_369] : memref<800x128xf32, #tpu.memory_space<vmem>> -> memref<400x128xf32, #tpu.memory_space<vmem>>
      %dma_start3A_371 = arith.constant 0 : i32
      %dma_start3A_372 = tpu.memref_slice %arg4[%add3A_366, %dma_start3A_371] : memref<3276800x128xf32, #tpu.memory_space<hbm>> -> memref<400x128xf32, #tpu.memory_space<hbm>>
      %dma_start3A_373 = tpu.memref_slice %arg10[%dma_start3A_367] : memref<2x!tpu.dma_semaphore, #tpu.memory_space<semaphore_mem>> -> memref<1x!tpu.dma_semaphore, #tpu.memory_space<semaphore_mem>>
      %dma_start3A_374 = tpu.memref_squeeze %dma_start3A_373 : memref<1x!tpu.dma_semaphore, #tpu.memory_space<semaphore_mem>> -> memref<!tpu.dma_semaphore, #tpu.memory_space<semaphore_mem>>
      %dma_start3A_375 = arith.constant 0 : i32
      %dma_start3A_376 = tpu.memref_slice %arg4[%add3A_366, %dma_start3A_375] : memref<3276800x128xf32, #tpu.memory_space<hbm>> -> memref<400x128xf32, #tpu.memory_space<hbm>>
      %dma_start3A_377 = arith.constant 400 : i32
      %dma_start3A_378 = arith.constant 0 : i32
      %dma_start3A_379 = tpu.memref_slice %arg7[%dma_start3A_377, %dma_start3A_378] : memref<800x128xf32, #tpu.memory_space<vmem>> -> memref<400x128xf32, #tpu.memory_space<vmem>>
      tpu.enqueue_dma source(%dma_start3A_379 : memref<400x128xf32, #tpu.memory_space<vmem>>) target(%dma_start3A_376 : memref<400x128xf32, #tpu.memory_space<hbm>>) target_semaphore(%dma_start3A_374 : memref<!tpu.dma_semaphore, #tpu.memory_space<semaphore_mem>>)
      %add3A_380 = arith.constant 2 : i32
      %add3A_381 = arith.addi %add3A_232, %add3A_380 : i32
      %lt3A_382 = arith.constant 64 : i32
      %lt3A_383 = arith.cmpi slt, %add3A_381, %lt3A_382 : i32
      %convert_element_type3A_384 = arith.extui %lt3A_383 : i1 to i32
      %cond3A_385 = arith.constant 0 : i32
      %cond3A_386 = arith.cmpi ne, %convert_element_type3A_384, %cond3A_385 : i32
      scf.if %cond3A_386 {
        %add3A_387 = arith.constant 2 : i32
        %add3A_388 = arith.addi %add3A_232, %add3A_387 : i32
        %mul3A_389 = arith.constant 8 : i32
        %mul3A_390 = arith.muli %add3A_388, %mul3A_389 : i32
        %add3A_391 = arith.addi %mul3A_2, %mul3A_390 : i32
        %dma_start3A_392 = arith.constant 1 : i32
        %dma_start3A_393 = arith.constant 1 : i32
        %dma_start3A_394 = arith.constant 0 : i32
        %dma_start3A_395 = arith.constant 0 : i32
        %dma_start3A_396 = tpu.memref_slice %arg6[%dma_start3A_392, %dma_start3A_394, %dma_start3A_395] : memref<2x8x200xi32, #tpu.memory_space<vmem>> -> memref<1x8x200xi32, #tpu.memory_space<vmem>>
        %dma_start3A_397 = tpu.memref_squeeze %dma_start3A_396 : memref<1x8x200xi32, #tpu.memory_space<vmem>> -> memref<8x200xi32, #tpu.memory_space<vmem>>
        %dma_start3A_398 = arith.constant 0 : i32
        %dma_start3A_399 = tpu.memref_slice %arg2[%add3A_391, %dma_start3A_398] : memref<16384x200xi32, #tpu.memory_space<hbm>> -> memref<8x200xi32, #tpu.memory_space<hbm>>
        %dma_start3A_400 = tpu.memref_slice %arg9[%dma_start3A_393] : memref<2x!tpu.dma_semaphore, #tpu.memory_space<semaphore_mem>> -> memref<1x!tpu.dma_semaphore, #tpu.memory_space<semaphore_mem>>
        %dma_start3A_401 = tpu.memref_squeeze %dma_start3A_400 : memref<1x!tpu.dma_semaphore, #tpu.memory_space<semaphore_mem>> -> memref<!tpu.dma_semaphore, #tpu.memory_space<semaphore_mem>>
        %dma_start3A_402 = arith.constant 0 : i32
        %dma_start3A_403 = arith.constant 0 : i32
        %dma_start3A_404 = tpu.memref_slice %arg6[%dma_start3A_392, %dma_start3A_402, %dma_start3A_403] : memref<2x8x200xi32, #tpu.memory_space<vmem>> -> memref<1x8x200xi32, #tpu.memory_space<vmem>>
        %dma_start3A_405 = tpu.memref_squeeze %dma_start3A_404 : memref<1x8x200xi32, #tpu.memory_space<vmem>> -> memref<8x200xi32, #tpu.memory_space<vmem>>
        %dma_start3A_406 = arith.constant 0 : i32
        %dma_start3A_407 = tpu.memref_slice %arg2[%add3A_391, %dma_start3A_406] : memref<16384x200xi32, #tpu.memory_space<hbm>> -> memref<8x200xi32, #tpu.memory_space<hbm>>
        tpu.enqueue_dma source(%dma_start3A_407 : memref<8x200xi32, #tpu.memory_space<hbm>>) target(%dma_start3A_405 : memref<8x200xi32, #tpu.memory_space<vmem>>) target_semaphore(%dma_start3A_401 : memref<!tpu.dma_semaphore, #tpu.memory_space<semaphore_mem>>)
      } else {
      }
    }
    %scan3A_45 = arith.constant 32 : i32
    %add3A_46 = arith.constant 101600 : i32
    %add3A_47 = arith.addi %mul3A_6, %add3A_46 : i32
    %dma_wait3A = arith.constant 0 : i32
    %dma_wait3A_48 = arith.constant 0 : i32
    %dma_wait3A_49 = arith.constant 0 : i32
    %dma_wait3A_50 = tpu.memref_slice %arg7[%dma_wait3A_48, %dma_wait3A_49] : memref<800x128xf32, #tpu.memory_space<vmem>> -> memref<400x128xf32, #tpu.memory_space<vmem>>
    %dma_wait3A_51 = arith.constant 0 : i32
    %dma_wait3A_52 = tpu.memref_slice %arg4[%add3A_47, %dma_wait3A_51] : memref<3276800x128xf32, #tpu.memory_space<hbm>> -> memref<400x128xf32, #tpu.memory_space<hbm>>
    %dma_wait3A_53 = tpu.memref_slice %arg10[%dma_wait3A] : memref<2x!tpu.dma_semaphore, #tpu.memory_space<semaphore_mem>> -> memref<1x!tpu.dma_semaphore, #tpu.memory_space<semaphore_mem>>
    %dma_wait3A_54 = tpu.memref_squeeze %dma_wait3A_53 : memref<1x!tpu.dma_semaphore, #tpu.memory_space<semaphore_mem>> -> memref<!tpu.dma_semaphore, #tpu.memory_space<semaphore_mem>>
    %dma_wait3A_55 = arith.constant 0 : i32
    %dma_wait3A_56 = tpu.memref_slice %arg4[%add3A_47, %dma_wait3A_55] : memref<3276800x128xf32, #tpu.memory_space<hbm>> -> memref<400x128xf32, #tpu.memory_space<hbm>>
    %dma_wait3A_57 = arith.constant 0 : i32
    %dma_wait3A_58 = arith.constant 0 : i32
    %dma_wait3A_59 = tpu.memref_slice %arg7[%dma_wait3A_57, %dma_wait3A_58] : memref<800x128xf32, #tpu.memory_space<vmem>> -> memref<400x128xf32, #tpu.memory_space<vmem>>
    tpu.wait_dma2 semaphore(%dma_wait3A_54 : memref<!tpu.dma_semaphore, #tpu.memory_space<semaphore_mem>>) src(%dma_wait3A_59 : memref<400x128xf32, #tpu.memory_space<vmem>>) dst(%dma_wait3A_56 : memref<400x128xf32, #tpu.memory_space<hbm>>)
    %add3A_60 = arith.constant 102000 : i32
    %add3A_61 = arith.addi %mul3A_6, %add3A_60 : i32
    %dma_wait3A_62 = arith.constant 1 : i32
    %dma_wait3A_63 = arith.constant 400 : i32
    %dma_wait3A_64 = arith.constant 0 : i32
    %dma_wait3A_65 = tpu.memref_slice %arg7[%dma_wait3A_63, %dma_wait3A_64] : memref<800x128xf32, #tpu.memory_space<vmem>> -> memref<400x128xf32, #tpu.memory_space<vmem>>
    %dma_wait3A_66 = arith.constant 0 : i32
    %dma_wait3A_67 = tpu.memref_slice %arg4[%add3A_61, %dma_wait3A_66] : memref<3276800x128xf32, #tpu.memory_space<hbm>> -> memref<400x128xf32, #tpu.memory_space<hbm>>
    %dma_wait3A_68 = tpu.memref_slice %arg10[%dma_wait3A_62] : memref<2x!tpu.dma_semaphore, #tpu.memory_space<semaphore_mem>> -> memref<1x!tpu.dma_semaphore, #tpu.memory_space<semaphore_mem>>
    %dma_wait3A_69 = tpu.memref_squeeze %dma_wait3A_68 : memref<1x!tpu.dma_semaphore, #tpu.memory_space<semaphore_mem>> -> memref<!tpu.dma_semaphore, #tpu.memory_space<semaphore_mem>>
    %dma_wait3A_70 = arith.constant 0 : i32
    %dma_wait3A_71 = tpu.memref_slice %arg4[%add3A_61, %dma_wait3A_70] : memref<3276800x128xf32, #tpu.memory_space<hbm>> -> memref<400x128xf32, #tpu.memory_space<hbm>>
    %dma_wait3A_72 = arith.constant 400 : i32
    %dma_wait3A_73 = arith.constant 0 : i32
    %dma_wait3A_74 = tpu.memref_slice %arg7[%dma_wait3A_72, %dma_wait3A_73] : memref<800x128xf32, #tpu.memory_space<vmem>> -> memref<400x128xf32, #tpu.memory_space<vmem>>
    tpu.wait_dma2 semaphore(%dma_wait3A_69 : memref<!tpu.dma_semaphore, #tpu.memory_space<semaphore_mem>>) src(%dma_wait3A_74 : memref<400x128xf32, #tpu.memory_space<vmem>>) dst(%dma_wait3A_71 : memref<400x128xf32, #tpu.memory_space<hbm>>)
    return
  }
}

</mosaic_0001>

<sc_bundles>
// kernel: kernel.3.cloned.1.call-start
scs
__scs_entry_jumppad:
0x0: {  	(pc) =	sbr.rel $0x88, $3  }
0x1: {  	(tag) =	ssettag $0x0;
	lr =	simm.s32 $0x1  }
0x2: {  	[smem:$0x3F9F] =	sst lr;
	_ =	strace $0xD0000000  }
0x3: {  	_ = 	snop  }
0x4: {  	_ = 	snop  }
0x5: {  	_ = 	snop  }
0x6: {  	_ = 	snop  }
0x7: {  	_ = 	snop  }
__scs_overlays_trampoline_lowered:
0x8: {  	[smem:$0x3FAE] =	sst s0  }
0x9: {  	[smem:$0x3FAF] =	sst s1  }
0xa: {  	[smem:$0x3FB0] =	sst s2  }
0xb: {  	[smem:$0x3FB1] =	sst s3  }
0xc: {  	[smem:$0x3FB2] =	sst s4  }
0xd: {  	[smem:$0x3FB3] =	sst s5  }
0xe: {  	[smem:$0x3FB4] =	sst s6  }
0xf: {  	[smem:$0x3FB5] =	sst s7  }
0x10: {  	[smem:$0x3FB6] =	sst s8  }
0x11: {  	[smem:$0x3FB7] =	sst s9;
	s0 =	simm.s32 @!p0 $0x0  }
0x12: {  	s1 =	sld [smem:$0x3F9D];
	s0 =	simm.s32 @p0 $0x1  }
0x13: {  	[smem:$0x3FB8] =	sst s0;
	s0 =	simm.s32 @!p1 $0x0  }
0x14: {  	s2 =	sld [smem:$0x3F9C];
	s0 =	simm.s32 @p1 $0x1  }
0x15: {  	[smem:$0x3FB9] =	sst s0;
	s0 =	simm.s32 @!p2 $0x0  }
0x16: {  	s3 =	sld [smem:$0x3FDB];
	s0 =	simm.s32 @p2 $0x1  }
0x17: {  	s4 =	simm.s32 $0x1BF5;
	[smem:$0x3FBB] =	sst s0  }
0x18: {  	s0 =	sld [smem:$0x3F9E];
	_ =	swait.ge [sflag:s4], $0x0  }
0x19: {  	s7 =	sld [smem:$0x3F9F]  }
0x1a: {  	s8 =	sadd.s32 $0xFFFFE003, lr  }
0x1b: {  	s9 =	sadd.s32 $0xFFFFFEF7, lr;
	s5 =	simm.s32 $0xFFFFFFFF;
	p2 =	slt.u32 s8, $0xFFFFF086  }
0x1c: {  	p1 =	slt.u32 s9, $0xF7A;
	s5 =	simm.s32 @!p2 $0x0  }
0x1d: {  	s5 =	simm.s32 @p1 $0x1;
	p0 =	seq.s32 s7, s2  }
0x1e: {  	s7 =	smul.u32 @!p0 $0xF7A, s2;
	p2 =	seq.s32 @!p0 s5, $0x0  }
0x1f: {  	s9 =	smul.u32 $0xF7A, s1;
	s8 =	simm.s32 @!p0 $0x1BF5;
	p2 =	por !p2, p0  }
0x20: {  	[sflag:s8] =	ssyncset.s32 @!p0 $0xFFFFF086;
	s6 =	sadd.s32 @!p0 s3, s7;
	s7 =	simm.s32 @!p0 $0x108  }
0x21: {  	s3 =	sadd.s32 s3, s9;
	s6 =	sadd.s32 @!p0 $0x88, s6;
	s7 =	simm.s32 @p2 $0x1082  }
0x22: {  	[simem:s7], [sflag:s8] =	dma.local @!p0 [hbm:s6], $0xF7A  }
0x23: {  	s9 =	sor.u32 $0xD0000000, s2;
	s6 =	simm.s32 $0x108;
	_ =	swait.ge @!p0 [sflag:s8], $0x0  }
0x24: {  	s3 =	sadd.s32 $0x88, s3;
	s6 =	simm.s32 @!p1 $0x1082;
	[sflag:s4] =	ssyncset.s32 $0xFFFFF086  }
0x25: {  	[simem:s6], [sflag:s4] =	dma.local [hbm:s3], $0xF7A  }
0x26: {  	[smem:$0x3F9F] =	sst s1;
	(tag) =	ssettag s2;
	_ =	strace s9  }
0x27: {  	s1 =	sld [smem:$0x3FAF]  }
0x28: {  	s2 =	sld [smem:$0x3FB0]  }
0x29: {  	s4 =	sld [smem:$0x3FB2]  }
0x2a: {  	p0 =	seq.s32 s5, $0x0;
	s5 =	sld [smem:$0x3FB3]  }
0x2b: {  	s6 =	sld [smem:$0x3FB4]  }
0x2c: {  	s7 =	sld [smem:$0x3FB5]  }
0x2d: {  	s3 =	simm.s32 $0x108;
	s8 =	sld [smem:$0x3FB6]  }
0x2e: {  	s3 =	simm.s32 @!p0 $0x1082;
	s9 =	sld [smem:$0x3FB7]  }
0x2f: {  	lr =	sadd.s32 s0, s3;
	s0 =	sld [smem:$0x3FAE]  }
0x30: {  	s3 =	sld [smem:$0x3FB1]  }
0x31: {  	[smem:$0x3FBA] =	sst s10  }
0x32: {  	s10 =	sld [smem:$0x3FB8];
	_ =	sdelay $0x3  }
0x33: {  	p0 =	seq.s32 s10, $0x1;
	s10 =	sld [smem:$0x3FBA];
	_ =	sdelay $0x3  }
0x34: {  	[smem:$0x3FBA] =	sst s10  }
0x35: {  	s10 =	sld [smem:$0x3FB9];
	_ =	sdelay $0x3  }
0x36: {  	p1 =	seq.s32 s10, $0x1;
	s10 =	sld [smem:$0x3FBA];
	_ =	sdelay $0x3  }
0x37: {  	[smem:$0x3FBA] =	sst s10  }
0x38: {  	s10 =	sld [smem:$0x3FBB]  }
0x39: {  	_ = 	snop;
	(pc) =	sbr.ind lr, $3  }
0x3a: {  	_ = 	snop  }
0x3b: {  	_ = 	snop  }
0x3c: {  	p2 =	seq.s32 s10, $0x1;
	s10 =	sld [smem:$0x3FBA]  }
0x3d: {  	_ =	shalt  }
0x3e: {  	_ =	shalt  }
0x3f: {  	_ =	shalt  }
0x40: {  	_ =	shalt  }
0x41: {  	_ =	shalt  }
0x42: {  	_ =	shalt  }
0x43: {  	_ =	shalt  }
0x44: {  	_ =	shalt  }
0x45: {  	_ =	shalt  }
0x46: {  	_ =	shalt  }
0x47: {  	_ =	shalt  }
0x48: {  	_ =	shalt  }
0x49: {  	_ =	shalt  }
0x4a: {  	_ =	shalt  }
0x4b: {  	_ =	shalt  }
0x4c: {  	_ =	shalt  }
0x4d: {  	_ =	shalt  }
0x4e: {  	_ =	shalt  }
0x4f: {  	_ =	shalt  }
0x50: {  	_ =	shalt  }
0x51: {  	_ =	shalt  }
0x52: {  	_ =	shalt  }
0x53: {  	_ =	shalt  }
0x54: {  	_ =	shalt  }
0x55: {  	_ =	shalt  }
0x56: {  	_ =	shalt  }
0x57: {  	_ =	shalt  }
0x58: {  	_ =	shalt  }
0x59: {  	_ =	shalt  }
0x5a: {  	_ =	shalt  }
0x5b: {  	_ =	shalt  }
0x5c: {  	_ =	shalt  }
0x5d: {  	_ =	shalt  }
0x5e: {  	_ =	shalt  }
0x5f: {  	_ =	shalt  }
0x60: {  	_ =	shalt  }
0x61: {  	_ =	shalt  }
0x62: {  	_ =	shalt  }
0x63: {  	_ =	shalt  }
0x64: {  	_ =	shalt  }
0x65: {  	_ =	shalt  }
0x66: {  	_ =	shalt  }
0x67: {  	_ =	shalt  }
0x68: {  	_ =	shalt  }
0x69: {  	_ =	shalt  }
0x6a: {  	_ =	shalt  }
0x6b: {  	_ =	shalt  }
0x6c: {  	_ =	shalt  }
0x6d: {  	_ =	shalt  }
0x6e: {  	_ =	shalt  }
0x6f: {  	_ =	shalt  }
0x70: {  	_ =	shalt  }
0x71: {  	_ =	shalt  }
0x72: {  	_ =	shalt  }
0x73: {  	_ =	shalt  }
0x74: {  	_ =	shalt  }
0x75: {  	_ =	shalt  }
0x76: {  	_ =	shalt  }
0x77: {  	_ =	shalt  }
0x78: {  	_ =	shalt  }
0x79: {  	_ =	shalt  }
0x7a: {  	_ =	shalt  }
0x7b: {  	_ =	shalt  }
0x7c: {  	_ =	shalt  }
0x7d: {  	_ =	shalt  }
0x7e: {  	_ =	shalt  }
0x7f: {  	_ =	shalt  }
0x80: {  	_ =	shalt  }
0x81: {  	_ =	shalt  }
0x82: {  	_ =	shalt  }
0x83: {  	_ =	shalt  }
0x84: {  	_ =	shalt  }
0x85: {  	_ =	shalt  }
0x86: {  	_ =	shalt  }
0x87: {  	_ =	shalt  }
.Lfunc_end0:
.L_simem_size_0:
called_computation_lowered:
.L_overlay_start_0:
0x88: {  	s2 =	sld [smem:$0x3FD9]  }
0x89: {  	s3 =	sld [smem:$0x3FFE];
	_ =	sdelay $0x1  }
0x8a: {  	s1 =	srdreg.scid  }
0x8b: {  	s0 =	sand.u32 $0x1, s1  }
0x8c: {  	s17 =	sshll.u32 s0, $0xA;
	s2 =	sadd.s32 s3, s2  }
0x8d: {  	s2 =	sadd.s32 s2, s17  }
0x8e: {  	[smem:$0x3FC6] =	sst s2  }
0x8f: {  	_ = 	snop  }
0x90: {  	s2 =	sld [smem:$0x3FC8]  }
0x91: {  	s18 =	sld [smem:$0x3FD0];
	(tm) =	ssettm $0x1  }
0x92: {  	s4 =	sld [smem:$0x3FFB];
	_ =	sdelay $0x3  }
0x93: {  	_ =	strace s4  }
0x94: {  	s4 =	sld [smem:$0x3FFC];
	_ =	sdelay $0x3  }
0x95: {  	_ =	strace s4  }
0x96: {  	s4 =	sld [smem:$0x3FFD];
	_ =	sdelay $0x3  }
0x97: {  	_ =	strace s4  }
0x98: {  	_ =	strace $0x8FFFFFFF  }
0x99: {  	s19 =	sld [smem:$0x3FDB];
	_ =	sdelay $0x1  }
0x9a: {  	s5 =	simm.s32 $_scs_section_size  }
0x9b: {  	s6 =	simm.s32 $_size__tile_overlayer_lowered;
	s7 =	simm.s32 $_tile_overlayer_lowered  }
0x9c: {  	s22 =	simm.s32 $0x1BFF;
	s21 =	sshll.u32 s7, $0x1;
	s4 =	sadd.s32 s5, s19  }
0x9d: {  	s8 =	simm.s32 $0x0;
	s20 =	sshll.u32 s6, $0x1;
	s6 =	sadd.s32 s21, s4  }
0x9e: {  	[timem:s8], [sflag:s22] =	dma.local [hbm:s6], s20  }
0x9f: {  	_ =	swait.ge [sflag:s22], s20  }
0xa0: {  	s5 =	ssub.s32 $0x0, s20;
	[sflag:s22] =	ssyncset.done $0x0  }
0xa1: {  	[sflag:s22] =	ssyncadd.s32 s5;
	_ =	sdelay $0x1  }
0xa2: {  	s23 =	simm.s32 $0x1B8B  }
0xa3: {  	_ =	swait.ge [sflag:s23], $0x1  }
0xa4: {  	[sflag:s23] =	ssyncset.done $0x0  }
0xa5: {  	s25 =	simm.s32 $0x1B8E;
	s24 =	sld [smem:$0x3FFE];
	[sflag:s23] =	ssyncadd.s32 $0xFFFFFFFF  }
0xa6: {  	s26 =	simm.s32 $execute0_lowered;
	[smem:$0x3FD2] =	sst s25  }
0xa7: {  	s6 =	sshll.u32 s26, $0x1;
	_ =	strace $0x80000046;
	[dreg:$0x1] =	wrdreg $0xFFFFFFFF  }
0xa8: {  	s28 =	simm.s32 $_size_execute0_lowered;
	s4 =	sadd.s32 s4, s6;
	[dreg:$0x0] =	wrdreg $0x0  }
0xa9: {  	s6 =	sshll.u32 s28, $0x1;
	[dreg:$0x2] =	wrdreg s4  }
0xaa: {  	[dreg:$0x3] =	wrdreg s6  }
0xab: {  	[dreg:$0x4] =	wrdreg $0xC0  }
0xac: {  	_ =	task [dreg:s8], $0x5FFFF  }
0xad: {  	[dreg:$0x1] =	wrdreg $0xFFFFFFFF  }
0xae: {  	[dreg:$0x0] =	wrdreg $0x60  }
0xaf: {  	[dreg:$0x2] =	wrdreg s24  }
0xb0: {  	[dreg:$0x3] =	wrdreg s2  }
0xb1: {  	[dreg:$0x4] =	wrdreg s18  }
0xb2: {  	[dreg:$0x5] =	wrdreg $0x9  }
0xb3: {  	_ =	task.clear_ibuf [dreg:s8], $0x6FFFF;
	_ =	strace $0x90000046  }
0xb4: {  	s29 =	simm.s32 $0x9;
	_ =	strace $0x80000048  }
0xb5: {  	_ =	swait.ge [sflag:s29], $0x1  }
0xb6: {  	[sflag:s29] =	ssyncadd.s32 $0xFFFFFFFF  }
0xb7: {  	_ =	strace $0x90000048  }
0xb8: {  	_ =	sfence  }
0xb9: {  	s30 =	sld [smem:$0x0];
	_ =	sdelay $0x2  }
0xba: {  	s31 =	sshll.u32 s1, $0xD;
	s1 =	sshrl.u32 s1, $0x2  }
0xbb: {  	s3 =	sand.u32 $0x4000, s31;
	s1 =	sadd.s32 s1, s30  }
0xbc: {  	s0 =	sor.u32 s3, s0;
	s1 =	sshll.u32 s1, $0x11  }
0xbd: {  	s0 =	sor.u32 s1, s0  }
0xbe: {  	s0 =	sadd.s32 $0x8F2B, s0  }
0xbf: {  	[sflag:s0] =	ssyncadd.remote.s32 $0x1  }
0xc0: {  	_ =	sfence.sel $0xFFFF  }
0xc1: {  	[dreg:$0x0] =	wrdreg $0xFFFFFFFF;
	(pc) =	sbr.abs _section_cstart, $3  }
0xc2: {  	[dreg:$0x1] =	wrdreg $0xFFFFFFFF  }
0xc3: {  	_ =	task.clear_ibuf [dreg:s8], $0x2FFFF;
	_ =	strace $0x9FFFFFFF  }
0xc4: {  	(tm) =	ssettm $0x7FFFFFFF  }
0xc5: {  	_ =	shalt  }
tec
execute0_lowered:
.L_overlay_start_1:
0x0: {  	(tag) =	ssettag $0x1  }
0x1: {  	s0 =	rddreg [dreg:$0x0];
	s1 =	srdreg.scid  }
0x2: {  	s2 =	stileid.u32;
	s3 =	rddreg [dreg:$0x2];
	s4 =	simm.s32 $0x0  }
0x3: {  	s19 =	simm.s32 $0x200;
	s20 =	simm.s32 $0xA00;
	s21 =	simm.s32 $0x2  }
0x4: {  	s22 =	simm.s32 $0x1200;
	s23 =	simm.s32 $0xDA00;
	s24 =	simm.s32 $0x4  }
0x5: {  	s25 =	simm.s32 $0x5;
	s1 =	sand.u32 $0x1, s1;
	s2 =	sshll.u32 s2, $0x1  }
0x6: {  	s26 =	simm.s32 $0x3;
	[smem:$0x7FF] =	sst s4;
	s2 =	sor.u32 s1, s2  }
0x7: {  	s1 =	ssub.s32 $0x2, s1;
	_ =	strace $0x80000047;
	s5 =	sshll.u32 s2, $0xE  }
0x8: {  	s6 =	sshrl.u32 s1, $0x1;
	s0 =	sadd.s32 s5, s0;
	s5 =	smul.u32 $0x19000, s2  }
0x9: {  	s1 =	ssub.s32 s1, s6;
	s29 =	sadd.s32 $0x400, s0;
	s30 =	sadd.s32 $0x500, s0  }
.Ltmp0:
0xa: {  	s11 =	sadd.s32 $0x600, s0;
	s16 =	sadd.s32 $0x700, s0;
	(pc) =	sbr.rel .LBB2_1-.Ltmp0, $4  }
0xb: {  	v0 =	vlaneseq.u32;
	s31 =	smax.u32 s1, $0x1;
	s1 =	simm.s32 $0x0;
	[dreg:$0x4] =	wrdreg s29  }
0xc: {  	v1 =	vimm.s32 $0x0;
	v2 =	vor.u32 $0x10, v0;
	[dreg:$0x5] =	wrdreg s30;
	s8 =	sor.u32 $0x190, s5;
	s9 =	sor.u32 $0x320, s5  }
0xd: {  	v3 =	vor.u32 $0x20, v0;
	v4 =	vor.u32 $0x30, v0;
	v5 =	vor.u32 $0x40, v0;
	s10 =	sor.u32 $0x4B0, s5;
	s12 =	sor.u32 $0x640, s5;
	s13 =	sor.u32 $0x7D0, s5  }
0xe: {  	v6 =	vor.u32 $0x50, v0;
	v7 =	vor.u32 $0x60, v0;
	v8 =	vor.u32 $0x70, v0;
	s14 =	sor.u32 $0x960, s5;
	s15 =	sor.u32 $0xAF0, s5;
	[dreg:$0x6] =	wrdreg s31  }
.LBB2_36:
0xf: {  	_ =	swait.ge [sflag:s24], $0xC800  }
0x10: {  	[sflag:s24] =	ssyncset.done $0x0  }
0x11: {  	[sflag:s24] =	ssyncadd.s32 $0xFFFF3800  }
0x12: {  	_ =	swait.ge [sflag:s25], $0xC800  }
0x13: {  	s1 =	rddreg [dreg:$0x7]  }
0x14: {  	s0 =	rddreg [dreg:$0x6];
	s1 =	sadd.s32 $0x1, s1  }
0x15: {  	p0 =	sne.s32 s1, s0  }
.Ltmp1:
0x16: {  	_ = 	snop;
	(pc) =	sbr.rel @!p0 .LBB2_37-.Ltmp1, $3  }
0x17: {  	_ =	sdelay $0x1  }
0x18: {  	[sflag:s25] =	ssyncset.done $0x0  }
0x19: {  	[sflag:s25] =	ssyncadd.s32 $0xFFFF3800  }
.LBB2_1:
0x1a: {  	[dreg:$0x7] =	wrdreg s1  }
0x1b: {  	s0 =	rddreg [dreg:$0x1];
	s28 =	simm.s32 $0x1  }
0x1c: {  	[tilespmem:s4], [sflag:$0x1] =	stream.linear.gather [hbm4b:s0+s4], $0x200, $0x38;
	[tilespmem:$0x1A200] =	vst v63  }
0x1d: {  	_ =	swait.ge [sflag:s28], $0x200  }
0x1e: {  	[sflag:s28] =	ssyncset.done $0x0  }
0x1f: {  	s30 =	rddreg [dreg:$0x4];
	[sflag:s28] =	ssyncadd.s32 $0xFFFFFE00  }
0x20: {  	[tilespmem:s19], [sflag:$0x2] =	stream.linear.gather [hbm4b:s30+s4], $0x800, $0x38;
	[tilespmem:$0x1A200] =	vst v63  }
0x21: {  	s29 =	simm.s32 $0x0;
	s31 =	rddreg [dreg:$0x5]  }
0x22: {  	[tilespmem:s20], [sflag:$0x3] =	stream.linear.gather [hbm4b:s31+s4], $0x800, $0x38;
	[tilespmem:$0x1A200] =	vst v63  }
.LBB2_2:
0x23: {  	_ =	swait.ge [sflag:s21], $0x800  }
0x24: {  	p0 =	seq.s32 s29, $0x0;
	[sflag:s21] =	ssyncset.done $0x0  }
0x25: {  	s0 =	simm.s32 @!p0 $0x4;
	[sflag:s21] =	ssyncadd.s32 $0xFFFFF800  }
0x26: {  	_ =	swait.ge @!p0 [sflag:s0], $0xC800  }
0x27: {  	s1 =	simm.s32 $0x0;
	[sflag:s0] =	ssyncset.done @!p0 $0x0  }
0x28: {  	s30 =	simm.s32 $0x0;
	[sflag:s0] =	ssyncadd.s32 @!p0 $0xFFFF3800;
	s0 =	simm.s32 $0x1300  }
.LBB2_3:
0x29: {  	s2 =	sshll.u32 s30, $0x4  }
0x2a: {  	v9 =	vmov s2  }
0x2b: {  	v9 =	vbroadcast v9, $0x0;
	_ =	sdelay $0x1  }
0x2c: {  	v10 =	vor.u32 v0, v9  }
0x2d: {  	v11 =	vmulhi.u32 $0x51EB851F, v10;
	_ =	sdelay $0x1  }
0x2e: {  	v11 =	vshrl.u32 v11, $0x6  }
0x2f: {  	v12 =	vmul.u32 $0xFFFFFF38, v11;
	_ =	sdelay $0x1  }
0x30: {  	v10 =	vadd.s32 v10, v12  }
0x31: {  	vm0 =	veq.s32 v9, v0;
	vm1 =	vne.s32 v10, $0x0  }
0x32: {  	vm0 =	vmand vm0, vm1  }
0x33: {  	v9 =	vsel vm0, $0xFFFFFFFF, v1  }
0x34: {  	v9 =	vadd.s32 v9, v11;
	v11 =	vshll.u32 v10, $0x3  }
0x35: {  	v10 =	vand.u32 $0x7F, v10;
	v12 =	vshll.u32 v9, $0x8;
	v11 =	vand.u32 $0x400, v11  }
0x36: {  	v9 =	vshll.u32 v9, $0x7;
	v12 =	vand.u32 $0xFFFFF800, v12;
	v10 =	vor.u32 v10, v11  }
0x37: {  	v9 =	vand.u32 $0x380, v9;
	v10 =	vor.u32 v12, v10  }
0x38: {  	v9 =	vor.u32 v9, v10;
	_ =	sdelay $0x4  }
0x39: {  	v9 =	vld.idx.msk [tilespmem:v9+s19+$0x0], $0xffff;
	_ =	sdelay $0x3  }
0x3a: {  	v10 =	vmov s1  }
0x3b: {  	v10 =	vperm.xlane v9, v10  }
0x3c: {  	s18 =	simm.s32 $0x2  }
0x3d: {  	s6 =	simm.s32 $0x3;
	v11 =	vmov s18;
	v15 =	vshll.u32 v10, $0x7  }
0x3e: {  	s28 =	simm.s32 $0x1;
	v11 =	vperm.xlane v9, v11;
	v10 =	vmov s6;
	v12 =	vor.u32 v0, v15  }
0x3f: {  	v13 =	vmov s28;
	v10 =	vperm.xlane v9, v10  }
0x40: {  	v13 =	vperm.xlane v9, v13;
	v16 =	vshll.u32 v11, $0x7  }
0x41: {  	v18 =	vshll.u32 v10, $0x7;
	v10 =	vor.u32 v0, v16  }
0x42: {  	v17 =	vshll.u32 v13, $0x7;
	v11 =	vor.u32 v0, v18  }
0x43: {  	v13 =	vor.u32 v0, v17;
	v12 =	vld.idx.msk [tilespmem:v12+s4+$0x0], $0xffff  }
0x44: {  	v14 =	vor.u32 v2, v15;
	_ =	sdelay $0x1  }
0x45: {  	v10 =	vld.idx.msk [tilespmem:v10+s4+$0x0], $0xffff  }
0x46: {  	v19 =	vor.u32 v2, v16;
	v11 =	vld.idx.msk [tilespmem:v11+s4+$0x0], $0xffff  }
0x47: {  	v13 =	vld.idx.msk [tilespmem:v13+s4+$0x0], $0xffff;
	[tilespmem:s0+$0xFFFFFF00] =	vst v12;
	v12 =	vor.u32 v2, v18  }
0x48: {  	v20 =	vor.u32 v2, v17;
	v14 =	vld.idx.msk [tilespmem:v14+s4+$0x0], $0xffff  }
0x49: {  	v21 =	vor.u32 v3, v15  }
0x4a: {  	[tilespmem:s0+$0x0] =	vst v10  }
0x4b: {  	[tilespmem:s0+$0x80] =	vst v11;
	v10 =	vld.idx.msk [tilespmem:v19+s4+$0x0], $0xffff  }
0x4c: {  	[tilespmem:s0+$0xFFFFFF80] =	vst v13;
	v11 =	vld.idx.msk [tilespmem:v12+s4+$0x0], $0xffff;
	v12 =	vor.u32 v3, v16  }
0x4d: {  	v13 =	vld.idx.msk [tilespmem:v20+s4+$0x0], $0xffff;
	[tilespmem:s0+$0xFFFFFF10] =	vst v14;
	v14 =	vor.u32 v3, v18  }
0x4e: {  	v19 =	vor.u32 v3, v17;
	v20 =	vld.idx.msk [tilespmem:v21+s4+$0x0], $0xffff  }
0x4f: {  	v21 =	vor.u32 v4, v15  }
0x50: {  	[tilespmem:s0+$0x10] =	vst v10  }
0x51: {  	s7 =	simm.s32 $0x4;
	[tilespmem:s0+$0x90] =	vst v11;
	v10 =	vld.idx.msk [tilespmem:v12+s4+$0x0], $0xffff  }
0x52: {  	s17 =	simm.s32 $0x5;
	v22 =	vor.u32 v4, v16;
	[tilespmem:s0+$0xFFFFFF90] =	vst v13;
	v11 =	vmov s7;
	v12 =	vld.idx.msk [tilespmem:v14+s4+$0x0], $0xffff  }
0x53: {  	s18 =	simm.s32 $0x6;
	v13 =	vld.idx.msk [tilespmem:v19+s4+$0x0], $0xffff;
	v19 =	vmov s17;
	v14 =	vor.u32 v4, v18;
	v11 =	vperm.xlane v9, v11;
	[tilespmem:s0+$0xFFFFFF20] =	vst v20  }
0x54: {  	v23 =	vmov s18;
	v19 =	vperm.xlane v9, v19;
	v20 =	vld.idx.msk [tilespmem:v21+s4+$0x0], $0xffff;
	v21 =	vor.u32 v4, v17  }
0x55: {  	v23 =	vperm.xlane v9, v23;
	v24 =	vor.u32 v5, v15;
	v11 =	vshll.u32 v11, $0x7  }
0x56: {  	v25 =	vor.u32 v0, v11;
	[tilespmem:s0+$0x20] =	vst v10;
	v10 =	vshll.u32 v19, $0x7  }
0x57: {  	s28 =	simm.s32 $0x7;
	[tilespmem:s0+$0xA0] =	vst v12;
	v19 =	vor.u32 v0, v10;
	v12 =	vshll.u32 v23, $0x7;
	v22 =	vld.idx.msk [tilespmem:v22+s4+$0x0], $0xffff  }
0x58: {  	[tilespmem:s0+$0xFFFFFFA0] =	vst v13;
	v13 =	vmov s28;
	v23 =	vor.u32 v0, v12;
	v14 =	vld.idx.msk [tilespmem:v14+s4+$0x0], $0xffff  }
0x59: {  	v13 =	vperm.xlane v9, v13;
	[tilespmem:s0+$0xFFFFFF30] =	vst v20;
	v20 =	vld.idx.msk [tilespmem:v21+s4+$0x0], $0xffff;
	v21 =	vor.u32 v5, v16  }
0x5a: {  	v26 =	vor.u32 v5, v18;
	v24 =	vld.idx.msk [tilespmem:v24+s4+$0x0], $0xffff  }
0x5b: {  	v27 =	vor.u32 v5, v17;
	v13 =	vshll.u32 v13, $0x7;
	v25 =	vld.idx.msk [tilespmem:v25+s4+$0x0], $0xffff  }
0x5c: {  	v28 =	vor.u32 v0, v13;
	v19 =	vld.idx.msk [tilespmem:v19+s4+$0x0], $0xffff;
	[tilespmem:s0+$0x30] =	vst v22  }
0x5d: {  	v29 =	vor.u32 v2, v11;
	v23 =	vld.idx.msk [tilespmem:v23+s4+$0x0], $0xffff;
	[tilespmem:s0+$0xB0] =	vst v14  }
0x5e: {  	v22 =	vor.u32 v2, v10;
	v21 =	vld.idx.msk [tilespmem:v21+s4+$0x0], $0xffff;
	[tilespmem:s0+$0xFFFFFFB0] =	vst v20  }
0x5f: {  	s31 =	sadd.s32 $0x200, s0;
	v14 =	vor.u32 v6, v15;
	v20 =	vld.idx.msk [tilespmem:v26+s4+$0x0], $0xffff;
	[tilespmem:s0+$0xFFFFFF40] =	vst v24  }
0x60: {  	v26 =	vor.u32 v6, v16;
	v24 =	vld.idx.msk [tilespmem:v27+s4+$0x0], $0xffff;
	[tilespmem:s31+$0xFFFFFF00] =	vst v25  }
0x61: {  	v25 =	vld.idx.msk [tilespmem:v28+s4+$0x0], $0xffff;
	v27 =	vor.u32 v6, v18;
	[tilespmem:s31+$0xFFFFFF80] =	vst v19  }
0x62: {  	v61 =	vor.u32 v2, v13;
	v60 =	vld.idx.msk [tilespmem:v29+s4+$0x0], $0xffff;
	[tilespmem:s31+$0x0] =	vst v23  }
0x63: {  	v19 =	vor.u32 v6, v17;
	v22 =	vld.idx.msk [tilespmem:v22+s4+$0x0], $0xffff;
	[tilespmem:s0+$0x40] =	vst v21  }
0x64: {  	v14 =	vld.idx.msk [tilespmem:v14+s4+$0x0], $0xffff;
	v21 =	vor.u32 v3, v11;
	[tilespmem:s0+$0xC0] =	vst v20  }
0x65: {  	v23 =	vor.u32 v2, v12;
	v26 =	vld.idx.msk [tilespmem:v26+s4+$0x0], $0xffff;
	[tilespmem:s0+$0xFFFFFFC0] =	vst v24  }
0x66: {  	v20 =	vor.u32 v7, v15;
	v24 =	vld.idx.msk [tilespmem:v27+s4+$0x0], $0xffff;
	[tilespmem:s31+$0x80] =	vst v25  }
0x67: {  	v27 =	vor.u32 v3, v10;
	v62 =	vld.idx.msk [tilespmem:v61+s4+$0x0], $0xffff  }
0x68: {  	v25 =	vor.u32 v7, v18;
	[tilespmem:s31+$0xFFFFFF10] =	vst v60;
	v19 =	vld.idx.msk [tilespmem:v19+s4+$0x0], $0xffff  }
0x69: {  	v63 =	vor.u32 v7, v16;
	[tilespmem:s31+$0xFFFFFF90] =	vst v22;
	v21 =	vld.idx.msk [tilespmem:v21+s4+$0x0], $0xffff  }
0x6a: {  	v30 =	vor.u32 v7, v17;
	v23 =	vld.idx.msk [tilespmem:v23+s4+$0x0], $0xffff;
	[tilespmem:s0+$0xFFFFFF50] =	vst v14  }
0x6b: {  	v31 =	vor.u32 v3, v12;
	v32 =	vld.idx.msk [tilespmem:v20+s4+$0x0], $0xffff;
	[tilespmem:s0+$0x50] =	vst v26  }
0x6c: {  	v26 =	vld.idx.msk [tilespmem:v27+s4+$0x0], $0xffff;
	v27 =	vor.u32 v3, v13;
	[tilespmem:s0+$0xD0] =	vst v24  }
0x6d: {  	v33 =	vor.u32 v4, v11;
	v22 =	vld.idx.msk [tilespmem:v25+s4+$0x0], $0xffff;
	[tilespmem:s0+$0xFFFFFFD0] =	vst v19  }
0x6e: {  	v20 =	vld.idx.msk [tilespmem:v63+s4+$0x0], $0xffff;
	[tilespmem:s31+$0xFFFFFF20] =	vst v21;
	v21 =	vor.u32 v8, v15  }
0x6f: {  	v18 =	vor.u32 v8, v18;
	[tilespmem:s31+$0x10] =	vst v23;
	v19 =	vld.idx.msk [tilespmem:v30+s4+$0x0], $0xffff  }
0x70: {  	v16 =	vor.u32 v8, v16;
	[tilespmem:s31+$0x90] =	vst v62;
	v23 =	vld.idx.msk [tilespmem:v31+s4+$0x0], $0xffff  }
0x71: {  	[tilespmem:s0+$0xFFFFFF60] =	vst v32;
	v15 =	vor.u32 v8, v17;
	v24 =	vld.idx.msk [tilespmem:v27+s4+$0x0], $0xffff  }
0x72: {  	s2 =	smov.u32 s0;
	s6 =	simm.s32 $0x8;
	v14 =	vor.u32 v4, v12;
	v17 =	vld.idx.msk [tilespmem:v33+s4+$0x0], $0xffff;
	[tilespmem:s31+$0xFFFFFFA0] =	vst v26  }
.LBB2_4:
0x73: {  	v25 =	vmov s6;
	s7 =	sadd.s32 $0x1, s6;
	s17 =	sadd.s32 $0x2, s6;
	s18 =	sadd.s32 $0x3, s6;
	v26 =	vor.u32 v4, v10;
	v27 =	vor.u32 v4, v13;
	v21 =	vld.idx.msk [tilespmem:v21+s4+$0x0], $0xffff;
	[tilespmem:s2+$0xE0] =	vst v22  }
0x74: {  	p1 =	slt.u32 s6, $0xC;
	s6 =	sadd.s32 $0x4, s6;
	v22 =	vperm.xlane v9, v25;
	v25 =	vmov s7;
	v28 =	vmov s18;
	[tilespmem:s2+$0x60] =	vst v20;
	v18 =	vld.idx.msk [tilespmem:v18+s4+$0x0], $0xffff  }
0x75: {  	v20 =	vperm.xlane v9, v25;
	v25 =	vmov s17;
	v28 =	vperm.xlane v9, v28;
	[tilespmem:s2+$0xFFFFFFE0] =	vst v19;
	v16 =	vld.idx.msk [tilespmem:v16+s4+$0x0], $0xffff  }
0x76: {  	v19 =	vshll.u32 v22, $0x7;
	v22 =	vperm.xlane v9, v25;
	v25 =	vor.u32 v5, v11;
	[tilespmem:s31+$0x20] =	vst v23;
	v15 =	vld.idx.msk [tilespmem:v15+s4+$0x0], $0xffff  }
0x77: {  	v23 =	vor.u32 v0, v19;
	v29 =	vshll.u32 v20, $0x7;
	v28 =	vshll.u32 v28, $0x7;
	[tilespmem:s31+$0xA0] =	vst v24  }
0x78: {  	v20 =	vor.u32 v0, v29;
	v30 =	vshll.u32 v22, $0x7;
	v22 =	vor.u32 v0, v28;
	[tilespmem:s31+$0xFFFFFF30] =	vst v17;
	v17 =	vld.idx.msk [tilespmem:v14+s4+$0x0], $0xffff  }
0x79: {  	v24 =	vor.u32 v0, v30;
	v14 =	vor.u32 v4, v30;
	v27 =	vld.idx.msk [tilespmem:v27+s4+$0x0], $0xffff;
	[tilespmem:s2+$0xFFFFFF70] =	vst v21  }
0x7a: {  	v21 =	vld.idx.msk [tilespmem:v26+s4+$0x0], $0xffff;
	v26 =	vor.u32 v5, v12;
	[tilespmem:s2+$0xF0] =	vst v18  }
0x7b: {  	v18 =	vld.idx.msk [tilespmem:v25+s4+$0x0], $0xffff;
	v25 =	vor.u32 v5, v13;
	[tilespmem:s2+$0x70] =	vst v16  }
0x7c: {  	v16 =	vld.idx.msk [tilespmem:v23+s4+$0x0], $0xffff;
	v23 =	vor.u32 v5, v10;
	[tilespmem:s2+$0xFFFFFFF0] =	vst v15;
	s2 =	smov.u32 s31  }
0x7d: {  	v15 =	vld.idx.msk [tilespmem:v20+s4+$0x0], $0xffff  }
0x7e: {  	v20 =	vor.u32 v2, v19;
	v24 =	vld.idx.msk [tilespmem:v24+s4+$0x0], $0xffff;
	[tilespmem:s31+$0x30] =	vst v17  }
0x7f: {  	v17 =	vor.u32 v2, v29;
	v26 =	vld.idx.msk [tilespmem:v26+s4+$0x0], $0xffff;
	[tilespmem:s31+$0xB0] =	vst v27  }
0x80: {  	v27 =	vor.u32 v6, v11;
	[tilespmem:s31+$0xFFFFFFB0] =	vst v21;
	v21 =	vld.idx.msk [tilespmem:v25+s4+$0x0], $0xffff  }
0x81: {  	s31 =	sadd.s32 $0x200, s31;
	[tilespmem:s2+$0xFFFFFF40] =	vst v18;
	v18 =	vld.idx.msk [tilespmem:v23+s4+$0x0], $0xffff;
	v23 =	vor.u32 v6, v12  }
0x82: {  	[tilespmem:s31+$0xFFFFFF00] =	vst v16;
	v16 =	vld.idx.msk [tilespmem:v22+s4+$0x0], $0xffff;
	v22 =	vor.u32 v6, v13  }
0x83: {  	v20 =	vld.idx.msk [tilespmem:v20+s4+$0x0], $0xffff;
	[tilespmem:s31+$0xFFFFFF80] =	vst v15;
	v15 =	vor.u32 v6, v10  }
0x84: {  	v17 =	vld.idx.msk [tilespmem:v17+s4+$0x0], $0xffff;
	[tilespmem:s31+$0x0] =	vst v24;
	v24 =	vor.u32 v2, v30  }
0x85: {  	v25 =	vor.u32 v2, v28;
	v27 =	vld.idx.msk [tilespmem:v27+s4+$0x0], $0xffff;
	[tilespmem:s2+$0x40] =	vst v26  }
0x86: {  	v26 =	vor.u32 v3, v19;
	v23 =	vld.idx.msk [tilespmem:v23+s4+$0x0], $0xffff;
	[tilespmem:s2+$0xC0] =	vst v21  }
0x87: {  	v21 =	vor.u32 v7, v11;
	[tilespmem:s2+$0xFFFFFFC0] =	vst v18;
	v18 =	vld.idx.msk [tilespmem:v22+s4+$0x0], $0xffff  }
0x88: {  	v22 =	vor.u32 v3, v29;
	[tilespmem:s31+$0x80] =	vst v16;
	v15 =	vld.idx.msk [tilespmem:v15+s4+$0x0], $0xffff  }
0x89: {  	[tilespmem:s31+$0xFFFFFF10] =	vst v20;
	v16 =	vld.idx.msk [tilespmem:v24+s4+$0x0], $0xffff;
	v20 =	vor.u32 v7, v13  }
0x8a: {  	v24 =	vor.u32 v7, v10;
	[tilespmem:s31+$0xFFFFFF90] =	vst v17;
	v17 =	vld.idx.msk [tilespmem:v25+s4+$0x0], $0xffff;
	v25 =	vor.u32 v7, v12  }
0x8b: {  	v26 =	vld.idx.msk [tilespmem:v26+s4+$0x0], $0xffff;
	[tilespmem:s2+$0xFFFFFF50] =	vst v27  }
0x8c: {  	v27 =	vor.u32 v3, v30;
	v31 =	vld.idx.msk [tilespmem:v21+s4+$0x0], $0xffff;
	[tilespmem:s2+$0x50] =	vst v23  }
0x8d: {  	v33 =	vor.u32 v3, v28;
	v32 =	vld.idx.msk [tilespmem:v22+s4+$0x0], $0xffff;
	[tilespmem:s2+$0xD0] =	vst v18  }
0x8e: {  	v34 =	vor.u32 v4, v19;
	[tilespmem:s2+$0xFFFFFFD0] =	vst v15;
	v22 =	vld.idx.msk [tilespmem:v20+s4+$0x0], $0xffff  }
.Ltmp2:
0x8f: {  	v21 =	vor.u32 v8, v11;
	v11 =	vmov v19;
	[tilespmem:s31+$0x10] =	vst v16;
	v20 =	vld.idx.msk [tilespmem:v25+s4+$0x0], $0xffff;
	(pc) =	sbr.rel @p1 .LBB2_4-.Ltmp2, $4  }
0x90: {  	v18 =	vor.u32 v8, v13;
	v13 =	vmov v28;
	[tilespmem:s31+$0x90] =	vst v17;
	v19 =	vld.idx.msk [tilespmem:v24+s4+$0x0], $0xffff  }
0x91: {  	v15 =	vor.u32 v8, v10;
	v10 =	vmov v29;
	v16 =	vor.u32 v8, v12;
	[tilespmem:s31+$0xFFFFFF20] =	vst v26;
	v23 =	vld.idx.msk [tilespmem:v27+s4+$0x0], $0xffff  }
0x92: {  	v12 =	vmov v30;
	v24 =	vld.idx.msk [tilespmem:v33+s4+$0x0], $0xffff;
	[tilespmem:s2+$0xFFFFFF60] =	vst v31  }
0x93: {  	v17 =	vld.idx.msk [tilespmem:v34+s4+$0x0], $0xffff;
	[tilespmem:s31+$0xFFFFFFA0] =	vst v32  }
0x94: {  	v9 =	vor.u32 v4, v13  }
0x95: {  	v25 =	vor.u32 v4, v10;
	_ =	sdelay $0x1  }
0x96: {  	[tilespmem:s31+$0x20] =	vst v23  }
0x97: {  	v47 =	vor.u32 v5, v11;
	[tilespmem:s31+$0xA0] =	vst v24;
	v14 =	vld.idx.msk [tilespmem:v14+s4+$0x0], $0xffff  }
0x98: {  	v26 =	vor.u32 v5, v12;
	v9 =	vld.idx.msk [tilespmem:v9+s4+$0x0], $0xffff  }
0x99: {  	v48 =	vor.u32 v5, v13;
	v25 =	vld.idx.msk [tilespmem:v25+s4+$0x0], $0xffff  }
0x9a: {  	v27 =	vor.u32 v5, v10  }
0x9b: {  	[tilespmem:s31+$0xFFFFFF30] =	vst v17  }
0x9c: {  	v17 =	vld.idx.msk [tilespmem:v47+s4+$0x0], $0xffff;
	[tilespmem:s31+$0x30] =	vst v14  }
0x9d: {  	v50 =	vld.idx.msk [tilespmem:v26+s4+$0x0], $0xffff;
	[tilespmem:s31+$0xB0] =	vst v9;
	v9 =	vor.u32 v6, v11  }
0x9e: {  	v52 =	vor.u32 v6, v12;
	[tilespmem:s31+$0xFFFFFFB0] =	vst v25;
	v49 =	vld.idx.msk [tilespmem:v48+s4+$0x0], $0xffff  }
0x9f: {  	v51 =	vor.u32 v6, v13;
	v25 =	vld.idx.msk [tilespmem:v27+s4+$0x0], $0xffff  }
0xa0: {  	[tilespmem:s2+$0xE0] =	vst v22;
	v53 =	vor.u32 v6, v10  }
0xa1: {  	[tilespmem:s31+$0xFFFFFF40] =	vst v17  }
0xa2: {  	[tilespmem:s31+$0x40] =	vst v50;
	v9 =	vld.idx.msk [tilespmem:v9+s4+$0x0], $0xffff  }
0xa3: {  	v54 =	vor.u32 v7, v11;
	v23 =	vld.idx.msk [tilespmem:v52+s4+$0x0], $0xffff;
	[tilespmem:s31+$0xC0] =	vst v49  }
0xa4: {  	v58 =	vor.u32 v7, v12;
	[tilespmem:s31+$0xFFFFFFC0] =	vst v25;
	v55 =	vld.idx.msk [tilespmem:v51+s4+$0x0], $0xffff  }
0xa5: {  	v56 =	vor.u32 v7, v13;
	[tilespmem:s2+$0x60] =	vst v20;
	v57 =	vld.idx.msk [tilespmem:v53+s4+$0x0], $0xffff  }
0xa6: {  	v21 =	vld.idx.msk [tilespmem:v21+s4+$0x0], $0xffff;
	v59 =	vor.u32 v7, v10;
	[tilespmem:s2+$0xFFFFFFE0] =	vst v19  }
0xa7: {  	v18 =	vld.idx.msk [tilespmem:v18+s4+$0x0], $0xffff;
	[tilespmem:s31+$0xFFFFFF50] =	vst v9  }
0xa8: {  	[tilespmem:s31+$0x50] =	vst v23;
	v9 =	vld.idx.msk [tilespmem:v54+s4+$0x0], $0xffff  }
0xa9: {  	v11 =	vor.u32 v8, v11;
	v61 =	vld.idx.msk [tilespmem:v58+s4+$0x0], $0xffff;
	[tilespmem:s31+$0xD0] =	vst v55  }
0xaa: {  	v63 =	vor.u32 v8, v12;
	[tilespmem:s31+$0xFFFFFFD0] =	vst v57;
	v60 =	vld.idx.msk [tilespmem:v56+s4+$0x0], $0xffff  }
0xab: {  	v62 =	vor.u32 v8, v13;
	[tilespmem:s2+$0xFFFFFF70] =	vst v21;
	v19 =	vld.idx.msk [tilespmem:v59+s4+$0x0], $0xffff  }
0xac: {  	v10 =	vor.u32 v8, v10;
	v16 =	vld.idx.msk [tilespmem:v16+s4+$0x0], $0xffff;
	[tilespmem:s2+$0xF0] =	vst v18  }
0xad: {  	v15 =	vld.idx.msk [tilespmem:v15+s4+$0x0], $0xffff;
	[tilespmem:s31+$0xFFFFFF60] =	vst v9  }
0xae: {  	[tilespmem:s31+$0x60] =	vst v61;
	v9 =	vld.idx.msk [tilespmem:v11+s4+$0x0], $0xffff  }
0xaf: {  	v12 =	vld.idx.msk [tilespmem:v63+s4+$0x0], $0xffff;
	[tilespmem:s31+$0xE0] =	vst v60  }
0xb0: {  	s30 =	sadd.s32 $0x1, s30;
	[tilespmem:s31+$0xFFFFFFE0] =	vst v19;
	v11 =	vld.idx.msk [tilespmem:v62+s4+$0x0], $0xffff  }
0xb1: {  	p1 =	sne.s32 s30, $0x19;
	[tilespmem:s2+$0x70] =	vst v16;
	v10 =	vld.idx.msk [tilespmem:v10+s4+$0x0], $0xffff  }
.Ltmp3:
0xb2: {  	[tilespmem:s2+$0xFFFFFFF0] =	vst v15;
	(pc) =	sbr.rel @p1 .LBB2_3-.Ltmp3, $4  }
0xb3: {  	[tilespmem:s31+$0xFFFFFF70] =	vst v9  }
0xb4: {  	[tilespmem:s31+$0x70] =	vst v12  }
0xb5: {  	[tilespmem:s31+$0xF0] =	vst v11  }
0xb6: {  	s0 =	sadd.s32 $0x800, s0;
	[tilespmem:s31+$0xFFFFFFF0] =	vst v10  }
0xb7: {  	s30 =	smul.u32 $0xC80, s29;
	_ =	sdelay $0x1  }
0xb8: {  	s0 =	sadd.s32 s5, s30  }
0xb9: {  	s0 =	sshll.u32 s0, $0x4  }
0xba: {  	s0 =	sadd.s32 s3, s0  }
0xbb: {  	[hbm4b:s0+s4] =	stream.linear.scatter [tilespmem:s22], [sflag:$0x4], $0xC800, $0x38;
	[tilespmem:$0x1A200] =	vst v63  }
0xbc: {  	s0 =	simm.s32 @!p0 $0x5  }
0xbd: {  	_ =	swait.ge @!p0 [sflag:s0], $0xC800  }
0xbe: {  	s31 =	simm.s32 $0x0;
	[sflag:s0] =	ssyncset.done @!p0 $0x0  }
0xbf: {  	s6 =	simm.s32 $0xDBF0;
	[sflag:s0] =	ssyncadd.s32 @!p0 $0xFFFF3800;
	s0 =	simm.s32 $0x0  }
.LBB2_7:
0xc0: {  	s1 =	sshll.u32 s0, $0x4  }
0xc1: {  	v9 =	vmov s1  }
0xc2: {  	v9 =	vbroadcast v9, $0x0;
	_ =	sdelay $0x1  }
0xc3: {  	v10 =	vor.u32 v0, v9  }
0xc4: {  	v11 =	vmulhi.u32 $0x51EB851F, v10;
	_ =	sdelay $0x1  }
0xc5: {  	v11 =	vshrl.u32 v11, $0x6  }
0xc6: {  	v12 =	vmul.u32 $0xFFFFFF38, v11;
	_ =	sdelay $0x1  }
0xc7: {  	v10 =	vadd.s32 v10, v12  }
0xc8: {  	vm0 =	veq.s32 v9, v0;
	vm1 =	vne.s32 v10, $0x0  }
0xc9: {  	vm0 =	vmand vm0, vm1  }
0xca: {  	v9 =	vsel vm0, $0xFFFFFFFF, v1  }
0xcb: {  	v9 =	vadd.s32 v9, v11  }
0xcc: {  	v11 =	vshll.u32 v10, $0x3;
	v9 =	vadd.s32 $0x2, v9  }
0xcd: {  	v10 =	vand.u32 $0x7F, v10;
	v11 =	vand.u32 $0x400, v11;
	v12 =	vshll.u32 v9, $0x8  }
0xce: {  	v9 =	vshll.u32 v9, $0x7;
	v10 =	vor.u32 v10, v11;
	v12 =	vand.u32 $0xFFFFF800, v12  }
0xcf: {  	v9 =	vand.u32 $0x380, v9;
	v10 =	vor.u32 v12, v10  }
0xd0: {  	v9 =	vor.u32 v9, v10;
	_ =	sdelay $0x4  }
0xd1: {  	v9 =	vld.idx.msk [tilespmem:v9+s19+$0x0], $0xffff;
	_ =	sdelay $0x3  }
0xd2: {  	v10 =	vmov s31  }
0xd3: {  	v10 =	vperm.xlane v9, v10  }
0xd4: {  	s18 =	simm.s32 $0x2  }
0xd5: {  	s2 =	simm.s32 $0x3;
	v11 =	vmov s18;
	v15 =	vshll.u32 v10, $0x7  }
0xd6: {  	s28 =	simm.s32 $0x1;
	v11 =	vperm.xlane v9, v11;
	v10 =	vmov s2;
	v12 =	vor.u32 v0, v15  }
0xd7: {  	v13 =	vmov s28;
	v10 =	vperm.xlane v9, v10  }
0xd8: {  	v13 =	vperm.xlane v9, v13;
	v16 =	vshll.u32 v11, $0x7  }
0xd9: {  	v18 =	vshll.u32 v10, $0x7;
	v10 =	vor.u32 v0, v16  }
0xda: {  	v17 =	vshll.u32 v13, $0x7;
	v11 =	vor.u32 v0, v18  }
0xdb: {  	v13 =	vor.u32 v0, v17;
	v12 =	vld.idx.msk [tilespmem:v12+s4+$0x0], $0xffff  }
0xdc: {  	v14 =	vor.u32 v2, v15;
	_ =	sdelay $0x1  }
0xdd: {  	v10 =	vld.idx.msk [tilespmem:v10+s4+$0x0], $0xffff  }
0xde: {  	v19 =	vor.u32 v2, v16;
	v11 =	vld.idx.msk [tilespmem:v11+s4+$0x0], $0xffff  }
0xdf: {  	v13 =	vld.idx.msk [tilespmem:v13+s4+$0x0], $0xffff;
	[tilespmem:s6+$0xFFFFFE10] =	vst v12;
	v12 =	vor.u32 v2, v18  }
0xe0: {  	v20 =	vor.u32 v2, v17;
	v14 =	vld.idx.msk [tilespmem:v14+s4+$0x0], $0xffff  }
0xe1: {  	v21 =	vor.u32 v3, v15  }
0xe2: {  	[tilespmem:s6+$0xFFFFFF10] =	vst v10  }
0xe3: {  	[tilespmem:s6+$0xFFFFFF90] =	vst v11;
	v10 =	vld.idx.msk [tilespmem:v19+s4+$0x0], $0xffff  }
0xe4: {  	[tilespmem:s6+$0xFFFFFE90] =	vst v13;
	v11 =	vld.idx.msk [tilespmem:v12+s4+$0x0], $0xffff;
	v12 =	vor.u32 v3, v16  }
0xe5: {  	v13 =	vld.idx.msk [tilespmem:v20+s4+$0x0], $0xffff;
	[tilespmem:s6+$0xFFFFFE20] =	vst v14;
	v14 =	vor.u32 v3, v18  }
0xe6: {  	v19 =	vor.u32 v3, v17;
	v20 =	vld.idx.msk [tilespmem:v21+s4+$0x0], $0xffff  }
0xe7: {  	v21 =	vor.u32 v4, v15  }
0xe8: {  	[tilespmem:s6+$0xFFFFFF20] =	vst v10  }
0xe9: {  	s7 =	simm.s32 $0x4;
	[tilespmem:s6+$0xFFFFFFA0] =	vst v11;
	v10 =	vld.idx.msk [tilespmem:v12+s4+$0x0], $0xffff  }
0xea: {  	s17 =	simm.s32 $0x5;
	v22 =	vor.u32 v4, v16;
	[tilespmem:s6+$0xFFFFFEA0] =	vst v13;
	v11 =	vmov s7;
	v12 =	vld.idx.msk [tilespmem:v14+s4+$0x0], $0xffff  }
0xeb: {  	s18 =	simm.s32 $0x6;
	v13 =	vld.idx.msk [tilespmem:v19+s4+$0x0], $0xffff;
	v19 =	vmov s17;
	v14 =	vor.u32 v4, v18;
	v11 =	vperm.xlane v9, v11;
	[tilespmem:s6+$0xFFFFFE30] =	vst v20  }
0xec: {  	v23 =	vmov s18;
	v19 =	vperm.xlane v9, v19;
	v20 =	vld.idx.msk [tilespmem:v21+s4+$0x0], $0xffff;
	v21 =	vor.u32 v4, v17  }
0xed: {  	v23 =	vperm.xlane v9, v23;
	v24 =	vor.u32 v5, v15;
	v11 =	vshll.u32 v11, $0x7  }
0xee: {  	v25 =	vor.u32 v0, v11;
	[tilespmem:s6+$0xFFFFFF30] =	vst v10;
	v10 =	vshll.u32 v19, $0x7  }
0xef: {  	s28 =	simm.s32 $0x7;
	[tilespmem:s6+$0xFFFFFFB0] =	vst v12;
	v19 =	vor.u32 v0, v10;
	v12 =	vshll.u32 v23, $0x7;
	v22 =	vld.idx.msk [tilespmem:v22+s4+$0x0], $0xffff  }
0xf0: {  	[tilespmem:s6+$0xFFFFFEB0] =	vst v13;
	v13 =	vmov s28;
	v23 =	vor.u32 v0, v12;
	v14 =	vld.idx.msk [tilespmem:v14+s4+$0x0], $0xffff  }
0xf1: {  	v13 =	vperm.xlane v9, v13;
	[tilespmem:s6+$0xFFFFFE40] =	vst v20;
	v20 =	vld.idx.msk [tilespmem:v21+s4+$0x0], $0xffff;
	v21 =	vor.u32 v5, v16  }
0xf2: {  	v26 =	vor.u32 v5, v18;
	v24 =	vld.idx.msk [tilespmem:v24+s4+$0x0], $0xffff  }
0xf3: {  	v27 =	vor.u32 v5, v17;
	v13 =	vshll.u32 v13, $0x7;
	v25 =	vld.idx.msk [tilespmem:v25+s4+$0x0], $0xffff  }
0xf4: {  	v28 =	vor.u32 v0, v13;
	v19 =	vld.idx.msk [tilespmem:v19+s4+$0x0], $0xffff;
	[tilespmem:s6+$0xFFFFFF40] =	vst v22  }
0xf5: {  	v29 =	vor.u32 v2, v11;
	v23 =	vld.idx.msk [tilespmem:v23+s4+$0x0], $0xffff;
	[tilespmem:s6+$0xFFFFFFC0] =	vst v14  }
0xf6: {  	v22 =	vor.u32 v2, v10;
	v21 =	vld.idx.msk [tilespmem:v21+s4+$0x0], $0xffff;
	[tilespmem:s6+$0xFFFFFEC0] =	vst v20  }
0xf7: {  	s2 =	sadd.s32 $0x200, s6;
	v14 =	vor.u32 v6, v15;
	v20 =	vld.idx.msk [tilespmem:v26+s4+$0x0], $0xffff;
	[tilespmem:s6+$0xFFFFFE50] =	vst v24  }
0xf8: {  	v26 =	vor.u32 v6, v16;
	v24 =	vld.idx.msk [tilespmem:v27+s4+$0x0], $0xffff;
	[tilespmem:s2+$0xFFFFFE10] =	vst v25  }
0xf9: {  	v25 =	vld.idx.msk [tilespmem:v28+s4+$0x0], $0xffff;
	v27 =	vor.u32 v6, v18;
	[tilespmem:s2+$0xFFFFFE90] =	vst v19  }
0xfa: {  	v61 =	vor.u32 v2, v13;
	v60 =	vld.idx.msk [tilespmem:v29+s4+$0x0], $0xffff;
	[tilespmem:s2+$0xFFFFFF10] =	vst v23  }
0xfb: {  	v19 =	vor.u32 v6, v17;
	v22 =	vld.idx.msk [tilespmem:v22+s4+$0x0], $0xffff;
	[tilespmem:s6+$0xFFFFFF50] =	vst v21  }
0xfc: {  	v14 =	vld.idx.msk [tilespmem:v14+s4+$0x0], $0xffff;
	v21 =	vor.u32 v3, v11;
	[tilespmem:s6+$0xFFFFFFD0] =	vst v20  }
0xfd: {  	v23 =	vor.u32 v2, v12;
	v26 =	vld.idx.msk [tilespmem:v26+s4+$0x0], $0xffff;
	[tilespmem:s6+$0xFFFFFED0] =	vst v24  }
0xfe: {  	v20 =	vor.u32 v7, v15;
	v24 =	vld.idx.msk [tilespmem:v27+s4+$0x0], $0xffff;
	[tilespmem:s2+$0xFFFFFF90] =	vst v25  }
0xff: {  	v27 =	vor.u32 v3, v10;
	v62 =	vld.idx.msk [tilespmem:v61+s4+$0x0], $0xffff  }
0x100: {  	v25 =	vor.u32 v7, v18;
	[tilespmem:s2+$0xFFFFFE20] =	vst v60;
	v19 =	vld.idx.msk [tilespmem:v19+s4+$0x0], $0xffff  }
0x101: {  	v63 =	vor.u32 v7, v16;
	[tilespmem:s2+$0xFFFFFEA0] =	vst v22;
	v21 =	vld.idx.msk [tilespmem:v21+s4+$0x0], $0xffff  }
0x102: {  	v30 =	vor.u32 v7, v17;
	v23 =	vld.idx.msk [tilespmem:v23+s4+$0x0], $0xffff;
	[tilespmem:s6+$0xFFFFFE60] =	vst v14  }
0x103: {  	v31 =	vor.u32 v3, v12;
	v32 =	vld.idx.msk [tilespmem:v20+s4+$0x0], $0xffff;
	[tilespmem:s6+$0xFFFFFF60] =	vst v26  }
0x104: {  	v26 =	vld.idx.msk [tilespmem:v27+s4+$0x0], $0xffff;
	v27 =	vor.u32 v3, v13;
	[tilespmem:s6+$0xFFFFFFE0] =	vst v24  }
0x105: {  	v33 =	vor.u32 v4, v11;
	v22 =	vld.idx.msk [tilespmem:v25+s4+$0x0], $0xffff;
	[tilespmem:s6+$0xFFFFFEE0] =	vst v19  }
0x106: {  	v20 =	vld.idx.msk [tilespmem:v63+s4+$0x0], $0xffff;
	[tilespmem:s2+$0xFFFFFE30] =	vst v21;
	v21 =	vor.u32 v8, v15  }
0x107: {  	v18 =	vor.u32 v8, v18;
	[tilespmem:s2+$0xFFFFFF20] =	vst v23;
	v19 =	vld.idx.msk [tilespmem:v30+s4+$0x0], $0xffff  }
0x108: {  	v16 =	vor.u32 v8, v16;
	[tilespmem:s2+$0xFFFFFFA0] =	vst v62;
	v23 =	vld.idx.msk [tilespmem:v31+s4+$0x0], $0xffff  }
0x109: {  	[tilespmem:s6+$0xFFFFFE70] =	vst v32;
	v15 =	vor.u32 v8, v17;
	v24 =	vld.idx.msk [tilespmem:v27+s4+$0x0], $0xffff  }
0x10a: {  	s1 =	smov.u32 s6;
	s7 =	simm.s32 $0x8;
	v14 =	vor.u32 v4, v12;
	v17 =	vld.idx.msk [tilespmem:v33+s4+$0x0], $0xffff;
	[tilespmem:s2+$0xFFFFFEB0] =	vst v26  }
.LBB2_8:
0x10b: {  	v25 =	vmov s7;
	s17 =	sadd.s32 $0x1, s7;
	s18 =	sadd.s32 $0x2, s7;
	s28 =	sadd.s32 $0x3, s7;
	v26 =	vor.u32 v4, v10;
	v27 =	vor.u32 v4, v13;
	v21 =	vld.idx.msk [tilespmem:v21+s4+$0x0], $0xffff;
	[tilespmem:s1+$0xFFFFFFF0] =	vst v22  }
0x10c: {  	p0 =	slt.u32 s7, $0xC;
	s7 =	sadd.s32 $0x4, s7;
	v22 =	vperm.xlane v9, v25;
	v25 =	vmov s17;
	v28 =	vmov s28;
	[tilespmem:s1+$0xFFFFFF70] =	vst v20;
	v18 =	vld.idx.msk [tilespmem:v18+s4+$0x0], $0xffff  }
0x10d: {  	v20 =	vperm.xlane v9, v25;
	v25 =	vmov s18;
	v28 =	vperm.xlane v9, v28;
	[tilespmem:s1+$0xFFFFFEF0] =	vst v19;
	v16 =	vld.idx.msk [tilespmem:v16+s4+$0x0], $0xffff  }
0x10e: {  	v19 =	vshll.u32 v22, $0x7;
	v22 =	vperm.xlane v9, v25;
	v25 =	vor.u32 v5, v11;
	[tilespmem:s2+$0xFFFFFF30] =	vst v23;
	v15 =	vld.idx.msk [tilespmem:v15+s4+$0x0], $0xffff  }
0x10f: {  	v23 =	vor.u32 v0, v19;
	v29 =	vshll.u32 v20, $0x7;
	v28 =	vshll.u32 v28, $0x7;
	[tilespmem:s2+$0xFFFFFFB0] =	vst v24  }
0x110: {  	v20 =	vor.u32 v0, v29;
	v30 =	vshll.u32 v22, $0x7;
	v22 =	vor.u32 v0, v28;
	[tilespmem:s2+$0xFFFFFE40] =	vst v17;
	v17 =	vld.idx.msk [tilespmem:v14+s4+$0x0], $0xffff  }
0x111: {  	v24 =	vor.u32 v0, v30;
	v14 =	vor.u32 v4, v30;
	v27 =	vld.idx.msk [tilespmem:v27+s4+$0x0], $0xffff;
	[tilespmem:s1+$0xFFFFFE80] =	vst v21  }
0x112: {  	v21 =	vld.idx.msk [tilespmem:v26+s4+$0x0], $0xffff;
	v26 =	vor.u32 v5, v12;
	[tilespmem:s1+$0x0] =	vst v18  }
0x113: {  	v18 =	vld.idx.msk [tilespmem:v25+s4+$0x0], $0xffff;
	v25 =	vor.u32 v5, v13;
	[tilespmem:s1+$0xFFFFFF80] =	vst v16  }
0x114: {  	v16 =	vld.idx.msk [tilespmem:v23+s4+$0x0], $0xffff;
	v23 =	vor.u32 v5, v10;
	[tilespmem:s1+$0xFFFFFF00] =	vst v15;
	s1 =	smov.u32 s2  }
0x115: {  	v15 =	vld.idx.msk [tilespmem:v20+s4+$0x0], $0xffff  }
0x116: {  	v20 =	vor.u32 v2, v19;
	v24 =	vld.idx.msk [tilespmem:v24+s4+$0x0], $0xffff;
	[tilespmem:s2+$0xFFFFFF40] =	vst v17  }
0x117: {  	v17 =	vor.u32 v2, v29;
	v26 =	vld.idx.msk [tilespmem:v26+s4+$0x0], $0xffff;
	[tilespmem:s2+$0xFFFFFFC0] =	vst v27  }
0x118: {  	v27 =	vor.u32 v6, v11;
	[tilespmem:s2+$0xFFFFFEC0] =	vst v21;
	v21 =	vld.idx.msk [tilespmem:v25+s4+$0x0], $0xffff  }
0x119: {  	s2 =	sadd.s32 $0x200, s2;
	[tilespmem:s1+$0xFFFFFE50] =	vst v18;
	v18 =	vld.idx.msk [tilespmem:v23+s4+$0x0], $0xffff;
	v23 =	vor.u32 v6, v12  }
0x11a: {  	[tilespmem:s2+$0xFFFFFE10] =	vst v16;
	v16 =	vld.idx.msk [tilespmem:v22+s4+$0x0], $0xffff;
	v22 =	vor.u32 v6, v13  }
0x11b: {  	v20 =	vld.idx.msk [tilespmem:v20+s4+$0x0], $0xffff;
	[tilespmem:s2+$0xFFFFFE90] =	vst v15;
	v15 =	vor.u32 v6, v10  }
0x11c: {  	v17 =	vld.idx.msk [tilespmem:v17+s4+$0x0], $0xffff;
	[tilespmem:s2+$0xFFFFFF10] =	vst v24;
	v24 =	vor.u32 v2, v30  }
0x11d: {  	v25 =	vor.u32 v2, v28;
	v27 =	vld.idx.msk [tilespmem:v27+s4+$0x0], $0xffff;
	[tilespmem:s1+$0xFFFFFF50] =	vst v26  }
0x11e: {  	v26 =	vor.u32 v3, v19;
	v23 =	vld.idx.msk [tilespmem:v23+s4+$0x0], $0xffff;
	[tilespmem:s1+$0xFFFFFFD0] =	vst v21  }
0x11f: {  	v21 =	vor.u32 v7, v11;
	[tilespmem:s1+$0xFFFFFED0] =	vst v18;
	v18 =	vld.idx.msk [tilespmem:v22+s4+$0x0], $0xffff  }
0x120: {  	v22 =	vor.u32 v3, v29;
	[tilespmem:s2+$0xFFFFFF90] =	vst v16;
	v15 =	vld.idx.msk [tilespmem:v15+s4+$0x0], $0xffff  }
0x121: {  	[tilespmem:s2+$0xFFFFFE20] =	vst v20;
	v16 =	vld.idx.msk [tilespmem:v24+s4+$0x0], $0xffff;
	v20 =	vor.u32 v7, v13  }
0x122: {  	v24 =	vor.u32 v7, v10;
	[tilespmem:s2+$0xFFFFFEA0] =	vst v17;
	v17 =	vld.idx.msk [tilespmem:v25+s4+$0x0], $0xffff;
	v25 =	vor.u32 v7, v12  }
0x123: {  	v26 =	vld.idx.msk [tilespmem:v26+s4+$0x0], $0xffff;
	[tilespmem:s1+$0xFFFFFE60] =	vst v27  }
0x124: {  	v27 =	vor.u32 v3, v30;
	v31 =	vld.idx.msk [tilespmem:v21+s4+$0x0], $0xffff;
	[tilespmem:s1+$0xFFFFFF60] =	vst v23  }
0x125: {  	v33 =	vor.u32 v3, v28;
	v32 =	vld.idx.msk [tilespmem:v22+s4+$0x0], $0xffff;
	[tilespmem:s1+$0xFFFFFFE0] =	vst v18  }
0x126: {  	v34 =	vor.u32 v4, v19;
	[tilespmem:s1+$0xFFFFFEE0] =	vst v15;
	v22 =	vld.idx.msk [tilespmem:v20+s4+$0x0], $0xffff  }
.Ltmp4:
0x127: {  	v21 =	vor.u32 v8, v11;
	v11 =	vmov v19;
	[tilespmem:s2+$0xFFFFFF20] =	vst v16;
	v20 =	vld.idx.msk [tilespmem:v25+s4+$0x0], $0xffff;
	(pc) =	sbr.rel @p0 .LBB2_8-.Ltmp4, $4  }
0x128: {  	v18 =	vor.u32 v8, v13;
	v13 =	vmov v28;
	[tilespmem:s2+$0xFFFFFFA0] =	vst v17;
	v19 =	vld.idx.msk [tilespmem:v24+s4+$0x0], $0xffff  }
0x129: {  	v15 =	vor.u32 v8, v10;
	v10 =	vmov v29;
	v16 =	vor.u32 v8, v12;
	[tilespmem:s2+$0xFFFFFE30] =	vst v26;
	v23 =	vld.idx.msk [tilespmem:v27+s4+$0x0], $0xffff  }
0x12a: {  	v12 =	vmov v30;
	v24 =	vld.idx.msk [tilespmem:v33+s4+$0x0], $0xffff;
	[tilespmem:s1+$0xFFFFFE70] =	vst v31  }
0x12b: {  	v17 =	vld.idx.msk [tilespmem:v34+s4+$0x0], $0xffff;
	[tilespmem:s2+$0xFFFFFEB0] =	vst v32  }
0x12c: {  	v9 =	vor.u32 v4, v13  }
0x12d: {  	v25 =	vor.u32 v4, v10;
	_ =	sdelay $0x1  }
0x12e: {  	[tilespmem:s2+$0xFFFFFF30] =	vst v23  }
0x12f: {  	v47 =	vor.u32 v5, v11;
	[tilespmem:s2+$0xFFFFFFB0] =	vst v24;
	v14 =	vld.idx.msk [tilespmem:v14+s4+$0x0], $0xffff  }
0x130: {  	v26 =	vor.u32 v5, v12;
	v9 =	vld.idx.msk [tilespmem:v9+s4+$0x0], $0xffff  }
0x131: {  	v48 =	vor.u32 v5, v13;
	v25 =	vld.idx.msk [tilespmem:v25+s4+$0x0], $0xffff  }
0x132: {  	v27 =	vor.u32 v5, v10  }
0x133: {  	[tilespmem:s2+$0xFFFFFE40] =	vst v17  }
0x134: {  	v17 =	vld.idx.msk [tilespmem:v47+s4+$0x0], $0xffff;
	[tilespmem:s2+$0xFFFFFF40] =	vst v14  }
0x135: {  	v50 =	vld.idx.msk [tilespmem:v26+s4+$0x0], $0xffff;
	[tilespmem:s2+$0xFFFFFFC0] =	vst v9;
	v9 =	vor.u32 v6, v11  }
0x136: {  	v52 =	vor.u32 v6, v12;
	[tilespmem:s2+$0xFFFFFEC0] =	vst v25;
	v49 =	vld.idx.msk [tilespmem:v48+s4+$0x0], $0xffff  }
0x137: {  	v51 =	vor.u32 v6, v13;
	v25 =	vld.idx.msk [tilespmem:v27+s4+$0x0], $0xffff  }
0x138: {  	[tilespmem:s1+$0xFFFFFFF0] =	vst v22;
	v53 =	vor.u32 v6, v10  }
0x139: {  	[tilespmem:s2+$0xFFFFFE50] =	vst v17  }
0x13a: {  	[tilespmem:s2+$0xFFFFFF50] =	vst v50;
	v9 =	vld.idx.msk [tilespmem:v9+s4+$0x0], $0xffff  }
0x13b: {  	v54 =	vor.u32 v7, v11;
	v23 =	vld.idx.msk [tilespmem:v52+s4+$0x0], $0xffff;
	[tilespmem:s2+$0xFFFFFFD0] =	vst v49  }
0x13c: {  	v58 =	vor.u32 v7, v12;
	[tilespmem:s2+$0xFFFFFED0] =	vst v25;
	v55 =	vld.idx.msk [tilespmem:v51+s4+$0x0], $0xffff  }
0x13d: {  	v56 =	vor.u32 v7, v13;
	[tilespmem:s1+$0xFFFFFF70] =	vst v20;
	v57 =	vld.idx.msk [tilespmem:v53+s4+$0x0], $0xffff  }
0x13e: {  	v21 =	vld.idx.msk [tilespmem:v21+s4+$0x0], $0xffff;
	v59 =	vor.u32 v7, v10;
	[tilespmem:s1+$0xFFFFFEF0] =	vst v19  }
0x13f: {  	v18 =	vld.idx.msk [tilespmem:v18+s4+$0x0], $0xffff;
	[tilespmem:s2+$0xFFFFFE60] =	vst v9  }
0x140: {  	[tilespmem:s2+$0xFFFFFF60] =	vst v23;
	v9 =	vld.idx.msk [tilespmem:v54+s4+$0x0], $0xffff  }
0x141: {  	v11 =	vor.u32 v8, v11;
	v61 =	vld.idx.msk [tilespmem:v58+s4+$0x0], $0xffff;
	[tilespmem:s2+$0xFFFFFFE0] =	vst v55  }
0x142: {  	v63 =	vor.u32 v8, v12;
	[tilespmem:s2+$0xFFFFFEE0] =	vst v57;
	v60 =	vld.idx.msk [tilespmem:v56+s4+$0x0], $0xffff  }
0x143: {  	v62 =	vor.u32 v8, v13;
	[tilespmem:s1+$0xFFFFFE80] =	vst v21;
	v19 =	vld.idx.msk [tilespmem:v59+s4+$0x0], $0xffff  }
0x144: {  	v10 =	vor.u32 v8, v10;
	v16 =	vld.idx.msk [tilespmem:v16+s4+$0x0], $0xffff;
	[tilespmem:s1+$0x0] =	vst v18  }
0x145: {  	v15 =	vld.idx.msk [tilespmem:v15+s4+$0x0], $0xffff;
	[tilespmem:s2+$0xFFFFFE70] =	vst v9  }
0x146: {  	[tilespmem:s2+$0xFFFFFF70] =	vst v61;
	v9 =	vld.idx.msk [tilespmem:v11+s4+$0x0], $0xffff  }
0x147: {  	v12 =	vld.idx.msk [tilespmem:v63+s4+$0x0], $0xffff;
	[tilespmem:s2+$0xFFFFFFF0] =	vst v60  }
0x148: {  	s0 =	sadd.s32 $0x1, s0;
	[tilespmem:s2+$0xFFFFFEF0] =	vst v19;
	v11 =	vld.idx.msk [tilespmem:v62+s4+$0x0], $0xffff  }
0x149: {  	p0 =	sne.s32 s0, $0x19;
	[tilespmem:s1+$0xFFFFFF80] =	vst v16;
	v10 =	vld.idx.msk [tilespmem:v10+s4+$0x0], $0xffff  }
.Ltmp5:
0x14a: {  	[tilespmem:s1+$0xFFFFFF00] =	vst v15;
	(pc) =	sbr.rel @p0 .LBB2_7-.Ltmp5, $4  }
0x14b: {  	[tilespmem:s2+$0xFFFFFE80] =	vst v9  }
0x14c: {  	[tilespmem:s2+$0xFFFFFF80] =	vst v12  }
0x14d: {  	[tilespmem:s2+$0x0] =	vst v11  }
0x14e: {  	s6 =	sadd.s32 $0x800, s6;
	[tilespmem:s2+$0xFFFFFF00] =	vst v10  }
0x14f: {  	s0 =	sadd.s32 s30, s8  }
0x150: {  	s0 =	sshll.u32 s0, $0x4  }
0x151: {  	s31 =	simm.s32 $0x0;
	s0 =	sadd.s32 s3, s0  }
0x152: {  	[hbm4b:s0+s31] =	stream.linear.scatter [tilespmem:s23], [sflag:$0x5], $0xC800, $0x38;
	[tilespmem:$0x1A200] =	vst v63  }
0x153: {  	_ =	swait.ge [sflag:s24], $0xC800  }
0x154: {  	[sflag:s24] =	ssyncset.done $0x0  }
0x155: {  	s1 =	simm.s32 $0x1300;
	s0 =	simm.s32 $0x0;
	[sflag:s24] =	ssyncadd.s32 $0xFFFF3800  }
.LBB2_11:
0x156: {  	s2 =	sshll.u32 s0, $0x4  }
0x157: {  	v9 =	vmov s2  }
0x158: {  	v9 =	vbroadcast v9, $0x0;
	_ =	sdelay $0x1  }
0x159: {  	v10 =	vor.u32 v0, v9  }
0x15a: {  	v11 =	vmulhi.u32 $0x51EB851F, v10;
	_ =	sdelay $0x1  }
0x15b: {  	v11 =	vshrl.u32 v11, $0x6  }
0x15c: {  	v12 =	vmul.u32 $0xFFFFFF38, v11;
	_ =	sdelay $0x1  }
0x15d: {  	v10 =	vadd.s32 v10, v12  }
0x15e: {  	vm0 =	veq.s32 v9, v0;
	vm1 =	vne.s32 v10, $0x0  }
0x15f: {  	vm0 =	vmand vm0, vm1  }
0x160: {  	v9 =	vsel vm0, $0xFFFFFFFF, v1  }
0x161: {  	v9 =	vadd.s32 v9, v11  }
0x162: {  	v11 =	vshll.u32 v10, $0x3;
	v9 =	vadd.s32 $0x4, v9  }
0x163: {  	v10 =	vand.u32 $0x7F, v10;
	v11 =	vand.u32 $0x400, v11;
	v12 =	vshll.u32 v9, $0x8  }
0x164: {  	v9 =	vshll.u32 v9, $0x7;
	v10 =	vor.u32 v10, v11;
	v12 =	vand.u32 $0xFFFFF800, v12  }
0x165: {  	v9 =	vand.u32 $0x380, v9;
	v10 =	vor.u32 v12, v10  }
0x166: {  	v9 =	vor.u32 v9, v10;
	_ =	sdelay $0x4  }
0x167: {  	v9 =	vld.idx.msk [tilespmem:v9+s19+$0x0], $0xffff;
	_ =	sdelay $0x3  }
0x168: {  	v10 =	vmov s31  }
0x169: {  	v10 =	vperm.xlane v9, v10  }
0x16a: {  	s18 =	simm.s32 $0x2  }
0x16b: {  	s6 =	simm.s32 $0x3;
	v11 =	vmov s18;
	v15 =	vshll.u32 v10, $0x7  }
0x16c: {  	s28 =	simm.s32 $0x1;
	v11 =	vperm.xlane v9, v11;
	v10 =	vmov s6;
	v12 =	vor.u32 v0, v15  }
0x16d: {  	v13 =	vmov s28;
	v10 =	vperm.xlane v9, v10  }
0x16e: {  	v13 =	vperm.xlane v9, v13;
	v16 =	vshll.u32 v11, $0x7  }
0x16f: {  	v18 =	vshll.u32 v10, $0x7;
	v10 =	vor.u32 v0, v16  }
0x170: {  	v17 =	vshll.u32 v13, $0x7;
	v11 =	vor.u32 v0, v18  }
0x171: {  	v13 =	vor.u32 v0, v17;
	v12 =	vld.idx.msk [tilespmem:v12+s4+$0x0], $0xffff  }
0x172: {  	v14 =	vor.u32 v2, v15;
	_ =	sdelay $0x1  }
0x173: {  	v10 =	vld.idx.msk [tilespmem:v10+s4+$0x0], $0xffff  }
0x174: {  	v19 =	vor.u32 v2, v16;
	v11 =	vld.idx.msk [tilespmem:v11+s4+$0x0], $0xffff  }
0x175: {  	v13 =	vld.idx.msk [tilespmem:v13+s4+$0x0], $0xffff;
	[tilespmem:s1+$0xFFFFFF00] =	vst v12;
	v12 =	vor.u32 v2, v18  }
0x176: {  	v20 =	vor.u32 v2, v17;
	v14 =	vld.idx.msk [tilespmem:v14+s4+$0x0], $0xffff  }
0x177: {  	v21 =	vor.u32 v3, v15  }
0x178: {  	[tilespmem:s1+$0x0] =	vst v10  }
0x179: {  	[tilespmem:s1+$0x80] =	vst v11;
	v10 =	vld.idx.msk [tilespmem:v19+s4+$0x0], $0xffff  }
0x17a: {  	[tilespmem:s1+$0xFFFFFF80] =	vst v13;
	v11 =	vld.idx.msk [tilespmem:v12+s4+$0x0], $0xffff;
	v12 =	vor.u32 v3, v16  }
0x17b: {  	v13 =	vld.idx.msk [tilespmem:v20+s4+$0x0], $0xffff;
	[tilespmem:s1+$0xFFFFFF10] =	vst v14;
	v14 =	vor.u32 v3, v18  }
0x17c: {  	v19 =	vor.u32 v3, v17;
	v20 =	vld.idx.msk [tilespmem:v21+s4+$0x0], $0xffff  }
0x17d: {  	v21 =	vor.u32 v4, v15  }
0x17e: {  	[tilespmem:s1+$0x10] =	vst v10  }
0x17f: {  	s7 =	simm.s32 $0x4;
	[tilespmem:s1+$0x90] =	vst v11;
	v10 =	vld.idx.msk [tilespmem:v12+s4+$0x0], $0xffff  }
0x180: {  	s17 =	simm.s32 $0x5;
	v22 =	vor.u32 v4, v16;
	[tilespmem:s1+$0xFFFFFF90] =	vst v13;
	v11 =	vmov s7;
	v12 =	vld.idx.msk [tilespmem:v14+s4+$0x0], $0xffff  }
0x181: {  	s18 =	simm.s32 $0x6;
	v13 =	vld.idx.msk [tilespmem:v19+s4+$0x0], $0xffff;
	v19 =	vmov s17;
	v14 =	vor.u32 v4, v18;
	v11 =	vperm.xlane v9, v11;
	[tilespmem:s1+$0xFFFFFF20] =	vst v20  }
0x182: {  	v23 =	vmov s18;
	v19 =	vperm.xlane v9, v19;
	v20 =	vld.idx.msk [tilespmem:v21+s4+$0x0], $0xffff;
	v21 =	vor.u32 v4, v17  }
0x183: {  	v23 =	vperm.xlane v9, v23;
	v24 =	vor.u32 v5, v15;
	v11 =	vshll.u32 v11, $0x7  }
0x184: {  	v25 =	vor.u32 v0, v11;
	[tilespmem:s1+$0x20] =	vst v10;
	v10 =	vshll.u32 v19, $0x7  }
0x185: {  	s28 =	simm.s32 $0x7;
	[tilespmem:s1+$0xA0] =	vst v12;
	v19 =	vor.u32 v0, v10;
	v12 =	vshll.u32 v23, $0x7;
	v22 =	vld.idx.msk [tilespmem:v22+s4+$0x0], $0xffff  }
0x186: {  	[tilespmem:s1+$0xFFFFFFA0] =	vst v13;
	v13 =	vmov s28;
	v23 =	vor.u32 v0, v12;
	v14 =	vld.idx.msk [tilespmem:v14+s4+$0x0], $0xffff  }
0x187: {  	v13 =	vperm.xlane v9, v13;
	[tilespmem:s1+$0xFFFFFF30] =	vst v20;
	v20 =	vld.idx.msk [tilespmem:v21+s4+$0x0], $0xffff;
	v21 =	vor.u32 v5, v16  }
0x188: {  	v26 =	vor.u32 v5, v18;
	v24 =	vld.idx.msk [tilespmem:v24+s4+$0x0], $0xffff  }
0x189: {  	v27 =	vor.u32 v5, v17;
	v13 =	vshll.u32 v13, $0x7;
	v25 =	vld.idx.msk [tilespmem:v25+s4+$0x0], $0xffff  }
0x18a: {  	v28 =	vor.u32 v0, v13;
	v19 =	vld.idx.msk [tilespmem:v19+s4+$0x0], $0xffff;
	[tilespmem:s1+$0x30] =	vst v22  }
0x18b: {  	v29 =	vor.u32 v2, v11;
	v23 =	vld.idx.msk [tilespmem:v23+s4+$0x0], $0xffff;
	[tilespmem:s1+$0xB0] =	vst v14  }
0x18c: {  	v22 =	vor.u32 v2, v10;
	v21 =	vld.idx.msk [tilespmem:v21+s4+$0x0], $0xffff;
	[tilespmem:s1+$0xFFFFFFB0] =	vst v20  }
0x18d: {  	s2 =	sadd.s32 $0x200, s1;
	v14 =	vor.u32 v6, v15;
	v20 =	vld.idx.msk [tilespmem:v26+s4+$0x0], $0xffff;
	[tilespmem:s1+$0xFFFFFF40] =	vst v24  }
0x18e: {  	v26 =	vor.u32 v6, v16;
	v24 =	vld.idx.msk [tilespmem:v27+s4+$0x0], $0xffff;
	[tilespmem:s2+$0xFFFFFF00] =	vst v25  }
0x18f: {  	v25 =	vld.idx.msk [tilespmem:v28+s4+$0x0], $0xffff;
	v27 =	vor.u32 v6, v18;
	[tilespmem:s2+$0xFFFFFF80] =	vst v19  }
0x190: {  	v61 =	vor.u32 v2, v13;
	v60 =	vld.idx.msk [tilespmem:v29+s4+$0x0], $0xffff;
	[tilespmem:s2+$0x0] =	vst v23  }
0x191: {  	v19 =	vor.u32 v6, v17;
	v22 =	vld.idx.msk [tilespmem:v22+s4+$0x0], $0xffff;
	[tilespmem:s1+$0x40] =	vst v21  }
0x192: {  	v14 =	vld.idx.msk [tilespmem:v14+s4+$0x0], $0xffff;
	v21 =	vor.u32 v3, v11;
	[tilespmem:s1+$0xC0] =	vst v20  }
0x193: {  	v23 =	vor.u32 v2, v12;
	v26 =	vld.idx.msk [tilespmem:v26+s4+$0x0], $0xffff;
	[tilespmem:s1+$0xFFFFFFC0] =	vst v24  }
0x194: {  	v20 =	vor.u32 v7, v15;
	v24 =	vld.idx.msk [tilespmem:v27+s4+$0x0], $0xffff;
	[tilespmem:s2+$0x80] =	vst v25  }
0x195: {  	v27 =	vor.u32 v3, v10;
	v62 =	vld.idx.msk [tilespmem:v61+s4+$0x0], $0xffff  }
0x196: {  	v25 =	vor.u32 v7, v18;
	[tilespmem:s2+$0xFFFFFF10] =	vst v60;
	v19 =	vld.idx.msk [tilespmem:v19+s4+$0x0], $0xffff  }
0x197: {  	v63 =	vor.u32 v7, v16;
	[tilespmem:s2+$0xFFFFFF90] =	vst v22;
	v21 =	vld.idx.msk [tilespmem:v21+s4+$0x0], $0xffff  }
0x198: {  	v30 =	vor.u32 v7, v17;
	v23 =	vld.idx.msk [tilespmem:v23+s4+$0x0], $0xffff;
	[tilespmem:s1+$0xFFFFFF50] =	vst v14  }
0x199: {  	v31 =	vor.u32 v3, v12;
	v32 =	vld.idx.msk [tilespmem:v20+s4+$0x0], $0xffff;
	[tilespmem:s1+$0x50] =	vst v26  }
0x19a: {  	v26 =	vld.idx.msk [tilespmem:v27+s4+$0x0], $0xffff;
	v27 =	vor.u32 v3, v13;
	[tilespmem:s1+$0xD0] =	vst v24  }
0x19b: {  	v33 =	vor.u32 v4, v11;
	v22 =	vld.idx.msk [tilespmem:v25+s4+$0x0], $0xffff;
	[tilespmem:s1+$0xFFFFFFD0] =	vst v19  }
0x19c: {  	v20 =	vld.idx.msk [tilespmem:v63+s4+$0x0], $0xffff;
	[tilespmem:s2+$0xFFFFFF20] =	vst v21;
	v21 =	vor.u32 v8, v15  }
0x19d: {  	v18 =	vor.u32 v8, v18;
	[tilespmem:s2+$0x10] =	vst v23;
	v19 =	vld.idx.msk [tilespmem:v30+s4+$0x0], $0xffff  }
0x19e: {  	v16 =	vor.u32 v8, v16;
	[tilespmem:s2+$0x90] =	vst v62;
	v23 =	vld.idx.msk [tilespmem:v31+s4+$0x0], $0xffff  }
0x19f: {  	[tilespmem:s1+$0xFFFFFF60] =	vst v32;
	v15 =	vor.u32 v8, v17;
	v24 =	vld.idx.msk [tilespmem:v27+s4+$0x0], $0xffff  }
0x1a0: {  	s6 =	smov.u32 s1;
	s7 =	simm.s32 $0x8;
	v14 =	vor.u32 v4, v12;
	v17 =	vld.idx.msk [tilespmem:v33+s4+$0x0], $0xffff;
	[tilespmem:s2+$0xFFFFFFA0] =	vst v26  }
.LBB2_12:
0x1a1: {  	v25 =	vmov s7;
	s17 =	sadd.s32 $0x1, s7;
	s18 =	sadd.s32 $0x2, s7;
	s28 =	sadd.s32 $0x3, s7;
	v26 =	vor.u32 v4, v10;
	v27 =	vor.u32 v4, v13;
	v21 =	vld.idx.msk [tilespmem:v21+s4+$0x0], $0xffff;
	[tilespmem:s6+$0xE0] =	vst v22  }
0x1a2: {  	p0 =	slt.u32 s7, $0xC;
	s7 =	sadd.s32 $0x4, s7;
	v22 =	vperm.xlane v9, v25;
	v25 =	vmov s17;
	v28 =	vmov s28;
	[tilespmem:s6+$0x60] =	vst v20;
	v18 =	vld.idx.msk [tilespmem:v18+s4+$0x0], $0xffff  }
0x1a3: {  	v20 =	vperm.xlane v9, v25;
	v25 =	vmov s18;
	v28 =	vperm.xlane v9, v28;
	[tilespmem:s6+$0xFFFFFFE0] =	vst v19;
	v16 =	vld.idx.msk [tilespmem:v16+s4+$0x0], $0xffff  }
0x1a4: {  	v19 =	vshll.u32 v22, $0x7;
	v22 =	vperm.xlane v9, v25;
	v25 =	vor.u32 v5, v11;
	[tilespmem:s2+$0x20] =	vst v23;
	v15 =	vld.idx.msk [tilespmem:v15+s4+$0x0], $0xffff  }
0x1a5: {  	v23 =	vor.u32 v0, v19;
	v29 =	vshll.u32 v20, $0x7;
	v28 =	vshll.u32 v28, $0x7;
	[tilespmem:s2+$0xA0] =	vst v24  }
0x1a6: {  	v20 =	vor.u32 v0, v29;
	v30 =	vshll.u32 v22, $0x7;
	v22 =	vor.u32 v0, v28;
	[tilespmem:s2+$0xFFFFFF30] =	vst v17;
	v17 =	vld.idx.msk [tilespmem:v14+s4+$0x0], $0xffff  }
0x1a7: {  	v24 =	vor.u32 v0, v30;
	v14 =	vor.u32 v4, v30;
	v27 =	vld.idx.msk [tilespmem:v27+s4+$0x0], $0xffff;
	[tilespmem:s6+$0xFFFFFF70] =	vst v21  }
0x1a8: {  	v21 =	vld.idx.msk [tilespmem:v26+s4+$0x0], $0xffff;
	v26 =	vor.u32 v5, v12;
	[tilespmem:s6+$0xF0] =	vst v18  }
0x1a9: {  	v18 =	vld.idx.msk [tilespmem:v25+s4+$0x0], $0xffff;
	v25 =	vor.u32 v5, v13;
	[tilespmem:s6+$0x70] =	vst v16  }
0x1aa: {  	v16 =	vld.idx.msk [tilespmem:v23+s4+$0x0], $0xffff;
	v23 =	vor.u32 v5, v10;
	[tilespmem:s6+$0xFFFFFFF0] =	vst v15;
	s6 =	smov.u32 s2  }
0x1ab: {  	v15 =	vld.idx.msk [tilespmem:v20+s4+$0x0], $0xffff  }
0x1ac: {  	v20 =	vor.u32 v2, v19;
	v24 =	vld.idx.msk [tilespmem:v24+s4+$0x0], $0xffff;
	[tilespmem:s2+$0x30] =	vst v17  }
0x1ad: {  	v17 =	vor.u32 v2, v29;
	v26 =	vld.idx.msk [tilespmem:v26+s4+$0x0], $0xffff;
	[tilespmem:s2+$0xB0] =	vst v27  }
0x1ae: {  	v27 =	vor.u32 v6, v11;
	[tilespmem:s2+$0xFFFFFFB0] =	vst v21;
	v21 =	vld.idx.msk [tilespmem:v25+s4+$0x0], $0xffff  }
0x1af: {  	s2 =	sadd.s32 $0x200, s2;
	[tilespmem:s6+$0xFFFFFF40] =	vst v18;
	v18 =	vld.idx.msk [tilespmem:v23+s4+$0x0], $0xffff;
	v23 =	vor.u32 v6, v12  }
0x1b0: {  	[tilespmem:s2+$0xFFFFFF00] =	vst v16;
	v16 =	vld.idx.msk [tilespmem:v22+s4+$0x0], $0xffff;
	v22 =	vor.u32 v6, v13  }
0x1b1: {  	v20 =	vld.idx.msk [tilespmem:v20+s4+$0x0], $0xffff;
	[tilespmem:s2+$0xFFFFFF80] =	vst v15;
	v15 =	vor.u32 v6, v10  }
0x1b2: {  	v17 =	vld.idx.msk [tilespmem:v17+s4+$0x0], $0xffff;
	[tilespmem:s2+$0x0] =	vst v24;
	v24 =	vor.u32 v2, v30  }
0x1b3: {  	v25 =	vor.u32 v2, v28;
	v27 =	vld.idx.msk [tilespmem:v27+s4+$0x0], $0xffff;
	[tilespmem:s6+$0x40] =	vst v26  }
0x1b4: {  	v26 =	vor.u32 v3, v19;
	v23 =	vld.idx.msk [tilespmem:v23+s4+$0x0], $0xffff;
	[tilespmem:s6+$0xC0] =	vst v21  }
0x1b5: {  	v21 =	vor.u32 v7, v11;
	[tilespmem:s6+$0xFFFFFFC0] =	vst v18;
	v18 =	vld.idx.msk [tilespmem:v22+s4+$0x0], $0xffff  }
0x1b6: {  	v22 =	vor.u32 v3, v29;
	[tilespmem:s2+$0x80] =	vst v16;
	v15 =	vld.idx.msk [tilespmem:v15+s4+$0x0], $0xffff  }
0x1b7: {  	[tilespmem:s2+$0xFFFFFF10] =	vst v20;
	v16 =	vld.idx.msk [tilespmem:v24+s4+$0x0], $0xffff;
	v20 =	vor.u32 v7, v13  }
0x1b8: {  	v24 =	vor.u32 v7, v10;
	[tilespmem:s2+$0xFFFFFF90] =	vst v17;
	v17 =	vld.idx.msk [tilespmem:v25+s4+$0x0], $0xffff;
	v25 =	vor.u32 v7, v12  }
0x1b9: {  	v26 =	vld.idx.msk [tilespmem:v26+s4+$0x0], $0xffff;
	[tilespmem:s6+$0xFFFFFF50] =	vst v27  }
0x1ba: {  	v27 =	vor.u32 v3, v30;
	v31 =	vld.idx.msk [tilespmem:v21+s4+$0x0], $0xffff;
	[tilespmem:s6+$0x50] =	vst v23  }
0x1bb: {  	v33 =	vor.u32 v3, v28;
	v32 =	vld.idx.msk [tilespmem:v22+s4+$0x0], $0xffff;
	[tilespmem:s6+$0xD0] =	vst v18  }
0x1bc: {  	v34 =	vor.u32 v4, v19;
	[tilespmem:s6+$0xFFFFFFD0] =	vst v15;
	v22 =	vld.idx.msk [tilespmem:v20+s4+$0x0], $0xffff  }
.Ltmp6:
0x1bd: {  	v21 =	vor.u32 v8, v11;
	v11 =	vmov v19;
	[tilespmem:s2+$0x10] =	vst v16;
	v20 =	vld.idx.msk [tilespmem:v25+s4+$0x0], $0xffff;
	(pc) =	sbr.rel @p0 .LBB2_12-.Ltmp6, $4  }
0x1be: {  	v18 =	vor.u32 v8, v13;
	v13 =	vmov v28;
	[tilespmem:s2+$0x90] =	vst v17;
	v19 =	vld.idx.msk [tilespmem:v24+s4+$0x0], $0xffff  }
0x1bf: {  	v15 =	vor.u32 v8, v10;
	v10 =	vmov v29;
	v16 =	vor.u32 v8, v12;
	[tilespmem:s2+$0xFFFFFF20] =	vst v26;
	v23 =	vld.idx.msk [tilespmem:v27+s4+$0x0], $0xffff  }
0x1c0: {  	v12 =	vmov v30;
	v24 =	vld.idx.msk [tilespmem:v33+s4+$0x0], $0xffff;
	[tilespmem:s6+$0xFFFFFF60] =	vst v31  }
0x1c1: {  	v17 =	vld.idx.msk [tilespmem:v34+s4+$0x0], $0xffff;
	[tilespmem:s2+$0xFFFFFFA0] =	vst v32  }
0x1c2: {  	v9 =	vor.u32 v4, v13  }
0x1c3: {  	v25 =	vor.u32 v4, v10;
	_ =	sdelay $0x1  }
0x1c4: {  	[tilespmem:s2+$0x20] =	vst v23  }
0x1c5: {  	v47 =	vor.u32 v5, v11;
	[tilespmem:s2+$0xA0] =	vst v24;
	v14 =	vld.idx.msk [tilespmem:v14+s4+$0x0], $0xffff  }
0x1c6: {  	v26 =	vor.u32 v5, v12;
	v9 =	vld.idx.msk [tilespmem:v9+s4+$0x0], $0xffff  }
0x1c7: {  	v48 =	vor.u32 v5, v13;
	v25 =	vld.idx.msk [tilespmem:v25+s4+$0x0], $0xffff  }
0x1c8: {  	v27 =	vor.u32 v5, v10  }
0x1c9: {  	[tilespmem:s2+$0xFFFFFF30] =	vst v17  }
0x1ca: {  	v17 =	vld.idx.msk [tilespmem:v47+s4+$0x0], $0xffff;
	[tilespmem:s2+$0x30] =	vst v14  }
0x1cb: {  	v50 =	vld.idx.msk [tilespmem:v26+s4+$0x0], $0xffff;
	[tilespmem:s2+$0xB0] =	vst v9;
	v9 =	vor.u32 v6, v11  }
0x1cc: {  	v52 =	vor.u32 v6, v12;
	[tilespmem:s2+$0xFFFFFFB0] =	vst v25;
	v49 =	vld.idx.msk [tilespmem:v48+s4+$0x0], $0xffff  }
0x1cd: {  	v51 =	vor.u32 v6, v13;
	v25 =	vld.idx.msk [tilespmem:v27+s4+$0x0], $0xffff  }
0x1ce: {  	[tilespmem:s6+$0xE0] =	vst v22;
	v53 =	vor.u32 v6, v10  }
0x1cf: {  	[tilespmem:s2+$0xFFFFFF40] =	vst v17  }
0x1d0: {  	[tilespmem:s2+$0x40] =	vst v50;
	v9 =	vld.idx.msk [tilespmem:v9+s4+$0x0], $0xffff  }
0x1d1: {  	v54 =	vor.u32 v7, v11;
	v23 =	vld.idx.msk [tilespmem:v52+s4+$0x0], $0xffff;
	[tilespmem:s2+$0xC0] =	vst v49  }
0x1d2: {  	v58 =	vor.u32 v7, v12;
	[tilespmem:s2+$0xFFFFFFC0] =	vst v25;
	v55 =	vld.idx.msk [tilespmem:v51+s4+$0x0], $0xffff  }
0x1d3: {  	v56 =	vor.u32 v7, v13;
	[tilespmem:s6+$0x60] =	vst v20;
	v57 =	vld.idx.msk [tilespmem:v53+s4+$0x0], $0xffff  }
0x1d4: {  	v21 =	vld.idx.msk [tilespmem:v21+s4+$0x0], $0xffff;
	v59 =	vor.u32 v7, v10;
	[tilespmem:s6+$0xFFFFFFE0] =	vst v19  }
0x1d5: {  	v18 =	vld.idx.msk [tilespmem:v18+s4+$0x0], $0xffff;
	[tilespmem:s2+$0xFFFFFF50] =	vst v9  }
0x1d6: {  	[tilespmem:s2+$0x50] =	vst v23;
	v9 =	vld.idx.msk [tilespmem:v54+s4+$0x0], $0xffff  }
0x1d7: {  	v11 =	vor.u32 v8, v11;
	v61 =	vld.idx.msk [tilespmem:v58+s4+$0x0], $0xffff;
	[tilespmem:s2+$0xD0] =	vst v55  }
0x1d8: {  	v63 =	vor.u32 v8, v12;
	[tilespmem:s2+$0xFFFFFFD0] =	vst v57;
	v60 =	vld.idx.msk [tilespmem:v56+s4+$0x0], $0xffff  }
0x1d9: {  	v62 =	vor.u32 v8, v13;
	[tilespmem:s6+$0xFFFFFF70] =	vst v21;
	v19 =	vld.idx.msk [tilespmem:v59+s4+$0x0], $0xffff  }
0x1da: {  	v10 =	vor.u32 v8, v10;
	v16 =	vld.idx.msk [tilespmem:v16+s4+$0x0], $0xffff;
	[tilespmem:s6+$0xF0] =	vst v18  }
0x1db: {  	v15 =	vld.idx.msk [tilespmem:v15+s4+$0x0], $0xffff;
	[tilespmem:s2+$0xFFFFFF60] =	vst v9  }
0x1dc: {  	[tilespmem:s2+$0x60] =	vst v61;
	v9 =	vld.idx.msk [tilespmem:v11+s4+$0x0], $0xffff  }
0x1dd: {  	v12 =	vld.idx.msk [tilespmem:v63+s4+$0x0], $0xffff;
	[tilespmem:s2+$0xE0] =	vst v60  }
0x1de: {  	s0 =	sadd.s32 $0x1, s0;
	[tilespmem:s2+$0xFFFFFFE0] =	vst v19;
	v11 =	vld.idx.msk [tilespmem:v62+s4+$0x0], $0xffff  }
0x1df: {  	p0 =	sne.s32 s0, $0x19;
	[tilespmem:s6+$0x70] =	vst v16;
	v10 =	vld.idx.msk [tilespmem:v10+s4+$0x0], $0xffff  }
.Ltmp7:
0x1e0: {  	[tilespmem:s6+$0xFFFFFFF0] =	vst v15;
	(pc) =	sbr.rel @p0 .LBB2_11-.Ltmp7, $4  }
0x1e1: {  	[tilespmem:s2+$0xFFFFFF70] =	vst v9  }
0x1e2: {  	[tilespmem:s2+$0x70] =	vst v12  }
0x1e3: {  	[tilespmem:s2+$0xF0] =	vst v11  }
0x1e4: {  	s1 =	sadd.s32 $0x800, s1;
	[tilespmem:s2+$0xFFFFFFF0] =	vst v10  }
0x1e5: {  	s0 =	sadd.s32 s30, s9  }
0x1e6: {  	s0 =	sshll.u32 s0, $0x4  }
0x1e7: {  	s31 =	simm.s32 $0x0;
	s0 =	sadd.s32 s3, s0  }
0x1e8: {  	[hbm4b:s0+s31] =	stream.linear.scatter [tilespmem:s22], [sflag:$0x4], $0xC800, $0x38;
	[tilespmem:$0x1A200] =	vst v63  }
0x1e9: {  	_ =	swait.ge [sflag:s25], $0xC800  }
0x1ea: {  	[sflag:s25] =	ssyncset.done $0x0  }
0x1eb: {  	s1 =	simm.s32 $0xDBF0;
	s0 =	simm.s32 $0x0;
	[sflag:s25] =	ssyncadd.s32 $0xFFFF3800  }
.LBB2_15:
0x1ec: {  	s2 =	sshll.u32 s0, $0x4  }
0x1ed: {  	v9 =	vmov s2  }
0x1ee: {  	v9 =	vbroadcast v9, $0x0;
	_ =	sdelay $0x1  }
0x1ef: {  	v10 =	vor.u32 v0, v9  }
0x1f0: {  	v11 =	vmulhi.u32 $0x51EB851F, v10;
	_ =	sdelay $0x1  }
0x1f1: {  	v11 =	vshrl.u32 v11, $0x6  }
0x1f2: {  	v12 =	vmul.u32 $0xFFFFFF38, v11;
	_ =	sdelay $0x1  }
0x1f3: {  	v10 =	vadd.s32 v10, v12  }
0x1f4: {  	vm0 =	veq.s32 v9, v0;
	vm1 =	vne.s32 v10, $0x0  }
0x1f5: {  	vm0 =	vmand vm0, vm1  }
0x1f6: {  	v9 =	vsel vm0, $0xFFFFFFFF, v1  }
0x1f7: {  	v9 =	vadd.s32 v9, v11  }
0x1f8: {  	v11 =	vshll.u32 v10, $0x3;
	v9 =	vadd.s32 $0x6, v9  }
0x1f9: {  	v10 =	vand.u32 $0x7F, v10;
	v11 =	vand.u32 $0x400, v11;
	v12 =	vshll.u32 v9, $0x8  }
0x1fa: {  	v9 =	vshll.u32 v9, $0x7;
	v10 =	vor.u32 v10, v11;
	v12 =	vand.u32 $0xFFFFF800, v12  }
0x1fb: {  	v9 =	vand.u32 $0x380, v9;
	v10 =	vor.u32 v12, v10  }
0x1fc: {  	v9 =	vor.u32 v9, v10;
	_ =	sdelay $0x4  }
0x1fd: {  	v9 =	vld.idx.msk [tilespmem:v9+s19+$0x0], $0xffff;
	_ =	sdelay $0x3  }
0x1fe: {  	v10 =	vmov s31  }
0x1ff: {  	v10 =	vperm.xlane v9, v10  }
0x200: {  	s18 =	simm.s32 $0x2  }
0x201: {  	s6 =	simm.s32 $0x3;
	v11 =	vmov s18;
	v15 =	vshll.u32 v10, $0x7  }
0x202: {  	s28 =	simm.s32 $0x1;
	v11 =	vperm.xlane v9, v11;
	v10 =	vmov s6;
	v12 =	vor.u32 v0, v15  }
0x203: {  	v13 =	vmov s28;
	v10 =	vperm.xlane v9, v10  }
0x204: {  	v13 =	vperm.xlane v9, v13;
	v16 =	vshll.u32 v11, $0x7  }
0x205: {  	v18 =	vshll.u32 v10, $0x7;
	v10 =	vor.u32 v0, v16  }
0x206: {  	v17 =	vshll.u32 v13, $0x7;
	v11 =	vor.u32 v0, v18  }
0x207: {  	v13 =	vor.u32 v0, v17;
	v12 =	vld.idx.msk [tilespmem:v12+s4+$0x0], $0xffff  }
0x208: {  	v14 =	vor.u32 v2, v15;
	_ =	sdelay $0x1  }
0x209: {  	v10 =	vld.idx.msk [tilespmem:v10+s4+$0x0], $0xffff  }
0x20a: {  	v19 =	vor.u32 v2, v16;
	v11 =	vld.idx.msk [tilespmem:v11+s4+$0x0], $0xffff  }
0x20b: {  	v13 =	vld.idx.msk [tilespmem:v13+s4+$0x0], $0xffff;
	[tilespmem:s1+$0xFFFFFE10] =	vst v12;
	v12 =	vor.u32 v2, v18  }
0x20c: {  	v20 =	vor.u32 v2, v17;
	v14 =	vld.idx.msk [tilespmem:v14+s4+$0x0], $0xffff  }
0x20d: {  	v21 =	vor.u32 v3, v15  }
0x20e: {  	[tilespmem:s1+$0xFFFFFF10] =	vst v10  }
0x20f: {  	[tilespmem:s1+$0xFFFFFF90] =	vst v11;
	v10 =	vld.idx.msk [tilespmem:v19+s4+$0x0], $0xffff  }
0x210: {  	[tilespmem:s1+$0xFFFFFE90] =	vst v13;
	v11 =	vld.idx.msk [tilespmem:v12+s4+$0x0], $0xffff;
	v12 =	vor.u32 v3, v16  }
0x211: {  	v13 =	vld.idx.msk [tilespmem:v20+s4+$0x0], $0xffff;
	[tilespmem:s1+$0xFFFFFE20] =	vst v14;
	v14 =	vor.u32 v3, v18  }
0x212: {  	v19 =	vor.u32 v3, v17;
	v20 =	vld.idx.msk [tilespmem:v21+s4+$0x0], $0xffff  }
0x213: {  	v21 =	vor.u32 v4, v15  }
0x214: {  	[tilespmem:s1+$0xFFFFFF20] =	vst v10  }
0x215: {  	s7 =	simm.s32 $0x4;
	[tilespmem:s1+$0xFFFFFFA0] =	vst v11;
	v10 =	vld.idx.msk [tilespmem:v12+s4+$0x0], $0xffff  }
0x216: {  	s17 =	simm.s32 $0x5;
	v22 =	vor.u32 v4, v16;
	[tilespmem:s1+$0xFFFFFEA0] =	vst v13;
	v11 =	vmov s7;
	v12 =	vld.idx.msk [tilespmem:v14+s4+$0x0], $0xffff  }
0x217: {  	s18 =	simm.s32 $0x6;
	v13 =	vld.idx.msk [tilespmem:v19+s4+$0x0], $0xffff;
	v19 =	vmov s17;
	v14 =	vor.u32 v4, v18;
	v11 =	vperm.xlane v9, v11;
	[tilespmem:s1+$0xFFFFFE30] =	vst v20  }
0x218: {  	v23 =	vmov s18;
	v19 =	vperm.xlane v9, v19;
	v20 =	vld.idx.msk [tilespmem:v21+s4+$0x0], $0xffff;
	v21 =	vor.u32 v4, v17  }
0x219: {  	v23 =	vperm.xlane v9, v23;
	v24 =	vor.u32 v5, v15;
	v11 =	vshll.u32 v11, $0x7  }
0x21a: {  	v25 =	vor.u32 v0, v11;
	[tilespmem:s1+$0xFFFFFF30] =	vst v10;
	v10 =	vshll.u32 v19, $0x7  }
0x21b: {  	s28 =	simm.s32 $0x7;
	[tilespmem:s1+$0xFFFFFFB0] =	vst v12;
	v19 =	vor.u32 v0, v10;
	v12 =	vshll.u32 v23, $0x7;
	v22 =	vld.idx.msk [tilespmem:v22+s4+$0x0], $0xffff  }
0x21c: {  	[tilespmem:s1+$0xFFFFFEB0] =	vst v13;
	v13 =	vmov s28;
	v23 =	vor.u32 v0, v12;
	v14 =	vld.idx.msk [tilespmem:v14+s4+$0x0], $0xffff  }
0x21d: {  	v13 =	vperm.xlane v9, v13;
	[tilespmem:s1+$0xFFFFFE40] =	vst v20;
	v20 =	vld.idx.msk [tilespmem:v21+s4+$0x0], $0xffff;
	v21 =	vor.u32 v5, v16  }
0x21e: {  	v26 =	vor.u32 v5, v18;
	v24 =	vld.idx.msk [tilespmem:v24+s4+$0x0], $0xffff  }
0x21f: {  	v27 =	vor.u32 v5, v17;
	v13 =	vshll.u32 v13, $0x7;
	v25 =	vld.idx.msk [tilespmem:v25+s4+$0x0], $0xffff  }
0x220: {  	v28 =	vor.u32 v0, v13;
	v19 =	vld.idx.msk [tilespmem:v19+s4+$0x0], $0xffff;
	[tilespmem:s1+$0xFFFFFF40] =	vst v22  }
0x221: {  	v29 =	vor.u32 v2, v11;
	v23 =	vld.idx.msk [tilespmem:v23+s4+$0x0], $0xffff;
	[tilespmem:s1+$0xFFFFFFC0] =	vst v14  }
0x222: {  	v22 =	vor.u32 v2, v10;
	v21 =	vld.idx.msk [tilespmem:v21+s4+$0x0], $0xffff;
	[tilespmem:s1+$0xFFFFFEC0] =	vst v20  }
0x223: {  	s2 =	sadd.s32 $0x200, s1;
	v14 =	vor.u32 v6, v15;
	v20 =	vld.idx.msk [tilespmem:v26+s4+$0x0], $0xffff;
	[tilespmem:s1+$0xFFFFFE50] =	vst v24  }
0x224: {  	v26 =	vor.u32 v6, v16;
	v24 =	vld.idx.msk [tilespmem:v27+s4+$0x0], $0xffff;
	[tilespmem:s2+$0xFFFFFE10] =	vst v25  }
0x225: {  	v25 =	vld.idx.msk [tilespmem:v28+s4+$0x0], $0xffff;
	v27 =	vor.u32 v6, v18;
	[tilespmem:s2+$0xFFFFFE90] =	vst v19  }
0x226: {  	v61 =	vor.u32 v2, v13;
	v60 =	vld.idx.msk [tilespmem:v29+s4+$0x0], $0xffff;
	[tilespmem:s2+$0xFFFFFF10] =	vst v23  }
0x227: {  	v19 =	vor.u32 v6, v17;
	v22 =	vld.idx.msk [tilespmem:v22+s4+$0x0], $0xffff;
	[tilespmem:s1+$0xFFFFFF50] =	vst v21  }
0x228: {  	v14 =	vld.idx.msk [tilespmem:v14+s4+$0x0], $0xffff;
	v21 =	vor.u32 v3, v11;
	[tilespmem:s1+$0xFFFFFFD0] =	vst v20  }
0x229: {  	v23 =	vor.u32 v2, v12;
	v26 =	vld.idx.msk [tilespmem:v26+s4+$0x0], $0xffff;
	[tilespmem:s1+$0xFFFFFED0] =	vst v24  }
0x22a: {  	v20 =	vor.u32 v7, v15;
	v24 =	vld.idx.msk [tilespmem:v27+s4+$0x0], $0xffff;
	[tilespmem:s2+$0xFFFFFF90] =	vst v25  }
0x22b: {  	v27 =	vor.u32 v3, v10;
	v62 =	vld.idx.msk [tilespmem:v61+s4+$0x0], $0xffff  }
0x22c: {  	v25 =	vor.u32 v7, v18;
	[tilespmem:s2+$0xFFFFFE20] =	vst v60;
	v19 =	vld.idx.msk [tilespmem:v19+s4+$0x0], $0xffff  }
0x22d: {  	v63 =	vor.u32 v7, v16;
	[tilespmem:s2+$0xFFFFFEA0] =	vst v22;
	v21 =	vld.idx.msk [tilespmem:v21+s4+$0x0], $0xffff  }
0x22e: {  	v30 =	vor.u32 v7, v17;
	v23 =	vld.idx.msk [tilespmem:v23+s4+$0x0], $0xffff;
	[tilespmem:s1+$0xFFFFFE60] =	vst v14  }
0x22f: {  	v31 =	vor.u32 v3, v12;
	v32 =	vld.idx.msk [tilespmem:v20+s4+$0x0], $0xffff;
	[tilespmem:s1+$0xFFFFFF60] =	vst v26  }
0x230: {  	v26 =	vld.idx.msk [tilespmem:v27+s4+$0x0], $0xffff;
	v27 =	vor.u32 v3, v13;
	[tilespmem:s1+$0xFFFFFFE0] =	vst v24  }
0x231: {  	v33 =	vor.u32 v4, v11;
	v22 =	vld.idx.msk [tilespmem:v25+s4+$0x0], $0xffff;
	[tilespmem:s1+$0xFFFFFEE0] =	vst v19  }
0x232: {  	v20 =	vld.idx.msk [tilespmem:v63+s4+$0x0], $0xffff;
	[tilespmem:s2+$0xFFFFFE30] =	vst v21;
	v21 =	vor.u32 v8, v15  }
0x233: {  	v18 =	vor.u32 v8, v18;
	[tilespmem:s2+$0xFFFFFF20] =	vst v23;
	v19 =	vld.idx.msk [tilespmem:v30+s4+$0x0], $0xffff  }
0x234: {  	v16 =	vor.u32 v8, v16;
	[tilespmem:s2+$0xFFFFFFA0] =	vst v62;
	v23 =	vld.idx.msk [tilespmem:v31+s4+$0x0], $0xffff  }
0x235: {  	[tilespmem:s1+$0xFFFFFE70] =	vst v32;
	v15 =	vor.u32 v8, v17;
	v24 =	vld.idx.msk [tilespmem:v27+s4+$0x0], $0xffff  }
0x236: {  	s6 =	smov.u32 s1;
	s7 =	simm.s32 $0x8;
	v14 =	vor.u32 v4, v12;
	v17 =	vld.idx.msk [tilespmem:v33+s4+$0x0], $0xffff;
	[tilespmem:s2+$0xFFFFFEB0] =	vst v26  }
.LBB2_16:
0x237: {  	v25 =	vmov s7;
	s17 =	sadd.s32 $0x1, s7;
	s18 =	sadd.s32 $0x2, s7;
	s28 =	sadd.s32 $0x3, s7;
	v26 =	vor.u32 v4, v10;
	v27 =	vor.u32 v4, v13;
	v21 =	vld.idx.msk [tilespmem:v21+s4+$0x0], $0xffff;
	[tilespmem:s6+$0xFFFFFFF0] =	vst v22  }
0x238: {  	p0 =	slt.u32 s7, $0xC;
	s7 =	sadd.s32 $0x4, s7;
	v22 =	vperm.xlane v9, v25;
	v25 =	vmov s17;
	v28 =	vmov s28;
	[tilespmem:s6+$0xFFFFFF70] =	vst v20;
	v18 =	vld.idx.msk [tilespmem:v18+s4+$0x0], $0xffff  }
0x239: {  	v20 =	vperm.xlane v9, v25;
	v25 =	vmov s18;
	v28 =	vperm.xlane v9, v28;
	[tilespmem:s6+$0xFFFFFEF0] =	vst v19;
	v16 =	vld.idx.msk [tilespmem:v16+s4+$0x0], $0xffff  }
0x23a: {  	v19 =	vshll.u32 v22, $0x7;
	v22 =	vperm.xlane v9, v25;
	v25 =	vor.u32 v5, v11;
	[tilespmem:s2+$0xFFFFFF30] =	vst v23;
	v15 =	vld.idx.msk [tilespmem:v15+s4+$0x0], $0xffff  }
0x23b: {  	v23 =	vor.u32 v0, v19;
	v29 =	vshll.u32 v20, $0x7;
	v28 =	vshll.u32 v28, $0x7;
	[tilespmem:s2+$0xFFFFFFB0] =	vst v24  }
0x23c: {  	v20 =	vor.u32 v0, v29;
	v30 =	vshll.u32 v22, $0x7;
	v22 =	vor.u32 v0, v28;
	[tilespmem:s2+$0xFFFFFE40] =	vst v17;
	v17 =	vld.idx.msk [tilespmem:v14+s4+$0x0], $0xffff  }
0x23d: {  	v24 =	vor.u32 v0, v30;
	v14 =	vor.u32 v4, v30;
	v27 =	vld.idx.msk [tilespmem:v27+s4+$0x0], $0xffff;
	[tilespmem:s6+$0xFFFFFE80] =	vst v21  }
0x23e: {  	v21 =	vld.idx.msk [tilespmem:v26+s4+$0x0], $0xffff;
	v26 =	vor.u32 v5, v12;
	[tilespmem:s6+$0x0] =	vst v18  }
0x23f: {  	v18 =	vld.idx.msk [tilespmem:v25+s4+$0x0], $0xffff;
	v25 =	vor.u32 v5, v13;
	[tilespmem:s6+$0xFFFFFF80] =	vst v16  }
0x240: {  	v16 =	vld.idx.msk [tilespmem:v23+s4+$0x0], $0xffff;
	v23 =	vor.u32 v5, v10;
	[tilespmem:s6+$0xFFFFFF00] =	vst v15;
	s6 =	smov.u32 s2  }
0x241: {  	v15 =	vld.idx.msk [tilespmem:v20+s4+$0x0], $0xffff  }
0x242: {  	v20 =	vor.u32 v2, v19;
	v24 =	vld.idx.msk [tilespmem:v24+s4+$0x0], $0xffff;
	[tilespmem:s2+$0xFFFFFF40] =	vst v17  }
0x243: {  	v17 =	vor.u32 v2, v29;
	v26 =	vld.idx.msk [tilespmem:v26+s4+$0x0], $0xffff;
	[tilespmem:s2+$0xFFFFFFC0] =	vst v27  }
0x244: {  	v27 =	vor.u32 v6, v11;
	[tilespmem:s2+$0xFFFFFEC0] =	vst v21;
	v21 =	vld.idx.msk [tilespmem:v25+s4+$0x0], $0xffff  }
0x245: {  	s2 =	sadd.s32 $0x200, s2;
	[tilespmem:s6+$0xFFFFFE50] =	vst v18;
	v18 =	vld.idx.msk [tilespmem:v23+s4+$0x0], $0xffff;
	v23 =	vor.u32 v6, v12  }
0x246: {  	[tilespmem:s2+$0xFFFFFE10] =	vst v16;
	v16 =	vld.idx.msk [tilespmem:v22+s4+$0x0], $0xffff;
	v22 =	vor.u32 v6, v13  }
0x247: {  	v20 =	vld.idx.msk [tilespmem:v20+s4+$0x0], $0xffff;
	[tilespmem:s2+$0xFFFFFE90] =	vst v15;
	v15 =	vor.u32 v6, v10  }
0x248: {  	v17 =	vld.idx.msk [tilespmem:v17+s4+$0x0], $0xffff;
	[tilespmem:s2+$0xFFFFFF10] =	vst v24;
	v24 =	vor.u32 v2, v30  }
0x249: {  	v25 =	vor.u32 v2, v28;
	v27 =	vld.idx.msk [tilespmem:v27+s4+$0x0], $0xffff;
	[tilespmem:s6+$0xFFFFFF50] =	vst v26  }
0x24a: {  	v26 =	vor.u32 v3, v19;
	v23 =	vld.idx.msk [tilespmem:v23+s4+$0x0], $0xffff;
	[tilespmem:s6+$0xFFFFFFD0] =	vst v21  }
0x24b: {  	v21 =	vor.u32 v7, v11;
	[tilespmem:s6+$0xFFFFFED0] =	vst v18;
	v18 =	vld.idx.msk [tilespmem:v22+s4+$0x0], $0xffff  }
0x24c: {  	v22 =	vor.u32 v3, v29;
	[tilespmem:s2+$0xFFFFFF90] =	vst v16;
	v15 =	vld.idx.msk [tilespmem:v15+s4+$0x0], $0xffff  }
0x24d: {  	[tilespmem:s2+$0xFFFFFE20] =	vst v20;
	v16 =	vld.idx.msk [tilespmem:v24+s4+$0x0], $0xffff;
	v20 =	vor.u32 v7, v13  }
0x24e: {  	v24 =	vor.u32 v7, v10;
	[tilespmem:s2+$0xFFFFFEA0] =	vst v17;
	v17 =	vld.idx.msk [tilespmem:v25+s4+$0x0], $0xffff;
	v25 =	vor.u32 v7, v12  }
0x24f: {  	v26 =	vld.idx.msk [tilespmem:v26+s4+$0x0], $0xffff;
	[tilespmem:s6+$0xFFFFFE60] =	vst v27  }
0x250: {  	v27 =	vor.u32 v3, v30;
	v31 =	vld.idx.msk [tilespmem:v21+s4+$0x0], $0xffff;
	[tilespmem:s6+$0xFFFFFF60] =	vst v23  }
0x251: {  	v33 =	vor.u32 v3, v28;
	v32 =	vld.idx.msk [tilespmem:v22+s4+$0x0], $0xffff;
	[tilespmem:s6+$0xFFFFFFE0] =	vst v18  }
0x252: {  	v34 =	vor.u32 v4, v19;
	[tilespmem:s6+$0xFFFFFEE0] =	vst v15;
	v22 =	vld.idx.msk [tilespmem:v20+s4+$0x0], $0xffff  }
.Ltmp8:
0x253: {  	v21 =	vor.u32 v8, v11;
	v11 =	vmov v19;
	[tilespmem:s2+$0xFFFFFF20] =	vst v16;
	v20 =	vld.idx.msk [tilespmem:v25+s4+$0x0], $0xffff;
	(pc) =	sbr.rel @p0 .LBB2_16-.Ltmp8, $4  }
0x254: {  	v18 =	vor.u32 v8, v13;
	v13 =	vmov v28;
	[tilespmem:s2+$0xFFFFFFA0] =	vst v17;
	v19 =	vld.idx.msk [tilespmem:v24+s4+$0x0], $0xffff  }
0x255: {  	v15 =	vor.u32 v8, v10;
	v10 =	vmov v29;
	v16 =	vor.u32 v8, v12;
	[tilespmem:s2+$0xFFFFFE30] =	vst v26;
	v23 =	vld.idx.msk [tilespmem:v27+s4+$0x0], $0xffff  }
0x256: {  	v12 =	vmov v30;
	v24 =	vld.idx.msk [tilespmem:v33+s4+$0x0], $0xffff;
	[tilespmem:s6+$0xFFFFFE70] =	vst v31  }
0x257: {  	v17 =	vld.idx.msk [tilespmem:v34+s4+$0x0], $0xffff;
	[tilespmem:s2+$0xFFFFFEB0] =	vst v32  }
0x258: {  	v9 =	vor.u32 v4, v13  }
0x259: {  	v25 =	vor.u32 v4, v10;
	_ =	sdelay $0x1  }
0x25a: {  	[tilespmem:s2+$0xFFFFFF30] =	vst v23  }
0x25b: {  	v47 =	vor.u32 v5, v11;
	[tilespmem:s2+$0xFFFFFFB0] =	vst v24;
	v14 =	vld.idx.msk [tilespmem:v14+s4+$0x0], $0xffff  }
0x25c: {  	v26 =	vor.u32 v5, v12;
	v9 =	vld.idx.msk [tilespmem:v9+s4+$0x0], $0xffff  }
0x25d: {  	v48 =	vor.u32 v5, v13;
	v25 =	vld.idx.msk [tilespmem:v25+s4+$0x0], $0xffff  }
0x25e: {  	v27 =	vor.u32 v5, v10  }
0x25f: {  	[tilespmem:s2+$0xFFFFFE40] =	vst v17  }
0x260: {  	v17 =	vld.idx.msk [tilespmem:v47+s4+$0x0], $0xffff;
	[tilespmem:s2+$0xFFFFFF40] =	vst v14  }
0x261: {  	v50 =	vld.idx.msk [tilespmem:v26+s4+$0x0], $0xffff;
	[tilespmem:s2+$0xFFFFFFC0] =	vst v9;
	v9 =	vor.u32 v6, v11  }
0x262: {  	v52 =	vor.u32 v6, v12;
	[tilespmem:s2+$0xFFFFFEC0] =	vst v25;
	v49 =	vld.idx.msk [tilespmem:v48+s4+$0x0], $0xffff  }
0x263: {  	v51 =	vor.u32 v6, v13;
	v25 =	vld.idx.msk [tilespmem:v27+s4+$0x0], $0xffff  }
0x264: {  	[tilespmem:s6+$0xFFFFFFF0] =	vst v22;
	v53 =	vor.u32 v6, v10  }
0x265: {  	[tilespmem:s2+$0xFFFFFE50] =	vst v17  }
0x266: {  	[tilespmem:s2+$0xFFFFFF50] =	vst v50;
	v9 =	vld.idx.msk [tilespmem:v9+s4+$0x0], $0xffff  }
0x267: {  	v54 =	vor.u32 v7, v11;
	v23 =	vld.idx.msk [tilespmem:v52+s4+$0x0], $0xffff;
	[tilespmem:s2+$0xFFFFFFD0] =	vst v49  }
0x268: {  	v58 =	vor.u32 v7, v12;
	[tilespmem:s2+$0xFFFFFED0] =	vst v25;
	v55 =	vld.idx.msk [tilespmem:v51+s4+$0x0], $0xffff  }
0x269: {  	v56 =	vor.u32 v7, v13;
	[tilespmem:s6+$0xFFFFFF70] =	vst v20;
	v57 =	vld.idx.msk [tilespmem:v53+s4+$0x0], $0xffff  }
0x26a: {  	v21 =	vld.idx.msk [tilespmem:v21+s4+$0x0], $0xffff;
	v59 =	vor.u32 v7, v10;
	[tilespmem:s6+$0xFFFFFEF0] =	vst v19  }
0x26b: {  	v18 =	vld.idx.msk [tilespmem:v18+s4+$0x0], $0xffff;
	[tilespmem:s2+$0xFFFFFE60] =	vst v9  }
0x26c: {  	[tilespmem:s2+$0xFFFFFF60] =	vst v23;
	v9 =	vld.idx.msk [tilespmem:v54+s4+$0x0], $0xffff  }
0x26d: {  	v11 =	vor.u32 v8, v11;
	v61 =	vld.idx.msk [tilespmem:v58+s4+$0x0], $0xffff;
	[tilespmem:s2+$0xFFFFFFE0] =	vst v55  }
0x26e: {  	v63 =	vor.u32 v8, v12;
	[tilespmem:s2+$0xFFFFFEE0] =	vst v57;
	v60 =	vld.idx.msk [tilespmem:v56+s4+$0x0], $0xffff  }
0x26f: {  	v62 =	vor.u32 v8, v13;
	[tilespmem:s6+$0xFFFFFE80] =	vst v21;
	v19 =	vld.idx.msk [tilespmem:v59+s4+$0x0], $0xffff  }
0x270: {  	v10 =	vor.u32 v8, v10;
	v16 =	vld.idx.msk [tilespmem:v16+s4+$0x0], $0xffff;
	[tilespmem:s6+$0x0] =	vst v18  }
0x271: {  	v15 =	vld.idx.msk [tilespmem:v15+s4+$0x0], $0xffff;
	[tilespmem:s2+$0xFFFFFE70] =	vst v9  }
0x272: {  	[tilespmem:s2+$0xFFFFFF70] =	vst v61;
	v9 =	vld.idx.msk [tilespmem:v11+s4+$0x0], $0xffff  }
0x273: {  	v12 =	vld.idx.msk [tilespmem:v63+s4+$0x0], $0xffff;
	[tilespmem:s2+$0xFFFFFFF0] =	vst v60  }
0x274: {  	s0 =	sadd.s32 $0x1, s0;
	[tilespmem:s2+$0xFFFFFEF0] =	vst v19;
	v11 =	vld.idx.msk [tilespmem:v62+s4+$0x0], $0xffff  }
0x275: {  	p0 =	sne.s32 s0, $0x19;
	[tilespmem:s6+$0xFFFFFF80] =	vst v16;
	v10 =	vld.idx.msk [tilespmem:v10+s4+$0x0], $0xffff  }
.Ltmp9:
0x276: {  	[tilespmem:s6+$0xFFFFFF00] =	vst v15;
	(pc) =	sbr.rel @p0 .LBB2_15-.Ltmp9, $4  }
0x277: {  	[tilespmem:s2+$0xFFFFFE80] =	vst v9  }
0x278: {  	[tilespmem:s2+$0xFFFFFF80] =	vst v12  }
0x279: {  	[tilespmem:s2+$0x0] =	vst v11  }
0x27a: {  	s1 =	sadd.s32 $0x800, s1;
	[tilespmem:s2+$0xFFFFFF00] =	vst v10  }
0x27b: {  	s0 =	sadd.s32 s30, s10  }
0x27c: {  	s0 =	sshll.u32 s0, $0x4  }
0x27d: {  	p0 =	seq.s32 s29, $0x1F;
	s0 =	sadd.s32 s3, s0  }
0x27e: {  	[hbm4b:s0+s4] =	stream.linear.scatter [tilespmem:s23], [sflag:$0x5], $0xC800, $0x38;
	[tilespmem:$0x1A200] =	vst v63  }
0x27f: {  	s0 =	sshll.u32 @!p0 s29, $0x9  }
0x280: {  	s1 =	simm.s32 @!p0 $0x0;
	s2 =	simm.s32 @!p0 $0x200;
	s0 =	sadd.s32 @!p0 s0, s11  }
0x281: {  	[tilespmem:s2], [sflag:$0x2] =	stream.linear.gather @!p0 [hbm4b:s0+s1], $0x800, $0x38;
	[tilespmem:$0x1A200] =	vst v63  }
0x282: {  	_ =	swait.ge [sflag:s26], $0x800  }
0x283: {  	[sflag:s26] =	ssyncset.done $0x0  }
0x284: {  	[sflag:s26] =	ssyncadd.s32 $0xFFFFF800  }
0x285: {  	_ =	swait.ge [sflag:s24], $0xC800  }
0x286: {  	s31 =	simm.s32 $0x0;
	[sflag:s24] =	ssyncset.done $0x0  }
0x287: {  	s1 =	simm.s32 $0x1300;
	s0 =	simm.s32 $0x0;
	[sflag:s24] =	ssyncadd.s32 $0xFFFF3800  }
.LBB2_19:
0x288: {  	s2 =	sshll.u32 s0, $0x4  }
0x289: {  	v9 =	vmov s2  }
0x28a: {  	v9 =	vbroadcast v9, $0x0;
	_ =	sdelay $0x1  }
0x28b: {  	v10 =	vor.u32 v0, v9  }
0x28c: {  	v11 =	vmulhi.u32 $0x51EB851F, v10;
	_ =	sdelay $0x1  }
0x28d: {  	v11 =	vshrl.u32 v11, $0x6  }
0x28e: {  	v12 =	vmul.u32 $0xFFFFFF38, v11;
	_ =	sdelay $0x1  }
0x28f: {  	v10 =	vadd.s32 v10, v12  }
0x290: {  	vm0 =	veq.s32 v9, v0;
	vm1 =	vne.s32 v10, $0x0  }
0x291: {  	vm0 =	vmand vm0, vm1  }
0x292: {  	v9 =	vsel vm0, $0xFFFFFFFF, v1  }
0x293: {  	v9 =	vadd.s32 v9, v11  }
0x294: {  	v12 =	vshll.u32 v10, $0x3;
	v11 =	vshll.u32 v9, $0x8  }
0x295: {  	v12 =	vand.u32 $0x400, v12;
	v9 =	vshll.u32 v9, $0x7;
	v11 =	vand.u32 $0xFFFFF800, v11  }
0x296: {  	v9 =	vand.u32 $0x380, v9;
	v11 =	vor.u32 v12, v11  }
0x297: {  	v10 =	vand.u32 $0x7F, v10;
	v9 =	vor.u32 v9, v11  }
0x298: {  	v9 =	vor.u32 v10, v9  }
0x299: {  	v9 =	vadd.s32 $0x800, v9;
	_ =	sdelay $0x4  }
0x29a: {  	v9 =	vld.idx.msk [tilespmem:v9+s19+$0x0], $0xffff;
	_ =	sdelay $0x3  }
0x29b: {  	v10 =	vmov s31  }
0x29c: {  	v10 =	vperm.xlane v9, v10  }
0x29d: {  	s18 =	simm.s32 $0x2  }
0x29e: {  	s6 =	simm.s32 $0x3;
	v11 =	vmov s18;
	v15 =	vshll.u32 v10, $0x7  }
0x29f: {  	s28 =	simm.s32 $0x1;
	v11 =	vperm.xlane v9, v11;
	v10 =	vmov s6;
	v12 =	vor.u32 v0, v15  }
0x2a0: {  	v13 =	vmov s28;
	v10 =	vperm.xlane v9, v10  }
0x2a1: {  	v13 =	vperm.xlane v9, v13;
	v16 =	vshll.u32 v11, $0x7  }
0x2a2: {  	v18 =	vshll.u32 v10, $0x7;
	v10 =	vor.u32 v0, v16  }
0x2a3: {  	v17 =	vshll.u32 v13, $0x7;
	v11 =	vor.u32 v0, v18  }
0x2a4: {  	v13 =	vor.u32 v0, v17;
	v12 =	vld.idx.msk [tilespmem:v12+s4+$0x0], $0xffff  }
0x2a5: {  	v14 =	vor.u32 v2, v15;
	_ =	sdelay $0x1  }
0x2a6: {  	v10 =	vld.idx.msk [tilespmem:v10+s4+$0x0], $0xffff  }
0x2a7: {  	v19 =	vor.u32 v2, v16;
	v11 =	vld.idx.msk [tilespmem:v11+s4+$0x0], $0xffff  }
0x2a8: {  	v13 =	vld.idx.msk [tilespmem:v13+s4+$0x0], $0xffff;
	[tilespmem:s1+$0xFFFFFF00] =	vst v12;
	v12 =	vor.u32 v2, v18  }
0x2a9: {  	v20 =	vor.u32 v2, v17;
	v14 =	vld.idx.msk [tilespmem:v14+s4+$0x0], $0xffff  }
0x2aa: {  	v21 =	vor.u32 v3, v15  }
0x2ab: {  	[tilespmem:s1+$0x0] =	vst v10  }
0x2ac: {  	[tilespmem:s1+$0x80] =	vst v11;
	v10 =	vld.idx.msk [tilespmem:v19+s4+$0x0], $0xffff  }
0x2ad: {  	[tilespmem:s1+$0xFFFFFF80] =	vst v13;
	v11 =	vld.idx.msk [tilespmem:v12+s4+$0x0], $0xffff;
	v12 =	vor.u32 v3, v16  }
0x2ae: {  	v13 =	vld.idx.msk [tilespmem:v20+s4+$0x0], $0xffff;
	[tilespmem:s1+$0xFFFFFF10] =	vst v14;
	v14 =	vor.u32 v3, v18  }
0x2af: {  	v19 =	vor.u32 v3, v17;
	v20 =	vld.idx.msk [tilespmem:v21+s4+$0x0], $0xffff  }
0x2b0: {  	v21 =	vor.u32 v4, v15  }
0x2b1: {  	[tilespmem:s1+$0x10] =	vst v10  }
0x2b2: {  	s7 =	simm.s32 $0x4;
	[tilespmem:s1+$0x90] =	vst v11;
	v10 =	vld.idx.msk [tilespmem:v12+s4+$0x0], $0xffff  }
0x2b3: {  	s17 =	simm.s32 $0x5;
	v22 =	vor.u32 v4, v16;
	[tilespmem:s1+$0xFFFFFF90] =	vst v13;
	v11 =	vmov s7;
	v12 =	vld.idx.msk [tilespmem:v14+s4+$0x0], $0xffff  }
0x2b4: {  	s18 =	simm.s32 $0x6;
	v13 =	vld.idx.msk [tilespmem:v19+s4+$0x0], $0xffff;
	v19 =	vmov s17;
	v14 =	vor.u32 v4, v18;
	v11 =	vperm.xlane v9, v11;
	[tilespmem:s1+$0xFFFFFF20] =	vst v20  }
0x2b5: {  	v23 =	vmov s18;
	v19 =	vperm.xlane v9, v19;
	v20 =	vld.idx.msk [tilespmem:v21+s4+$0x0], $0xffff;
	v21 =	vor.u32 v4, v17  }
0x2b6: {  	v23 =	vperm.xlane v9, v23;
	v24 =	vor.u32 v5, v15;
	v11 =	vshll.u32 v11, $0x7  }
0x2b7: {  	v25 =	vor.u32 v0, v11;
	[tilespmem:s1+$0x20] =	vst v10;
	v10 =	vshll.u32 v19, $0x7  }
0x2b8: {  	s28 =	simm.s32 $0x7;
	[tilespmem:s1+$0xA0] =	vst v12;
	v19 =	vor.u32 v0, v10;
	v12 =	vshll.u32 v23, $0x7;
	v22 =	vld.idx.msk [tilespmem:v22+s4+$0x0], $0xffff  }
0x2b9: {  	[tilespmem:s1+$0xFFFFFFA0] =	vst v13;
	v13 =	vmov s28;
	v23 =	vor.u32 v0, v12;
	v14 =	vld.idx.msk [tilespmem:v14+s4+$0x0], $0xffff  }
0x2ba: {  	v13 =	vperm.xlane v9, v13;
	[tilespmem:s1+$0xFFFFFF30] =	vst v20;
	v20 =	vld.idx.msk [tilespmem:v21+s4+$0x0], $0xffff;
	v21 =	vor.u32 v5, v16  }
0x2bb: {  	v26 =	vor.u32 v5, v18;
	v24 =	vld.idx.msk [tilespmem:v24+s4+$0x0], $0xffff  }
0x2bc: {  	v27 =	vor.u32 v5, v17;
	v13 =	vshll.u32 v13, $0x7;
	v25 =	vld.idx.msk [tilespmem:v25+s4+$0x0], $0xffff  }
0x2bd: {  	v28 =	vor.u32 v0, v13;
	v19 =	vld.idx.msk [tilespmem:v19+s4+$0x0], $0xffff;
	[tilespmem:s1+$0x30] =	vst v22  }
0x2be: {  	v29 =	vor.u32 v2, v11;
	v23 =	vld.idx.msk [tilespmem:v23+s4+$0x0], $0xffff;
	[tilespmem:s1+$0xB0] =	vst v14  }
0x2bf: {  	v22 =	vor.u32 v2, v10;
	v21 =	vld.idx.msk [tilespmem:v21+s4+$0x0], $0xffff;
	[tilespmem:s1+$0xFFFFFFB0] =	vst v20  }
0x2c0: {  	s2 =	sadd.s32 $0x200, s1;
	v14 =	vor.u32 v6, v15;
	v20 =	vld.idx.msk [tilespmem:v26+s4+$0x0], $0xffff;
	[tilespmem:s1+$0xFFFFFF40] =	vst v24  }
0x2c1: {  	v26 =	vor.u32 v6, v16;
	v24 =	vld.idx.msk [tilespmem:v27+s4+$0x0], $0xffff;
	[tilespmem:s2+$0xFFFFFF00] =	vst v25  }
0x2c2: {  	v25 =	vld.idx.msk [tilespmem:v28+s4+$0x0], $0xffff;
	v27 =	vor.u32 v6, v18;
	[tilespmem:s2+$0xFFFFFF80] =	vst v19  }
0x2c3: {  	v61 =	vor.u32 v2, v13;
	v60 =	vld.idx.msk [tilespmem:v29+s4+$0x0], $0xffff;
	[tilespmem:s2+$0x0] =	vst v23  }
0x2c4: {  	v19 =	vor.u32 v6, v17;
	v22 =	vld.idx.msk [tilespmem:v22+s4+$0x0], $0xffff;
	[tilespmem:s1+$0x40] =	vst v21  }
0x2c5: {  	v14 =	vld.idx.msk [tilespmem:v14+s4+$0x0], $0xffff;
	v21 =	vor.u32 v3, v11;
	[tilespmem:s1+$0xC0] =	vst v20  }
0x2c6: {  	v23 =	vor.u32 v2, v12;
	v26 =	vld.idx.msk [tilespmem:v26+s4+$0x0], $0xffff;
	[tilespmem:s1+$0xFFFFFFC0] =	vst v24  }
0x2c7: {  	v20 =	vor.u32 v7, v15;
	v24 =	vld.idx.msk [tilespmem:v27+s4+$0x0], $0xffff;
	[tilespmem:s2+$0x80] =	vst v25  }
0x2c8: {  	v27 =	vor.u32 v3, v10;
	v62 =	vld.idx.msk [tilespmem:v61+s4+$0x0], $0xffff  }
0x2c9: {  	v25 =	vor.u32 v7, v18;
	[tilespmem:s2+$0xFFFFFF10] =	vst v60;
	v19 =	vld.idx.msk [tilespmem:v19+s4+$0x0], $0xffff  }
0x2ca: {  	v63 =	vor.u32 v7, v16;
	[tilespmem:s2+$0xFFFFFF90] =	vst v22;
	v21 =	vld.idx.msk [tilespmem:v21+s4+$0x0], $0xffff  }
0x2cb: {  	v30 =	vor.u32 v7, v17;
	v23 =	vld.idx.msk [tilespmem:v23+s4+$0x0], $0xffff;
	[tilespmem:s1+$0xFFFFFF50] =	vst v14  }
0x2cc: {  	v31 =	vor.u32 v3, v12;
	v32 =	vld.idx.msk [tilespmem:v20+s4+$0x0], $0xffff;
	[tilespmem:s1+$0x50] =	vst v26  }
0x2cd: {  	v26 =	vld.idx.msk [tilespmem:v27+s4+$0x0], $0xffff;
	v27 =	vor.u32 v3, v13;
	[tilespmem:s1+$0xD0] =	vst v24  }
0x2ce: {  	v33 =	vor.u32 v4, v11;
	v22 =	vld.idx.msk [tilespmem:v25+s4+$0x0], $0xffff;
	[tilespmem:s1+$0xFFFFFFD0] =	vst v19  }
0x2cf: {  	v20 =	vld.idx.msk [tilespmem:v63+s4+$0x0], $0xffff;
	[tilespmem:s2+$0xFFFFFF20] =	vst v21;
	v21 =	vor.u32 v8, v15  }
0x2d0: {  	v18 =	vor.u32 v8, v18;
	[tilespmem:s2+$0x10] =	vst v23;
	v19 =	vld.idx.msk [tilespmem:v30+s4+$0x0], $0xffff  }
0x2d1: {  	v16 =	vor.u32 v8, v16;
	[tilespmem:s2+$0x90] =	vst v62;
	v23 =	vld.idx.msk [tilespmem:v31+s4+$0x0], $0xffff  }
0x2d2: {  	[tilespmem:s1+$0xFFFFFF60] =	vst v32;
	v15 =	vor.u32 v8, v17;
	v24 =	vld.idx.msk [tilespmem:v27+s4+$0x0], $0xffff  }
0x2d3: {  	s6 =	smov.u32 s1;
	s7 =	simm.s32 $0x8;
	v14 =	vor.u32 v4, v12;
	v17 =	vld.idx.msk [tilespmem:v33+s4+$0x0], $0xffff;
	[tilespmem:s2+$0xFFFFFFA0] =	vst v26  }
.LBB2_20:
0x2d4: {  	v25 =	vmov s7;
	s17 =	sadd.s32 $0x1, s7;
	s18 =	sadd.s32 $0x2, s7;
	s28 =	sadd.s32 $0x3, s7;
	v26 =	vor.u32 v4, v10;
	v27 =	vor.u32 v4, v13;
	v21 =	vld.idx.msk [tilespmem:v21+s4+$0x0], $0xffff;
	[tilespmem:s6+$0xE0] =	vst v22  }
0x2d5: {  	p1 =	slt.u32 s7, $0xC;
	s7 =	sadd.s32 $0x4, s7;
	v22 =	vperm.xlane v9, v25;
	v25 =	vmov s17;
	v28 =	vmov s28;
	[tilespmem:s6+$0x60] =	vst v20;
	v18 =	vld.idx.msk [tilespmem:v18+s4+$0x0], $0xffff  }
0x2d6: {  	v20 =	vperm.xlane v9, v25;
	v25 =	vmov s18;
	v28 =	vperm.xlane v9, v28;
	[tilespmem:s6+$0xFFFFFFE0] =	vst v19;
	v16 =	vld.idx.msk [tilespmem:v16+s4+$0x0], $0xffff  }
0x2d7: {  	v19 =	vshll.u32 v22, $0x7;
	v22 =	vperm.xlane v9, v25;
	v25 =	vor.u32 v5, v11;
	[tilespmem:s2+$0x20] =	vst v23;
	v15 =	vld.idx.msk [tilespmem:v15+s4+$0x0], $0xffff  }
0x2d8: {  	v23 =	vor.u32 v0, v19;
	v29 =	vshll.u32 v20, $0x7;
	v28 =	vshll.u32 v28, $0x7;
	[tilespmem:s2+$0xA0] =	vst v24  }
0x2d9: {  	v20 =	vor.u32 v0, v29;
	v30 =	vshll.u32 v22, $0x7;
	v22 =	vor.u32 v0, v28;
	[tilespmem:s2+$0xFFFFFF30] =	vst v17;
	v17 =	vld.idx.msk [tilespmem:v14+s4+$0x0], $0xffff  }
0x2da: {  	v24 =	vor.u32 v0, v30;
	v14 =	vor.u32 v4, v30;
	v27 =	vld.idx.msk [tilespmem:v27+s4+$0x0], $0xffff;
	[tilespmem:s6+$0xFFFFFF70] =	vst v21  }
0x2db: {  	v21 =	vld.idx.msk [tilespmem:v26+s4+$0x0], $0xffff;
	v26 =	vor.u32 v5, v12;
	[tilespmem:s6+$0xF0] =	vst v18  }
0x2dc: {  	v18 =	vld.idx.msk [tilespmem:v25+s4+$0x0], $0xffff;
	v25 =	vor.u32 v5, v13;
	[tilespmem:s6+$0x70] =	vst v16  }
0x2dd: {  	v16 =	vld.idx.msk [tilespmem:v23+s4+$0x0], $0xffff;
	v23 =	vor.u32 v5, v10;
	[tilespmem:s6+$0xFFFFFFF0] =	vst v15;
	s6 =	smov.u32 s2  }
0x2de: {  	v15 =	vld.idx.msk [tilespmem:v20+s4+$0x0], $0xffff  }
0x2df: {  	v20 =	vor.u32 v2, v19;
	v24 =	vld.idx.msk [tilespmem:v24+s4+$0x0], $0xffff;
	[tilespmem:s2+$0x30] =	vst v17  }
0x2e0: {  	v17 =	vor.u32 v2, v29;
	v26 =	vld.idx.msk [tilespmem:v26+s4+$0x0], $0xffff;
	[tilespmem:s2+$0xB0] =	vst v27  }
0x2e1: {  	v27 =	vor.u32 v6, v11;
	[tilespmem:s2+$0xFFFFFFB0] =	vst v21;
	v21 =	vld.idx.msk [tilespmem:v25+s4+$0x0], $0xffff  }
0x2e2: {  	s2 =	sadd.s32 $0x200, s2;
	[tilespmem:s6+$0xFFFFFF40] =	vst v18;
	v18 =	vld.idx.msk [tilespmem:v23+s4+$0x0], $0xffff;
	v23 =	vor.u32 v6, v12  }
0x2e3: {  	[tilespmem:s2+$0xFFFFFF00] =	vst v16;
	v16 =	vld.idx.msk [tilespmem:v22+s4+$0x0], $0xffff;
	v22 =	vor.u32 v6, v13  }
0x2e4: {  	v20 =	vld.idx.msk [tilespmem:v20+s4+$0x0], $0xffff;
	[tilespmem:s2+$0xFFFFFF80] =	vst v15;
	v15 =	vor.u32 v6, v10  }
0x2e5: {  	v17 =	vld.idx.msk [tilespmem:v17+s4+$0x0], $0xffff;
	[tilespmem:s2+$0x0] =	vst v24;
	v24 =	vor.u32 v2, v30  }
0x2e6: {  	v25 =	vor.u32 v2, v28;
	v27 =	vld.idx.msk [tilespmem:v27+s4+$0x0], $0xffff;
	[tilespmem:s6+$0x40] =	vst v26  }
0x2e7: {  	v26 =	vor.u32 v3, v19;
	v23 =	vld.idx.msk [tilespmem:v23+s4+$0x0], $0xffff;
	[tilespmem:s6+$0xC0] =	vst v21  }
0x2e8: {  	v21 =	vor.u32 v7, v11;
	[tilespmem:s6+$0xFFFFFFC0] =	vst v18;
	v18 =	vld.idx.msk [tilespmem:v22+s4+$0x0], $0xffff  }
0x2e9: {  	v22 =	vor.u32 v3, v29;
	[tilespmem:s2+$0x80] =	vst v16;
	v15 =	vld.idx.msk [tilespmem:v15+s4+$0x0], $0xffff  }
0x2ea: {  	[tilespmem:s2+$0xFFFFFF10] =	vst v20;
	v16 =	vld.idx.msk [tilespmem:v24+s4+$0x0], $0xffff;
	v20 =	vor.u32 v7, v13  }
0x2eb: {  	v24 =	vor.u32 v7, v10;
	[tilespmem:s2+$0xFFFFFF90] =	vst v17;
	v17 =	vld.idx.msk [tilespmem:v25+s4+$0x0], $0xffff;
	v25 =	vor.u32 v7, v12  }
0x2ec: {  	v26 =	vld.idx.msk [tilespmem:v26+s4+$0x0], $0xffff;
	[tilespmem:s6+$0xFFFFFF50] =	vst v27  }
0x2ed: {  	v27 =	vor.u32 v3, v30;
	v31 =	vld.idx.msk [tilespmem:v21+s4+$0x0], $0xffff;
	[tilespmem:s6+$0x50] =	vst v23  }
0x2ee: {  	v33 =	vor.u32 v3, v28;
	v32 =	vld.idx.msk [tilespmem:v22+s4+$0x0], $0xffff;
	[tilespmem:s6+$0xD0] =	vst v18  }
0x2ef: {  	v34 =	vor.u32 v4, v19;
	[tilespmem:s6+$0xFFFFFFD0] =	vst v15;
	v22 =	vld.idx.msk [tilespmem:v20+s4+$0x0], $0xffff  }
.Ltmp10:
0x2f0: {  	v21 =	vor.u32 v8, v11;
	v11 =	vmov v19;
	[tilespmem:s2+$0x10] =	vst v16;
	v20 =	vld.idx.msk [tilespmem:v25+s4+$0x0], $0xffff;
	(pc) =	sbr.rel @p1 .LBB2_20-.Ltmp10, $4  }
0x2f1: {  	v18 =	vor.u32 v8, v13;
	v13 =	vmov v28;
	[tilespmem:s2+$0x90] =	vst v17;
	v19 =	vld.idx.msk [tilespmem:v24+s4+$0x0], $0xffff  }
0x2f2: {  	v15 =	vor.u32 v8, v10;
	v10 =	vmov v29;
	v16 =	vor.u32 v8, v12;
	[tilespmem:s2+$0xFFFFFF20] =	vst v26;
	v23 =	vld.idx.msk [tilespmem:v27+s4+$0x0], $0xffff  }
0x2f3: {  	v12 =	vmov v30;
	v24 =	vld.idx.msk [tilespmem:v33+s4+$0x0], $0xffff;
	[tilespmem:s6+$0xFFFFFF60] =	vst v31  }
0x2f4: {  	v17 =	vld.idx.msk [tilespmem:v34+s4+$0x0], $0xffff;
	[tilespmem:s2+$0xFFFFFFA0] =	vst v32  }
0x2f5: {  	v9 =	vor.u32 v4, v13  }
0x2f6: {  	v25 =	vor.u32 v4, v10;
	_ =	sdelay $0x1  }
0x2f7: {  	[tilespmem:s2+$0x20] =	vst v23  }
0x2f8: {  	v47 =	vor.u32 v5, v11;
	[tilespmem:s2+$0xA0] =	vst v24;
	v14 =	vld.idx.msk [tilespmem:v14+s4+$0x0], $0xffff  }
0x2f9: {  	v26 =	vor.u32 v5, v12;
	v9 =	vld.idx.msk [tilespmem:v9+s4+$0x0], $0xffff  }
0x2fa: {  	v48 =	vor.u32 v5, v13;
	v25 =	vld.idx.msk [tilespmem:v25+s4+$0x0], $0xffff  }
0x2fb: {  	v27 =	vor.u32 v5, v10  }
0x2fc: {  	[tilespmem:s2+$0xFFFFFF30] =	vst v17  }
0x2fd: {  	v17 =	vld.idx.msk [tilespmem:v47+s4+$0x0], $0xffff;
	[tilespmem:s2+$0x30] =	vst v14  }
0x2fe: {  	v50 =	vld.idx.msk [tilespmem:v26+s4+$0x0], $0xffff;
	[tilespmem:s2+$0xB0] =	vst v9;
	v9 =	vor.u32 v6, v11  }
0x2ff: {  	v52 =	vor.u32 v6, v12;
	[tilespmem:s2+$0xFFFFFFB0] =	vst v25;
	v49 =	vld.idx.msk [tilespmem:v48+s4+$0x0], $0xffff  }
0x300: {  	v51 =	vor.u32 v6, v13;
	v25 =	vld.idx.msk [tilespmem:v27+s4+$0x0], $0xffff  }
0x301: {  	[tilespmem:s6+$0xE0] =	vst v22;
	v53 =	vor.u32 v6, v10  }
0x302: {  	[tilespmem:s2+$0xFFFFFF40] =	vst v17  }
0x303: {  	[tilespmem:s2+$0x40] =	vst v50;
	v9 =	vld.idx.msk [tilespmem:v9+s4+$0x0], $0xffff  }
0x304: {  	v54 =	vor.u32 v7, v11;
	v23 =	vld.idx.msk [tilespmem:v52+s4+$0x0], $0xffff;
	[tilespmem:s2+$0xC0] =	vst v49  }
0x305: {  	v58 =	vor.u32 v7, v12;
	[tilespmem:s2+$0xFFFFFFC0] =	vst v25;
	v55 =	vld.idx.msk [tilespmem:v51+s4+$0x0], $0xffff  }
0x306: {  	v56 =	vor.u32 v7, v13;
	[tilespmem:s6+$0x60] =	vst v20;
	v57 =	vld.idx.msk [tilespmem:v53+s4+$0x0], $0xffff  }
0x307: {  	v21 =	vld.idx.msk [tilespmem:v21+s4+$0x0], $0xffff;
	v59 =	vor.u32 v7, v10;
	[tilespmem:s6+$0xFFFFFFE0] =	vst v19  }
0x308: {  	v18 =	vld.idx.msk [tilespmem:v18+s4+$0x0], $0xffff;
	[tilespmem:s2+$0xFFFFFF50] =	vst v9  }
0x309: {  	[tilespmem:s2+$0x50] =	vst v23;
	v9 =	vld.idx.msk [tilespmem:v54+s4+$0x0], $0xffff  }
0x30a: {  	v11 =	vor.u32 v8, v11;
	v61 =	vld.idx.msk [tilespmem:v58+s4+$0x0], $0xffff;
	[tilespmem:s2+$0xD0] =	vst v55  }
0x30b: {  	v63 =	vor.u32 v8, v12;
	[tilespmem:s2+$0xFFFFFFD0] =	vst v57;
	v60 =	vld.idx.msk [tilespmem:v56+s4+$0x0], $0xffff  }
0x30c: {  	v62 =	vor.u32 v8, v13;
	[tilespmem:s6+$0xFFFFFF70] =	vst v21;
	v19 =	vld.idx.msk [tilespmem:v59+s4+$0x0], $0xffff  }
0x30d: {  	v10 =	vor.u32 v8, v10;
	v16 =	vld.idx.msk [tilespmem:v16+s4+$0x0], $0xffff;
	[tilespmem:s6+$0xF0] =	vst v18  }
0x30e: {  	v15 =	vld.idx.msk [tilespmem:v15+s4+$0x0], $0xffff;
	[tilespmem:s2+$0xFFFFFF60] =	vst v9  }
0x30f: {  	[tilespmem:s2+$0x60] =	vst v61;
	v9 =	vld.idx.msk [tilespmem:v11+s4+$0x0], $0xffff  }
0x310: {  	v12 =	vld.idx.msk [tilespmem:v63+s4+$0x0], $0xffff;
	[tilespmem:s2+$0xE0] =	vst v60  }
0x311: {  	s0 =	sadd.s32 $0x1, s0;
	[tilespmem:s2+$0xFFFFFFE0] =	vst v19;
	v11 =	vld.idx.msk [tilespmem:v62+s4+$0x0], $0xffff  }
0x312: {  	p1 =	sne.s32 s0, $0x19;
	[tilespmem:s6+$0x70] =	vst v16;
	v10 =	vld.idx.msk [tilespmem:v10+s4+$0x0], $0xffff  }
.Ltmp11:
0x313: {  	[tilespmem:s6+$0xFFFFFFF0] =	vst v15;
	(pc) =	sbr.rel @p1 .LBB2_19-.Ltmp11, $4  }
0x314: {  	[tilespmem:s2+$0xFFFFFF70] =	vst v9  }
0x315: {  	[tilespmem:s2+$0x70] =	vst v12  }
0x316: {  	[tilespmem:s2+$0xF0] =	vst v11  }
0x317: {  	s1 =	sadd.s32 $0x800, s1;
	[tilespmem:s2+$0xFFFFFFF0] =	vst v10  }
0x318: {  	s0 =	sadd.s32 s30, s12  }
0x319: {  	s0 =	sshll.u32 s0, $0x4  }
0x31a: {  	s31 =	simm.s32 $0x0;
	s0 =	sadd.s32 s3, s0  }
0x31b: {  	[hbm4b:s0+s31] =	stream.linear.scatter [tilespmem:s22], [sflag:$0x4], $0xC800, $0x38;
	[tilespmem:$0x1A200] =	vst v63  }
0x31c: {  	_ =	swait.ge [sflag:s25], $0xC800  }
0x31d: {  	[sflag:s25] =	ssyncset.done $0x0  }
0x31e: {  	s1 =	simm.s32 $0xDBF0;
	s0 =	simm.s32 $0x0;
	[sflag:s25] =	ssyncadd.s32 $0xFFFF3800  }
.LBB2_23:
0x31f: {  	s2 =	sshll.u32 s0, $0x4  }
0x320: {  	v9 =	vmov s2  }
0x321: {  	v9 =	vbroadcast v9, $0x0;
	_ =	sdelay $0x1  }
0x322: {  	v10 =	vor.u32 v0, v9  }
0x323: {  	v11 =	vmulhi.u32 $0x51EB851F, v10;
	_ =	sdelay $0x1  }
0x324: {  	v11 =	vshrl.u32 v11, $0x6  }
0x325: {  	v12 =	vmul.u32 $0xFFFFFF38, v11;
	_ =	sdelay $0x1  }
0x326: {  	v10 =	vadd.s32 v10, v12  }
0x327: {  	vm0 =	veq.s32 v9, v0;
	vm1 =	vne.s32 v10, $0x0  }
0x328: {  	vm0 =	vmand vm0, vm1  }
0x329: {  	v9 =	vsel vm0, $0xFFFFFFFF, v1  }
0x32a: {  	v9 =	vadd.s32 v9, v11  }
0x32b: {  	v9 =	vadd.s32 $0x2, v9  }
0x32c: {  	v12 =	vshll.u32 v10, $0x3;
	v11 =	vshll.u32 v9, $0x8  }
0x32d: {  	v12 =	vand.u32 $0x400, v12;
	v9 =	vshll.u32 v9, $0x7;
	v11 =	vand.u32 $0xFFFFF800, v11  }
0x32e: {  	v9 =	vand.u32 $0x380, v9;
	v11 =	vor.u32 v12, v11  }
0x32f: {  	v10 =	vand.u32 $0x7F, v10;
	v9 =	vor.u32 v9, v11  }
0x330: {  	v9 =	vor.u32 v10, v9  }
0x331: {  	v9 =	vadd.s32 $0x800, v9;
	_ =	sdelay $0x4  }
0x332: {  	v9 =	vld.idx.msk [tilespmem:v9+s19+$0x0], $0xffff;
	_ =	sdelay $0x3  }
0x333: {  	v10 =	vmov s31  }
0x334: {  	v10 =	vperm.xlane v9, v10  }
0x335: {  	s18 =	simm.s32 $0x2  }
0x336: {  	s6 =	simm.s32 $0x3;
	v11 =	vmov s18;
	v15 =	vshll.u32 v10, $0x7  }
0x337: {  	s28 =	simm.s32 $0x1;
	v11 =	vperm.xlane v9, v11;
	v10 =	vmov s6;
	v12 =	vor.u32 v0, v15  }
0x338: {  	v13 =	vmov s28;
	v10 =	vperm.xlane v9, v10  }
0x339: {  	v13 =	vperm.xlane v9, v13;
	v16 =	vshll.u32 v11, $0x7  }
0x33a: {  	v18 =	vshll.u32 v10, $0x7;
	v10 =	vor.u32 v0, v16  }
0x33b: {  	v17 =	vshll.u32 v13, $0x7;
	v11 =	vor.u32 v0, v18  }
0x33c: {  	v13 =	vor.u32 v0, v17;
	v12 =	vld.idx.msk [tilespmem:v12+s4+$0x0], $0xffff  }
0x33d: {  	v14 =	vor.u32 v2, v15;
	_ =	sdelay $0x1  }
0x33e: {  	v10 =	vld.idx.msk [tilespmem:v10+s4+$0x0], $0xffff  }
0x33f: {  	v19 =	vor.u32 v2, v16;
	v11 =	vld.idx.msk [tilespmem:v11+s4+$0x0], $0xffff  }
0x340: {  	v13 =	vld.idx.msk [tilespmem:v13+s4+$0x0], $0xffff;
	[tilespmem:s1+$0xFFFFFE10] =	vst v12;
	v12 =	vor.u32 v2, v18  }
0x341: {  	v20 =	vor.u32 v2, v17;
	v14 =	vld.idx.msk [tilespmem:v14+s4+$0x0], $0xffff  }
0x342: {  	v21 =	vor.u32 v3, v15  }
0x343: {  	[tilespmem:s1+$0xFFFFFF10] =	vst v10  }
0x344: {  	[tilespmem:s1+$0xFFFFFF90] =	vst v11;
	v10 =	vld.idx.msk [tilespmem:v19+s4+$0x0], $0xffff  }
0x345: {  	[tilespmem:s1+$0xFFFFFE90] =	vst v13;
	v11 =	vld.idx.msk [tilespmem:v12+s4+$0x0], $0xffff;
	v12 =	vor.u32 v3, v16  }
0x346: {  	v13 =	vld.idx.msk [tilespmem:v20+s4+$0x0], $0xffff;
	[tilespmem:s1+$0xFFFFFE20] =	vst v14;
	v14 =	vor.u32 v3, v18  }
0x347: {  	v19 =	vor.u32 v3, v17;
	v20 =	vld.idx.msk [tilespmem:v21+s4+$0x0], $0xffff  }
0x348: {  	v21 =	vor.u32 v4, v15  }
0x349: {  	[tilespmem:s1+$0xFFFFFF20] =	vst v10  }
0x34a: {  	s7 =	simm.s32 $0x4;
	[tilespmem:s1+$0xFFFFFFA0] =	vst v11;
	v10 =	vld.idx.msk [tilespmem:v12+s4+$0x0], $0xffff  }
0x34b: {  	s17 =	simm.s32 $0x5;
	v22 =	vor.u32 v4, v16;
	[tilespmem:s1+$0xFFFFFEA0] =	vst v13;
	v11 =	vmov s7;
	v12 =	vld.idx.msk [tilespmem:v14+s4+$0x0], $0xffff  }
0x34c: {  	s18 =	simm.s32 $0x6;
	v13 =	vld.idx.msk [tilespmem:v19+s4+$0x0], $0xffff;
	v19 =	vmov s17;
	v14 =	vor.u32 v4, v18;
	v11 =	vperm.xlane v9, v11;
	[tilespmem:s1+$0xFFFFFE30] =	vst v20  }
0x34d: {  	v23 =	vmov s18;
	v19 =	vperm.xlane v9, v19;
	v20 =	vld.idx.msk [tilespmem:v21+s4+$0x0], $0xffff;
	v21 =	vor.u32 v4, v17  }
0x34e: {  	v23 =	vperm.xlane v9, v23;
	v24 =	vor.u32 v5, v15;
	v11 =	vshll.u32 v11, $0x7  }
0x34f: {  	v25 =	vor.u32 v0, v11;
	[tilespmem:s1+$0xFFFFFF30] =	vst v10;
	v10 =	vshll.u32 v19, $0x7  }
0x350: {  	s28 =	simm.s32 $0x7;
	[tilespmem:s1+$0xFFFFFFB0] =	vst v12;
	v19 =	vor.u32 v0, v10;
	v12 =	vshll.u32 v23, $0x7;
	v22 =	vld.idx.msk [tilespmem:v22+s4+$0x0], $0xffff  }
0x351: {  	[tilespmem:s1+$0xFFFFFEB0] =	vst v13;
	v13 =	vmov s28;
	v23 =	vor.u32 v0, v12;
	v14 =	vld.idx.msk [tilespmem:v14+s4+$0x0], $0xffff  }
0x352: {  	v13 =	vperm.xlane v9, v13;
	[tilespmem:s1+$0xFFFFFE40] =	vst v20;
	v20 =	vld.idx.msk [tilespmem:v21+s4+$0x0], $0xffff;
	v21 =	vor.u32 v5, v16  }
0x353: {  	v26 =	vor.u32 v5, v18;
	v24 =	vld.idx.msk [tilespmem:v24+s4+$0x0], $0xffff  }
0x354: {  	v27 =	vor.u32 v5, v17;
	v13 =	vshll.u32 v13, $0x7;
	v25 =	vld.idx.msk [tilespmem:v25+s4+$0x0], $0xffff  }
0x355: {  	v28 =	vor.u32 v0, v13;
	v19 =	vld.idx.msk [tilespmem:v19+s4+$0x0], $0xffff;
	[tilespmem:s1+$0xFFFFFF40] =	vst v22  }
0x356: {  	v29 =	vor.u32 v2, v11;
	v23 =	vld.idx.msk [tilespmem:v23+s4+$0x0], $0xffff;
	[tilespmem:s1+$0xFFFFFFC0] =	vst v14  }
0x357: {  	v22 =	vor.u32 v2, v10;
	v21 =	vld.idx.msk [tilespmem:v21+s4+$0x0], $0xffff;
	[tilespmem:s1+$0xFFFFFEC0] =	vst v20  }
0x358: {  	s2 =	sadd.s32 $0x200, s1;
	v14 =	vor.u32 v6, v15;
	v20 =	vld.idx.msk [tilespmem:v26+s4+$0x0], $0xffff;
	[tilespmem:s1+$0xFFFFFE50] =	vst v24  }
0x359: {  	v26 =	vor.u32 v6, v16;
	v24 =	vld.idx.msk [tilespmem:v27+s4+$0x0], $0xffff;
	[tilespmem:s2+$0xFFFFFE10] =	vst v25  }
0x35a: {  	v25 =	vld.idx.msk [tilespmem:v28+s4+$0x0], $0xffff;
	v27 =	vor.u32 v6, v18;
	[tilespmem:s2+$0xFFFFFE90] =	vst v19  }
0x35b: {  	v61 =	vor.u32 v2, v13;
	v60 =	vld.idx.msk [tilespmem:v29+s4+$0x0], $0xffff;
	[tilespmem:s2+$0xFFFFFF10] =	vst v23  }
0x35c: {  	v19 =	vor.u32 v6, v17;
	v22 =	vld.idx.msk [tilespmem:v22+s4+$0x0], $0xffff;
	[tilespmem:s1+$0xFFFFFF50] =	vst v21  }
0x35d: {  	v14 =	vld.idx.msk [tilespmem:v14+s4+$0x0], $0xffff;
	v21 =	vor.u32 v3, v11;
	[tilespmem:s1+$0xFFFFFFD0] =	vst v20  }
0x35e: {  	v23 =	vor.u32 v2, v12;
	v26 =	vld.idx.msk [tilespmem:v26+s4+$0x0], $0xffff;
	[tilespmem:s1+$0xFFFFFED0] =	vst v24  }
0x35f: {  	v20 =	vor.u32 v7, v15;
	v24 =	vld.idx.msk [tilespmem:v27+s4+$0x0], $0xffff;
	[tilespmem:s2+$0xFFFFFF90] =	vst v25  }
0x360: {  	v27 =	vor.u32 v3, v10;
	v62 =	vld.idx.msk [tilespmem:v61+s4+$0x0], $0xffff  }
0x361: {  	v25 =	vor.u32 v7, v18;
	[tilespmem:s2+$0xFFFFFE20] =	vst v60;
	v19 =	vld.idx.msk [tilespmem:v19+s4+$0x0], $0xffff  }
0x362: {  	v63 =	vor.u32 v7, v16;
	[tilespmem:s2+$0xFFFFFEA0] =	vst v22;
	v21 =	vld.idx.msk [tilespmem:v21+s4+$0x0], $0xffff  }
0x363: {  	v30 =	vor.u32 v7, v17;
	v23 =	vld.idx.msk [tilespmem:v23+s4+$0x0], $0xffff;
	[tilespmem:s1+$0xFFFFFE60] =	vst v14  }
0x364: {  	v31 =	vor.u32 v3, v12;
	v32 =	vld.idx.msk [tilespmem:v20+s4+$0x0], $0xffff;
	[tilespmem:s1+$0xFFFFFF60] =	vst v26  }
0x365: {  	v26 =	vld.idx.msk [tilespmem:v27+s4+$0x0], $0xffff;
	v27 =	vor.u32 v3, v13;
	[tilespmem:s1+$0xFFFFFFE0] =	vst v24  }
0x366: {  	v33 =	vor.u32 v4, v11;
	v22 =	vld.idx.msk [tilespmem:v25+s4+$0x0], $0xffff;
	[tilespmem:s1+$0xFFFFFEE0] =	vst v19  }
0x367: {  	v20 =	vld.idx.msk [tilespmem:v63+s4+$0x0], $0xffff;
	[tilespmem:s2+$0xFFFFFE30] =	vst v21;
	v21 =	vor.u32 v8, v15  }
0x368: {  	v18 =	vor.u32 v8, v18;
	[tilespmem:s2+$0xFFFFFF20] =	vst v23;
	v19 =	vld.idx.msk [tilespmem:v30+s4+$0x0], $0xffff  }
0x369: {  	v16 =	vor.u32 v8, v16;
	[tilespmem:s2+$0xFFFFFFA0] =	vst v62;
	v23 =	vld.idx.msk [tilespmem:v31+s4+$0x0], $0xffff  }
0x36a: {  	[tilespmem:s1+$0xFFFFFE70] =	vst v32;
	v15 =	vor.u32 v8, v17;
	v24 =	vld.idx.msk [tilespmem:v27+s4+$0x0], $0xffff  }
0x36b: {  	s6 =	smov.u32 s1;
	s7 =	simm.s32 $0x8;
	v14 =	vor.u32 v4, v12;
	v17 =	vld.idx.msk [tilespmem:v33+s4+$0x0], $0xffff;
	[tilespmem:s2+$0xFFFFFEB0] =	vst v26  }
.LBB2_24:
0x36c: {  	v25 =	vmov s7;
	s17 =	sadd.s32 $0x1, s7;
	s18 =	sadd.s32 $0x2, s7;
	s28 =	sadd.s32 $0x3, s7;
	v26 =	vor.u32 v4, v10;
	v27 =	vor.u32 v4, v13;
	v21 =	vld.idx.msk [tilespmem:v21+s4+$0x0], $0xffff;
	[tilespmem:s6+$0xFFFFFFF0] =	vst v22  }
0x36d: {  	p1 =	slt.u32 s7, $0xC;
	s7 =	sadd.s32 $0x4, s7;
	v22 =	vperm.xlane v9, v25;
	v25 =	vmov s17;
	v28 =	vmov s28;
	[tilespmem:s6+$0xFFFFFF70] =	vst v20;
	v18 =	vld.idx.msk [tilespmem:v18+s4+$0x0], $0xffff  }
0x36e: {  	v20 =	vperm.xlane v9, v25;
	v25 =	vmov s18;
	v28 =	vperm.xlane v9, v28;
	[tilespmem:s6+$0xFFFFFEF0] =	vst v19;
	v16 =	vld.idx.msk [tilespmem:v16+s4+$0x0], $0xffff  }
0x36f: {  	v19 =	vshll.u32 v22, $0x7;
	v22 =	vperm.xlane v9, v25;
	v25 =	vor.u32 v5, v11;
	[tilespmem:s2+$0xFFFFFF30] =	vst v23;
	v15 =	vld.idx.msk [tilespmem:v15+s4+$0x0], $0xffff  }
0x370: {  	v23 =	vor.u32 v0, v19;
	v29 =	vshll.u32 v20, $0x7;
	v28 =	vshll.u32 v28, $0x7;
	[tilespmem:s2+$0xFFFFFFB0] =	vst v24  }
0x371: {  	v20 =	vor.u32 v0, v29;
	v30 =	vshll.u32 v22, $0x7;
	v22 =	vor.u32 v0, v28;
	[tilespmem:s2+$0xFFFFFE40] =	vst v17;
	v17 =	vld.idx.msk [tilespmem:v14+s4+$0x0], $0xffff  }
0x372: {  	v24 =	vor.u32 v0, v30;
	v14 =	vor.u32 v4, v30;
	v27 =	vld.idx.msk [tilespmem:v27+s4+$0x0], $0xffff;
	[tilespmem:s6+$0xFFFFFE80] =	vst v21  }
0x373: {  	v21 =	vld.idx.msk [tilespmem:v26+s4+$0x0], $0xffff;
	v26 =	vor.u32 v5, v12;
	[tilespmem:s6+$0x0] =	vst v18  }
0x374: {  	v18 =	vld.idx.msk [tilespmem:v25+s4+$0x0], $0xffff;
	v25 =	vor.u32 v5, v13;
	[tilespmem:s6+$0xFFFFFF80] =	vst v16  }
0x375: {  	v16 =	vld.idx.msk [tilespmem:v23+s4+$0x0], $0xffff;
	v23 =	vor.u32 v5, v10;
	[tilespmem:s6+$0xFFFFFF00] =	vst v15;
	s6 =	smov.u32 s2  }
0x376: {  	v15 =	vld.idx.msk [tilespmem:v20+s4+$0x0], $0xffff  }
0x377: {  	v20 =	vor.u32 v2, v19;
	v24 =	vld.idx.msk [tilespmem:v24+s4+$0x0], $0xffff;
	[tilespmem:s2+$0xFFFFFF40] =	vst v17  }
0x378: {  	v17 =	vor.u32 v2, v29;
	v26 =	vld.idx.msk [tilespmem:v26+s4+$0x0], $0xffff;
	[tilespmem:s2+$0xFFFFFFC0] =	vst v27  }
0x379: {  	v27 =	vor.u32 v6, v11;
	[tilespmem:s2+$0xFFFFFEC0] =	vst v21;
	v21 =	vld.idx.msk [tilespmem:v25+s4+$0x0], $0xffff  }
0x37a: {  	s2 =	sadd.s32 $0x200, s2;
	[tilespmem:s6+$0xFFFFFE50] =	vst v18;
	v18 =	vld.idx.msk [tilespmem:v23+s4+$0x0], $0xffff;
	v23 =	vor.u32 v6, v12  }
0x37b: {  	[tilespmem:s2+$0xFFFFFE10] =	vst v16;
	v16 =	vld.idx.msk [tilespmem:v22+s4+$0x0], $0xffff;
	v22 =	vor.u32 v6, v13  }
0x37c: {  	v20 =	vld.idx.msk [tilespmem:v20+s4+$0x0], $0xffff;
	[tilespmem:s2+$0xFFFFFE90] =	vst v15;
	v15 =	vor.u32 v6, v10  }
0x37d: {  	v17 =	vld.idx.msk [tilespmem:v17+s4+$0x0], $0xffff;
	[tilespmem:s2+$0xFFFFFF10] =	vst v24;
	v24 =	vor.u32 v2, v30  }
0x37e: {  	v25 =	vor.u32 v2, v28;
	v27 =	vld.idx.msk [tilespmem:v27+s4+$0x0], $0xffff;
	[tilespmem:s6+$0xFFFFFF50] =	vst v26  }
0x37f: {  	v26 =	vor.u32 v3, v19;
	v23 =	vld.idx.msk [tilespmem:v23+s4+$0x0], $0xffff;
	[tilespmem:s6+$0xFFFFFFD0] =	vst v21  }
0x380: {  	v21 =	vor.u32 v7, v11;
	[tilespmem:s6+$0xFFFFFED0] =	vst v18;
	v18 =	vld.idx.msk [tilespmem:v22+s4+$0x0], $0xffff  }
0x381: {  	v22 =	vor.u32 v3, v29;
	[tilespmem:s2+$0xFFFFFF90] =	vst v16;
	v15 =	vld.idx.msk [tilespmem:v15+s4+$0x0], $0xffff  }
0x382: {  	[tilespmem:s2+$0xFFFFFE20] =	vst v20;
	v16 =	vld.idx.msk [tilespmem:v24+s4+$0x0], $0xffff;
	v20 =	vor.u32 v7, v13  }
0x383: {  	v24 =	vor.u32 v7, v10;
	[tilespmem:s2+$0xFFFFFEA0] =	vst v17;
	v17 =	vld.idx.msk [tilespmem:v25+s4+$0x0], $0xffff;
	v25 =	vor.u32 v7, v12  }
0x384: {  	v26 =	vld.idx.msk [tilespmem:v26+s4+$0x0], $0xffff;
	[tilespmem:s6+$0xFFFFFE60] =	vst v27  }
0x385: {  	v27 =	vor.u32 v3, v30;
	v31 =	vld.idx.msk [tilespmem:v21+s4+$0x0], $0xffff;
	[tilespmem:s6+$0xFFFFFF60] =	vst v23  }
0x386: {  	v33 =	vor.u32 v3, v28;
	v32 =	vld.idx.msk [tilespmem:v22+s4+$0x0], $0xffff;
	[tilespmem:s6+$0xFFFFFFE0] =	vst v18  }
0x387: {  	v34 =	vor.u32 v4, v19;
	[tilespmem:s6+$0xFFFFFEE0] =	vst v15;
	v22 =	vld.idx.msk [tilespmem:v20+s4+$0x0], $0xffff  }
.Ltmp12:
0x388: {  	v21 =	vor.u32 v8, v11;
	v11 =	vmov v19;
	[tilespmem:s2+$0xFFFFFF20] =	vst v16;
	v20 =	vld.idx.msk [tilespmem:v25+s4+$0x0], $0xffff;
	(pc) =	sbr.rel @p1 .LBB2_24-.Ltmp12, $4  }
0x389: {  	v18 =	vor.u32 v8, v13;
	v13 =	vmov v28;
	[tilespmem:s2+$0xFFFFFFA0] =	vst v17;
	v19 =	vld.idx.msk [tilespmem:v24+s4+$0x0], $0xffff  }
0x38a: {  	v15 =	vor.u32 v8, v10;
	v10 =	vmov v29;
	v16 =	vor.u32 v8, v12;
	[tilespmem:s2+$0xFFFFFE30] =	vst v26;
	v23 =	vld.idx.msk [tilespmem:v27+s4+$0x0], $0xffff  }
0x38b: {  	v12 =	vmov v30;
	v24 =	vld.idx.msk [tilespmem:v33+s4+$0x0], $0xffff;
	[tilespmem:s6+$0xFFFFFE70] =	vst v31  }
0x38c: {  	v17 =	vld.idx.msk [tilespmem:v34+s4+$0x0], $0xffff;
	[tilespmem:s2+$0xFFFFFEB0] =	vst v32  }
0x38d: {  	v9 =	vor.u32 v4, v13  }
0x38e: {  	v25 =	vor.u32 v4, v10;
	_ =	sdelay $0x1  }
0x38f: {  	[tilespmem:s2+$0xFFFFFF30] =	vst v23  }
0x390: {  	v47 =	vor.u32 v5, v11;
	[tilespmem:s2+$0xFFFFFFB0] =	vst v24;
	v14 =	vld.idx.msk [tilespmem:v14+s4+$0x0], $0xffff  }
0x391: {  	v26 =	vor.u32 v5, v12;
	v9 =	vld.idx.msk [tilespmem:v9+s4+$0x0], $0xffff  }
0x392: {  	v48 =	vor.u32 v5, v13;
	v25 =	vld.idx.msk [tilespmem:v25+s4+$0x0], $0xffff  }
0x393: {  	v27 =	vor.u32 v5, v10  }
0x394: {  	[tilespmem:s2+$0xFFFFFE40] =	vst v17  }
0x395: {  	v17 =	vld.idx.msk [tilespmem:v47+s4+$0x0], $0xffff;
	[tilespmem:s2+$0xFFFFFF40] =	vst v14  }
0x396: {  	v50 =	vld.idx.msk [tilespmem:v26+s4+$0x0], $0xffff;
	[tilespmem:s2+$0xFFFFFFC0] =	vst v9;
	v9 =	vor.u32 v6, v11  }
0x397: {  	v52 =	vor.u32 v6, v12;
	[tilespmem:s2+$0xFFFFFEC0] =	vst v25;
	v49 =	vld.idx.msk [tilespmem:v48+s4+$0x0], $0xffff  }
0x398: {  	v51 =	vor.u32 v6, v13;
	v25 =	vld.idx.msk [tilespmem:v27+s4+$0x0], $0xffff  }
0x399: {  	[tilespmem:s6+$0xFFFFFFF0] =	vst v22;
	v53 =	vor.u32 v6, v10  }
0x39a: {  	[tilespmem:s2+$0xFFFFFE50] =	vst v17  }
0x39b: {  	[tilespmem:s2+$0xFFFFFF50] =	vst v50;
	v9 =	vld.idx.msk [tilespmem:v9+s4+$0x0], $0xffff  }
0x39c: {  	v54 =	vor.u32 v7, v11;
	v23 =	vld.idx.msk [tilespmem:v52+s4+$0x0], $0xffff;
	[tilespmem:s2+$0xFFFFFFD0] =	vst v49  }
0x39d: {  	v58 =	vor.u32 v7, v12;
	[tilespmem:s2+$0xFFFFFED0] =	vst v25;
	v55 =	vld.idx.msk [tilespmem:v51+s4+$0x0], $0xffff  }
0x39e: {  	v56 =	vor.u32 v7, v13;
	[tilespmem:s6+$0xFFFFFF70] =	vst v20;
	v57 =	vld.idx.msk [tilespmem:v53+s4+$0x0], $0xffff  }
0x39f: {  	v21 =	vld.idx.msk [tilespmem:v21+s4+$0x0], $0xffff;
	v59 =	vor.u32 v7, v10;
	[tilespmem:s6+$0xFFFFFEF0] =	vst v19  }
0x3a0: {  	v18 =	vld.idx.msk [tilespmem:v18+s4+$0x0], $0xffff;
	[tilespmem:s2+$0xFFFFFE60] =	vst v9  }
0x3a1: {  	[tilespmem:s2+$0xFFFFFF60] =	vst v23;
	v9 =	vld.idx.msk [tilespmem:v54+s4+$0x0], $0xffff  }
0x3a2: {  	v11 =	vor.u32 v8, v11;
	v61 =	vld.idx.msk [tilespmem:v58+s4+$0x0], $0xffff;
	[tilespmem:s2+$0xFFFFFFE0] =	vst v55  }
0x3a3: {  	v63 =	vor.u32 v8, v12;
	[tilespmem:s2+$0xFFFFFEE0] =	vst v57;
	v60 =	vld.idx.msk [tilespmem:v56+s4+$0x0], $0xffff  }
0x3a4: {  	v62 =	vor.u32 v8, v13;
	[tilespmem:s6+$0xFFFFFE80] =	vst v21;
	v19 =	vld.idx.msk [tilespmem:v59+s4+$0x0], $0xffff  }
0x3a5: {  	v10 =	vor.u32 v8, v10;
	v16 =	vld.idx.msk [tilespmem:v16+s4+$0x0], $0xffff;
	[tilespmem:s6+$0x0] =	vst v18  }
0x3a6: {  	v15 =	vld.idx.msk [tilespmem:v15+s4+$0x0], $0xffff;
	[tilespmem:s2+$0xFFFFFE70] =	vst v9  }
0x3a7: {  	[tilespmem:s2+$0xFFFFFF70] =	vst v61;
	v9 =	vld.idx.msk [tilespmem:v11+s4+$0x0], $0xffff  }
0x3a8: {  	v12 =	vld.idx.msk [tilespmem:v63+s4+$0x0], $0xffff;
	[tilespmem:s2+$0xFFFFFFF0] =	vst v60  }
0x3a9: {  	s0 =	sadd.s32 $0x1, s0;
	[tilespmem:s2+$0xFFFFFEF0] =	vst v19;
	v11 =	vld.idx.msk [tilespmem:v62+s4+$0x0], $0xffff  }
0x3aa: {  	p1 =	sne.s32 s0, $0x19;
	[tilespmem:s6+$0xFFFFFF80] =	vst v16;
	v10 =	vld.idx.msk [tilespmem:v10+s4+$0x0], $0xffff  }
.Ltmp13:
0x3ab: {  	[tilespmem:s6+$0xFFFFFF00] =	vst v15;
	(pc) =	sbr.rel @p1 .LBB2_23-.Ltmp13, $4  }
0x3ac: {  	[tilespmem:s2+$0xFFFFFE80] =	vst v9  }
0x3ad: {  	[tilespmem:s2+$0xFFFFFF80] =	vst v12  }
0x3ae: {  	[tilespmem:s2+$0x0] =	vst v11  }
0x3af: {  	s1 =	sadd.s32 $0x800, s1;
	[tilespmem:s2+$0xFFFFFF00] =	vst v10  }
0x3b0: {  	s0 =	sadd.s32 s30, s13  }
0x3b1: {  	s0 =	sshll.u32 s0, $0x4  }
0x3b2: {  	s31 =	simm.s32 $0x0;
	s0 =	sadd.s32 s3, s0  }
0x3b3: {  	[hbm4b:s0+s31] =	stream.linear.scatter [tilespmem:s23], [sflag:$0x5], $0xC800, $0x38;
	[tilespmem:$0x1A200] =	vst v63  }
0x3b4: {  	_ =	swait.ge [sflag:s24], $0xC800  }
0x3b5: {  	[sflag:s24] =	ssyncset.done $0x0  }
0x3b6: {  	s1 =	simm.s32 $0x1300;
	s0 =	simm.s32 $0x0;
	[sflag:s24] =	ssyncadd.s32 $0xFFFF3800  }
.LBB2_27:
0x3b7: {  	s2 =	sshll.u32 s0, $0x4  }
0x3b8: {  	v9 =	vmov s2  }
0x3b9: {  	v9 =	vbroadcast v9, $0x0;
	_ =	sdelay $0x1  }
0x3ba: {  	v10 =	vor.u32 v0, v9  }
0x3bb: {  	v11 =	vmulhi.u32 $0x51EB851F, v10;
	_ =	sdelay $0x1  }
0x3bc: {  	v11 =	vshrl.u32 v11, $0x6  }
0x3bd: {  	v12 =	vmul.u32 $0xFFFFFF38, v11;
	_ =	sdelay $0x1  }
0x3be: {  	v10 =	vadd.s32 v10, v12  }
0x3bf: {  	vm0 =	veq.s32 v9, v0;
	vm1 =	vne.s32 v10, $0x0  }
0x3c0: {  	vm0 =	vmand vm0, vm1  }
0x3c1: {  	v9 =	vsel vm0, $0xFFFFFFFF, v1  }
0x3c2: {  	v9 =	vadd.s32 v9, v11  }
0x3c3: {  	v9 =	vadd.s32 $0x4, v9  }
0x3c4: {  	v12 =	vshll.u32 v10, $0x3;
	v11 =	vshll.u32 v9, $0x8  }
0x3c5: {  	v12 =	vand.u32 $0x400, v12;
	v9 =	vshll.u32 v9, $0x7;
	v11 =	vand.u32 $0xFFFFF800, v11  }
0x3c6: {  	v9 =	vand.u32 $0x380, v9;
	v11 =	vor.u32 v12, v11  }
0x3c7: {  	v10 =	vand.u32 $0x7F, v10;
	v9 =	vor.u32 v9, v11  }
0x3c8: {  	v9 =	vor.u32 v10, v9  }
0x3c9: {  	v9 =	vadd.s32 $0x800, v9;
	_ =	sdelay $0x4  }
0x3ca: {  	v9 =	vld.idx.msk [tilespmem:v9+s19+$0x0], $0xffff;
	_ =	sdelay $0x3  }
0x3cb: {  	v10 =	vmov s31  }
0x3cc: {  	v10 =	vperm.xlane v9, v10  }
0x3cd: {  	s18 =	simm.s32 $0x2  }
0x3ce: {  	s6 =	simm.s32 $0x3;
	v11 =	vmov s18;
	v15 =	vshll.u32 v10, $0x7  }
0x3cf: {  	s28 =	simm.s32 $0x1;
	v11 =	vperm.xlane v9, v11;
	v10 =	vmov s6;
	v12 =	vor.u32 v0, v15  }
0x3d0: {  	v13 =	vmov s28;
	v10 =	vperm.xlane v9, v10  }
0x3d1: {  	v13 =	vperm.xlane v9, v13;
	v16 =	vshll.u32 v11, $0x7  }
0x3d2: {  	v18 =	vshll.u32 v10, $0x7;
	v10 =	vor.u32 v0, v16  }
0x3d3: {  	v17 =	vshll.u32 v13, $0x7;
	v11 =	vor.u32 v0, v18  }
0x3d4: {  	v13 =	vor.u32 v0, v17;
	v12 =	vld.idx.msk [tilespmem:v12+s4+$0x0], $0xffff  }
0x3d5: {  	v14 =	vor.u32 v2, v15;
	_ =	sdelay $0x1  }
0x3d6: {  	v10 =	vld.idx.msk [tilespmem:v10+s4+$0x0], $0xffff  }
0x3d7: {  	v19 =	vor.u32 v2, v16;
	v11 =	vld.idx.msk [tilespmem:v11+s4+$0x0], $0xffff  }
0x3d8: {  	v13 =	vld.idx.msk [tilespmem:v13+s4+$0x0], $0xffff;
	[tilespmem:s1+$0xFFFFFF00] =	vst v12;
	v12 =	vor.u32 v2, v18  }
0x3d9: {  	v20 =	vor.u32 v2, v17;
	v14 =	vld.idx.msk [tilespmem:v14+s4+$0x0], $0xffff  }
0x3da: {  	v21 =	vor.u32 v3, v15  }
0x3db: {  	[tilespmem:s1+$0x0] =	vst v10  }
0x3dc: {  	[tilespmem:s1+$0x80] =	vst v11;
	v10 =	vld.idx.msk [tilespmem:v19+s4+$0x0], $0xffff  }
0x3dd: {  	[tilespmem:s1+$0xFFFFFF80] =	vst v13;
	v11 =	vld.idx.msk [tilespmem:v12+s4+$0x0], $0xffff;
	v12 =	vor.u32 v3, v16  }
0x3de: {  	v13 =	vld.idx.msk [tilespmem:v20+s4+$0x0], $0xffff;
	[tilespmem:s1+$0xFFFFFF10] =	vst v14;
	v14 =	vor.u32 v3, v18  }
0x3df: {  	v19 =	vor.u32 v3, v17;
	v20 =	vld.idx.msk [tilespmem:v21+s4+$0x0], $0xffff  }
0x3e0: {  	v21 =	vor.u32 v4, v15  }
0x3e1: {  	[tilespmem:s1+$0x10] =	vst v10  }
0x3e2: {  	s7 =	simm.s32 $0x4;
	[tilespmem:s1+$0x90] =	vst v11;
	v10 =	vld.idx.msk [tilespmem:v12+s4+$0x0], $0xffff  }
0x3e3: {  	s17 =	simm.s32 $0x5;
	v22 =	vor.u32 v4, v16;
	[tilespmem:s1+$0xFFFFFF90] =	vst v13;
	v11 =	vmov s7;
	v12 =	vld.idx.msk [tilespmem:v14+s4+$0x0], $0xffff  }
0x3e4: {  	s18 =	simm.s32 $0x6;
	v13 =	vld.idx.msk [tilespmem:v19+s4+$0x0], $0xffff;
	v19 =	vmov s17;
	v14 =	vor.u32 v4, v18;
	v11 =	vperm.xlane v9, v11;
	[tilespmem:s1+$0xFFFFFF20] =	vst v20  }
0x3e5: {  	v23 =	vmov s18;
	v19 =	vperm.xlane v9, v19;
	v20 =	vld.idx.msk [tilespmem:v21+s4+$0x0], $0xffff;
	v21 =	vor.u32 v4, v17  }
0x3e6: {  	v23 =	vperm.xlane v9, v23;
	v24 =	vor.u32 v5, v15;
	v11 =	vshll.u32 v11, $0x7  }
0x3e7: {  	v25 =	vor.u32 v0, v11;
	[tilespmem:s1+$0x20] =	vst v10;
	v10 =	vshll.u32 v19, $0x7  }
0x3e8: {  	s28 =	simm.s32 $0x7;
	[tilespmem:s1+$0xA0] =	vst v12;
	v19 =	vor.u32 v0, v10;
	v12 =	vshll.u32 v23, $0x7;
	v22 =	vld.idx.msk [tilespmem:v22+s4+$0x0], $0xffff  }
0x3e9: {  	[tilespmem:s1+$0xFFFFFFA0] =	vst v13;
	v13 =	vmov s28;
	v23 =	vor.u32 v0, v12;
	v14 =	vld.idx.msk [tilespmem:v14+s4+$0x0], $0xffff  }
0x3ea: {  	v13 =	vperm.xlane v9, v13;
	[tilespmem:s1+$0xFFFFFF30] =	vst v20;
	v20 =	vld.idx.msk [tilespmem:v21+s4+$0x0], $0xffff;
	v21 =	vor.u32 v5, v16  }
0x3eb: {  	v26 =	vor.u32 v5, v18;
	v24 =	vld.idx.msk [tilespmem:v24+s4+$0x0], $0xffff  }
0x3ec: {  	v27 =	vor.u32 v5, v17;
	v13 =	vshll.u32 v13, $0x7;
	v25 =	vld.idx.msk [tilespmem:v25+s4+$0x0], $0xffff  }
0x3ed: {  	v28 =	vor.u32 v0, v13;
	v19 =	vld.idx.msk [tilespmem:v19+s4+$0x0], $0xffff;
	[tilespmem:s1+$0x30] =	vst v22  }
0x3ee: {  	v29 =	vor.u32 v2, v11;
	v23 =	vld.idx.msk [tilespmem:v23+s4+$0x0], $0xffff;
	[tilespmem:s1+$0xB0] =	vst v14  }
0x3ef: {  	v22 =	vor.u32 v2, v10;
	v21 =	vld.idx.msk [tilespmem:v21+s4+$0x0], $0xffff;
	[tilespmem:s1+$0xFFFFFFB0] =	vst v20  }
0x3f0: {  	s2 =	sadd.s32 $0x200, s1;
	v14 =	vor.u32 v6, v15;
	v20 =	vld.idx.msk [tilespmem:v26+s4+$0x0], $0xffff;
	[tilespmem:s1+$0xFFFFFF40] =	vst v24  }
0x3f1: {  	v26 =	vor.u32 v6, v16;
	v24 =	vld.idx.msk [tilespmem:v27+s4+$0x0], $0xffff;
	[tilespmem:s2+$0xFFFFFF00] =	vst v25  }
0x3f2: {  	v25 =	vld.idx.msk [tilespmem:v28+s4+$0x0], $0xffff;
	v27 =	vor.u32 v6, v18;
	[tilespmem:s2+$0xFFFFFF80] =	vst v19  }
0x3f3: {  	v61 =	vor.u32 v2, v13;
	v60 =	vld.idx.msk [tilespmem:v29+s4+$0x0], $0xffff;
	[tilespmem:s2+$0x0] =	vst v23  }
0x3f4: {  	v19 =	vor.u32 v6, v17;
	v22 =	vld.idx.msk [tilespmem:v22+s4+$0x0], $0xffff;
	[tilespmem:s1+$0x40] =	vst v21  }
0x3f5: {  	v14 =	vld.idx.msk [tilespmem:v14+s4+$0x0], $0xffff;
	v21 =	vor.u32 v3, v11;
	[tilespmem:s1+$0xC0] =	vst v20  }
0x3f6: {  	v23 =	vor.u32 v2, v12;
	v26 =	vld.idx.msk [tilespmem:v26+s4+$0x0], $0xffff;
	[tilespmem:s1+$0xFFFFFFC0] =	vst v24  }
0x3f7: {  	v20 =	vor.u32 v7, v15;
	v24 =	vld.idx.msk [tilespmem:v27+s4+$0x0], $0xffff;
	[tilespmem:s2+$0x80] =	vst v25  }
0x3f8: {  	v27 =	vor.u32 v3, v10;
	v62 =	vld.idx.msk [tilespmem:v61+s4+$0x0], $0xffff  }
0x3f9: {  	v25 =	vor.u32 v7, v18;
	[tilespmem:s2+$0xFFFFFF10] =	vst v60;
	v19 =	vld.idx.msk [tilespmem:v19+s4+$0x0], $0xffff  }
0x3fa: {  	v63 =	vor.u32 v7, v16;
	[tilespmem:s2+$0xFFFFFF90] =	vst v22;
	v21 =	vld.idx.msk [tilespmem:v21+s4+$0x0], $0xffff  }
0x3fb: {  	v30 =	vor.u32 v7, v17;
	v23 =	vld.idx.msk [tilespmem:v23+s4+$0x0], $0xffff;
	[tilespmem:s1+$0xFFFFFF50] =	vst v14  }
0x3fc: {  	v31 =	vor.u32 v3, v12;
	v32 =	vld.idx.msk [tilespmem:v20+s4+$0x0], $0xffff;
	[tilespmem:s1+$0x50] =	vst v26  }
0x3fd: {  	v26 =	vld.idx.msk [tilespmem:v27+s4+$0x0], $0xffff;
	v27 =	vor.u32 v3, v13;
	[tilespmem:s1+$0xD0] =	vst v24  }
0x3fe: {  	v33 =	vor.u32 v4, v11;
	v22 =	vld.idx.msk [tilespmem:v25+s4+$0x0], $0xffff;
	[tilespmem:s1+$0xFFFFFFD0] =	vst v19  }
0x3ff: {  	v20 =	vld.idx.msk [tilespmem:v63+s4+$0x0], $0xffff;
	[tilespmem:s2+$0xFFFFFF20] =	vst v21;
	v21 =	vor.u32 v8, v15  }
0x400: {  	v18 =	vor.u32 v8, v18;
	[tilespmem:s2+$0x10] =	vst v23;
	v19 =	vld.idx.msk [tilespmem:v30+s4+$0x0], $0xffff  }
0x401: {  	v16 =	vor.u32 v8, v16;
	[tilespmem:s2+$0x90] =	vst v62;
	v23 =	vld.idx.msk [tilespmem:v31+s4+$0x0], $0xffff  }
0x402: {  	[tilespmem:s1+$0xFFFFFF60] =	vst v32;
	v15 =	vor.u32 v8, v17;
	v24 =	vld.idx.msk [tilespmem:v27+s4+$0x0], $0xffff  }
0x403: {  	s6 =	smov.u32 s1;
	s7 =	simm.s32 $0x8;
	v14 =	vor.u32 v4, v12;
	v17 =	vld.idx.msk [tilespmem:v33+s4+$0x0], $0xffff;
	[tilespmem:s2+$0xFFFFFFA0] =	vst v26  }
.LBB2_28:
0x404: {  	v25 =	vmov s7;
	s17 =	sadd.s32 $0x1, s7;
	s18 =	sadd.s32 $0x2, s7;
	s28 =	sadd.s32 $0x3, s7;
	v26 =	vor.u32 v4, v10;
	v27 =	vor.u32 v4, v13;
	v21 =	vld.idx.msk [tilespmem:v21+s4+$0x0], $0xffff;
	[tilespmem:s6+$0xE0] =	vst v22  }
0x405: {  	p1 =	slt.u32 s7, $0xC;
	s7 =	sadd.s32 $0x4, s7;
	v22 =	vperm.xlane v9, v25;
	v25 =	vmov s17;
	v28 =	vmov s28;
	[tilespmem:s6+$0x60] =	vst v20;
	v18 =	vld.idx.msk [tilespmem:v18+s4+$0x0], $0xffff  }
0x406: {  	v20 =	vperm.xlane v9, v25;
	v25 =	vmov s18;
	v28 =	vperm.xlane v9, v28;
	[tilespmem:s6+$0xFFFFFFE0] =	vst v19;
	v16 =	vld.idx.msk [tilespmem:v16+s4+$0x0], $0xffff  }
0x407: {  	v19 =	vshll.u32 v22, $0x7;
	v22 =	vperm.xlane v9, v25;
	v25 =	vor.u32 v5, v11;
	[tilespmem:s2+$0x20] =	vst v23;
	v15 =	vld.idx.msk [tilespmem:v15+s4+$0x0], $0xffff  }
0x408: {  	v23 =	vor.u32 v0, v19;
	v29 =	vshll.u32 v20, $0x7;
	v28 =	vshll.u32 v28, $0x7;
	[tilespmem:s2+$0xA0] =	vst v24  }
0x409: {  	v20 =	vor.u32 v0, v29;
	v30 =	vshll.u32 v22, $0x7;
	v22 =	vor.u32 v0, v28;
	[tilespmem:s2+$0xFFFFFF30] =	vst v17;
	v17 =	vld.idx.msk [tilespmem:v14+s4+$0x0], $0xffff  }
0x40a: {  	v24 =	vor.u32 v0, v30;
	v14 =	vor.u32 v4, v30;
	v27 =	vld.idx.msk [tilespmem:v27+s4+$0x0], $0xffff;
	[tilespmem:s6+$0xFFFFFF70] =	vst v21  }
0x40b: {  	v21 =	vld.idx.msk [tilespmem:v26+s4+$0x0], $0xffff;
	v26 =	vor.u32 v5, v12;
	[tilespmem:s6+$0xF0] =	vst v18  }
0x40c: {  	v18 =	vld.idx.msk [tilespmem:v25+s4+$0x0], $0xffff;
	v25 =	vor.u32 v5, v13;
	[tilespmem:s6+$0x70] =	vst v16  }
0x40d: {  	v16 =	vld.idx.msk [tilespmem:v23+s4+$0x0], $0xffff;
	v23 =	vor.u32 v5, v10;
	[tilespmem:s6+$0xFFFFFFF0] =	vst v15;
	s6 =	smov.u32 s2  }
0x40e: {  	v15 =	vld.idx.msk [tilespmem:v20+s4+$0x0], $0xffff  }
0x40f: {  	v20 =	vor.u32 v2, v19;
	v24 =	vld.idx.msk [tilespmem:v24+s4+$0x0], $0xffff;
	[tilespmem:s2+$0x30] =	vst v17  }
0x410: {  	v17 =	vor.u32 v2, v29;
	v26 =	vld.idx.msk [tilespmem:v26+s4+$0x0], $0xffff;
	[tilespmem:s2+$0xB0] =	vst v27  }
0x411: {  	v27 =	vor.u32 v6, v11;
	[tilespmem:s2+$0xFFFFFFB0] =	vst v21;
	v21 =	vld.idx.msk [tilespmem:v25+s4+$0x0], $0xffff  }
0x412: {  	s2 =	sadd.s32 $0x200, s2;
	[tilespmem:s6+$0xFFFFFF40] =	vst v18;
	v18 =	vld.idx.msk [tilespmem:v23+s4+$0x0], $0xffff;
	v23 =	vor.u32 v6, v12  }
0x413: {  	[tilespmem:s2+$0xFFFFFF00] =	vst v16;
	v16 =	vld.idx.msk [tilespmem:v22+s4+$0x0], $0xffff;
	v22 =	vor.u32 v6, v13  }
0x414: {  	v20 =	vld.idx.msk [tilespmem:v20+s4+$0x0], $0xffff;
	[tilespmem:s2+$0xFFFFFF80] =	vst v15;
	v15 =	vor.u32 v6, v10  }
0x415: {  	v17 =	vld.idx.msk [tilespmem:v17+s4+$0x0], $0xffff;
	[tilespmem:s2+$0x0] =	vst v24;
	v24 =	vor.u32 v2, v30  }
0x416: {  	v25 =	vor.u32 v2, v28;
	v27 =	vld.idx.msk [tilespmem:v27+s4+$0x0], $0xffff;
	[tilespmem:s6+$0x40] =	vst v26  }
0x417: {  	v26 =	vor.u32 v3, v19;
	v23 =	vld.idx.msk [tilespmem:v23+s4+$0x0], $0xffff;
	[tilespmem:s6+$0xC0] =	vst v21  }
0x418: {  	v21 =	vor.u32 v7, v11;
	[tilespmem:s6+$0xFFFFFFC0] =	vst v18;
	v18 =	vld.idx.msk [tilespmem:v22+s4+$0x0], $0xffff  }
0x419: {  	v22 =	vor.u32 v3, v29;
	[tilespmem:s2+$0x80] =	vst v16;
	v15 =	vld.idx.msk [tilespmem:v15+s4+$0x0], $0xffff  }
0x41a: {  	[tilespmem:s2+$0xFFFFFF10] =	vst v20;
	v16 =	vld.idx.msk [tilespmem:v24+s4+$0x0], $0xffff;
	v20 =	vor.u32 v7, v13  }
0x41b: {  	v24 =	vor.u32 v7, v10;
	[tilespmem:s2+$0xFFFFFF90] =	vst v17;
	v17 =	vld.idx.msk [tilespmem:v25+s4+$0x0], $0xffff;
	v25 =	vor.u32 v7, v12  }
0x41c: {  	v26 =	vld.idx.msk [tilespmem:v26+s4+$0x0], $0xffff;
	[tilespmem:s6+$0xFFFFFF50] =	vst v27  }
0x41d: {  	v27 =	vor.u32 v3, v30;
	v31 =	vld.idx.msk [tilespmem:v21+s4+$0x0], $0xffff;
	[tilespmem:s6+$0x50] =	vst v23  }
0x41e: {  	v33 =	vor.u32 v3, v28;
	v32 =	vld.idx.msk [tilespmem:v22+s4+$0x0], $0xffff;
	[tilespmem:s6+$0xD0] =	vst v18  }
0x41f: {  	v34 =	vor.u32 v4, v19;
	[tilespmem:s6+$0xFFFFFFD0] =	vst v15;
	v22 =	vld.idx.msk [tilespmem:v20+s4+$0x0], $0xffff  }
.Ltmp14:
0x420: {  	v21 =	vor.u32 v8, v11;
	v11 =	vmov v19;
	[tilespmem:s2+$0x10] =	vst v16;
	v20 =	vld.idx.msk [tilespmem:v25+s4+$0x0], $0xffff;
	(pc) =	sbr.rel @p1 .LBB2_28-.Ltmp14, $4  }
0x421: {  	v18 =	vor.u32 v8, v13;
	v13 =	vmov v28;
	[tilespmem:s2+$0x90] =	vst v17;
	v19 =	vld.idx.msk [tilespmem:v24+s4+$0x0], $0xffff  }
0x422: {  	v15 =	vor.u32 v8, v10;
	v10 =	vmov v29;
	v16 =	vor.u32 v8, v12;
	[tilespmem:s2+$0xFFFFFF20] =	vst v26;
	v23 =	vld.idx.msk [tilespmem:v27+s4+$0x0], $0xffff  }
0x423: {  	v12 =	vmov v30;
	v24 =	vld.idx.msk [tilespmem:v33+s4+$0x0], $0xffff;
	[tilespmem:s6+$0xFFFFFF60] =	vst v31  }
0x424: {  	v17 =	vld.idx.msk [tilespmem:v34+s4+$0x0], $0xffff;
	[tilespmem:s2+$0xFFFFFFA0] =	vst v32  }
0x425: {  	v9 =	vor.u32 v4, v13  }
0x426: {  	v25 =	vor.u32 v4, v10;
	_ =	sdelay $0x1  }
0x427: {  	[tilespmem:s2+$0x20] =	vst v23  }
0x428: {  	v47 =	vor.u32 v5, v11;
	[tilespmem:s2+$0xA0] =	vst v24;
	v14 =	vld.idx.msk [tilespmem:v14+s4+$0x0], $0xffff  }
0x429: {  	v26 =	vor.u32 v5, v12;
	v9 =	vld.idx.msk [tilespmem:v9+s4+$0x0], $0xffff  }
0x42a: {  	v48 =	vor.u32 v5, v13;
	v25 =	vld.idx.msk [tilespmem:v25+s4+$0x0], $0xffff  }
0x42b: {  	v27 =	vor.u32 v5, v10  }
0x42c: {  	[tilespmem:s2+$0xFFFFFF30] =	vst v17  }
0x42d: {  	v17 =	vld.idx.msk [tilespmem:v47+s4+$0x0], $0xffff;
	[tilespmem:s2+$0x30] =	vst v14  }
0x42e: {  	v50 =	vld.idx.msk [tilespmem:v26+s4+$0x0], $0xffff;
	[tilespmem:s2+$0xB0] =	vst v9;
	v9 =	vor.u32 v6, v11  }
0x42f: {  	v52 =	vor.u32 v6, v12;
	[tilespmem:s2+$0xFFFFFFB0] =	vst v25;
	v49 =	vld.idx.msk [tilespmem:v48+s4+$0x0], $0xffff  }
0x430: {  	v51 =	vor.u32 v6, v13;
	v25 =	vld.idx.msk [tilespmem:v27+s4+$0x0], $0xffff  }
0x431: {  	[tilespmem:s6+$0xE0] =	vst v22;
	v53 =	vor.u32 v6, v10  }
0x432: {  	[tilespmem:s2+$0xFFFFFF40] =	vst v17  }
0x433: {  	[tilespmem:s2+$0x40] =	vst v50;
	v9 =	vld.idx.msk [tilespmem:v9+s4+$0x0], $0xffff  }
0x434: {  	v54 =	vor.u32 v7, v11;
	v23 =	vld.idx.msk [tilespmem:v52+s4+$0x0], $0xffff;
	[tilespmem:s2+$0xC0] =	vst v49  }
0x435: {  	v58 =	vor.u32 v7, v12;
	[tilespmem:s2+$0xFFFFFFC0] =	vst v25;
	v55 =	vld.idx.msk [tilespmem:v51+s4+$0x0], $0xffff  }
0x436: {  	v56 =	vor.u32 v7, v13;
	[tilespmem:s6+$0x60] =	vst v20;
	v57 =	vld.idx.msk [tilespmem:v53+s4+$0x0], $0xffff  }
0x437: {  	v21 =	vld.idx.msk [tilespmem:v21+s4+$0x0], $0xffff;
	v59 =	vor.u32 v7, v10;
	[tilespmem:s6+$0xFFFFFFE0] =	vst v19  }
0x438: {  	v18 =	vld.idx.msk [tilespmem:v18+s4+$0x0], $0xffff;
	[tilespmem:s2+$0xFFFFFF50] =	vst v9  }
0x439: {  	[tilespmem:s2+$0x50] =	vst v23;
	v9 =	vld.idx.msk [tilespmem:v54+s4+$0x0], $0xffff  }
0x43a: {  	v11 =	vor.u32 v8, v11;
	v61 =	vld.idx.msk [tilespmem:v58+s4+$0x0], $0xffff;
	[tilespmem:s2+$0xD0] =	vst v55  }
0x43b: {  	v63 =	vor.u32 v8, v12;
	[tilespmem:s2+$0xFFFFFFD0] =	vst v57;
	v60 =	vld.idx.msk [tilespmem:v56+s4+$0x0], $0xffff  }
0x43c: {  	v62 =	vor.u32 v8, v13;
	[tilespmem:s6+$0xFFFFFF70] =	vst v21;
	v19 =	vld.idx.msk [tilespmem:v59+s4+$0x0], $0xffff  }
0x43d: {  	v10 =	vor.u32 v8, v10;
	v16 =	vld.idx.msk [tilespmem:v16+s4+$0x0], $0xffff;
	[tilespmem:s6+$0xF0] =	vst v18  }
0x43e: {  	v15 =	vld.idx.msk [tilespmem:v15+s4+$0x0], $0xffff;
	[tilespmem:s2+$0xFFFFFF60] =	vst v9  }
0x43f: {  	[tilespmem:s2+$0x60] =	vst v61;
	v9 =	vld.idx.msk [tilespmem:v11+s4+$0x0], $0xffff  }
0x440: {  	v12 =	vld.idx.msk [tilespmem:v63+s4+$0x0], $0xffff;
	[tilespmem:s2+$0xE0] =	vst v60  }
0x441: {  	s0 =	sadd.s32 $0x1, s0;
	[tilespmem:s2+$0xFFFFFFE0] =	vst v19;
	v11 =	vld.idx.msk [tilespmem:v62+s4+$0x0], $0xffff  }
0x442: {  	p1 =	sne.s32 s0, $0x19;
	[tilespmem:s6+$0x70] =	vst v16;
	v10 =	vld.idx.msk [tilespmem:v10+s4+$0x0], $0xffff  }
.Ltmp15:
0x443: {  	[tilespmem:s6+$0xFFFFFFF0] =	vst v15;
	(pc) =	sbr.rel @p1 .LBB2_27-.Ltmp15, $4  }
0x444: {  	[tilespmem:s2+$0xFFFFFF70] =	vst v9  }
0x445: {  	[tilespmem:s2+$0x70] =	vst v12  }
0x446: {  	[tilespmem:s2+$0xF0] =	vst v11  }
0x447: {  	s1 =	sadd.s32 $0x800, s1;
	[tilespmem:s2+$0xFFFFFFF0] =	vst v10  }
0x448: {  	s0 =	sadd.s32 s30, s14  }
0x449: {  	s0 =	sshll.u32 s0, $0x4  }
0x44a: {  	s31 =	simm.s32 $0x0;
	s0 =	sadd.s32 s3, s0  }
0x44b: {  	[hbm4b:s0+s31] =	stream.linear.scatter [tilespmem:s22], [sflag:$0x4], $0xC800, $0x38;
	[tilespmem:$0x1A200] =	vst v63  }
0x44c: {  	_ =	swait.ge [sflag:s25], $0xC800  }
0x44d: {  	[sflag:s25] =	ssyncset.done $0x0  }
0x44e: {  	s1 =	simm.s32 $0xDBF0;
	s0 =	simm.s32 $0x0;
	[sflag:s25] =	ssyncadd.s32 $0xFFFF3800  }
.LBB2_31:
0x44f: {  	s2 =	sshll.u32 s0, $0x4  }
0x450: {  	v9 =	vmov s2  }
0x451: {  	v9 =	vbroadcast v9, $0x0;
	_ =	sdelay $0x1  }
0x452: {  	v10 =	vor.u32 v0, v9  }
0x453: {  	v11 =	vmulhi.u32 $0x51EB851F, v10;
	_ =	sdelay $0x1  }
0x454: {  	v11 =	vshrl.u32 v11, $0x6  }
0x455: {  	v12 =	vmul.u32 $0xFFFFFF38, v11;
	_ =	sdelay $0x1  }
0x456: {  	v10 =	vadd.s32 v10, v12  }
0x457: {  	vm0 =	veq.s32 v9, v0;
	vm1 =	vne.s32 v10, $0x0  }
0x458: {  	vm0 =	vmand vm0, vm1  }
0x459: {  	v9 =	vsel vm0, $0xFFFFFFFF, v1  }
0x45a: {  	v9 =	vadd.s32 v9, v11  }
0x45b: {  	v9 =	vadd.s32 $0x6, v9  }
0x45c: {  	v12 =	vshll.u32 v10, $0x3;
	v11 =	vshll.u32 v9, $0x8  }
0x45d: {  	v12 =	vand.u32 $0x400, v12;
	v9 =	vshll.u32 v9, $0x7;
	v11 =	vand.u32 $0xFFFFF800, v11  }
0x45e: {  	v9 =	vand.u32 $0x380, v9;
	v11 =	vor.u32 v12, v11  }
0x45f: {  	v10 =	vand.u32 $0x7F, v10;
	v9 =	vor.u32 v9, v11  }
0x460: {  	v9 =	vor.u32 v10, v9  }
0x461: {  	v9 =	vadd.s32 $0x800, v9;
	_ =	sdelay $0x4  }
0x462: {  	v9 =	vld.idx.msk [tilespmem:v9+s19+$0x0], $0xffff;
	_ =	sdelay $0x3  }
0x463: {  	v10 =	vmov s31  }
0x464: {  	v10 =	vperm.xlane v9, v10  }
0x465: {  	s18 =	simm.s32 $0x2  }
0x466: {  	s6 =	simm.s32 $0x3;
	v11 =	vmov s18;
	v15 =	vshll.u32 v10, $0x7  }
0x467: {  	s28 =	simm.s32 $0x1;
	v11 =	vperm.xlane v9, v11;
	v10 =	vmov s6;
	v12 =	vor.u32 v0, v15  }
0x468: {  	v13 =	vmov s28;
	v10 =	vperm.xlane v9, v10  }
0x469: {  	v13 =	vperm.xlane v9, v13;
	v16 =	vshll.u32 v11, $0x7  }
0x46a: {  	v18 =	vshll.u32 v10, $0x7;
	v10 =	vor.u32 v0, v16  }
0x46b: {  	v17 =	vshll.u32 v13, $0x7;
	v11 =	vor.u32 v0, v18  }
0x46c: {  	v13 =	vor.u32 v0, v17;
	v12 =	vld.idx.msk [tilespmem:v12+s4+$0x0], $0xffff  }
0x46d: {  	v14 =	vor.u32 v2, v15;
	_ =	sdelay $0x1  }
0x46e: {  	v10 =	vld.idx.msk [tilespmem:v10+s4+$0x0], $0xffff  }
0x46f: {  	v19 =	vor.u32 v2, v16;
	v11 =	vld.idx.msk [tilespmem:v11+s4+$0x0], $0xffff  }
0x470: {  	v13 =	vld.idx.msk [tilespmem:v13+s4+$0x0], $0xffff;
	[tilespmem:s1+$0xFFFFFE10] =	vst v12;
	v12 =	vor.u32 v2, v18  }
0x471: {  	v20 =	vor.u32 v2, v17;
	v14 =	vld.idx.msk [tilespmem:v14+s4+$0x0], $0xffff  }
0x472: {  	v21 =	vor.u32 v3, v15  }
0x473: {  	[tilespmem:s1+$0xFFFFFF10] =	vst v10  }
0x474: {  	[tilespmem:s1+$0xFFFFFF90] =	vst v11;
	v10 =	vld.idx.msk [tilespmem:v19+s4+$0x0], $0xffff  }
0x475: {  	[tilespmem:s1+$0xFFFFFE90] =	vst v13;
	v11 =	vld.idx.msk [tilespmem:v12+s4+$0x0], $0xffff;
	v12 =	vor.u32 v3, v16  }
0x476: {  	v13 =	vld.idx.msk [tilespmem:v20+s4+$0x0], $0xffff;
	[tilespmem:s1+$0xFFFFFE20] =	vst v14;
	v14 =	vor.u32 v3, v18  }
0x477: {  	v19 =	vor.u32 v3, v17;
	v20 =	vld.idx.msk [tilespmem:v21+s4+$0x0], $0xffff  }
0x478: {  	v21 =	vor.u32 v4, v15  }
0x479: {  	[tilespmem:s1+$0xFFFFFF20] =	vst v10  }
0x47a: {  	s7 =	simm.s32 $0x4;
	[tilespmem:s1+$0xFFFFFFA0] =	vst v11;
	v10 =	vld.idx.msk [tilespmem:v12+s4+$0x0], $0xffff  }
0x47b: {  	s17 =	simm.s32 $0x5;
	v22 =	vor.u32 v4, v16;
	[tilespmem:s1+$0xFFFFFEA0] =	vst v13;
	v11 =	vmov s7;
	v12 =	vld.idx.msk [tilespmem:v14+s4+$0x0], $0xffff  }
0x47c: {  	s18 =	simm.s32 $0x6;
	v13 =	vld.idx.msk [tilespmem:v19+s4+$0x0], $0xffff;
	v19 =	vmov s17;
	v14 =	vor.u32 v4, v18;
	v11 =	vperm.xlane v9, v11;
	[tilespmem:s1+$0xFFFFFE30] =	vst v20  }
0x47d: {  	v23 =	vmov s18;
	v19 =	vperm.xlane v9, v19;
	v20 =	vld.idx.msk [tilespmem:v21+s4+$0x0], $0xffff;
	v21 =	vor.u32 v4, v17  }
0x47e: {  	v23 =	vperm.xlane v9, v23;
	v24 =	vor.u32 v5, v15;
	v11 =	vshll.u32 v11, $0x7  }
0x47f: {  	v25 =	vor.u32 v0, v11;
	[tilespmem:s1+$0xFFFFFF30] =	vst v10;
	v10 =	vshll.u32 v19, $0x7  }
0x480: {  	s28 =	simm.s32 $0x7;
	[tilespmem:s1+$0xFFFFFFB0] =	vst v12;
	v19 =	vor.u32 v0, v10;
	v12 =	vshll.u32 v23, $0x7;
	v22 =	vld.idx.msk [tilespmem:v22+s4+$0x0], $0xffff  }
0x481: {  	[tilespmem:s1+$0xFFFFFEB0] =	vst v13;
	v13 =	vmov s28;
	v23 =	vor.u32 v0, v12;
	v14 =	vld.idx.msk [tilespmem:v14+s4+$0x0], $0xffff  }
0x482: {  	v13 =	vperm.xlane v9, v13;
	[tilespmem:s1+$0xFFFFFE40] =	vst v20;
	v20 =	vld.idx.msk [tilespmem:v21+s4+$0x0], $0xffff;
	v21 =	vor.u32 v5, v16  }
0x483: {  	v26 =	vor.u32 v5, v18;
	v24 =	vld.idx.msk [tilespmem:v24+s4+$0x0], $0xffff  }
0x484: {  	v27 =	vor.u32 v5, v17;
	v13 =	vshll.u32 v13, $0x7;
	v25 =	vld.idx.msk [tilespmem:v25+s4+$0x0], $0xffff  }
0x485: {  	v28 =	vor.u32 v0, v13;
	v19 =	vld.idx.msk [tilespmem:v19+s4+$0x0], $0xffff;
	[tilespmem:s1+$0xFFFFFF40] =	vst v22  }
0x486: {  	v29 =	vor.u32 v2, v11;
	v23 =	vld.idx.msk [tilespmem:v23+s4+$0x0], $0xffff;
	[tilespmem:s1+$0xFFFFFFC0] =	vst v14  }
0x487: {  	v22 =	vor.u32 v2, v10;
	v21 =	vld.idx.msk [tilespmem:v21+s4+$0x0], $0xffff;
	[tilespmem:s1+$0xFFFFFEC0] =	vst v20  }
0x488: {  	s2 =	sadd.s32 $0x200, s1;
	v14 =	vor.u32 v6, v15;
	v20 =	vld.idx.msk [tilespmem:v26+s4+$0x0], $0xffff;
	[tilespmem:s1+$0xFFFFFE50] =	vst v24  }
0x489: {  	v26 =	vor.u32 v6, v16;
	v24 =	vld.idx.msk [tilespmem:v27+s4+$0x0], $0xffff;
	[tilespmem:s2+$0xFFFFFE10] =	vst v25  }
0x48a: {  	v25 =	vld.idx.msk [tilespmem:v28+s4+$0x0], $0xffff;
	v27 =	vor.u32 v6, v18;
	[tilespmem:s2+$0xFFFFFE90] =	vst v19  }
0x48b: {  	v61 =	vor.u32 v2, v13;
	v60 =	vld.idx.msk [tilespmem:v29+s4+$0x0], $0xffff;
	[tilespmem:s2+$0xFFFFFF10] =	vst v23  }
0x48c: {  	v19 =	vor.u32 v6, v17;
	v22 =	vld.idx.msk [tilespmem:v22+s4+$0x0], $0xffff;
	[tilespmem:s1+$0xFFFFFF50] =	vst v21  }
0x48d: {  	v14 =	vld.idx.msk [tilespmem:v14+s4+$0x0], $0xffff;
	v21 =	vor.u32 v3, v11;
	[tilespmem:s1+$0xFFFFFFD0] =	vst v20  }
0x48e: {  	v23 =	vor.u32 v2, v12;
	v26 =	vld.idx.msk [tilespmem:v26+s4+$0x0], $0xffff;
	[tilespmem:s1+$0xFFFFFED0] =	vst v24  }
0x48f: {  	v20 =	vor.u32 v7, v15;
	v24 =	vld.idx.msk [tilespmem:v27+s4+$0x0], $0xffff;
	[tilespmem:s2+$0xFFFFFF90] =	vst v25  }
0x490: {  	v27 =	vor.u32 v3, v10;
	v62 =	vld.idx.msk [tilespmem:v61+s4+$0x0], $0xffff  }
0x491: {  	v25 =	vor.u32 v7, v18;
	[tilespmem:s2+$0xFFFFFE20] =	vst v60;
	v19 =	vld.idx.msk [tilespmem:v19+s4+$0x0], $0xffff  }
0x492: {  	v63 =	vor.u32 v7, v16;
	[tilespmem:s2+$0xFFFFFEA0] =	vst v22;
	v21 =	vld.idx.msk [tilespmem:v21+s4+$0x0], $0xffff  }
0x493: {  	v30 =	vor.u32 v7, v17;
	v23 =	vld.idx.msk [tilespmem:v23+s4+$0x0], $0xffff;
	[tilespmem:s1+$0xFFFFFE60] =	vst v14  }
0x494: {  	v31 =	vor.u32 v3, v12;
	v32 =	vld.idx.msk [tilespmem:v20+s4+$0x0], $0xffff;
	[tilespmem:s1+$0xFFFFFF60] =	vst v26  }
0x495: {  	v26 =	vld.idx.msk [tilespmem:v27+s4+$0x0], $0xffff;
	v27 =	vor.u32 v3, v13;
	[tilespmem:s1+$0xFFFFFFE0] =	vst v24  }
0x496: {  	v33 =	vor.u32 v4, v11;
	v22 =	vld.idx.msk [tilespmem:v25+s4+$0x0], $0xffff;
	[tilespmem:s1+$0xFFFFFEE0] =	vst v19  }
0x497: {  	v20 =	vld.idx.msk [tilespmem:v63+s4+$0x0], $0xffff;
	[tilespmem:s2+$0xFFFFFE30] =	vst v21;
	v21 =	vor.u32 v8, v15  }
0x498: {  	v18 =	vor.u32 v8, v18;
	[tilespmem:s2+$0xFFFFFF20] =	vst v23;
	v19 =	vld.idx.msk [tilespmem:v30+s4+$0x0], $0xffff  }
0x499: {  	v16 =	vor.u32 v8, v16;
	[tilespmem:s2+$0xFFFFFFA0] =	vst v62;
	v23 =	vld.idx.msk [tilespmem:v31+s4+$0x0], $0xffff  }
0x49a: {  	[tilespmem:s1+$0xFFFFFE70] =	vst v32;
	v15 =	vor.u32 v8, v17;
	v24 =	vld.idx.msk [tilespmem:v27+s4+$0x0], $0xffff  }
0x49b: {  	s6 =	smov.u32 s1;
	s7 =	simm.s32 $0x8;
	v14 =	vor.u32 v4, v12;
	v17 =	vld.idx.msk [tilespmem:v33+s4+$0x0], $0xffff;
	[tilespmem:s2+$0xFFFFFEB0] =	vst v26  }
.LBB2_32:
0x49c: {  	v25 =	vmov s7;
	s17 =	sadd.s32 $0x1, s7;
	s18 =	sadd.s32 $0x2, s7;
	s28 =	sadd.s32 $0x3, s7;
	v26 =	vor.u32 v4, v10;
	v27 =	vor.u32 v4, v13;
	v21 =	vld.idx.msk [tilespmem:v21+s4+$0x0], $0xffff;
	[tilespmem:s6+$0xFFFFFFF0] =	vst v22  }
0x49d: {  	p1 =	slt.u32 s7, $0xC;
	s7 =	sadd.s32 $0x4, s7;
	v22 =	vperm.xlane v9, v25;
	v25 =	vmov s17;
	v28 =	vmov s28;
	[tilespmem:s6+$0xFFFFFF70] =	vst v20;
	v18 =	vld.idx.msk [tilespmem:v18+s4+$0x0], $0xffff  }
0x49e: {  	v20 =	vperm.xlane v9, v25;
	v25 =	vmov s18;
	v28 =	vperm.xlane v9, v28;
	[tilespmem:s6+$0xFFFFFEF0] =	vst v19;
	v16 =	vld.idx.msk [tilespmem:v16+s4+$0x0], $0xffff  }
0x49f: {  	v19 =	vshll.u32 v22, $0x7;
	v22 =	vperm.xlane v9, v25;
	v25 =	vor.u32 v5, v11;
	[tilespmem:s2+$0xFFFFFF30] =	vst v23;
	v15 =	vld.idx.msk [tilespmem:v15+s4+$0x0], $0xffff  }
0x4a0: {  	v23 =	vor.u32 v0, v19;
	v29 =	vshll.u32 v20, $0x7;
	v28 =	vshll.u32 v28, $0x7;
	[tilespmem:s2+$0xFFFFFFB0] =	vst v24  }
0x4a1: {  	v20 =	vor.u32 v0, v29;
	v30 =	vshll.u32 v22, $0x7;
	v22 =	vor.u32 v0, v28;
	[tilespmem:s2+$0xFFFFFE40] =	vst v17;
	v17 =	vld.idx.msk [tilespmem:v14+s4+$0x0], $0xffff  }
0x4a2: {  	v24 =	vor.u32 v0, v30;
	v14 =	vor.u32 v4, v30;
	v27 =	vld.idx.msk [tilespmem:v27+s4+$0x0], $0xffff;
	[tilespmem:s6+$0xFFFFFE80] =	vst v21  }
0x4a3: {  	v21 =	vld.idx.msk [tilespmem:v26+s4+$0x0], $0xffff;
	v26 =	vor.u32 v5, v12;
	[tilespmem:s6+$0x0] =	vst v18  }
0x4a4: {  	v18 =	vld.idx.msk [tilespmem:v25+s4+$0x0], $0xffff;
	v25 =	vor.u32 v5, v13;
	[tilespmem:s6+$0xFFFFFF80] =	vst v16  }
0x4a5: {  	v16 =	vld.idx.msk [tilespmem:v23+s4+$0x0], $0xffff;
	v23 =	vor.u32 v5, v10;
	[tilespmem:s6+$0xFFFFFF00] =	vst v15;
	s6 =	smov.u32 s2  }
0x4a6: {  	v15 =	vld.idx.msk [tilespmem:v20+s4+$0x0], $0xffff  }
0x4a7: {  	v20 =	vor.u32 v2, v19;
	v24 =	vld.idx.msk [tilespmem:v24+s4+$0x0], $0xffff;
	[tilespmem:s2+$0xFFFFFF40] =	vst v17  }
0x4a8: {  	v17 =	vor.u32 v2, v29;
	v26 =	vld.idx.msk [tilespmem:v26+s4+$0x0], $0xffff;
	[tilespmem:s2+$0xFFFFFFC0] =	vst v27  }
0x4a9: {  	v27 =	vor.u32 v6, v11;
	[tilespmem:s2+$0xFFFFFEC0] =	vst v21;
	v21 =	vld.idx.msk [tilespmem:v25+s4+$0x0], $0xffff  }
0x4aa: {  	s2 =	sadd.s32 $0x200, s2;
	[tilespmem:s6+$0xFFFFFE50] =	vst v18;
	v18 =	vld.idx.msk [tilespmem:v23+s4+$0x0], $0xffff;
	v23 =	vor.u32 v6, v12  }
0x4ab: {  	[tilespmem:s2+$0xFFFFFE10] =	vst v16;
	v16 =	vld.idx.msk [tilespmem:v22+s4+$0x0], $0xffff;
	v22 =	vor.u32 v6, v13  }
0x4ac: {  	v20 =	vld.idx.msk [tilespmem:v20+s4+$0x0], $0xffff;
	[tilespmem:s2+$0xFFFFFE90] =	vst v15;
	v15 =	vor.u32 v6, v10  }
0x4ad: {  	v17 =	vld.idx.msk [tilespmem:v17+s4+$0x0], $0xffff;
	[tilespmem:s2+$0xFFFFFF10] =	vst v24;
	v24 =	vor.u32 v2, v30  }
0x4ae: {  	v25 =	vor.u32 v2, v28;
	v27 =	vld.idx.msk [tilespmem:v27+s4+$0x0], $0xffff;
	[tilespmem:s6+$0xFFFFFF50] =	vst v26  }
0x4af: {  	v26 =	vor.u32 v3, v19;
	v23 =	vld.idx.msk [tilespmem:v23+s4+$0x0], $0xffff;
	[tilespmem:s6+$0xFFFFFFD0] =	vst v21  }
0x4b0: {  	v21 =	vor.u32 v7, v11;
	[tilespmem:s6+$0xFFFFFED0] =	vst v18;
	v18 =	vld.idx.msk [tilespmem:v22+s4+$0x0], $0xffff  }
0x4b1: {  	v22 =	vor.u32 v3, v29;
	[tilespmem:s2+$0xFFFFFF90] =	vst v16;
	v15 =	vld.idx.msk [tilespmem:v15+s4+$0x0], $0xffff  }
0x4b2: {  	[tilespmem:s2+$0xFFFFFE20] =	vst v20;
	v16 =	vld.idx.msk [tilespmem:v24+s4+$0x0], $0xffff;
	v20 =	vor.u32 v7, v13  }
0x4b3: {  	v24 =	vor.u32 v7, v10;
	[tilespmem:s2+$0xFFFFFEA0] =	vst v17;
	v17 =	vld.idx.msk [tilespmem:v25+s4+$0x0], $0xffff;
	v25 =	vor.u32 v7, v12  }
0x4b4: {  	v26 =	vld.idx.msk [tilespmem:v26+s4+$0x0], $0xffff;
	[tilespmem:s6+$0xFFFFFE60] =	vst v27  }
0x4b5: {  	v27 =	vor.u32 v3, v30;
	v31 =	vld.idx.msk [tilespmem:v21+s4+$0x0], $0xffff;
	[tilespmem:s6+$0xFFFFFF60] =	vst v23  }
0x4b6: {  	v33 =	vor.u32 v3, v28;
	v32 =	vld.idx.msk [tilespmem:v22+s4+$0x0], $0xffff;
	[tilespmem:s6+$0xFFFFFFE0] =	vst v18  }
0x4b7: {  	v34 =	vor.u32 v4, v19;
	[tilespmem:s6+$0xFFFFFEE0] =	vst v15;
	v22 =	vld.idx.msk [tilespmem:v20+s4+$0x0], $0xffff  }
.Ltmp16:
0x4b8: {  	v21 =	vor.u32 v8, v11;
	v11 =	vmov v19;
	[tilespmem:s2+$0xFFFFFF20] =	vst v16;
	v20 =	vld.idx.msk [tilespmem:v25+s4+$0x0], $0xffff;
	(pc) =	sbr.rel @p1 .LBB2_32-.Ltmp16, $4  }
0x4b9: {  	v18 =	vor.u32 v8, v13;
	v13 =	vmov v28;
	[tilespmem:s2+$0xFFFFFFA0] =	vst v17;
	v19 =	vld.idx.msk [tilespmem:v24+s4+$0x0], $0xffff  }
0x4ba: {  	v15 =	vor.u32 v8, v10;
	v10 =	vmov v29;
	v16 =	vor.u32 v8, v12;
	[tilespmem:s2+$0xFFFFFE30] =	vst v26;
	v23 =	vld.idx.msk [tilespmem:v27+s4+$0x0], $0xffff  }
0x4bb: {  	v12 =	vmov v30;
	v24 =	vld.idx.msk [tilespmem:v33+s4+$0x0], $0xffff;
	[tilespmem:s6+$0xFFFFFE70] =	vst v31  }
0x4bc: {  	v17 =	vld.idx.msk [tilespmem:v34+s4+$0x0], $0xffff;
	[tilespmem:s2+$0xFFFFFEB0] =	vst v32  }
0x4bd: {  	v9 =	vor.u32 v4, v13  }
0x4be: {  	v25 =	vor.u32 v4, v10;
	_ =	sdelay $0x1  }
0x4bf: {  	[tilespmem:s2+$0xFFFFFF30] =	vst v23  }
0x4c0: {  	v47 =	vor.u32 v5, v11;
	[tilespmem:s2+$0xFFFFFFB0] =	vst v24;
	v14 =	vld.idx.msk [tilespmem:v14+s4+$0x0], $0xffff  }
0x4c1: {  	v26 =	vor.u32 v5, v12;
	v9 =	vld.idx.msk [tilespmem:v9+s4+$0x0], $0xffff  }
0x4c2: {  	v48 =	vor.u32 v5, v13;
	v25 =	vld.idx.msk [tilespmem:v25+s4+$0x0], $0xffff  }
0x4c3: {  	v27 =	vor.u32 v5, v10  }
0x4c4: {  	[tilespmem:s2+$0xFFFFFE40] =	vst v17  }
0x4c5: {  	v17 =	vld.idx.msk [tilespmem:v47+s4+$0x0], $0xffff;
	[tilespmem:s2+$0xFFFFFF40] =	vst v14  }
0x4c6: {  	v50 =	vld.idx.msk [tilespmem:v26+s4+$0x0], $0xffff;
	[tilespmem:s2+$0xFFFFFFC0] =	vst v9;
	v9 =	vor.u32 v6, v11  }
0x4c7: {  	v52 =	vor.u32 v6, v12;
	[tilespmem:s2+$0xFFFFFEC0] =	vst v25;
	v49 =	vld.idx.msk [tilespmem:v48+s4+$0x0], $0xffff  }
0x4c8: {  	v51 =	vor.u32 v6, v13;
	v25 =	vld.idx.msk [tilespmem:v27+s4+$0x0], $0xffff  }
0x4c9: {  	[tilespmem:s6+$0xFFFFFFF0] =	vst v22;
	v53 =	vor.u32 v6, v10  }
0x4ca: {  	[tilespmem:s2+$0xFFFFFE50] =	vst v17  }
0x4cb: {  	[tilespmem:s2+$0xFFFFFF50] =	vst v50;
	v9 =	vld.idx.msk [tilespmem:v9+s4+$0x0], $0xffff  }
0x4cc: {  	v54 =	vor.u32 v7, v11;
	v23 =	vld.idx.msk [tilespmem:v52+s4+$0x0], $0xffff;
	[tilespmem:s2+$0xFFFFFFD0] =	vst v49  }
0x4cd: {  	v58 =	vor.u32 v7, v12;
	[tilespmem:s2+$0xFFFFFED0] =	vst v25;
	v55 =	vld.idx.msk [tilespmem:v51+s4+$0x0], $0xffff  }
0x4ce: {  	v56 =	vor.u32 v7, v13;
	[tilespmem:s6+$0xFFFFFF70] =	vst v20;
	v57 =	vld.idx.msk [tilespmem:v53+s4+$0x0], $0xffff  }
0x4cf: {  	v21 =	vld.idx.msk [tilespmem:v21+s4+$0x0], $0xffff;
	v59 =	vor.u32 v7, v10;
	[tilespmem:s6+$0xFFFFFEF0] =	vst v19  }
0x4d0: {  	v18 =	vld.idx.msk [tilespmem:v18+s4+$0x0], $0xffff;
	[tilespmem:s2+$0xFFFFFE60] =	vst v9  }
0x4d1: {  	[tilespmem:s2+$0xFFFFFF60] =	vst v23;
	v9 =	vld.idx.msk [tilespmem:v54+s4+$0x0], $0xffff  }
0x4d2: {  	v11 =	vor.u32 v8, v11;
	v61 =	vld.idx.msk [tilespmem:v58+s4+$0x0], $0xffff;
	[tilespmem:s2+$0xFFFFFFE0] =	vst v55  }
0x4d3: {  	v63 =	vor.u32 v8, v12;
	[tilespmem:s2+$0xFFFFFEE0] =	vst v57;
	v60 =	vld.idx.msk [tilespmem:v56+s4+$0x0], $0xffff  }
0x4d4: {  	v62 =	vor.u32 v8, v13;
	[tilespmem:s6+$0xFFFFFE80] =	vst v21;
	v19 =	vld.idx.msk [tilespmem:v59+s4+$0x0], $0xffff  }
0x4d5: {  	v10 =	vor.u32 v8, v10;
	v16 =	vld.idx.msk [tilespmem:v16+s4+$0x0], $0xffff;
	[tilespmem:s6+$0x0] =	vst v18  }
0x4d6: {  	v15 =	vld.idx.msk [tilespmem:v15+s4+$0x0], $0xffff;
	[tilespmem:s2+$0xFFFFFE70] =	vst v9  }
0x4d7: {  	[tilespmem:s2+$0xFFFFFF70] =	vst v61;
	v9 =	vld.idx.msk [tilespmem:v11+s4+$0x0], $0xffff  }
0x4d8: {  	v12 =	vld.idx.msk [tilespmem:v63+s4+$0x0], $0xffff;
	[tilespmem:s2+$0xFFFFFFF0] =	vst v60  }
0x4d9: {  	s0 =	sadd.s32 $0x1, s0;
	[tilespmem:s2+$0xFFFFFEF0] =	vst v19;
	v11 =	vld.idx.msk [tilespmem:v62+s4+$0x0], $0xffff  }
0x4da: {  	p1 =	sne.s32 s0, $0x19;
	[tilespmem:s6+$0xFFFFFF80] =	vst v16;
	v10 =	vld.idx.msk [tilespmem:v10+s4+$0x0], $0xffff  }
.Ltmp17:
0x4db: {  	[tilespmem:s6+$0xFFFFFF00] =	vst v15;
	(pc) =	sbr.rel @p1 .LBB2_31-.Ltmp17, $4  }
0x4dc: {  	[tilespmem:s2+$0xFFFFFE80] =	vst v9  }
0x4dd: {  	[tilespmem:s2+$0xFFFFFF80] =	vst v12  }
0x4de: {  	[tilespmem:s2+$0x0] =	vst v11  }
0x4df: {  	s1 =	sadd.s32 $0x800, s1;
	[tilespmem:s2+$0xFFFFFF00] =	vst v10  }
.Ltmp18:
0x4e0: {  	(pc) =	sbr.rel @p0 .LBB2_36-.Ltmp18, $4  }
0x4e1: {  	s0 =	sadd.s32 s30, s15  }
0x4e2: {  	s0 =	sshll.u32 s0, $0x4  }
0x4e3: {  	s0 =	sadd.s32 s3, s0  }
0x4e4: {  	[hbm4b:s0+s4] =	stream.linear.scatter [tilespmem:s23], [sflag:$0x5], $0xC800, $0x38;
	[tilespmem:$0x1A200] =	vst v63  }
.Ltmp19:
0x4e5: {  	(pc) =	sbr.rel .LBB2_2-.Ltmp19, $4  }
0x4e6: {  	_ = 	snop  }
0x4e7: {  	s0 =	sshll.u32 s29, $0x9  }
0x4e8: {  	s29 =	sadd.s32 $0x1, s29;
	s0 =	sadd.s32 s0, s16  }
0x4e9: {  	[tilespmem:s20], [sflag:$0x3] =	stream.linear.gather [hbm4b:s0+s4], $0x800, $0x38;
	[tilespmem:$0x1A200] =	vst v63  }
.LBB2_37:
0x4ea: {  	_ =	sfence.sel $0x180000  }
0x4eb: {  	[bflag:$0x0] =	sbarrier.arrive $0xFFFF  }
0x4ec: {  	_ =	strace $0x90000047  }
0x4ed: {  	s0 =	stileid.u32;
	[bflag:$0x2] =	sbarrier.arrive $0xFFFF  }
0x4ee: {  	p0 =	sne.s32 s0, $0x0;
	s0 =	rddreg [dreg:$0x3]  }
0x4ef: {  	s0 =	sadd.s32 @!p0 $0x100000, s0  }
0x4f0: {  	[sflag:s0] =	ssyncadd.tile.s32 @!p0 $0x1;
	_ =	shalt  }
.Lfunc_end2:
_tile_overlayer_lowered:
.L_overlay_start_2:
0x4f1: {  	(tag) =	ssettag $0x2  }
0x4f2: {  	s0 =	rddreg [dreg:$0x0];
	s2 =	stileid.u32  }
0x4f3: {  	s1 =	rddreg [dreg:$0x1];
	p0 =	sne.s32 s2, $0x0  }
0x4f4: {  	s3 =	rddreg [dreg:$0x2];
	[bflag:$0x3] =	sbarrier.arrive $0xFFFF;
	s2 =	simm.s32 @!p0 $0x1C06  }
0x4f5: {  	[timem:s3], [sflag:s2] =	dma.local @!p0 [hbm:s0], s1  }
0x4f6: {  	s0 =	simm.s32 @!p0 $0x6  }
0x4f7: {  	_ =	swait.ge @!p0 [sflag:s0], s1  }
0x4f8: {  	s1 =	ssub.s32 @!p0 $0x0, s1;
	[sflag:s0] =	ssyncset.done @!p0 $0x0  }
0x4f9: {  	[sflag:s0] =	ssyncadd.s32 @!p0 s1  }
0x4fa: {  	[bflag:$0x3] =	sbarrier.arrive $0xFFFF  }
0x4fb: {  	_ =	shalt  }

</sc_bundles>
